<compile_context>
chip_gen: v7x
topology: tpu7x:2x2x1
jax: 0.10.2.dev20260603
libtpu: 0.0.44.dev20260713+nightly
codegen_flags: <defaults>
</compile_context>

<pallas_src>
import functools

import jax
import jax.numpy as jnp
from jax import lax
from jax.experimental import pallas as pl
from jax.experimental.pallas import tpu as pltpu
from jax.experimental.pallas import tpu_sc as plsc

_SPK_NUM = 1000000
_EMB_DIM = 64
_BATCH = 16384

_NC = 2
_NS = 16
_L = 16
_NW = _NC * _NS
_B_PER_W = _BATCH // _NW
_NG = _B_PER_W // _L
_K = 8


def _rsqrt(x):
    i = lax.bitcast_convert_type(x, jnp.int32)
    i = jnp.int32(0x5F3759DF) - lax.shift_right_arithmetic(i, 1)
    y = lax.bitcast_convert_type(i, jnp.float32)
    for _ in range(3):
        y = y * (1.5 - 0.5 * x * y * y)
    return y


_mesh = plsc.VectorSubcoreMesh(core_axis_name="c", subcore_axis_name="s")


@functools.partial(
    pl.kernel,
    out_type=jax.ShapeDtypeStruct((_EMB_DIM, _BATCH), jnp.float32),
    mesh=_mesh,
    scratch_types=[
        pltpu.VMEM((_B_PER_W,), jnp.int32),
        pltpu.VMEM((_K, _EMB_DIM, 128), jnp.float32),
        pltpu.VMEM((_EMB_DIM, _B_PER_W), jnp.float32),
        pltpu.SemaphoreType.DMA((_K,)),
    ],
    compiler_params=pltpu.CompilerParams(needs_layout_passes=False),
)
def _embed_normalize(idx_hbm, tableT_hbm, outT_hbm, idx_v, ring_v, cols_v, sems):
    wid = lax.axis_index("s") * _NC + lax.axis_index("c")
    base = wid * _B_PER_W

    pltpu.sync_copy(idx_hbm.at[pl.ds(base, _B_PER_W)], idx_v)

    lane = lax.iota(jnp.int32, _L)

    def fetch(i_id, slot):
        blk = lax.shift_right_logical(i_id, 7) * 128
        pltpu.async_copy(
            tableT_hbm.at[:, pl.ds(blk, 128)], ring_v.at[slot], sems.at[slot]
        )

    vec0 = idx_v[pl.ds(0, _L)]
    for j in range(_K):
        fetch(vec0[j], j)

    def group(g, _):
        vec = idx_v[pl.ds(g * _L, _L)]
        nxt_base = jnp.minimum((g + 1) * _L, _B_PER_W - _L)
        nxt = idx_v[pl.ds(nxt_base, _L)]

        for j in range(_L):
            i = g * _L + j
            slot = j % _K
            pltpu.make_async_copy(
                tableT_hbm.at[:, pl.ds(0, 128)], ring_v.at[slot], sems.at[slot]
            ).wait()

            m = jnp.bitwise_and(vec[j], 127)
            mcol = jnp.full((_L,), m, jnp.int32)
            icol = jnp.full((_L,), i, jnp.int32)
            for k in range(_EMB_DIM // _L):
                crow = lane + k * _L
                v = plsc.load_gather(ring_v.at[slot], [crow, mcol])
                plsc.store_scatter(cols_v, [crow, icol], v)

            if j < _L - _K:
                fetch(vec[j + _K], slot)
            else:
                @pl.when(g < _NG - 1)
                def _():
                    fetch(nxt[j + _K - _L], slot)
        return 0

    lax.fori_loop(0, _NG, group, 0)

    def norm_block(g, _):
        s = g * _L

        acc = jnp.zeros((_L,), jnp.float32)
        for c in range(_EMB_DIM):
            v = cols_v[c, pl.ds(s, _L)]
            acc = acc + v * v

        inv = jnp.where(acc > 1e-24, _rsqrt(acc), 1e12)

        for c in range(_EMB_DIM):
            cols_v[c, pl.ds(s, _L)] = cols_v[c, pl.ds(s, _L)] * inv
        return 0

    lax.fori_loop(0, _NG, norm_block, 0)

    pltpu.sync_copy(cols_v, outT_hbm.at[:, pl.ds(base, _B_PER_W)])


def kernel(spk_ids, table):
    outT = _embed_normalize(spk_ids, table.T)
    return outT.T

# --- scband reference (transcript-rebuilt; emitter-appended) ---
"""Pipeline reference for scband-speaker-embed-prenet-730144440748 (READ-ONLY COPY).

The authoritative reference and input builder live on the scoring server;
editing this copy changes nothing except your own understanding.
"""

import jax, jax.numpy as jnp
import numpy as np

SPK_NUM = 1000000
EMB_DIM = 64
BATCH = 16384

def setup_inputs(seed: int = 0) -> dict:
    key = jax.random.key(seed)
    k1, k2 = jax.random.split(key)
    spk_ids = jax.random.randint(k1, (BATCH,), 0, SPK_NUM, dtype=jnp.int64 if jax.config.jax_enable_x64 else jnp.int32).astype(jnp.int32)
    table = jax.random.normal(k2, (SPK_NUM, EMB_DIM), dtype=jnp.float32) * 0.02
    return {"spk_ids": spk_ids, "table": table}

def reference(spk_ids, table):
    # EmbedPrenet lookup: gather rows of the speaker embedding table.
    # (Any sqrt(d) embedding scale cancels under the subsequent F.normalize.)
    spk_feat_lookup = jnp.take(table, spk_ids, axis=0)
    # spk_emb_comb='concat' and spk_emb_dim_lookup provided -> no pre_add_proj_lookup.
    # torch.nn.functional.normalize(x, dim=-1): x / max(||x||_2, eps)
    norm = jnp.linalg.norm(spk_feat_lookup, axis=-1, keepdims=True)
    spk_feat_lookup = spk_feat_lookup / jnp.maximum(norm, 1e-12)
    # use_pretrain is False -> spk_feat output is None; return the lookup branch.
    return spk_feat_lookup

if __name__ == "__main__":
    import jax
    _d = setup_inputs()
    print(jax.jit(kernel)(*tuple(_d.values())))

</pallas_src>

<mosaic_0001>
#map = affine_map<(d0, d1) -> (0)>
#map1 = affine_map<(d0, d1) -> (0, 0)>
module attributes {stable_mosaic.version = 14 : i64} {
  func.func @_embed_normalize(%arg0: i32, %arg1: i32, %arg2: memref<16384xi32, #tpu.memory_space<hbm>>, %arg3: memref<64x1000000xf32, #tpu.memory_space<hbm>>, %arg4: memref<64x16384xf32, #tpu.memory_space<hbm>>, %arg5: memref<512xi32, #tpu.memory_space<vmem>>, %arg6: memref<8x64x128xf32, #tpu.memory_space<vmem>>, %arg7: memref<64x512xf32, #tpu.memory_space<vmem>>, %arg8: memref<8x!tpu.dma_semaphore, #tpu.memory_space<semaphore_mem>>) attributes {dimension_semantics = [#tpu.dimension_semantics<core_parallel>, #tpu.dimension_semantics<subcore_parallel>], iteration_bounds = array<i64: 2, 16>, scalar_prefetch = 0 : i64, scratch_operands = 4 : i64, tpu.core_type = #tpu.core_type<sc_vector_subcore>, window_params = [{transform_indices = #map}, {transform_indices = #map1}, {transform_indices = #map1}]} {
    %mul3A = arith.constant 2 : i32
    %mul3A_0 = arith.muli %arg1, %mul3A : i32
    %add3A = arith.addi %mul3A_0, %arg0 : i32
    %mul3A_1 = arith.constant 512 : i32
    %mul3A_2 = arith.muli %add3A, %mul3A_1 : i32
    "tpu.region"() ({
      %run_scoped3A = tpu.sem_alloc : memref<!tpu.dma_semaphore, #tpu.memory_space<semaphore_mem>>
      %dma_start3A_189 = tpu.memref_slice %arg2[%mul3A_2] : memref<16384xi32, #tpu.memory_space<hbm>> -> memref<512xi32, #tpu.memory_space<hbm>>
      %dma_start3A_190 = tpu.memref_slice %arg2[%mul3A_2] : memref<16384xi32, #tpu.memory_space<hbm>> -> memref<512xi32, #tpu.memory_space<hbm>>
      tpu.enqueue_dma source(%dma_start3A_190 : memref<512xi32, #tpu.memory_space<hbm>>) target(%arg5 : memref<512xi32, #tpu.memory_space<vmem>>) target_semaphore(%run_scoped3A : memref<!tpu.dma_semaphore, #tpu.memory_space<semaphore_mem>>)
      %dma_wait3A = tpu.memref_slice %arg2[%mul3A_2] : memref<16384xi32, #tpu.memory_space<hbm>> -> memref<512xi32, #tpu.memory_space<hbm>>
      %dma_wait3A_191 = tpu.memref_slice %arg2[%mul3A_2] : memref<16384xi32, #tpu.memory_space<hbm>> -> memref<512xi32, #tpu.memory_space<hbm>>
      tpu.wait_dma2 semaphore(%run_scoped3A : memref<!tpu.dma_semaphore, #tpu.memory_space<semaphore_mem>>) src(%dma_wait3A_191 : memref<512xi32, #tpu.memory_space<hbm>>) dst(%arg5 : memref<512xi32, #tpu.memory_space<vmem>>)
      tpu.yield
    }) : () -> ()
    %iota3A = tpu.iota {dimensions = array<i32: 0>} : vector<16xi32>
    %get3A = arith.constant 0 : index
    %get3A_3 = tpu.vector_load %arg5[%get3A] {strides = array<i32>} : memref<512xi32, #tpu.memory_space<vmem>>, vector<16xi32>,
    %slice3A = vector.extract_strided_slice %get3A_3 {offsets = [0], sizes = [1], strides = [1]} : vector<16xi32> to vector<1xi32>
    %squeeze3A = vector.extract %slice3A[0] : i32 from vector<1xi32>
    %shift_right_logical3A = arith.constant 7 : i32
    %shift_right_logical3A_4 = arith.shrui %squeeze3A, %shift_right_logical3A : i32
    %mul3A_5 = arith.constant 128 : i32
    %mul3A_6 = arith.muli %shift_right_logical3A_4, %mul3A_5 : i32
    %dma_start3A = arith.constant 0 : i32
    %dma_start3A_7 = arith.constant 0 : i32
    %dma_start3A_8 = arith.constant 0 : i32
    %dma_start3A_9 = arith.constant 0 : i32
    %dma_start3A_10 = tpu.memref_slice %arg6[%dma_start3A, %dma_start3A_8, %dma_start3A_9] : memref<8x64x128xf32, #tpu.memory_space<vmem>> -> memref<1x64x128xf32, #tpu.memory_space<vmem>>
    %dma_start3A_11 = tpu.memref_squeeze %dma_start3A_10 : memref<1x64x128xf32, #tpu.memory_space<vmem>> -> memref<64x128xf32, #tpu.memory_space<vmem>>
    %dma_start3A_12 = arith.constant 0 : i32
    %dma_start3A_13 = tpu.memref_slice %arg3[%dma_start3A_12, %mul3A_6] : memref<64x1000000xf32, #tpu.memory_space<hbm>> -> memref<64x128xf32, #tpu.memory_space<hbm>>
    %dma_start3A_14 = tpu.memref_slice %arg8[%dma_start3A_7] : memref<8x!tpu.dma_semaphore, #tpu.memory_space<semaphore_mem>> -> memref<1x!tpu.dma_semaphore, #tpu.memory_space<semaphore_mem>>
    %dma_start3A_15 = tpu.memref_squeeze %dma_start3A_14 : memref<1x!tpu.dma_semaphore, #tpu.memory_space<semaphore_mem>> -> memref<!tpu.dma_semaphore, #tpu.memory_space<semaphore_mem>>
    %dma_start3A_16 = arith.constant 0 : i32
    %dma_start3A_17 = arith.constant 0 : i32
    %dma_start3A_18 = tpu.memref_slice %arg6[%dma_start3A, %dma_start3A_16, %dma_start3A_17] : memref<8x64x128xf32, #tpu.memory_space<vmem>> -> memref<1x64x128xf32, #tpu.memory_space<vmem>>
    %dma_start3A_19 = tpu.memref_squeeze %dma_start3A_18 : memref<1x64x128xf32, #tpu.memory_space<vmem>> -> memref<64x128xf32, #tpu.memory_space<vmem>>
    %dma_start3A_20 = arith.constant 0 : i32
    %dma_start3A_21 = tpu.memref_slice %arg3[%dma_start3A_20, %mul3A_6] : memref<64x1000000xf32, #tpu.memory_space<hbm>> -> memref<64x128xf32, #tpu.memory_space<hbm>>
    tpu.enqueue_dma source(%dma_start3A_21 : memref<64x128xf32, #tpu.memory_space<hbm>>) target(%dma_start3A_19 : memref<64x128xf32, #tpu.memory_space<vmem>>) target_semaphore(%dma_start3A_15 : memref<!tpu.dma_semaphore, #tpu.memory_space<semaphore_mem>>)
    %slice3A_22 = vector.extract_strided_slice %get3A_3 {offsets = [1], sizes = [1], strides = [1]} : vector<16xi32> to vector<1xi32>
    %squeeze3A_23 = vector.extract %slice3A_22[0] : i32 from vector<1xi32>
    %shift_right_logical3A_24 = arith.constant 7 : i32
    %shift_right_logical3A_25 = arith.shrui %squeeze3A_23, %shift_right_logical3A_24 : i32
    %mul3A_26 = arith.constant 128 : i32
    %mul3A_27 = arith.muli %shift_right_logical3A_25, %mul3A_26 : i32
    %dma_start3A_28 = arith.constant 1 : i32
    %dma_start3A_29 = arith.constant 1 : i32
    %dma_start3A_30 = arith.constant 0 : i32
    %dma_start3A_31 = arith.constant 0 : i32
    %dma_start3A_32 = tpu.memref_slice %arg6[%dma_start3A_28, %dma_start3A_30, %dma_start3A_31] : memref<8x64x128xf32, #tpu.memory_space<vmem>> -> memref<1x64x128xf32, #tpu.memory_space<vmem>>
    %dma_start3A_33 = tpu.memref_squeeze %dma_start3A_32 : memref<1x64x128xf32, #tpu.memory_space<vmem>> -> memref<64x128xf32, #tpu.memory_space<vmem>>
    %dma_start3A_34 = arith.constant 0 : i32
    %dma_start3A_35 = tpu.memref_slice %arg3[%dma_start3A_34, %mul3A_27] : memref<64x1000000xf32, #tpu.memory_space<hbm>> -> memref<64x128xf32, #tpu.memory_space<hbm>>
    %dma_start3A_36 = tpu.memref_slice %arg8[%dma_start3A_29] : memref<8x!tpu.dma_semaphore, #tpu.memory_space<semaphore_mem>> -> memref<1x!tpu.dma_semaphore, #tpu.memory_space<semaphore_mem>>
    %dma_start3A_37 = tpu.memref_squeeze %dma_start3A_36 : memref<1x!tpu.dma_semaphore, #tpu.memory_space<semaphore_mem>> -> memref<!tpu.dma_semaphore, #tpu.memory_space<semaphore_mem>>
    %dma_start3A_38 = arith.constant 0 : i32
    %dma_start3A_39 = arith.constant 0 : i32
    %dma_start3A_40 = tpu.memref_slice %arg6[%dma_start3A_28, %dma_start3A_38, %dma_start3A_39] : memref<8x64x128xf32, #tpu.memory_space<vmem>> -> memref<1x64x128xf32, #tpu.memory_space<vmem>>
    %dma_start3A_41 = tpu.memref_squeeze %dma_start3A_40 : memref<1x64x128xf32, #tpu.memory_space<vmem>> -> memref<64x128xf32, #tpu.memory_space<vmem>>
    %dma_start3A_42 = arith.constant 0 : i32
    %dma_start3A_43 = tpu.memref_slice %arg3[%dma_start3A_42, %mul3A_27] : memref<64x1000000xf32, #tpu.memory_space<hbm>> -> memref<64x128xf32, #tpu.memory_space<hbm>>
    tpu.enqueue_dma source(%dma_start3A_43 : memref<64x128xf32, #tpu.memory_space<hbm>>) target(%dma_start3A_41 : memref<64x128xf32, #tpu.memory_space<vmem>>) target_semaphore(%dma_start3A_37 : memref<!tpu.dma_semaphore, #tpu.memory_space<semaphore_mem>>)
    %slice3A_44 = vector.extract_strided_slice %get3A_3 {offsets = [2], sizes = [1], strides = [1]} : vector<16xi32> to vector<1xi32>
    %squeeze3A_45 = vector.extract %slice3A_44[0] : i32 from vector<1xi32>
    %shift_right_logical3A_46 = arith.constant 7 : i32
    %shift_right_logical3A_47 = arith.shrui %squeeze3A_45, %shift_right_logical3A_46 : i32
    %mul3A_48 = arith.constant 128 : i32
    %mul3A_49 = arith.muli %shift_right_logical3A_47, %mul3A_48 : i32
    %dma_start3A_50 = arith.constant 2 : i32
    %dma_start3A_51 = arith.constant 2 : i32
    %dma_start3A_52 = arith.constant 0 : i32
    %dma_start3A_53 = arith.constant 0 : i32
    %dma_start3A_54 = tpu.memref_slice %arg6[%dma_start3A_50, %dma_start3A_52, %dma_start3A_53] : memref<8x64x128xf32, #tpu.memory_space<vmem>> -> memref<1x64x128xf32, #tpu.memory_space<vmem>>
    %dma_start3A_55 = tpu.memref_squeeze %dma_start3A_54 : memref<1x64x128xf32, #tpu.memory_space<vmem>> -> memref<64x128xf32, #tpu.memory_space<vmem>>
    %dma_start3A_56 = arith.constant 0 : i32
    %dma_start3A_57 = tpu.memref_slice %arg3[%dma_start3A_56, %mul3A_49] : memref<64x1000000xf32, #tpu.memory_space<hbm>> -> memref<64x128xf32, #tpu.memory_space<hbm>>
    %dma_start3A_58 = tpu.memref_slice %arg8[%dma_start3A_51] : memref<8x!tpu.dma_semaphore, #tpu.memory_space<semaphore_mem>> -> memref<1x!tpu.dma_semaphore, #tpu.memory_space<semaphore_mem>>
    %dma_start3A_59 = tpu.memref_squeeze %dma_start3A_58 : memref<1x!tpu.dma_semaphore, #tpu.memory_space<semaphore_mem>> -> memref<!tpu.dma_semaphore, #tpu.memory_space<semaphore_mem>>
    %dma_start3A_60 = arith.constant 0 : i32
    %dma_start3A_61 = arith.constant 0 : i32
    %dma_start3A_62 = tpu.memref_slice %arg6[%dma_start3A_50, %dma_start3A_60, %dma_start3A_61] : memref<8x64x128xf32, #tpu.memory_space<vmem>> -> memref<1x64x128xf32, #tpu.memory_space<vmem>>
    %dma_start3A_63 = tpu.memref_squeeze %dma_start3A_62 : memref<1x64x128xf32, #tpu.memory_space<vmem>> -> memref<64x128xf32, #tpu.memory_space<vmem>>
    %dma_start3A_64 = arith.constant 0 : i32
    %dma_start3A_65 = tpu.memref_slice %arg3[%dma_start3A_64, %mul3A_49] : memref<64x1000000xf32, #tpu.memory_space<hbm>> -> memref<64x128xf32, #tpu.memory_space<hbm>>
    tpu.enqueue_dma source(%dma_start3A_65 : memref<64x128xf32, #tpu.memory_space<hbm>>) target(%dma_start3A_63 : memref<64x128xf32, #tpu.memory_space<vmem>>) target_semaphore(%dma_start3A_59 : memref<!tpu.dma_semaphore, #tpu.memory_space<semaphore_mem>>)
    %slice3A_66 = vector.extract_strided_slice %get3A_3 {offsets = [3], sizes = [1], strides = [1]} : vector<16xi32> to vector<1xi32>
    %squeeze3A_67 = vector.extract %slice3A_66[0] : i32 from vector<1xi32>
    %shift_right_logical3A_68 = arith.constant 7 : i32
    %shift_right_logical3A_69 = arith.shrui %squeeze3A_67, %shift_right_logical3A_68 : i32
    %mul3A_70 = arith.constant 128 : i32
    %mul3A_71 = arith.muli %shift_right_logical3A_69, %mul3A_70 : i32
    %dma_start3A_72 = arith.constant 3 : i32
    %dma_start3A_73 = arith.constant 3 : i32
    %dma_start3A_74 = arith.constant 0 : i32
    %dma_start3A_75 = arith.constant 0 : i32
    %dma_start3A_76 = tpu.memref_slice %arg6[%dma_start3A_72, %dma_start3A_74, %dma_start3A_75] : memref<8x64x128xf32, #tpu.memory_space<vmem>> -> memref<1x64x128xf32, #tpu.memory_space<vmem>>
    %dma_start3A_77 = tpu.memref_squeeze %dma_start3A_76 : memref<1x64x128xf32, #tpu.memory_space<vmem>> -> memref<64x128xf32, #tpu.memory_space<vmem>>
    %dma_start3A_78 = arith.constant 0 : i32
    %dma_start3A_79 = tpu.memref_slice %arg3[%dma_start3A_78, %mul3A_71] : memref<64x1000000xf32, #tpu.memory_space<hbm>> -> memref<64x128xf32, #tpu.memory_space<hbm>>
    %dma_start3A_80 = tpu.memref_slice %arg8[%dma_start3A_73] : memref<8x!tpu.dma_semaphore, #tpu.memory_space<semaphore_mem>> -> memref<1x!tpu.dma_semaphore, #tpu.memory_space<semaphore_mem>>
    %dma_start3A_81 = tpu.memref_squeeze %dma_start3A_80 : memref<1x!tpu.dma_semaphore, #tpu.memory_space<semaphore_mem>> -> memref<!tpu.dma_semaphore, #tpu.memory_space<semaphore_mem>>
    %dma_start3A_82 = arith.constant 0 : i32
    %dma_start3A_83 = arith.constant 0 : i32
    %dma_start3A_84 = tpu.memref_slice %arg6[%dma_start3A_72, %dma_start3A_82, %dma_start3A_83] : memref<8x64x128xf32, #tpu.memory_space<vmem>> -> memref<1x64x128xf32, #tpu.memory_space<vmem>>
    %dma_start3A_85 = tpu.memref_squeeze %dma_start3A_84 : memref<1x64x128xf32, #tpu.memory_space<vmem>> -> memref<64x128xf32, #tpu.memory_space<vmem>>
    %dma_start3A_86 = arith.constant 0 : i32
    %dma_start3A_87 = tpu.memref_slice %arg3[%dma_start3A_86, %mul3A_71] : memref<64x1000000xf32, #tpu.memory_space<hbm>> -> memref<64x128xf32, #tpu.memory_space<hbm>>
    tpu.enqueue_dma source(%dma_start3A_87 : memref<64x128xf32, #tpu.memory_space<hbm>>) target(%dma_start3A_85 : memref<64x128xf32, #tpu.memory_space<vmem>>) target_semaphore(%dma_start3A_81 : memref<!tpu.dma_semaphore, #tpu.memory_space<semaphore_mem>>)
    %slice3A_88 = vector.extract_strided_slice %get3A_3 {offsets = [4], sizes = [1], strides = [1]} : vector<16xi32> to vector<1xi32>
    %squeeze3A_89 = vector.extract %slice3A_88[0] : i32 from vector<1xi32>
    %shift_right_logical3A_90 = arith.constant 7 : i32
    %shift_right_logical3A_91 = arith.shrui %squeeze3A_89, %shift_right_logical3A_90 : i32
    %mul3A_92 = arith.constant 128 : i32
    %mul3A_93 = arith.muli %shift_right_logical3A_91, %mul3A_92 : i32
    %dma_start3A_94 = arith.constant 4 : i32
    %dma_start3A_95 = arith.constant 4 : i32
    %dma_start3A_96 = arith.constant 0 : i32
    %dma_start3A_97 = arith.constant 0 : i32
    %dma_start3A_98 = tpu.memref_slice %arg6[%dma_start3A_94, %dma_start3A_96, %dma_start3A_97] : memref<8x64x128xf32, #tpu.memory_space<vmem>> -> memref<1x64x128xf32, #tpu.memory_space<vmem>>
    %dma_start3A_99 = tpu.memref_squeeze %dma_start3A_98 : memref<1x64x128xf32, #tpu.memory_space<vmem>> -> memref<64x128xf32, #tpu.memory_space<vmem>>
    %dma_start3A_100 = arith.constant 0 : i32
    %dma_start3A_101 = tpu.memref_slice %arg3[%dma_start3A_100, %mul3A_93] : memref<64x1000000xf32, #tpu.memory_space<hbm>> -> memref<64x128xf32, #tpu.memory_space<hbm>>
    %dma_start3A_102 = tpu.memref_slice %arg8[%dma_start3A_95] : memref<8x!tpu.dma_semaphore, #tpu.memory_space<semaphore_mem>> -> memref<1x!tpu.dma_semaphore, #tpu.memory_space<semaphore_mem>>
    %dma_start3A_103 = tpu.memref_squeeze %dma_start3A_102 : memref<1x!tpu.dma_semaphore, #tpu.memory_space<semaphore_mem>> -> memref<!tpu.dma_semaphore, #tpu.memory_space<semaphore_mem>>
    %dma_start3A_104 = arith.constant 0 : i32
    %dma_start3A_105 = arith.constant 0 : i32
    %dma_start3A_106 = tpu.memref_slice %arg6[%dma_start3A_94, %dma_start3A_104, %dma_start3A_105] : memref<8x64x128xf32, #tpu.memory_space<vmem>> -> memref<1x64x128xf32, #tpu.memory_space<vmem>>
    %dma_start3A_107 = tpu.memref_squeeze %dma_start3A_106 : memref<1x64x128xf32, #tpu.memory_space<vmem>> -> memref<64x128xf32, #tpu.memory_space<vmem>>
    %dma_start3A_108 = arith.constant 0 : i32
    %dma_start3A_109 = tpu.memref_slice %arg3[%dma_start3A_108, %mul3A_93] : memref<64x1000000xf32, #tpu.memory_space<hbm>> -> memref<64x128xf32, #tpu.memory_space<hbm>>
    tpu.enqueue_dma source(%dma_start3A_109 : memref<64x128xf32, #tpu.memory_space<hbm>>) target(%dma_start3A_107 : memref<64x128xf32, #tpu.memory_space<vmem>>) target_semaphore(%dma_start3A_103 : memref<!tpu.dma_semaphore, #tpu.memory_space<semaphore_mem>>)
    %slice3A_110 = vector.extract_strided_slice %get3A_3 {offsets = [5], sizes = [1], strides = [1]} : vector<16xi32> to vector<1xi32>
    %squeeze3A_111 = vector.extract %slice3A_110[0] : i32 from vector<1xi32>
    %shift_right_logical3A_112 = arith.constant 7 : i32
    %shift_right_logical3A_113 = arith.shrui %squeeze3A_111, %shift_right_logical3A_112 : i32
    %mul3A_114 = arith.constant 128 : i32
    %mul3A_115 = arith.muli %shift_right_logical3A_113, %mul3A_114 : i32
    %dma_start3A_116 = arith.constant 5 : i32
    %dma_start3A_117 = arith.constant 5 : i32
    %dma_start3A_118 = arith.constant 0 : i32
    %dma_start3A_119 = arith.constant 0 : i32
    %dma_start3A_120 = tpu.memref_slice %arg6[%dma_start3A_116, %dma_start3A_118, %dma_start3A_119] : memref<8x64x128xf32, #tpu.memory_space<vmem>> -> memref<1x64x128xf32, #tpu.memory_space<vmem>>
    %dma_start3A_121 = tpu.memref_squeeze %dma_start3A_120 : memref<1x64x128xf32, #tpu.memory_space<vmem>> -> memref<64x128xf32, #tpu.memory_space<vmem>>
    %dma_start3A_122 = arith.constant 0 : i32
    %dma_start3A_123 = tpu.memref_slice %arg3[%dma_start3A_122, %mul3A_115] : memref<64x1000000xf32, #tpu.memory_space<hbm>> -> memref<64x128xf32, #tpu.memory_space<hbm>>
    %dma_start3A_124 = tpu.memref_slice %arg8[%dma_start3A_117] : memref<8x!tpu.dma_semaphore, #tpu.memory_space<semaphore_mem>> -> memref<1x!tpu.dma_semaphore, #tpu.memory_space<semaphore_mem>>
    %dma_start3A_125 = tpu.memref_squeeze %dma_start3A_124 : memref<1x!tpu.dma_semaphore, #tpu.memory_space<semaphore_mem>> -> memref<!tpu.dma_semaphore, #tpu.memory_space<semaphore_mem>>
    %dma_start3A_126 = arith.constant 0 : i32
    %dma_start3A_127 = arith.constant 0 : i32
    %dma_start3A_128 = tpu.memref_slice %arg6[%dma_start3A_116, %dma_start3A_126, %dma_start3A_127] : memref<8x64x128xf32, #tpu.memory_space<vmem>> -> memref<1x64x128xf32, #tpu.memory_space<vmem>>
    %dma_start3A_129 = tpu.memref_squeeze %dma_start3A_128 : memref<1x64x128xf32, #tpu.memory_space<vmem>> -> memref<64x128xf32, #tpu.memory_space<vmem>>
    %dma_start3A_130 = arith.constant 0 : i32
    %dma_start3A_131 = tpu.memref_slice %arg3[%dma_start3A_130, %mul3A_115] : memref<64x1000000xf32, #tpu.memory_space<hbm>> -> memref<64x128xf32, #tpu.memory_space<hbm>>
    tpu.enqueue_dma source(%dma_start3A_131 : memref<64x128xf32, #tpu.memory_space<hbm>>) target(%dma_start3A_129 : memref<64x128xf32, #tpu.memory_space<vmem>>) target_semaphore(%dma_start3A_125 : memref<!tpu.dma_semaphore, #tpu.memory_space<semaphore_mem>>)
    %slice3A_132 = vector.extract_strided_slice %get3A_3 {offsets = [6], sizes = [1], strides = [1]} : vector<16xi32> to vector<1xi32>
    %squeeze3A_133 = vector.extract %slice3A_132[0] : i32 from vector<1xi32>
    %shift_right_logical3A_134 = arith.constant 7 : i32
    %shift_right_logical3A_135 = arith.shrui %squeeze3A_133, %shift_right_logical3A_134 : i32
    %mul3A_136 = arith.constant 128 : i32
    %mul3A_137 = arith.muli %shift_right_logical3A_135, %mul3A_136 : i32
    %dma_start3A_138 = arith.constant 6 : i32
    %dma_start3A_139 = arith.constant 6 : i32
    %dma_start3A_140 = arith.constant 0 : i32
    %dma_start3A_141 = arith.constant 0 : i32
    %dma_start3A_142 = tpu.memref_slice %arg6[%dma_start3A_138, %dma_start3A_140, %dma_start3A_141] : memref<8x64x128xf32, #tpu.memory_space<vmem>> -> memref<1x64x128xf32, #tpu.memory_space<vmem>>
    %dma_start3A_143 = tpu.memref_squeeze %dma_start3A_142 : memref<1x64x128xf32, #tpu.memory_space<vmem>> -> memref<64x128xf32, #tpu.memory_space<vmem>>
    %dma_start3A_144 = arith.constant 0 : i32
    %dma_start3A_145 = tpu.memref_slice %arg3[%dma_start3A_144, %mul3A_137] : memref<64x1000000xf32, #tpu.memory_space<hbm>> -> memref<64x128xf32, #tpu.memory_space<hbm>>
    %dma_start3A_146 = tpu.memref_slice %arg8[%dma_start3A_139] : memref<8x!tpu.dma_semaphore, #tpu.memory_space<semaphore_mem>> -> memref<1x!tpu.dma_semaphore, #tpu.memory_space<semaphore_mem>>
    %dma_start3A_147 = tpu.memref_squeeze %dma_start3A_146 : memref<1x!tpu.dma_semaphore, #tpu.memory_space<semaphore_mem>> -> memref<!tpu.dma_semaphore, #tpu.memory_space<semaphore_mem>>
    %dma_start3A_148 = arith.constant 0 : i32
    %dma_start3A_149 = arith.constant 0 : i32
    %dma_start3A_150 = tpu.memref_slice %arg6[%dma_start3A_138, %dma_start3A_148, %dma_start3A_149] : memref<8x64x128xf32, #tpu.memory_space<vmem>> -> memref<1x64x128xf32, #tpu.memory_space<vmem>>
    %dma_start3A_151 = tpu.memref_squeeze %dma_start3A_150 : memref<1x64x128xf32, #tpu.memory_space<vmem>> -> memref<64x128xf32, #tpu.memory_space<vmem>>
    %dma_start3A_152 = arith.constant 0 : i32
    %dma_start3A_153 = tpu.memref_slice %arg3[%dma_start3A_152, %mul3A_137] : memref<64x1000000xf32, #tpu.memory_space<hbm>> -> memref<64x128xf32, #tpu.memory_space<hbm>>
    tpu.enqueue_dma source(%dma_start3A_153 : memref<64x128xf32, #tpu.memory_space<hbm>>) target(%dma_start3A_151 : memref<64x128xf32, #tpu.memory_space<vmem>>) target_semaphore(%dma_start3A_147 : memref<!tpu.dma_semaphore, #tpu.memory_space<semaphore_mem>>)
    %slice3A_154 = vector.extract_strided_slice %get3A_3 {offsets = [7], sizes = [1], strides = [1]} : vector<16xi32> to vector<1xi32>
    %squeeze3A_155 = vector.extract %slice3A_154[0] : i32 from vector<1xi32>
    %shift_right_logical3A_156 = arith.constant 7 : i32
    %shift_right_logical3A_157 = arith.shrui %squeeze3A_155, %shift_right_logical3A_156 : i32
    %mul3A_158 = arith.constant 128 : i32
    %mul3A_159 = arith.muli %shift_right_logical3A_157, %mul3A_158 : i32
    %dma_start3A_160 = arith.constant 7 : i32
    %dma_start3A_161 = arith.constant 7 : i32
    %dma_start3A_162 = arith.constant 0 : i32
    %dma_start3A_163 = arith.constant 0 : i32
    %dma_start3A_164 = tpu.memref_slice %arg6[%dma_start3A_160, %dma_start3A_162, %dma_start3A_163] : memref<8x64x128xf32, #tpu.memory_space<vmem>> -> memref<1x64x128xf32, #tpu.memory_space<vmem>>
    %dma_start3A_165 = tpu.memref_squeeze %dma_start3A_164 : memref<1x64x128xf32, #tpu.memory_space<vmem>> -> memref<64x128xf32, #tpu.memory_space<vmem>>
    %dma_start3A_166 = arith.constant 0 : i32
    %dma_start3A_167 = tpu.memref_slice %arg3[%dma_start3A_166, %mul3A_159] : memref<64x1000000xf32, #tpu.memory_space<hbm>> -> memref<64x128xf32, #tpu.memory_space<hbm>>
    %dma_start3A_168 = tpu.memref_slice %arg8[%dma_start3A_161] : memref<8x!tpu.dma_semaphore, #tpu.memory_space<semaphore_mem>> -> memref<1x!tpu.dma_semaphore, #tpu.memory_space<semaphore_mem>>
    %dma_start3A_169 = tpu.memref_squeeze %dma_start3A_168 : memref<1x!tpu.dma_semaphore, #tpu.memory_space<semaphore_mem>> -> memref<!tpu.dma_semaphore, #tpu.memory_space<semaphore_mem>>
    %dma_start3A_170 = arith.constant 0 : i32
    %dma_start3A_171 = arith.constant 0 : i32
    %dma_start3A_172 = tpu.memref_slice %arg6[%dma_start3A_160, %dma_start3A_170, %dma_start3A_171] : memref<8x64x128xf32, #tpu.memory_space<vmem>> -> memref<1x64x128xf32, #tpu.memory_space<vmem>>
    %dma_start3A_173 = tpu.memref_squeeze %dma_start3A_172 : memref<1x64x128xf32, #tpu.memory_space<vmem>> -> memref<64x128xf32, #tpu.memory_space<vmem>>
    %dma_start3A_174 = arith.constant 0 : i32
    %dma_start3A_175 = tpu.memref_slice %arg3[%dma_start3A_174, %mul3A_159] : memref<64x1000000xf32, #tpu.memory_space<hbm>> -> memref<64x128xf32, #tpu.memory_space<hbm>>
    tpu.enqueue_dma source(%dma_start3A_175 : memref<64x128xf32, #tpu.memory_space<hbm>>) target(%dma_start3A_173 : memref<64x128xf32, #tpu.memory_space<vmem>>) target_semaphore(%dma_start3A_169 : memref<!tpu.dma_semaphore, #tpu.memory_space<semaphore_mem>>)
    %scan3A = arith.constant 0 : i32
    %scan3A_176 = arith.constant 0 : i32
    %scan3A_177 = arith.constant 32 : i32
    %scan3A_178 = arith.addi %scan3A_176, %scan3A_177 : i32
    %scan3A_179 = arith.constant 1 : i32
    %scan3A_180 = scf.for %scan3A_189 = %scan3A_176 to %scan3A_178 step %scan3A_179 iter_args(%scan3A_190 = %scan3A) -> (i32)  : i32 {
      %mul3A_191 = arith.constant 16 : i32
      %mul3A_192 = arith.muli %scan3A_189, %mul3A_191 : i32
      %get3A_193 = arith.index_cast %mul3A_192 : i32 to index
      %get3A_194 = tpu.vector_load %arg5[%get3A_193] {strides = array<i32>} : memref<512xi32, #tpu.memory_space<vmem>>, vector<16xi32>,
      %add3A_195 = arith.constant 1 : i32
      %add3A_196 = arith.addi %scan3A_189, %add3A_195 : i32
      %mul3A_197 = arith.constant 16 : i32
      %mul3A_198 = arith.muli %add3A_196, %mul3A_197 : i32
      %min3A = arith.constant 496 : i32
      %min3A_199 = arith.minsi %mul3A_198, %min3A : i32
      %get3A_200 = arith.index_cast %min3A_199 : i32 to index
      %get3A_201 = tpu.vector_load %arg5[%get3A_200] {strides = array<i32>} : memref<512xi32, #tpu.memory_space<vmem>>, vector<16xi32>,
      %mul3A_202 = arith.constant 16 : i32
      %mul3A_203 = arith.muli %scan3A_189, %mul3A_202 : i32
      %add3A_204 = arith.constant 0 : i32
      %add3A_205 = arith.addi %mul3A_203, %add3A_204 : i32
      %dma_wait3A = arith.constant 0 : i32
      %dma_wait3A_206 = arith.constant 0 : i32
      %dma_wait3A_207 = arith.constant 0 : i32
      %dma_wait3A_208 = arith.constant 0 : i32
      %dma_wait3A_209 = tpu.memref_slice %arg6[%dma_wait3A, %dma_wait3A_207, %dma_wait3A_208] : memref<8x64x128xf32, #tpu.memory_space<vmem>> -> memref<1x64x128xf32, #tpu.memory_space<vmem>>
      %dma_wait3A_210 = tpu.memref_squeeze %dma_wait3A_209 : memref<1x64x128xf32, #tpu.memory_space<vmem>> -> memref<64x128xf32, #tpu.memory_space<vmem>>
      %dma_wait3A_211 = arith.constant 0 : i32
      %dma_wait3A_212 = arith.constant 0 : i32
      %dma_wait3A_213 = tpu.memref_slice %arg3[%dma_wait3A_211, %dma_wait3A_212] : memref<64x1000000xf32, #tpu.memory_space<hbm>> -> memref<64x128xf32, #tpu.memory_space<hbm>>
      %dma_wait3A_214 = tpu.memref_slice %arg8[%dma_wait3A_206] : memref<8x!tpu.dma_semaphore, #tpu.memory_space<semaphore_mem>> -> memref<1x!tpu.dma_semaphore, #tpu.memory_space<semaphore_mem>>
      %dma_wait3A_215 = tpu.memref_squeeze %dma_wait3A_214 : memref<1x!tpu.dma_semaphore, #tpu.memory_space<semaphore_mem>> -> memref<!tpu.dma_semaphore, #tpu.memory_space<semaphore_mem>>
      %dma_wait3A_216 = arith.constant 0 : i32
      %dma_wait3A_217 = arith.constant 0 : i32
      %dma_wait3A_218 = tpu.memref_slice %arg6[%dma_wait3A, %dma_wait3A_216, %dma_wait3A_217] : memref<8x64x128xf32, #tpu.memory_space<vmem>> -> memref<1x64x128xf32, #tpu.memory_space<vmem>>
      %dma_wait3A_219 = tpu.memref_squeeze %dma_wait3A_218 : memref<1x64x128xf32, #tpu.memory_space<vmem>> -> memref<64x128xf32, #tpu.memory_space<vmem>>
      %dma_wait3A_220 = arith.constant 0 : i32
      %dma_wait3A_221 = arith.constant 0 : i32
      %dma_wait3A_222 = tpu.memref_slice %arg3[%dma_wait3A_220, %dma_wait3A_221] : memref<64x1000000xf32, #tpu.memory_space<hbm>> -> memref<64x128xf32, #tpu.memory_space<hbm>>
      tpu.wait_dma2 semaphore(%dma_wait3A_215 : memref<!tpu.dma_semaphore, #tpu.memory_space<semaphore_mem>>) src(%dma_wait3A_222 : memref<64x128xf32, #tpu.memory_space<hbm>>) dst(%dma_wait3A_219 : memref<64x128xf32, #tpu.memory_space<vmem>>)
      %slice3A_223 = vector.extract_strided_slice %get3A_194 {offsets = [0], sizes = [1], strides = [1]} : vector<16xi32> to vector<1xi32>
      %squeeze3A_224 = vector.extract %slice3A_223[0] : i32 from vector<1xi32>
      %and3A = arith.constant 127 : i32
      %and3A_225 = arith.andi %squeeze3A_224, %and3A : i32
      %broadcast_in_dim3A = vector.broadcast %and3A_225 : i32 to vector<16xi32>
      %broadcast_in_dim3A_226 = vector.broadcast %add3A_205 : i32 to vector<16xi32>
      %add3A_227 = arith.constant 0 : i32
      %add3A_228 = vector.broadcast %add3A_227 : i32 to vector<16xi32>
      %add3A_229 = arith.addi %iota3A, %add3A_228 : vector<16xi32>
      %gather3A = arith.constant 0 : i32
      %gather3A_230 = arith.constant 0 : i32
      %gather3A_231 = arith.constant 0 : i32
      %gather3A_232 = tpu.memref_slice %arg6[%gather3A, %gather3A_230, %gather3A_231] : memref<8x64x128xf32, #tpu.memory_space<vmem>> -> memref<1x64x128xf32, #tpu.memory_space<vmem>>
      %gather3A_233 = tpu.memref_squeeze %gather3A_232 : memref<1x64x128xf32, #tpu.memory_space<vmem>> -> memref<64x128xf32, #tpu.memory_space<vmem>>
      %gather3A_234 = tpu.vector_load_idx %gather3A_233[%add3A_229, %broadcast_in_dim3A] : memref<64x128xf32, #tpu.memory_space<vmem>>[vector<16xi32>, vector<16xi32>], vector<16xf32>,
      tpu.vector_store_idx %arg7[%add3A_229, %broadcast_in_dim3A_226], %gather3A_234 : memref<64x512xf32, #tpu.memory_space<vmem>>[vector<16xi32>, vector<16xi32>], vector<16xf32>,
      %add3A_235 = arith.constant 16 : i32
      %add3A_236 = vector.broadcast %add3A_235 : i32 to vector<16xi32>
      %add3A_237 = arith.addi %iota3A, %add3A_236 : vector<16xi32>
      %gather3A_238 = arith.constant 0 : i32
      %gather3A_239 = arith.constant 0 : i32
      %gather3A_240 = arith.constant 0 : i32
      %gather3A_241 = tpu.memref_slice %arg6[%gather3A_238, %gather3A_239, %gather3A_240] : memref<8x64x128xf32, #tpu.memory_space<vmem>> -> memref<1x64x128xf32, #tpu.memory_space<vmem>>
      %gather3A_242 = tpu.memref_squeeze %gather3A_241 : memref<1x64x128xf32, #tpu.memory_space<vmem>> -> memref<64x128xf32, #tpu.memory_space<vmem>>
      %gather3A_243 = tpu.vector_load_idx %gather3A_242[%add3A_237, %broadcast_in_dim3A] : memref<64x128xf32, #tpu.memory_space<vmem>>[vector<16xi32>, vector<16xi32>], vector<16xf32>,
      tpu.vector_store_idx %arg7[%add3A_237, %broadcast_in_dim3A_226], %gather3A_243 : memref<64x512xf32, #tpu.memory_space<vmem>>[vector<16xi32>, vector<16xi32>], vector<16xf32>,
      %add3A_244 = arith.constant 32 : i32
      %add3A_245 = vector.broadcast %add3A_244 : i32 to vector<16xi32>
      %add3A_246 = arith.addi %iota3A, %add3A_245 : vector<16xi32>
      %gather3A_247 = arith.constant 0 : i32
      %gather3A_248 = arith.constant 0 : i32
      %gather3A_249 = arith.constant 0 : i32
      %gather3A_250 = tpu.memref_slice %arg6[%gather3A_247, %gather3A_248, %gather3A_249] : memref<8x64x128xf32, #tpu.memory_space<vmem>> -> memref<1x64x128xf32, #tpu.memory_space<vmem>>
      %gather3A_251 = tpu.memref_squeeze %gather3A_250 : memref<1x64x128xf32, #tpu.memory_space<vmem>> -> memref<64x128xf32, #tpu.memory_space<vmem>>
      %gather3A_252 = tpu.vector_load_idx %gather3A_251[%add3A_246, %broadcast_in_dim3A] : memref<64x128xf32, #tpu.memory_space<vmem>>[vector<16xi32>, vector<16xi32>], vector<16xf32>,
      tpu.vector_store_idx %arg7[%add3A_246, %broadcast_in_dim3A_226], %gather3A_252 : memref<64x512xf32, #tpu.memory_space<vmem>>[vector<16xi32>, vector<16xi32>], vector<16xf32>,
      %add3A_253 = arith.constant 48 : i32
      %add3A_254 = vector.broadcast %add3A_253 : i32 to vector<16xi32>
      %add3A_255 = arith.addi %iota3A, %add3A_254 : vector<16xi32>
      %gather3A_256 = arith.constant 0 : i32
      %gather3A_257 = arith.constant 0 : i32
      %gather3A_258 = arith.constant 0 : i32
      %gather3A_259 = tpu.memref_slice %arg6[%gather3A_256, %gather3A_257, %gather3A_258] : memref<8x64x128xf32, #tpu.memory_space<vmem>> -> memref<1x64x128xf32, #tpu.memory_space<vmem>>
      %gather3A_260 = tpu.memref_squeeze %gather3A_259 : memref<1x64x128xf32, #tpu.memory_space<vmem>> -> memref<64x128xf32, #tpu.memory_space<vmem>>
      %gather3A_261 = tpu.vector_load_idx %gather3A_260[%add3A_255, %broadcast_in_dim3A] : memref<64x128xf32, #tpu.memory_space<vmem>>[vector<16xi32>, vector<16xi32>], vector<16xf32>,
      tpu.vector_store_idx %arg7[%add3A_255, %broadcast_in_dim3A_226], %gather3A_261 : memref<64x512xf32, #tpu.memory_space<vmem>>[vector<16xi32>, vector<16xi32>], vector<16xf32>,
      %slice3A_262 = vector.extract_strided_slice %get3A_194 {offsets = [8], sizes = [1], strides = [1]} : vector<16xi32> to vector<1xi32>
      %squeeze3A_263 = vector.extract %slice3A_262[0] : i32 from vector<1xi32>
      %shift_right_logical3A_264 = arith.constant 7 : i32
      %shift_right_logical3A_265 = arith.shrui %squeeze3A_263, %shift_right_logical3A_264 : i32
      %mul3A_266 = arith.constant 128 : i32
      %mul3A_267 = arith.muli %shift_right_logical3A_265, %mul3A_266 : i32
      %dma_start3A_268 = arith.constant 0 : i32
      %dma_start3A_269 = arith.constant 0 : i32
      %dma_start3A_270 = arith.constant 0 : i32
      %dma_start3A_271 = arith.constant 0 : i32
      %dma_start3A_272 = tpu.memref_slice %arg6[%dma_start3A_268, %dma_start3A_270, %dma_start3A_271] : memref<8x64x128xf32, #tpu.memory_space<vmem>> -> memref<1x64x128xf32, #tpu.memory_space<vmem>>
      %dma_start3A_273 = tpu.memref_squeeze %dma_start3A_272 : memref<1x64x128xf32, #tpu.memory_space<vmem>> -> memref<64x128xf32, #tpu.memory_space<vmem>>
      %dma_start3A_274 = arith.constant 0 : i32
      %dma_start3A_275 = tpu.memref_slice %arg3[%dma_start3A_274, %mul3A_267] : memref<64x1000000xf32, #tpu.memory_space<hbm>> -> memref<64x128xf32, #tpu.memory_space<hbm>>
      %dma_start3A_276 = tpu.memref_slice %arg8[%dma_start3A_269] : memref<8x!tpu.dma_semaphore, #tpu.memory_space<semaphore_mem>> -> memref<1x!tpu.dma_semaphore, #tpu.memory_space<semaphore_mem>>
      %dma_start3A_277 = tpu.memref_squeeze %dma_start3A_276 : memref<1x!tpu.dma_semaphore, #tpu.memory_space<semaphore_mem>> -> memref<!tpu.dma_semaphore, #tpu.memory_space<semaphore_mem>>
      %dma_start3A_278 = arith.constant 0 : i32
      %dma_start3A_279 = arith.constant 0 : i32
      %dma_start3A_280 = tpu.memref_slice %arg6[%dma_start3A_268, %dma_start3A_278, %dma_start3A_279] : memref<8x64x128xf32, #tpu.memory_space<vmem>> -> memref<1x64x128xf32, #tpu.memory_space<vmem>>
      %dma_start3A_281 = tpu.memref_squeeze %dma_start3A_280 : memref<1x64x128xf32, #tpu.memory_space<vmem>> -> memref<64x128xf32, #tpu.memory_space<vmem>>
      %dma_start3A_282 = arith.constant 0 : i32
      %dma_start3A_283 = tpu.memref_slice %arg3[%dma_start3A_282, %mul3A_267] : memref<64x1000000xf32, #tpu.memory_space<hbm>> -> memref<64x128xf32, #tpu.memory_space<hbm>>
      tpu.enqueue_dma source(%dma_start3A_283 : memref<64x128xf32, #tpu.memory_space<hbm>>) target(%dma_start3A_281 : memref<64x128xf32, #tpu.memory_space<vmem>>) target_semaphore(%dma_start3A_277 : memref<!tpu.dma_semaphore, #tpu.memory_space<semaphore_mem>>)
      %mul3A_284 = arith.constant 16 : i32
      %mul3A_285 = arith.muli %scan3A_189, %mul3A_284 : i32
      %add3A_286 = arith.constant 1 : i32
      %add3A_287 = arith.addi %mul3A_285, %add3A_286 : i32
      %dma_wait3A_288 = arith.constant 1 : i32
      %dma_wait3A_289 = arith.constant 1 : i32
      %dma_wait3A_290 = arith.constant 0 : i32
      %dma_wait3A_291 = arith.constant 0 : i32
      %dma_wait3A_292 = tpu.memref_slice %arg6[%dma_wait3A_288, %dma_wait3A_290, %dma_wait3A_291] : memref<8x64x128xf32, #tpu.memory_space<vmem>> -> memref<1x64x128xf32, #tpu.memory_space<vmem>>
      %dma_wait3A_293 = tpu.memref_squeeze %dma_wait3A_292 : memref<1x64x128xf32, #tpu.memory_space<vmem>> -> memref<64x128xf32, #tpu.memory_space<vmem>>
      %dma_wait3A_294 = arith.constant 0 : i32
      %dma_wait3A_295 = arith.constant 0 : i32
      %dma_wait3A_296 = tpu.memref_slice %arg3[%dma_wait3A_294, %dma_wait3A_295] : memref<64x1000000xf32, #tpu.memory_space<hbm>> -> memref<64x128xf32, #tpu.memory_space<hbm>>
      %dma_wait3A_297 = tpu.memref_slice %arg8[%dma_wait3A_289] : memref<8x!tpu.dma_semaphore, #tpu.memory_space<semaphore_mem>> -> memref<1x!tpu.dma_semaphore, #tpu.memory_space<semaphore_mem>>
      %dma_wait3A_298 = tpu.memref_squeeze %dma_wait3A_297 : memref<1x!tpu.dma_semaphore, #tpu.memory_space<semaphore_mem>> -> memref<!tpu.dma_semaphore, #tpu.memory_space<semaphore_mem>>
      %dma_wait3A_299 = arith.constant 0 : i32
      %dma_wait3A_300 = arith.constant 0 : i32
      %dma_wait3A_301 = tpu.memref_slice %arg6[%dma_wait3A_288, %dma_wait3A_299, %dma_wait3A_300] : memref<8x64x128xf32, #tpu.memory_space<vmem>> -> memref<1x64x128xf32, #tpu.memory_space<vmem>>
      %dma_wait3A_302 = tpu.memref_squeeze %dma_wait3A_301 : memref<1x64x128xf32, #tpu.memory_space<vmem>> -> memref<64x128xf32, #tpu.memory_space<vmem>>
      %dma_wait3A_303 = arith.constant 0 : i32
      %dma_wait3A_304 = arith.constant 0 : i32
      %dma_wait3A_305 = tpu.memref_slice %arg3[%dma_wait3A_303, %dma_wait3A_304] : memref<64x1000000xf32, #tpu.memory_space<hbm>> -> memref<64x128xf32, #tpu.memory_space<hbm>>
      tpu.wait_dma2 semaphore(%dma_wait3A_298 : memref<!tpu.dma_semaphore, #tpu.memory_space<semaphore_mem>>) src(%dma_wait3A_305 : memref<64x128xf32, #tpu.memory_space<hbm>>) dst(%dma_wait3A_302 : memref<64x128xf32, #tpu.memory_space<vmem>>)
      %slice3A_306 = vector.extract_strided_slice %get3A_194 {offsets = [1], sizes = [1], strides = [1]} : vector<16xi32> to vector<1xi32>
      %squeeze3A_307 = vector.extract %slice3A_306[0] : i32 from vector<1xi32>
      %and3A_308 = arith.constant 127 : i32
      %and3A_309 = arith.andi %squeeze3A_307, %and3A_308 : i32
      %broadcast_in_dim3A_310 = vector.broadcast %and3A_309 : i32 to vector<16xi32>
      %broadcast_in_dim3A_311 = vector.broadcast %add3A_287 : i32 to vector<16xi32>
      %add3A_312 = arith.constant 0 : i32
      %add3A_313 = vector.broadcast %add3A_312 : i32 to vector<16xi32>
      %add3A_314 = arith.addi %iota3A, %add3A_313 : vector<16xi32>
      %gather3A_315 = arith.constant 1 : i32
      %gather3A_316 = arith.constant 0 : i32
      %gather3A_317 = arith.constant 0 : i32
      %gather3A_318 = tpu.memref_slice %arg6[%gather3A_315, %gather3A_316, %gather3A_317] : memref<8x64x128xf32, #tpu.memory_space<vmem>> -> memref<1x64x128xf32, #tpu.memory_space<vmem>>
      %gather3A_319 = tpu.memref_squeeze %gather3A_318 : memref<1x64x128xf32, #tpu.memory_space<vmem>> -> memref<64x128xf32, #tpu.memory_space<vmem>>
      %gather3A_320 = tpu.vector_load_idx %gather3A_319[%add3A_314, %broadcast_in_dim3A_310] : memref<64x128xf32, #tpu.memory_space<vmem>>[vector<16xi32>, vector<16xi32>], vector<16xf32>,
      tpu.vector_store_idx %arg7[%add3A_314, %broadcast_in_dim3A_311], %gather3A_320 : memref<64x512xf32, #tpu.memory_space<vmem>>[vector<16xi32>, vector<16xi32>], vector<16xf32>,
      %add3A_321 = arith.constant 16 : i32
      %add3A_322 = vector.broadcast %add3A_321 : i32 to vector<16xi32>
      %add3A_323 = arith.addi %iota3A, %add3A_322 : vector<16xi32>
      %gather3A_324 = arith.constant 1 : i32
      %gather3A_325 = arith.constant 0 : i32
      %gather3A_326 = arith.constant 0 : i32
      %gather3A_327 = tpu.memref_slice %arg6[%gather3A_324, %gather3A_325, %gather3A_326] : memref<8x64x128xf32, #tpu.memory_space<vmem>> -> memref<1x64x128xf32, #tpu.memory_space<vmem>>
      %gather3A_328 = tpu.memref_squeeze %gather3A_327 : memref<1x64x128xf32, #tpu.memory_space<vmem>> -> memref<64x128xf32, #tpu.memory_space<vmem>>
      %gather3A_329 = tpu.vector_load_idx %gather3A_328[%add3A_323, %broadcast_in_dim3A_310] : memref<64x128xf32, #tpu.memory_space<vmem>>[vector<16xi32>, vector<16xi32>], vector<16xf32>,
      tpu.vector_store_idx %arg7[%add3A_323, %broadcast_in_dim3A_311], %gather3A_329 : memref<64x512xf32, #tpu.memory_space<vmem>>[vector<16xi32>, vector<16xi32>], vector<16xf32>,
      %add3A_330 = arith.constant 32 : i32
      %add3A_331 = vector.broadcast %add3A_330 : i32 to vector<16xi32>
      %add3A_332 = arith.addi %iota3A, %add3A_331 : vector<16xi32>
      %gather3A_333 = arith.constant 1 : i32
      %gather3A_334 = arith.constant 0 : i32
      %gather3A_335 = arith.constant 0 : i32
      %gather3A_336 = tpu.memref_slice %arg6[%gather3A_333, %gather3A_334, %gather3A_335] : memref<8x64x128xf32, #tpu.memory_space<vmem>> -> memref<1x64x128xf32, #tpu.memory_space<vmem>>
      %gather3A_337 = tpu.memref_squeeze %gather3A_336 : memref<1x64x128xf32, #tpu.memory_space<vmem>> -> memref<64x128xf32, #tpu.memory_space<vmem>>
      %gather3A_338 = tpu.vector_load_idx %gather3A_337[%add3A_332, %broadcast_in_dim3A_310] : memref<64x128xf32, #tpu.memory_space<vmem>>[vector<16xi32>, vector<16xi32>], vector<16xf32>,
      tpu.vector_store_idx %arg7[%add3A_332, %broadcast_in_dim3A_311], %gather3A_338 : memref<64x512xf32, #tpu.memory_space<vmem>>[vector<16xi32>, vector<16xi32>], vector<16xf32>,
      %add3A_339 = arith.constant 48 : i32
      %add3A_340 = vector.broadcast %add3A_339 : i32 to vector<16xi32>
      %add3A_341 = arith.addi %iota3A, %add3A_340 : vector<16xi32>
      %gather3A_342 = arith.constant 1 : i32
      %gather3A_343 = arith.constant 0 : i32
      %gather3A_344 = arith.constant 0 : i32
      %gather3A_345 = tpu.memref_slice %arg6[%gather3A_342, %gather3A_343, %gather3A_344] : memref<8x64x128xf32, #tpu.memory_space<vmem>> -> memref<1x64x128xf32, #tpu.memory_space<vmem>>
      %gather3A_346 = tpu.memref_squeeze %gather3A_345 : memref<1x64x128xf32, #tpu.memory_space<vmem>> -> memref<64x128xf32, #tpu.memory_space<vmem>>
      %gather3A_347 = tpu.vector_load_idx %gather3A_346[%add3A_341, %broadcast_in_dim3A_310] : memref<64x128xf32, #tpu.memory_space<vmem>>[vector<16xi32>, vector<16xi32>], vector<16xf32>,
      tpu.vector_store_idx %arg7[%add3A_341, %broadcast_in_dim3A_311], %gather3A_347 : memref<64x512xf32, #tpu.memory_space<vmem>>[vector<16xi32>, vector<16xi32>], vector<16xf32>,
      %slice3A_348 = vector.extract_strided_slice %get3A_194 {offsets = [9], sizes = [1], strides = [1]} : vector<16xi32> to vector<1xi32>
      %squeeze3A_349 = vector.extract %slice3A_348[0] : i32 from vector<1xi32>
      %shift_right_logical3A_350 = arith.constant 7 : i32
      %shift_right_logical3A_351 = arith.shrui %squeeze3A_349, %shift_right_logical3A_350 : i32
      %mul3A_352 = arith.constant 128 : i32
      %mul3A_353 = arith.muli %shift_right_logical3A_351, %mul3A_352 : i32
      %dma_start3A_354 = arith.constant 1 : i32
      %dma_start3A_355 = arith.constant 1 : i32
      %dma_start3A_356 = arith.constant 0 : i32
      %dma_start3A_357 = arith.constant 0 : i32
      %dma_start3A_358 = tpu.memref_slice %arg6[%dma_start3A_354, %dma_start3A_356, %dma_start3A_357] : memref<8x64x128xf32, #tpu.memory_space<vmem>> -> memref<1x64x128xf32, #tpu.memory_space<vmem>>
      %dma_start3A_359 = tpu.memref_squeeze %dma_start3A_358 : memref<1x64x128xf32, #tpu.memory_space<vmem>> -> memref<64x128xf32, #tpu.memory_space<vmem>>
      %dma_start3A_360 = arith.constant 0 : i32
      %dma_start3A_361 = tpu.memref_slice %arg3[%dma_start3A_360, %mul3A_353] : memref<64x1000000xf32, #tpu.memory_space<hbm>> -> memref<64x128xf32, #tpu.memory_space<hbm>>
      %dma_start3A_362 = tpu.memref_slice %arg8[%dma_start3A_355] : memref<8x!tpu.dma_semaphore, #tpu.memory_space<semaphore_mem>> -> memref<1x!tpu.dma_semaphore, #tpu.memory_space<semaphore_mem>>
      %dma_start3A_363 = tpu.memref_squeeze %dma_start3A_362 : memref<1x!tpu.dma_semaphore, #tpu.memory_space<semaphore_mem>> -> memref<!tpu.dma_semaphore, #tpu.memory_space<semaphore_mem>>
      %dma_start3A_364 = arith.constant 0 : i32
      %dma_start3A_365 = arith.constant 0 : i32
      %dma_start3A_366 = tpu.memref_slice %arg6[%dma_start3A_354, %dma_start3A_364, %dma_start3A_365] : memref<8x64x128xf32, #tpu.memory_space<vmem>> -> memref<1x64x128xf32, #tpu.memory_space<vmem>>
      %dma_start3A_367 = tpu.memref_squeeze %dma_start3A_366 : memref<1x64x128xf32, #tpu.memory_space<vmem>> -> memref<64x128xf32, #tpu.memory_space<vmem>>
      %dma_start3A_368 = arith.constant 0 : i32
      %dma_start3A_369 = tpu.memref_slice %arg3[%dma_start3A_368, %mul3A_353] : memref<64x1000000xf32, #tpu.memory_space<hbm>> -> memref<64x128xf32, #tpu.memory_space<hbm>>
      tpu.enqueue_dma source(%dma_start3A_369 : memref<64x128xf32, #tpu.memory_space<hbm>>) target(%dma_start3A_367 : memref<64x128xf32, #tpu.memory_space<vmem>>) target_semaphore(%dma_start3A_363 : memref<!tpu.dma_semaphore, #tpu.memory_space<semaphore_mem>>)
      %mul3A_370 = arith.constant 16 : i32
      %mul3A_371 = arith.muli %scan3A_189, %mul3A_370 : i32
      %add3A_372 = arith.constant 2 : i32
      %add3A_373 = arith.addi %mul3A_371, %add3A_372 : i32
      %dma_wait3A_374 = arith.constant 2 : i32
      %dma_wait3A_375 = arith.constant 2 : i32
      %dma_wait3A_376 = arith.constant 0 : i32
      %dma_wait3A_377 = arith.constant 0 : i32
      %dma_wait3A_378 = tpu.memref_slice %arg6[%dma_wait3A_374, %dma_wait3A_376, %dma_wait3A_377] : memref<8x64x128xf32, #tpu.memory_space<vmem>> -> memref<1x64x128xf32, #tpu.memory_space<vmem>>
      %dma_wait3A_379 = tpu.memref_squeeze %dma_wait3A_378 : memref<1x64x128xf32, #tpu.memory_space<vmem>> -> memref<64x128xf32, #tpu.memory_space<vmem>>
      %dma_wait3A_380 = arith.constant 0 : i32
      %dma_wait3A_381 = arith.constant 0 : i32
      %dma_wait3A_382 = tpu.memref_slice %arg3[%dma_wait3A_380, %dma_wait3A_381] : memref<64x1000000xf32, #tpu.memory_space<hbm>> -> memref<64x128xf32, #tpu.memory_space<hbm>>
      %dma_wait3A_383 = tpu.memref_slice %arg8[%dma_wait3A_375] : memref<8x!tpu.dma_semaphore, #tpu.memory_space<semaphore_mem>> -> memref<1x!tpu.dma_semaphore, #tpu.memory_space<semaphore_mem>>
      %dma_wait3A_384 = tpu.memref_squeeze %dma_wait3A_383 : memref<1x!tpu.dma_semaphore, #tpu.memory_space<semaphore_mem>> -> memref<!tpu.dma_semaphore, #tpu.memory_space<semaphore_mem>>
      %dma_wait3A_385 = arith.constant 0 : i32
      %dma_wait3A_386 = arith.constant 0 : i32
      %dma_wait3A_387 = tpu.memref_slice %arg6[%dma_wait3A_374, %dma_wait3A_385, %dma_wait3A_386] : memref<8x64x128xf32, #tpu.memory_space<vmem>> -> memref<1x64x128xf32, #tpu.memory_space<vmem>>
      %dma_wait3A_388 = tpu.memref_squeeze %dma_wait3A_387 : memref<1x64x128xf32, #tpu.memory_space<vmem>> -> memref<64x128xf32, #tpu.memory_space<vmem>>
      %dma_wait3A_389 = arith.constant 0 : i32
      %dma_wait3A_390 = arith.constant 0 : i32
      %dma_wait3A_391 = tpu.memref_slice %arg3[%dma_wait3A_389, %dma_wait3A_390] : memref<64x1000000xf32, #tpu.memory_space<hbm>> -> memref<64x128xf32, #tpu.memory_space<hbm>>
      tpu.wait_dma2 semaphore(%dma_wait3A_384 : memref<!tpu.dma_semaphore, #tpu.memory_space<semaphore_mem>>) src(%dma_wait3A_391 : memref<64x128xf32, #tpu.memory_space<hbm>>) dst(%dma_wait3A_388 : memref<64x128xf32, #tpu.memory_space<vmem>>)
      %slice3A_392 = vector.extract_strided_slice %get3A_194 {offsets = [2], sizes = [1], strides = [1]} : vector<16xi32> to vector<1xi32>
      %squeeze3A_393 = vector.extract %slice3A_392[0] : i32 from vector<1xi32>
      %and3A_394 = arith.constant 127 : i32
      %and3A_395 = arith.andi %squeeze3A_393, %and3A_394 : i32
      %broadcast_in_dim3A_396 = vector.broadcast %and3A_395 : i32 to vector<16xi32>
      %broadcast_in_dim3A_397 = vector.broadcast %add3A_373 : i32 to vector<16xi32>
      %add3A_398 = arith.constant 0 : i32
      %add3A_399 = vector.broadcast %add3A_398 : i32 to vector<16xi32>
      %add3A_400 = arith.addi %iota3A, %add3A_399 : vector<16xi32>
      %gather3A_401 = arith.constant 2 : i32
      %gather3A_402 = arith.constant 0 : i32
      %gather3A_403 = arith.constant 0 : i32
      %gather3A_404 = tpu.memref_slice %arg6[%gather3A_401, %gather3A_402, %gather3A_403] : memref<8x64x128xf32, #tpu.memory_space<vmem>> -> memref<1x64x128xf32, #tpu.memory_space<vmem>>
      %gather3A_405 = tpu.memref_squeeze %gather3A_404 : memref<1x64x128xf32, #tpu.memory_space<vmem>> -> memref<64x128xf32, #tpu.memory_space<vmem>>
      %gather3A_406 = tpu.vector_load_idx %gather3A_405[%add3A_400, %broadcast_in_dim3A_396] : memref<64x128xf32, #tpu.memory_space<vmem>>[vector<16xi32>, vector<16xi32>], vector<16xf32>,
      tpu.vector_store_idx %arg7[%add3A_400, %broadcast_in_dim3A_397], %gather3A_406 : memref<64x512xf32, #tpu.memory_space<vmem>>[vector<16xi32>, vector<16xi32>], vector<16xf32>,
      %add3A_407 = arith.constant 16 : i32
      %add3A_408 = vector.broadcast %add3A_407 : i32 to vector<16xi32>
      %add3A_409 = arith.addi %iota3A, %add3A_408 : vector<16xi32>
      %gather3A_410 = arith.constant 2 : i32
      %gather3A_411 = arith.constant 0 : i32
      %gather3A_412 = arith.constant 0 : i32
      %gather3A_413 = tpu.memref_slice %arg6[%gather3A_410, %gather3A_411, %gather3A_412] : memref<8x64x128xf32, #tpu.memory_space<vmem>> -> memref<1x64x128xf32, #tpu.memory_space<vmem>>
      %gather3A_414 = tpu.memref_squeeze %gather3A_413 : memref<1x64x128xf32, #tpu.memory_space<vmem>> -> memref<64x128xf32, #tpu.memory_space<vmem>>
      %gather3A_415 = tpu.vector_load_idx %gather3A_414[%add3A_409, %broadcast_in_dim3A_396] : memref<64x128xf32, #tpu.memory_space<vmem>>[vector<16xi32>, vector<16xi32>], vector<16xf32>,
      tpu.vector_store_idx %arg7[%add3A_409, %broadcast_in_dim3A_397], %gather3A_415 : memref<64x512xf32, #tpu.memory_space<vmem>>[vector<16xi32>, vector<16xi32>], vector<16xf32>,
      %add3A_416 = arith.constant 32 : i32
      %add3A_417 = vector.broadcast %add3A_416 : i32 to vector<16xi32>
      %add3A_418 = arith.addi %iota3A, %add3A_417 : vector<16xi32>
      %gather3A_419 = arith.constant 2 : i32
      %gather3A_420 = arith.constant 0 : i32
      %gather3A_421 = arith.constant 0 : i32
      %gather3A_422 = tpu.memref_slice %arg6[%gather3A_419, %gather3A_420, %gather3A_421] : memref<8x64x128xf32, #tpu.memory_space<vmem>> -> memref<1x64x128xf32, #tpu.memory_space<vmem>>
      %gather3A_423 = tpu.memref_squeeze %gather3A_422 : memref<1x64x128xf32, #tpu.memory_space<vmem>> -> memref<64x128xf32, #tpu.memory_space<vmem>>
      %gather3A_424 = tpu.vector_load_idx %gather3A_423[%add3A_418, %broadcast_in_dim3A_396] : memref<64x128xf32, #tpu.memory_space<vmem>>[vector<16xi32>, vector<16xi32>], vector<16xf32>,
      tpu.vector_store_idx %arg7[%add3A_418, %broadcast_in_dim3A_397], %gather3A_424 : memref<64x512xf32, #tpu.memory_space<vmem>>[vector<16xi32>, vector<16xi32>], vector<16xf32>,
      %add3A_425 = arith.constant 48 : i32
      %add3A_426 = vector.broadcast %add3A_425 : i32 to vector<16xi32>
      %add3A_427 = arith.addi %iota3A, %add3A_426 : vector<16xi32>
      %gather3A_428 = arith.constant 2 : i32
      %gather3A_429 = arith.constant 0 : i32
      %gather3A_430 = arith.constant 0 : i32
      %gather3A_431 = tpu.memref_slice %arg6[%gather3A_428, %gather3A_429, %gather3A_430] : memref<8x64x128xf32, #tpu.memory_space<vmem>> -> memref<1x64x128xf32, #tpu.memory_space<vmem>>
      %gather3A_432 = tpu.memref_squeeze %gather3A_431 : memref<1x64x128xf32, #tpu.memory_space<vmem>> -> memref<64x128xf32, #tpu.memory_space<vmem>>
      %gather3A_433 = tpu.vector_load_idx %gather3A_432[%add3A_427, %broadcast_in_dim3A_396] : memref<64x128xf32, #tpu.memory_space<vmem>>[vector<16xi32>, vector<16xi32>], vector<16xf32>,
      tpu.vector_store_idx %arg7[%add3A_427, %broadcast_in_dim3A_397], %gather3A_433 : memref<64x512xf32, #tpu.memory_space<vmem>>[vector<16xi32>, vector<16xi32>], vector<16xf32>,
      %slice3A_434 = vector.extract_strided_slice %get3A_194 {offsets = [10], sizes = [1], strides = [1]} : vector<16xi32> to vector<1xi32>
      %squeeze3A_435 = vector.extract %slice3A_434[0] : i32 from vector<1xi32>
      %shift_right_logical3A_436 = arith.constant 7 : i32
      %shift_right_logical3A_437 = arith.shrui %squeeze3A_435, %shift_right_logical3A_436 : i32
      %mul3A_438 = arith.constant 128 : i32
      %mul3A_439 = arith.muli %shift_right_logical3A_437, %mul3A_438 : i32
      %dma_start3A_440 = arith.constant 2 : i32
      %dma_start3A_441 = arith.constant 2 : i32
      %dma_start3A_442 = arith.constant 0 : i32
      %dma_start3A_443 = arith.constant 0 : i32
      %dma_start3A_444 = tpu.memref_slice %arg6[%dma_start3A_440, %dma_start3A_442, %dma_start3A_443] : memref<8x64x128xf32, #tpu.memory_space<vmem>> -> memref<1x64x128xf32, #tpu.memory_space<vmem>>
      %dma_start3A_445 = tpu.memref_squeeze %dma_start3A_444 : memref<1x64x128xf32, #tpu.memory_space<vmem>> -> memref<64x128xf32, #tpu.memory_space<vmem>>
      %dma_start3A_446 = arith.constant 0 : i32
      %dma_start3A_447 = tpu.memref_slice %arg3[%dma_start3A_446, %mul3A_439] : memref<64x1000000xf32, #tpu.memory_space<hbm>> -> memref<64x128xf32, #tpu.memory_space<hbm>>
      %dma_start3A_448 = tpu.memref_slice %arg8[%dma_start3A_441] : memref<8x!tpu.dma_semaphore, #tpu.memory_space<semaphore_mem>> -> memref<1x!tpu.dma_semaphore, #tpu.memory_space<semaphore_mem>>
      %dma_start3A_449 = tpu.memref_squeeze %dma_start3A_448 : memref<1x!tpu.dma_semaphore, #tpu.memory_space<semaphore_mem>> -> memref<!tpu.dma_semaphore, #tpu.memory_space<semaphore_mem>>
      %dma_start3A_450 = arith.constant 0 : i32
      %dma_start3A_451 = arith.constant 0 : i32
      %dma_start3A_452 = tpu.memref_slice %arg6[%dma_start3A_440, %dma_start3A_450, %dma_start3A_451] : memref<8x64x128xf32, #tpu.memory_space<vmem>> -> memref<1x64x128xf32, #tpu.memory_space<vmem>>
      %dma_start3A_453 = tpu.memref_squeeze %dma_start3A_452 : memref<1x64x128xf32, #tpu.memory_space<vmem>> -> memref<64x128xf32, #tpu.memory_space<vmem>>
      %dma_start3A_454 = arith.constant 0 : i32
      %dma_start3A_455 = tpu.memref_slice %arg3[%dma_start3A_454, %mul3A_439] : memref<64x1000000xf32, #tpu.memory_space<hbm>> -> memref<64x128xf32, #tpu.memory_space<hbm>>
      tpu.enqueue_dma source(%dma_start3A_455 : memref<64x128xf32, #tpu.memory_space<hbm>>) target(%dma_start3A_453 : memref<64x128xf32, #tpu.memory_space<vmem>>) target_semaphore(%dma_start3A_449 : memref<!tpu.dma_semaphore, #tpu.memory_space<semaphore_mem>>)
      %mul3A_456 = arith.constant 16 : i32
      %mul3A_457 = arith.muli %scan3A_189, %mul3A_456 : i32
      %add3A_458 = arith.constant 3 : i32
      %add3A_459 = arith.addi %mul3A_457, %add3A_458 : i32
      %dma_wait3A_460 = arith.constant 3 : i32
      %dma_wait3A_461 = arith.constant 3 : i32
      %dma_wait3A_462 = arith.constant 0 : i32
      %dma_wait3A_463 = arith.constant 0 : i32
      %dma_wait3A_464 = tpu.memref_slice %arg6[%dma_wait3A_460, %dma_wait3A_462, %dma_wait3A_463] : memref<8x64x128xf32, #tpu.memory_space<vmem>> -> memref<1x64x128xf32, #tpu.memory_space<vmem>>
      %dma_wait3A_465 = tpu.memref_squeeze %dma_wait3A_464 : memref<1x64x128xf32, #tpu.memory_space<vmem>> -> memref<64x128xf32, #tpu.memory_space<vmem>>
      %dma_wait3A_466 = arith.constant 0 : i32
      %dma_wait3A_467 = arith.constant 0 : i32
      %dma_wait3A_468 = tpu.memref_slice %arg3[%dma_wait3A_466, %dma_wait3A_467] : memref<64x1000000xf32, #tpu.memory_space<hbm>> -> memref<64x128xf32, #tpu.memory_space<hbm>>
      %dma_wait3A_469 = tpu.memref_slice %arg8[%dma_wait3A_461] : memref<8x!tpu.dma_semaphore, #tpu.memory_space<semaphore_mem>> -> memref<1x!tpu.dma_semaphore, #tpu.memory_space<semaphore_mem>>
      %dma_wait3A_470 = tpu.memref_squeeze %dma_wait3A_469 : memref<1x!tpu.dma_semaphore, #tpu.memory_space<semaphore_mem>> -> memref<!tpu.dma_semaphore, #tpu.memory_space<semaphore_mem>>
      %dma_wait3A_471 = arith.constant 0 : i32
      %dma_wait3A_472 = arith.constant 0 : i32
      %dma_wait3A_473 = tpu.memref_slice %arg6[%dma_wait3A_460, %dma_wait3A_471, %dma_wait3A_472] : memref<8x64x128xf32, #tpu.memory_space<vmem>> -> memref<1x64x128xf32, #tpu.memory_space<vmem>>
      %dma_wait3A_474 = tpu.memref_squeeze %dma_wait3A_473 : memref<1x64x128xf32, #tpu.memory_space<vmem>> -> memref<64x128xf32, #tpu.memory_space<vmem>>
      %dma_wait3A_475 = arith.constant 0 : i32
      %dma_wait3A_476 = arith.constant 0 : i32
      %dma_wait3A_477 = tpu.memref_slice %arg3[%dma_wait3A_475, %dma_wait3A_476] : memref<64x1000000xf32, #tpu.memory_space<hbm>> -> memref<64x128xf32, #tpu.memory_space<hbm>>
      tpu.wait_dma2 semaphore(%dma_wait3A_470 : memref<!tpu.dma_semaphore, #tpu.memory_space<semaphore_mem>>) src(%dma_wait3A_477 : memref<64x128xf32, #tpu.memory_space<hbm>>) dst(%dma_wait3A_474 : memref<64x128xf32, #tpu.memory_space<vmem>>)
      %slice3A_478 = vector.extract_strided_slice %get3A_194 {offsets = [3], sizes = [1], strides = [1]} : vector<16xi32> to vector<1xi32>
      %squeeze3A_479 = vector.extract %slice3A_478[0] : i32 from vector<1xi32>
      %and3A_480 = arith.constant 127 : i32
      %and3A_481 = arith.andi %squeeze3A_479, %and3A_480 : i32
      %broadcast_in_dim3A_482 = vector.broadcast %and3A_481 : i32 to vector<16xi32>
      %broadcast_in_dim3A_483 = vector.broadcast %add3A_459 : i32 to vector<16xi32>
      %add3A_484 = arith.constant 0 : i32
      %add3A_485 = vector.broadcast %add3A_484 : i32 to vector<16xi32>
      %add3A_486 = arith.addi %iota3A, %add3A_485 : vector<16xi32>
      %gather3A_487 = arith.constant 3 : i32
      %gather3A_488 = arith.constant 0 : i32
      %gather3A_489 = arith.constant 0 : i32
      %gather3A_490 = tpu.memref_slice %arg6[%gather3A_487, %gather3A_488, %gather3A_489] : memref<8x64x128xf32, #tpu.memory_space<vmem>> -> memref<1x64x128xf32, #tpu.memory_space<vmem>>
      %gather3A_491 = tpu.memref_squeeze %gather3A_490 : memref<1x64x128xf32, #tpu.memory_space<vmem>> -> memref<64x128xf32, #tpu.memory_space<vmem>>
      %gather3A_492 = tpu.vector_load_idx %gather3A_491[%add3A_486, %broadcast_in_dim3A_482] : memref<64x128xf32, #tpu.memory_space<vmem>>[vector<16xi32>, vector<16xi32>], vector<16xf32>,
      tpu.vector_store_idx %arg7[%add3A_486, %broadcast_in_dim3A_483], %gather3A_492 : memref<64x512xf32, #tpu.memory_space<vmem>>[vector<16xi32>, vector<16xi32>], vector<16xf32>,
      %add3A_493 = arith.constant 16 : i32
      %add3A_494 = vector.broadcast %add3A_493 : i32 to vector<16xi32>
      %add3A_495 = arith.addi %iota3A, %add3A_494 : vector<16xi32>
      %gather3A_496 = arith.constant 3 : i32
      %gather3A_497 = arith.constant 0 : i32
      %gather3A_498 = arith.constant 0 : i32
      %gather3A_499 = tpu.memref_slice %arg6[%gather3A_496, %gather3A_497, %gather3A_498] : memref<8x64x128xf32, #tpu.memory_space<vmem>> -> memref<1x64x128xf32, #tpu.memory_space<vmem>>
      %gather3A_500 = tpu.memref_squeeze %gather3A_499 : memref<1x64x128xf32, #tpu.memory_space<vmem>> -> memref<64x128xf32, #tpu.memory_space<vmem>>
      %gather3A_501 = tpu.vector_load_idx %gather3A_500[%add3A_495, %broadcast_in_dim3A_482] : memref<64x128xf32, #tpu.memory_space<vmem>>[vector<16xi32>, vector<16xi32>], vector<16xf32>,
      tpu.vector_store_idx %arg7[%add3A_495, %broadcast_in_dim3A_483], %gather3A_501 : memref<64x512xf32, #tpu.memory_space<vmem>>[vector<16xi32>, vector<16xi32>], vector<16xf32>,
      %add3A_502 = arith.constant 32 : i32
      %add3A_503 = vector.broadcast %add3A_502 : i32 to vector<16xi32>
      %add3A_504 = arith.addi %iota3A, %add3A_503 : vector<16xi32>
      %gather3A_505 = arith.constant 3 : i32
      %gather3A_506 = arith.constant 0 : i32
      %gather3A_507 = arith.constant 0 : i32
      %gather3A_508 = tpu.memref_slice %arg6[%gather3A_505, %gather3A_506, %gather3A_507] : memref<8x64x128xf32, #tpu.memory_space<vmem>> -> memref<1x64x128xf32, #tpu.memory_space<vmem>>
      %gather3A_509 = tpu.memref_squeeze %gather3A_508 : memref<1x64x128xf32, #tpu.memory_space<vmem>> -> memref<64x128xf32, #tpu.memory_space<vmem>>
      %gather3A_510 = tpu.vector_load_idx %gather3A_509[%add3A_504, %broadcast_in_dim3A_482] : memref<64x128xf32, #tpu.memory_space<vmem>>[vector<16xi32>, vector<16xi32>], vector<16xf32>,
      tpu.vector_store_idx %arg7[%add3A_504, %broadcast_in_dim3A_483], %gather3A_510 : memref<64x512xf32, #tpu.memory_space<vmem>>[vector<16xi32>, vector<16xi32>], vector<16xf32>,
      %add3A_511 = arith.constant 48 : i32
      %add3A_512 = vector.broadcast %add3A_511 : i32 to vector<16xi32>
      %add3A_513 = arith.addi %iota3A, %add3A_512 : vector<16xi32>
      %gather3A_514 = arith.constant 3 : i32
      %gather3A_515 = arith.constant 0 : i32
      %gather3A_516 = arith.constant 0 : i32
      %gather3A_517 = tpu.memref_slice %arg6[%gather3A_514, %gather3A_515, %gather3A_516] : memref<8x64x128xf32, #tpu.memory_space<vmem>> -> memref<1x64x128xf32, #tpu.memory_space<vmem>>
      %gather3A_518 = tpu.memref_squeeze %gather3A_517 : memref<1x64x128xf32, #tpu.memory_space<vmem>> -> memref<64x128xf32, #tpu.memory_space<vmem>>
      %gather3A_519 = tpu.vector_load_idx %gather3A_518[%add3A_513, %broadcast_in_dim3A_482] : memref<64x128xf32, #tpu.memory_space<vmem>>[vector<16xi32>, vector<16xi32>], vector<16xf32>,
      tpu.vector_store_idx %arg7[%add3A_513, %broadcast_in_dim3A_483], %gather3A_519 : memref<64x512xf32, #tpu.memory_space<vmem>>[vector<16xi32>, vector<16xi32>], vector<16xf32>,
      %slice3A_520 = vector.extract_strided_slice %get3A_194 {offsets = [11], sizes = [1], strides = [1]} : vector<16xi32> to vector<1xi32>
      %squeeze3A_521 = vector.extract %slice3A_520[0] : i32 from vector<1xi32>
      %shift_right_logical3A_522 = arith.constant 7 : i32
      %shift_right_logical3A_523 = arith.shrui %squeeze3A_521, %shift_right_logical3A_522 : i32
      %mul3A_524 = arith.constant 128 : i32
      %mul3A_525 = arith.muli %shift_right_logical3A_523, %mul3A_524 : i32
      %dma_start3A_526 = arith.constant 3 : i32
      %dma_start3A_527 = arith.constant 3 : i32
      %dma_start3A_528 = arith.constant 0 : i32
      %dma_start3A_529 = arith.constant 0 : i32
      %dma_start3A_530 = tpu.memref_slice %arg6[%dma_start3A_526, %dma_start3A_528, %dma_start3A_529] : memref<8x64x128xf32, #tpu.memory_space<vmem>> -> memref<1x64x128xf32, #tpu.memory_space<vmem>>
      %dma_start3A_531 = tpu.memref_squeeze %dma_start3A_530 : memref<1x64x128xf32, #tpu.memory_space<vmem>> -> memref<64x128xf32, #tpu.memory_space<vmem>>
      %dma_start3A_532 = arith.constant 0 : i32
      %dma_start3A_533 = tpu.memref_slice %arg3[%dma_start3A_532, %mul3A_525] : memref<64x1000000xf32, #tpu.memory_space<hbm>> -> memref<64x128xf32, #tpu.memory_space<hbm>>
      %dma_start3A_534 = tpu.memref_slice %arg8[%dma_start3A_527] : memref<8x!tpu.dma_semaphore, #tpu.memory_space<semaphore_mem>> -> memref<1x!tpu.dma_semaphore, #tpu.memory_space<semaphore_mem>>
      %dma_start3A_535 = tpu.memref_squeeze %dma_start3A_534 : memref<1x!tpu.dma_semaphore, #tpu.memory_space<semaphore_mem>> -> memref<!tpu.dma_semaphore, #tpu.memory_space<semaphore_mem>>
      %dma_start3A_536 = arith.constant 0 : i32
      %dma_start3A_537 = arith.constant 0 : i32
      %dma_start3A_538 = tpu.memref_slice %arg6[%dma_start3A_526, %dma_start3A_536, %dma_start3A_537] : memref<8x64x128xf32, #tpu.memory_space<vmem>> -> memref<1x64x128xf32, #tpu.memory_space<vmem>>
      %dma_start3A_539 = tpu.memref_squeeze %dma_start3A_538 : memref<1x64x128xf32, #tpu.memory_space<vmem>> -> memref<64x128xf32, #tpu.memory_space<vmem>>
      %dma_start3A_540 = arith.constant 0 : i32
      %dma_start3A_541 = tpu.memref_slice %arg3[%dma_start3A_540, %mul3A_525] : memref<64x1000000xf32, #tpu.memory_space<hbm>> -> memref<64x128xf32, #tpu.memory_space<hbm>>
      tpu.enqueue_dma source(%dma_start3A_541 : memref<64x128xf32, #tpu.memory_space<hbm>>) target(%dma_start3A_539 : memref<64x128xf32, #tpu.memory_space<vmem>>) target_semaphore(%dma_start3A_535 : memref<!tpu.dma_semaphore, #tpu.memory_space<semaphore_mem>>)
      %mul3A_542 = arith.constant 16 : i32
      %mul3A_543 = arith.muli %scan3A_189, %mul3A_542 : i32
      %add3A_544 = arith.constant 4 : i32
      %add3A_545 = arith.addi %mul3A_543, %add3A_544 : i32
      %dma_wait3A_546 = arith.constant 4 : i32
      %dma_wait3A_547 = arith.constant 4 : i32
      %dma_wait3A_548 = arith.constant 0 : i32
      %dma_wait3A_549 = arith.constant 0 : i32
      %dma_wait3A_550 = tpu.memref_slice %arg6[%dma_wait3A_546, %dma_wait3A_548, %dma_wait3A_549] : memref<8x64x128xf32, #tpu.memory_space<vmem>> -> memref<1x64x128xf32, #tpu.memory_space<vmem>>
      %dma_wait3A_551 = tpu.memref_squeeze %dma_wait3A_550 : memref<1x64x128xf32, #tpu.memory_space<vmem>> -> memref<64x128xf32, #tpu.memory_space<vmem>>
      %dma_wait3A_552 = arith.constant 0 : i32
      %dma_wait3A_553 = arith.constant 0 : i32
      %dma_wait3A_554 = tpu.memref_slice %arg3[%dma_wait3A_552, %dma_wait3A_553] : memref<64x1000000xf32, #tpu.memory_space<hbm>> -> memref<64x128xf32, #tpu.memory_space<hbm>>
      %dma_wait3A_555 = tpu.memref_slice %arg8[%dma_wait3A_547] : memref<8x!tpu.dma_semaphore, #tpu.memory_space<semaphore_mem>> -> memref<1x!tpu.dma_semaphore, #tpu.memory_space<semaphore_mem>>
      %dma_wait3A_556 = tpu.memref_squeeze %dma_wait3A_555 : memref<1x!tpu.dma_semaphore, #tpu.memory_space<semaphore_mem>> -> memref<!tpu.dma_semaphore, #tpu.memory_space<semaphore_mem>>
      %dma_wait3A_557 = arith.constant 0 : i32
      %dma_wait3A_558 = arith.constant 0 : i32
      %dma_wait3A_559 = tpu.memref_slice %arg6[%dma_wait3A_546, %dma_wait3A_557, %dma_wait3A_558] : memref<8x64x128xf32, #tpu.memory_space<vmem>> -> memref<1x64x128xf32, #tpu.memory_space<vmem>>
      %dma_wait3A_560 = tpu.memref_squeeze %dma_wait3A_559 : memref<1x64x128xf32, #tpu.memory_space<vmem>> -> memref<64x128xf32, #tpu.memory_space<vmem>>
      %dma_wait3A_561 = arith.constant 0 : i32
      %dma_wait3A_562 = arith.constant 0 : i32
      %dma_wait3A_563 = tpu.memref_slice %arg3[%dma_wait3A_561, %dma_wait3A_562] : memref<64x1000000xf32, #tpu.memory_space<hbm>> -> memref<64x128xf32, #tpu.memory_space<hbm>>
      tpu.wait_dma2 semaphore(%dma_wait3A_556 : memref<!tpu.dma_semaphore, #tpu.memory_space<semaphore_mem>>) src(%dma_wait3A_563 : memref<64x128xf32, #tpu.memory_space<hbm>>) dst(%dma_wait3A_560 : memref<64x128xf32, #tpu.memory_space<vmem>>)
      %slice3A_564 = vector.extract_strided_slice %get3A_194 {offsets = [4], sizes = [1], strides = [1]} : vector<16xi32> to vector<1xi32>
      %squeeze3A_565 = vector.extract %slice3A_564[0] : i32 from vector<1xi32>
      %and3A_566 = arith.constant 127 : i32
      %and3A_567 = arith.andi %squeeze3A_565, %and3A_566 : i32
      %broadcast_in_dim3A_568 = vector.broadcast %and3A_567 : i32 to vector<16xi32>
      %broadcast_in_dim3A_569 = vector.broadcast %add3A_545 : i32 to vector<16xi32>
      %add3A_570 = arith.constant 0 : i32
      %add3A_571 = vector.broadcast %add3A_570 : i32 to vector<16xi32>
      %add3A_572 = arith.addi %iota3A, %add3A_571 : vector<16xi32>
      %gather3A_573 = arith.constant 4 : i32
      %gather3A_574 = arith.constant 0 : i32
      %gather3A_575 = arith.constant 0 : i32
      %gather3A_576 = tpu.memref_slice %arg6[%gather3A_573, %gather3A_574, %gather3A_575] : memref<8x64x128xf32, #tpu.memory_space<vmem>> -> memref<1x64x128xf32, #tpu.memory_space<vmem>>
      %gather3A_577 = tpu.memref_squeeze %gather3A_576 : memref<1x64x128xf32, #tpu.memory_space<vmem>> -> memref<64x128xf32, #tpu.memory_space<vmem>>
      %gather3A_578 = tpu.vector_load_idx %gather3A_577[%add3A_572, %broadcast_in_dim3A_568] : memref<64x128xf32, #tpu.memory_space<vmem>>[vector<16xi32>, vector<16xi32>], vector<16xf32>,
      tpu.vector_store_idx %arg7[%add3A_572, %broadcast_in_dim3A_569], %gather3A_578 : memref<64x512xf32, #tpu.memory_space<vmem>>[vector<16xi32>, vector<16xi32>], vector<16xf32>,
      %add3A_579 = arith.constant 16 : i32
      %add3A_580 = vector.broadcast %add3A_579 : i32 to vector<16xi32>
      %add3A_581 = arith.addi %iota3A, %add3A_580 : vector<16xi32>
      %gather3A_582 = arith.constant 4 : i32
      %gather3A_583 = arith.constant 0 : i32
      %gather3A_584 = arith.constant 0 : i32
      %gather3A_585 = tpu.memref_slice %arg6[%gather3A_582, %gather3A_583, %gather3A_584] : memref<8x64x128xf32, #tpu.memory_space<vmem>> -> memref<1x64x128xf32, #tpu.memory_space<vmem>>
      %gather3A_586 = tpu.memref_squeeze %gather3A_585 : memref<1x64x128xf32, #tpu.memory_space<vmem>> -> memref<64x128xf32, #tpu.memory_space<vmem>>
      %gather3A_587 = tpu.vector_load_idx %gather3A_586[%add3A_581, %broadcast_in_dim3A_568] : memref<64x128xf32, #tpu.memory_space<vmem>>[vector<16xi32>, vector<16xi32>], vector<16xf32>,
      tpu.vector_store_idx %arg7[%add3A_581, %broadcast_in_dim3A_569], %gather3A_587 : memref<64x512xf32, #tpu.memory_space<vmem>>[vector<16xi32>, vector<16xi32>], vector<16xf32>,
      %add3A_588 = arith.constant 32 : i32
      %add3A_589 = vector.broadcast %add3A_588 : i32 to vector<16xi32>
      %add3A_590 = arith.addi %iota3A, %add3A_589 : vector<16xi32>
      %gather3A_591 = arith.constant 4 : i32
      %gather3A_592 = arith.constant 0 : i32
      %gather3A_593 = arith.constant 0 : i32
      %gather3A_594 = tpu.memref_slice %arg6[%gather3A_591, %gather3A_592, %gather3A_593] : memref<8x64x128xf32, #tpu.memory_space<vmem>> -> memref<1x64x128xf32, #tpu.memory_space<vmem>>
      %gather3A_595 = tpu.memref_squeeze %gather3A_594 : memref<1x64x128xf32, #tpu.memory_space<vmem>> -> memref<64x128xf32, #tpu.memory_space<vmem>>
      %gather3A_596 = tpu.vector_load_idx %gather3A_595[%add3A_590, %broadcast_in_dim3A_568] : memref<64x128xf32, #tpu.memory_space<vmem>>[vector<16xi32>, vector<16xi32>], vector<16xf32>,
      tpu.vector_store_idx %arg7[%add3A_590, %broadcast_in_dim3A_569], %gather3A_596 : memref<64x512xf32, #tpu.memory_space<vmem>>[vector<16xi32>, vector<16xi32>], vector<16xf32>,
      %add3A_597 = arith.constant 48 : i32
      %add3A_598 = vector.broadcast %add3A_597 : i32 to vector<16xi32>
      %add3A_599 = arith.addi %iota3A, %add3A_598 : vector<16xi32>
      %gather3A_600 = arith.constant 4 : i32
      %gather3A_601 = arith.constant 0 : i32
      %gather3A_602 = arith.constant 0 : i32
      %gather3A_603 = tpu.memref_slice %arg6[%gather3A_600, %gather3A_601, %gather3A_602] : memref<8x64x128xf32, #tpu.memory_space<vmem>> -> memref<1x64x128xf32, #tpu.memory_space<vmem>>
      %gather3A_604 = tpu.memref_squeeze %gather3A_603 : memref<1x64x128xf32, #tpu.memory_space<vmem>> -> memref<64x128xf32, #tpu.memory_space<vmem>>
      %gather3A_605 = tpu.vector_load_idx %gather3A_604[%add3A_599, %broadcast_in_dim3A_568] : memref<64x128xf32, #tpu.memory_space<vmem>>[vector<16xi32>, vector<16xi32>], vector<16xf32>,
      tpu.vector_store_idx %arg7[%add3A_599, %broadcast_in_dim3A_569], %gather3A_605 : memref<64x512xf32, #tpu.memory_space<vmem>>[vector<16xi32>, vector<16xi32>], vector<16xf32>,
      %slice3A_606 = vector.extract_strided_slice %get3A_194 {offsets = [12], sizes = [1], strides = [1]} : vector<16xi32> to vector<1xi32>
      %squeeze3A_607 = vector.extract %slice3A_606[0] : i32 from vector<1xi32>
      %shift_right_logical3A_608 = arith.constant 7 : i32
      %shift_right_logical3A_609 = arith.shrui %squeeze3A_607, %shift_right_logical3A_608 : i32
      %mul3A_610 = arith.constant 128 : i32
      %mul3A_611 = arith.muli %shift_right_logical3A_609, %mul3A_610 : i32
      %dma_start3A_612 = arith.constant 4 : i32
      %dma_start3A_613 = arith.constant 4 : i32
      %dma_start3A_614 = arith.constant 0 : i32
      %dma_start3A_615 = arith.constant 0 : i32
      %dma_start3A_616 = tpu.memref_slice %arg6[%dma_start3A_612, %dma_start3A_614, %dma_start3A_615] : memref<8x64x128xf32, #tpu.memory_space<vmem>> -> memref<1x64x128xf32, #tpu.memory_space<vmem>>
      %dma_start3A_617 = tpu.memref_squeeze %dma_start3A_616 : memref<1x64x128xf32, #tpu.memory_space<vmem>> -> memref<64x128xf32, #tpu.memory_space<vmem>>
      %dma_start3A_618 = arith.constant 0 : i32
      %dma_start3A_619 = tpu.memref_slice %arg3[%dma_start3A_618, %mul3A_611] : memref<64x1000000xf32, #tpu.memory_space<hbm>> -> memref<64x128xf32, #tpu.memory_space<hbm>>
      %dma_start3A_620 = tpu.memref_slice %arg8[%dma_start3A_613] : memref<8x!tpu.dma_semaphore, #tpu.memory_space<semaphore_mem>> -> memref<1x!tpu.dma_semaphore, #tpu.memory_space<semaphore_mem>>
      %dma_start3A_621 = tpu.memref_squeeze %dma_start3A_620 : memref<1x!tpu.dma_semaphore, #tpu.memory_space<semaphore_mem>> -> memref<!tpu.dma_semaphore, #tpu.memory_space<semaphore_mem>>
      %dma_start3A_622 = arith.constant 0 : i32
      %dma_start3A_623 = arith.constant 0 : i32
      %dma_start3A_624 = tpu.memref_slice %arg6[%dma_start3A_612, %dma_start3A_622, %dma_start3A_623] : memref<8x64x128xf32, #tpu.memory_space<vmem>> -> memref<1x64x128xf32, #tpu.memory_space<vmem>>
      %dma_start3A_625 = tpu.memref_squeeze %dma_start3A_624 : memref<1x64x128xf32, #tpu.memory_space<vmem>> -> memref<64x128xf32, #tpu.memory_space<vmem>>
      %dma_start3A_626 = arith.constant 0 : i32
      %dma_start3A_627 = tpu.memref_slice %arg3[%dma_start3A_626, %mul3A_611] : memref<64x1000000xf32, #tpu.memory_space<hbm>> -> memref<64x128xf32, #tpu.memory_space<hbm>>
      tpu.enqueue_dma source(%dma_start3A_627 : memref<64x128xf32, #tpu.memory_space<hbm>>) target(%dma_start3A_625 : memref<64x128xf32, #tpu.memory_space<vmem>>) target_semaphore(%dma_start3A_621 : memref<!tpu.dma_semaphore, #tpu.memory_space<semaphore_mem>>)
      %mul3A_628 = arith.constant 16 : i32
      %mul3A_629 = arith.muli %scan3A_189, %mul3A_628 : i32
      %add3A_630 = arith.constant 5 : i32
      %add3A_631 = arith.addi %mul3A_629, %add3A_630 : i32
      %dma_wait3A_632 = arith.constant 5 : i32
      %dma_wait3A_633 = arith.constant 5 : i32
      %dma_wait3A_634 = arith.constant 0 : i32
      %dma_wait3A_635 = arith.constant 0 : i32
      %dma_wait3A_636 = tpu.memref_slice %arg6[%dma_wait3A_632, %dma_wait3A_634, %dma_wait3A_635] : memref<8x64x128xf32, #tpu.memory_space<vmem>> -> memref<1x64x128xf32, #tpu.memory_space<vmem>>
      %dma_wait3A_637 = tpu.memref_squeeze %dma_wait3A_636 : memref<1x64x128xf32, #tpu.memory_space<vmem>> -> memref<64x128xf32, #tpu.memory_space<vmem>>
      %dma_wait3A_638 = arith.constant 0 : i32
      %dma_wait3A_639 = arith.constant 0 : i32
      %dma_wait3A_640 = tpu.memref_slice %arg3[%dma_wait3A_638, %dma_wait3A_639] : memref<64x1000000xf32, #tpu.memory_space<hbm>> -> memref<64x128xf32, #tpu.memory_space<hbm>>
      %dma_wait3A_641 = tpu.memref_slice %arg8[%dma_wait3A_633] : memref<8x!tpu.dma_semaphore, #tpu.memory_space<semaphore_mem>> -> memref<1x!tpu.dma_semaphore, #tpu.memory_space<semaphore_mem>>
      %dma_wait3A_642 = tpu.memref_squeeze %dma_wait3A_641 : memref<1x!tpu.dma_semaphore, #tpu.memory_space<semaphore_mem>> -> memref<!tpu.dma_semaphore, #tpu.memory_space<semaphore_mem>>
      %dma_wait3A_643 = arith.constant 0 : i32
      %dma_wait3A_644 = arith.constant 0 : i32
      %dma_wait3A_645 = tpu.memref_slice %arg6[%dma_wait3A_632, %dma_wait3A_643, %dma_wait3A_644] : memref<8x64x128xf32, #tpu.memory_space<vmem>> -> memref<1x64x128xf32, #tpu.memory_space<vmem>>
      %dma_wait3A_646 = tpu.memref_squeeze %dma_wait3A_645 : memref<1x64x128xf32, #tpu.memory_space<vmem>> -> memref<64x128xf32, #tpu.memory_space<vmem>>
      %dma_wait3A_647 = arith.constant 0 : i32
      %dma_wait3A_648 = arith.constant 0 : i32
      %dma_wait3A_649 = tpu.memref_slice %arg3[%dma_wait3A_647, %dma_wait3A_648] : memref<64x1000000xf32, #tpu.memory_space<hbm>> -> memref<64x128xf32, #tpu.memory_space<hbm>>
      tpu.wait_dma2 semaphore(%dma_wait3A_642 : memref<!tpu.dma_semaphore, #tpu.memory_space<semaphore_mem>>) src(%dma_wait3A_649 : memref<64x128xf32, #tpu.memory_space<hbm>>) dst(%dma_wait3A_646 : memref<64x128xf32, #tpu.memory_space<vmem>>)
      %slice3A_650 = vector.extract_strided_slice %get3A_194 {offsets = [5], sizes = [1], strides = [1]} : vector<16xi32> to vector<1xi32>
      %squeeze3A_651 = vector.extract %slice3A_650[0] : i32 from vector<1xi32>
      %and3A_652 = arith.constant 127 : i32
      %and3A_653 = arith.andi %squeeze3A_651, %and3A_652 : i32
      %broadcast_in_dim3A_654 = vector.broadcast %and3A_653 : i32 to vector<16xi32>
      %broadcast_in_dim3A_655 = vector.broadcast %add3A_631 : i32 to vector<16xi32>
      %add3A_656 = arith.constant 0 : i32
      %add3A_657 = vector.broadcast %add3A_656 : i32 to vector<16xi32>
      %add3A_658 = arith.addi %iota3A, %add3A_657 : vector<16xi32>
      %gather3A_659 = arith.constant 5 : i32
      %gather3A_660 = arith.constant 0 : i32
      %gather3A_661 = arith.constant 0 : i32
      %gather3A_662 = tpu.memref_slice %arg6[%gather3A_659, %gather3A_660, %gather3A_661] : memref<8x64x128xf32, #tpu.memory_space<vmem>> -> memref<1x64x128xf32, #tpu.memory_space<vmem>>
      %gather3A_663 = tpu.memref_squeeze %gather3A_662 : memref<1x64x128xf32, #tpu.memory_space<vmem>> -> memref<64x128xf32, #tpu.memory_space<vmem>>
      %gather3A_664 = tpu.vector_load_idx %gather3A_663[%add3A_658, %broadcast_in_dim3A_654] : memref<64x128xf32, #tpu.memory_space<vmem>>[vector<16xi32>, vector<16xi32>], vector<16xf32>,
      tpu.vector_store_idx %arg7[%add3A_658, %broadcast_in_dim3A_655], %gather3A_664 : memref<64x512xf32, #tpu.memory_space<vmem>>[vector<16xi32>, vector<16xi32>], vector<16xf32>,
      %add3A_665 = arith.constant 16 : i32
      %add3A_666 = vector.broadcast %add3A_665 : i32 to vector<16xi32>
      %add3A_667 = arith.addi %iota3A, %add3A_666 : vector<16xi32>
      %gather3A_668 = arith.constant 5 : i32
      %gather3A_669 = arith.constant 0 : i32
      %gather3A_670 = arith.constant 0 : i32
      %gather3A_671 = tpu.memref_slice %arg6[%gather3A_668, %gather3A_669, %gather3A_670] : memref<8x64x128xf32, #tpu.memory_space<vmem>> -> memref<1x64x128xf32, #tpu.memory_space<vmem>>
      %gather3A_672 = tpu.memref_squeeze %gather3A_671 : memref<1x64x128xf32, #tpu.memory_space<vmem>> -> memref<64x128xf32, #tpu.memory_space<vmem>>
      %gather3A_673 = tpu.vector_load_idx %gather3A_672[%add3A_667, %broadcast_in_dim3A_654] : memref<64x128xf32, #tpu.memory_space<vmem>>[vector<16xi32>, vector<16xi32>], vector<16xf32>,
      tpu.vector_store_idx %arg7[%add3A_667, %broadcast_in_dim3A_655], %gather3A_673 : memref<64x512xf32, #tpu.memory_space<vmem>>[vector<16xi32>, vector<16xi32>], vector<16xf32>,
      %add3A_674 = arith.constant 32 : i32
      %add3A_675 = vector.broadcast %add3A_674 : i32 to vector<16xi32>
      %add3A_676 = arith.addi %iota3A, %add3A_675 : vector<16xi32>
      %gather3A_677 = arith.constant 5 : i32
      %gather3A_678 = arith.constant 0 : i32
      %gather3A_679 = arith.constant 0 : i32
      %gather3A_680 = tpu.memref_slice %arg6[%gather3A_677, %gather3A_678, %gather3A_679] : memref<8x64x128xf32, #tpu.memory_space<vmem>> -> memref<1x64x128xf32, #tpu.memory_space<vmem>>
      %gather3A_681 = tpu.memref_squeeze %gather3A_680 : memref<1x64x128xf32, #tpu.memory_space<vmem>> -> memref<64x128xf32, #tpu.memory_space<vmem>>
      %gather3A_682 = tpu.vector_load_idx %gather3A_681[%add3A_676, %broadcast_in_dim3A_654] : memref<64x128xf32, #tpu.memory_space<vmem>>[vector<16xi32>, vector<16xi32>], vector<16xf32>,
      tpu.vector_store_idx %arg7[%add3A_676, %broadcast_in_dim3A_655], %gather3A_682 : memref<64x512xf32, #tpu.memory_space<vmem>>[vector<16xi32>, vector<16xi32>], vector<16xf32>,
      %add3A_683 = arith.constant 48 : i32
      %add3A_684 = vector.broadcast %add3A_683 : i32 to vector<16xi32>
      %add3A_685 = arith.addi %iota3A, %add3A_684 : vector<16xi32>
      %gather3A_686 = arith.constant 5 : i32
      %gather3A_687 = arith.constant 0 : i32
      %gather3A_688 = arith.constant 0 : i32
      %gather3A_689 = tpu.memref_slice %arg6[%gather3A_686, %gather3A_687, %gather3A_688] : memref<8x64x128xf32, #tpu.memory_space<vmem>> -> memref<1x64x128xf32, #tpu.memory_space<vmem>>
      %gather3A_690 = tpu.memref_squeeze %gather3A_689 : memref<1x64x128xf32, #tpu.memory_space<vmem>> -> memref<64x128xf32, #tpu.memory_space<vmem>>
      %gather3A_691 = tpu.vector_load_idx %gather3A_690[%add3A_685, %broadcast_in_dim3A_654] : memref<64x128xf32, #tpu.memory_space<vmem>>[vector<16xi32>, vector<16xi32>], vector<16xf32>,
      tpu.vector_store_idx %arg7[%add3A_685, %broadcast_in_dim3A_655], %gather3A_691 : memref<64x512xf32, #tpu.memory_space<vmem>>[vector<16xi32>, vector<16xi32>], vector<16xf32>,
      %slice3A_692 = vector.extract_strided_slice %get3A_194 {offsets = [13], sizes = [1], strides = [1]} : vector<16xi32> to vector<1xi32>
      %squeeze3A_693 = vector.extract %slice3A_692[0] : i32 from vector<1xi32>
      %shift_right_logical3A_694 = arith.constant 7 : i32
      %shift_right_logical3A_695 = arith.shrui %squeeze3A_693, %shift_right_logical3A_694 : i32
      %mul3A_696 = arith.constant 128 : i32
      %mul3A_697 = arith.muli %shift_right_logical3A_695, %mul3A_696 : i32
      %dma_start3A_698 = arith.constant 5 : i32
      %dma_start3A_699 = arith.constant 5 : i32
      %dma_start3A_700 = arith.constant 0 : i32
      %dma_start3A_701 = arith.constant 0 : i32
      %dma_start3A_702 = tpu.memref_slice %arg6[%dma_start3A_698, %dma_start3A_700, %dma_start3A_701] : memref<8x64x128xf32, #tpu.memory_space<vmem>> -> memref<1x64x128xf32, #tpu.memory_space<vmem>>
      %dma_start3A_703 = tpu.memref_squeeze %dma_start3A_702 : memref<1x64x128xf32, #tpu.memory_space<vmem>> -> memref<64x128xf32, #tpu.memory_space<vmem>>
      %dma_start3A_704 = arith.constant 0 : i32
      %dma_start3A_705 = tpu.memref_slice %arg3[%dma_start3A_704, %mul3A_697] : memref<64x1000000xf32, #tpu.memory_space<hbm>> -> memref<64x128xf32, #tpu.memory_space<hbm>>
      %dma_start3A_706 = tpu.memref_slice %arg8[%dma_start3A_699] : memref<8x!tpu.dma_semaphore, #tpu.memory_space<semaphore_mem>> -> memref<1x!tpu.dma_semaphore, #tpu.memory_space<semaphore_mem>>
      %dma_start3A_707 = tpu.memref_squeeze %dma_start3A_706 : memref<1x!tpu.dma_semaphore, #tpu.memory_space<semaphore_mem>> -> memref<!tpu.dma_semaphore, #tpu.memory_space<semaphore_mem>>
      %dma_start3A_708 = arith.constant 0 : i32
      %dma_start3A_709 = arith.constant 0 : i32
      %dma_start3A_710 = tpu.memref_slice %arg6[%dma_start3A_698, %dma_start3A_708, %dma_start3A_709] : memref<8x64x128xf32, #tpu.memory_space<vmem>> -> memref<1x64x128xf32, #tpu.memory_space<vmem>>
      %dma_start3A_711 = tpu.memref_squeeze %dma_start3A_710 : memref<1x64x128xf32, #tpu.memory_space<vmem>> -> memref<64x128xf32, #tpu.memory_space<vmem>>
      %dma_start3A_712 = arith.constant 0 : i32
      %dma_start3A_713 = tpu.memref_slice %arg3[%dma_start3A_712, %mul3A_697] : memref<64x1000000xf32, #tpu.memory_space<hbm>> -> memref<64x128xf32, #tpu.memory_space<hbm>>
      tpu.enqueue_dma source(%dma_start3A_713 : memref<64x128xf32, #tpu.memory_space<hbm>>) target(%dma_start3A_711 : memref<64x128xf32, #tpu.memory_space<vmem>>) target_semaphore(%dma_start3A_707 : memref<!tpu.dma_semaphore, #tpu.memory_space<semaphore_mem>>)
      %mul3A_714 = arith.constant 16 : i32
      %mul3A_715 = arith.muli %scan3A_189, %mul3A_714 : i32
      %add3A_716 = arith.constant 6 : i32
      %add3A_717 = arith.addi %mul3A_715, %add3A_716 : i32
      %dma_wait3A_718 = arith.constant 6 : i32
      %dma_wait3A_719 = arith.constant 6 : i32
      %dma_wait3A_720 = arith.constant 0 : i32
      %dma_wait3A_721 = arith.constant 0 : i32
      %dma_wait3A_722 = tpu.memref_slice %arg6[%dma_wait3A_718, %dma_wait3A_720, %dma_wait3A_721] : memref<8x64x128xf32, #tpu.memory_space<vmem>> -> memref<1x64x128xf32, #tpu.memory_space<vmem>>
      %dma_wait3A_723 = tpu.memref_squeeze %dma_wait3A_722 : memref<1x64x128xf32, #tpu.memory_space<vmem>> -> memref<64x128xf32, #tpu.memory_space<vmem>>
      %dma_wait3A_724 = arith.constant 0 : i32
      %dma_wait3A_725 = arith.constant 0 : i32
      %dma_wait3A_726 = tpu.memref_slice %arg3[%dma_wait3A_724, %dma_wait3A_725] : memref<64x1000000xf32, #tpu.memory_space<hbm>> -> memref<64x128xf32, #tpu.memory_space<hbm>>
      %dma_wait3A_727 = tpu.memref_slice %arg8[%dma_wait3A_719] : memref<8x!tpu.dma_semaphore, #tpu.memory_space<semaphore_mem>> -> memref<1x!tpu.dma_semaphore, #tpu.memory_space<semaphore_mem>>
      %dma_wait3A_728 = tpu.memref_squeeze %dma_wait3A_727 : memref<1x!tpu.dma_semaphore, #tpu.memory_space<semaphore_mem>> -> memref<!tpu.dma_semaphore, #tpu.memory_space<semaphore_mem>>
      %dma_wait3A_729 = arith.constant 0 : i32
      %dma_wait3A_730 = arith.constant 0 : i32
      %dma_wait3A_731 = tpu.memref_slice %arg6[%dma_wait3A_718, %dma_wait3A_729, %dma_wait3A_730] : memref<8x64x128xf32, #tpu.memory_space<vmem>> -> memref<1x64x128xf32, #tpu.memory_space<vmem>>
      %dma_wait3A_732 = tpu.memref_squeeze %dma_wait3A_731 : memref<1x64x128xf32, #tpu.memory_space<vmem>> -> memref<64x128xf32, #tpu.memory_space<vmem>>
      %dma_wait3A_733 = arith.constant 0 : i32
      %dma_wait3A_734 = arith.constant 0 : i32
      %dma_wait3A_735 = tpu.memref_slice %arg3[%dma_wait3A_733, %dma_wait3A_734] : memref<64x1000000xf32, #tpu.memory_space<hbm>> -> memref<64x128xf32, #tpu.memory_space<hbm>>
      tpu.wait_dma2 semaphore(%dma_wait3A_728 : memref<!tpu.dma_semaphore, #tpu.memory_space<semaphore_mem>>) src(%dma_wait3A_735 : memref<64x128xf32, #tpu.memory_space<hbm>>) dst(%dma_wait3A_732 : memref<64x128xf32, #tpu.memory_space<vmem>>)
      %slice3A_736 = vector.extract_strided_slice %get3A_194 {offsets = [6], sizes = [1], strides = [1]} : vector<16xi32> to vector<1xi32>
      %squeeze3A_737 = vector.extract %slice3A_736[0] : i32 from vector<1xi32>
      %and3A_738 = arith.constant 127 : i32
      %and3A_739 = arith.andi %squeeze3A_737, %and3A_738 : i32
      %broadcast_in_dim3A_740 = vector.broadcast %and3A_739 : i32 to vector<16xi32>
      %broadcast_in_dim3A_741 = vector.broadcast %add3A_717 : i32 to vector<16xi32>
      %add3A_742 = arith.constant 0 : i32
      %add3A_743 = vector.broadcast %add3A_742 : i32 to vector<16xi32>
      %add3A_744 = arith.addi %iota3A, %add3A_743 : vector<16xi32>
      %gather3A_745 = arith.constant 6 : i32
      %gather3A_746 = arith.constant 0 : i32
      %gather3A_747 = arith.constant 0 : i32
      %gather3A_748 = tpu.memref_slice %arg6[%gather3A_745, %gather3A_746, %gather3A_747] : memref<8x64x128xf32, #tpu.memory_space<vmem>> -> memref<1x64x128xf32, #tpu.memory_space<vmem>>
      %gather3A_749 = tpu.memref_squeeze %gather3A_748 : memref<1x64x128xf32, #tpu.memory_space<vmem>> -> memref<64x128xf32, #tpu.memory_space<vmem>>
      %gather3A_750 = tpu.vector_load_idx %gather3A_749[%add3A_744, %broadcast_in_dim3A_740] : memref<64x128xf32, #tpu.memory_space<vmem>>[vector<16xi32>, vector<16xi32>], vector<16xf32>,
      tpu.vector_store_idx %arg7[%add3A_744, %broadcast_in_dim3A_741], %gather3A_750 : memref<64x512xf32, #tpu.memory_space<vmem>>[vector<16xi32>, vector<16xi32>], vector<16xf32>,
      %add3A_751 = arith.constant 16 : i32
      %add3A_752 = vector.broadcast %add3A_751 : i32 to vector<16xi32>
      %add3A_753 = arith.addi %iota3A, %add3A_752 : vector<16xi32>
      %gather3A_754 = arith.constant 6 : i32
      %gather3A_755 = arith.constant 0 : i32
      %gather3A_756 = arith.constant 0 : i32
      %gather3A_757 = tpu.memref_slice %arg6[%gather3A_754, %gather3A_755, %gather3A_756] : memref<8x64x128xf32, #tpu.memory_space<vmem>> -> memref<1x64x128xf32, #tpu.memory_space<vmem>>
      %gather3A_758 = tpu.memref_squeeze %gather3A_757 : memref<1x64x128xf32, #tpu.memory_space<vmem>> -> memref<64x128xf32, #tpu.memory_space<vmem>>
      %gather3A_759 = tpu.vector_load_idx %gather3A_758[%add3A_753, %broadcast_in_dim3A_740] : memref<64x128xf32, #tpu.memory_space<vmem>>[vector<16xi32>, vector<16xi32>], vector<16xf32>,
      tpu.vector_store_idx %arg7[%add3A_753, %broadcast_in_dim3A_741], %gather3A_759 : memref<64x512xf32, #tpu.memory_space<vmem>>[vector<16xi32>, vector<16xi32>], vector<16xf32>,
      %add3A_760 = arith.constant 32 : i32
      %add3A_761 = vector.broadcast %add3A_760 : i32 to vector<16xi32>
      %add3A_762 = arith.addi %iota3A, %add3A_761 : vector<16xi32>
      %gather3A_763 = arith.constant 6 : i32
      %gather3A_764 = arith.constant 0 : i32
      %gather3A_765 = arith.constant 0 : i32
      %gather3A_766 = tpu.memref_slice %arg6[%gather3A_763, %gather3A_764, %gather3A_765] : memref<8x64x128xf32, #tpu.memory_space<vmem>> -> memref<1x64x128xf32, #tpu.memory_space<vmem>>
      %gather3A_767 = tpu.memref_squeeze %gather3A_766 : memref<1x64x128xf32, #tpu.memory_space<vmem>> -> memref<64x128xf32, #tpu.memory_space<vmem>>
      %gather3A_768 = tpu.vector_load_idx %gather3A_767[%add3A_762, %broadcast_in_dim3A_740] : memref<64x128xf32, #tpu.memory_space<vmem>>[vector<16xi32>, vector<16xi32>], vector<16xf32>,
      tpu.vector_store_idx %arg7[%add3A_762, %broadcast_in_dim3A_741], %gather3A_768 : memref<64x512xf32, #tpu.memory_space<vmem>>[vector<16xi32>, vector<16xi32>], vector<16xf32>,
      %add3A_769 = arith.constant 48 : i32
      %add3A_770 = vector.broadcast %add3A_769 : i32 to vector<16xi32>
      %add3A_771 = arith.addi %iota3A, %add3A_770 : vector<16xi32>
      %gather3A_772 = arith.constant 6 : i32
      %gather3A_773 = arith.constant 0 : i32
      %gather3A_774 = arith.constant 0 : i32
      %gather3A_775 = tpu.memref_slice %arg6[%gather3A_772, %gather3A_773, %gather3A_774] : memref<8x64x128xf32, #tpu.memory_space<vmem>> -> memref<1x64x128xf32, #tpu.memory_space<vmem>>
      %gather3A_776 = tpu.memref_squeeze %gather3A_775 : memref<1x64x128xf32, #tpu.memory_space<vmem>> -> memref<64x128xf32, #tpu.memory_space<vmem>>
      %gather3A_777 = tpu.vector_load_idx %gather3A_776[%add3A_771, %broadcast_in_dim3A_740] : memref<64x128xf32, #tpu.memory_space<vmem>>[vector<16xi32>, vector<16xi32>], vector<16xf32>,
      tpu.vector_store_idx %arg7[%add3A_771, %broadcast_in_dim3A_741], %gather3A_777 : memref<64x512xf32, #tpu.memory_space<vmem>>[vector<16xi32>, vector<16xi32>], vector<16xf32>,
      %slice3A_778 = vector.extract_strided_slice %get3A_194 {offsets = [14], sizes = [1], strides = [1]} : vector<16xi32> to vector<1xi32>
      %squeeze3A_779 = vector.extract %slice3A_778[0] : i32 from vector<1xi32>
      %shift_right_logical3A_780 = arith.constant 7 : i32
      %shift_right_logical3A_781 = arith.shrui %squeeze3A_779, %shift_right_logical3A_780 : i32
      %mul3A_782 = arith.constant 128 : i32
      %mul3A_783 = arith.muli %shift_right_logical3A_781, %mul3A_782 : i32
      %dma_start3A_784 = arith.constant 6 : i32
      %dma_start3A_785 = arith.constant 6 : i32
      %dma_start3A_786 = arith.constant 0 : i32
      %dma_start3A_787 = arith.constant 0 : i32
      %dma_start3A_788 = tpu.memref_slice %arg6[%dma_start3A_784, %dma_start3A_786, %dma_start3A_787] : memref<8x64x128xf32, #tpu.memory_space<vmem>> -> memref<1x64x128xf32, #tpu.memory_space<vmem>>
      %dma_start3A_789 = tpu.memref_squeeze %dma_start3A_788 : memref<1x64x128xf32, #tpu.memory_space<vmem>> -> memref<64x128xf32, #tpu.memory_space<vmem>>
      %dma_start3A_790 = arith.constant 0 : i32
      %dma_start3A_791 = tpu.memref_slice %arg3[%dma_start3A_790, %mul3A_783] : memref<64x1000000xf32, #tpu.memory_space<hbm>> -> memref<64x128xf32, #tpu.memory_space<hbm>>
      %dma_start3A_792 = tpu.memref_slice %arg8[%dma_start3A_785] : memref<8x!tpu.dma_semaphore, #tpu.memory_space<semaphore_mem>> -> memref<1x!tpu.dma_semaphore, #tpu.memory_space<semaphore_mem>>
      %dma_start3A_793 = tpu.memref_squeeze %dma_start3A_792 : memref<1x!tpu.dma_semaphore, #tpu.memory_space<semaphore_mem>> -> memref<!tpu.dma_semaphore, #tpu.memory_space<semaphore_mem>>
      %dma_start3A_794 = arith.constant 0 : i32
      %dma_start3A_795 = arith.constant 0 : i32
      %dma_start3A_796 = tpu.memref_slice %arg6[%dma_start3A_784, %dma_start3A_794, %dma_start3A_795] : memref<8x64x128xf32, #tpu.memory_space<vmem>> -> memref<1x64x128xf32, #tpu.memory_space<vmem>>
      %dma_start3A_797 = tpu.memref_squeeze %dma_start3A_796 : memref<1x64x128xf32, #tpu.memory_space<vmem>> -> memref<64x128xf32, #tpu.memory_space<vmem>>
      %dma_start3A_798 = arith.constant 0 : i32
      %dma_start3A_799 = tpu.memref_slice %arg3[%dma_start3A_798, %mul3A_783] : memref<64x1000000xf32, #tpu.memory_space<hbm>> -> memref<64x128xf32, #tpu.memory_space<hbm>>
      tpu.enqueue_dma source(%dma_start3A_799 : memref<64x128xf32, #tpu.memory_space<hbm>>) target(%dma_start3A_797 : memref<64x128xf32, #tpu.memory_space<vmem>>) target_semaphore(%dma_start3A_793 : memref<!tpu.dma_semaphore, #tpu.memory_space<semaphore_mem>>)
      %mul3A_800 = arith.constant 16 : i32
      %mul3A_801 = arith.muli %scan3A_189, %mul3A_800 : i32
      %add3A_802 = arith.constant 7 : i32
      %add3A_803 = arith.addi %mul3A_801, %add3A_802 : i32
      %dma_wait3A_804 = arith.constant 7 : i32
      %dma_wait3A_805 = arith.constant 7 : i32
      %dma_wait3A_806 = arith.constant 0 : i32
      %dma_wait3A_807 = arith.constant 0 : i32
      %dma_wait3A_808 = tpu.memref_slice %arg6[%dma_wait3A_804, %dma_wait3A_806, %dma_wait3A_807] : memref<8x64x128xf32, #tpu.memory_space<vmem>> -> memref<1x64x128xf32, #tpu.memory_space<vmem>>
      %dma_wait3A_809 = tpu.memref_squeeze %dma_wait3A_808 : memref<1x64x128xf32, #tpu.memory_space<vmem>> -> memref<64x128xf32, #tpu.memory_space<vmem>>
      %dma_wait3A_810 = arith.constant 0 : i32
      %dma_wait3A_811 = arith.constant 0 : i32
      %dma_wait3A_812 = tpu.memref_slice %arg3[%dma_wait3A_810, %dma_wait3A_811] : memref<64x1000000xf32, #tpu.memory_space<hbm>> -> memref<64x128xf32, #tpu.memory_space<hbm>>
      %dma_wait3A_813 = tpu.memref_slice %arg8[%dma_wait3A_805] : memref<8x!tpu.dma_semaphore, #tpu.memory_space<semaphore_mem>> -> memref<1x!tpu.dma_semaphore, #tpu.memory_space<semaphore_mem>>
      %dma_wait3A_814 = tpu.memref_squeeze %dma_wait3A_813 : memref<1x!tpu.dma_semaphore, #tpu.memory_space<semaphore_mem>> -> memref<!tpu.dma_semaphore, #tpu.memory_space<semaphore_mem>>
      %dma_wait3A_815 = arith.constant 0 : i32
      %dma_wait3A_816 = arith.constant 0 : i32
      %dma_wait3A_817 = tpu.memref_slice %arg6[%dma_wait3A_804, %dma_wait3A_815, %dma_wait3A_816] : memref<8x64x128xf32, #tpu.memory_space<vmem>> -> memref<1x64x128xf32, #tpu.memory_space<vmem>>
      %dma_wait3A_818 = tpu.memref_squeeze %dma_wait3A_817 : memref<1x64x128xf32, #tpu.memory_space<vmem>> -> memref<64x128xf32, #tpu.memory_space<vmem>>
      %dma_wait3A_819 = arith.constant 0 : i32
      %dma_wait3A_820 = arith.constant 0 : i32
      %dma_wait3A_821 = tpu.memref_slice %arg3[%dma_wait3A_819, %dma_wait3A_820] : memref<64x1000000xf32, #tpu.memory_space<hbm>> -> memref<64x128xf32, #tpu.memory_space<hbm>>
      tpu.wait_dma2 semaphore(%dma_wait3A_814 : memref<!tpu.dma_semaphore, #tpu.memory_space<semaphore_mem>>) src(%dma_wait3A_821 : memref<64x128xf32, #tpu.memory_space<hbm>>) dst(%dma_wait3A_818 : memref<64x128xf32, #tpu.memory_space<vmem>>)
      %slice3A_822 = vector.extract_strided_slice %get3A_194 {offsets = [7], sizes = [1], strides = [1]} : vector<16xi32> to vector<1xi32>
      %squeeze3A_823 = vector.extract %slice3A_822[0] : i32 from vector<1xi32>
      %and3A_824 = arith.constant 127 : i32
      %and3A_825 = arith.andi %squeeze3A_823, %and3A_824 : i32
      %broadcast_in_dim3A_826 = vector.broadcast %and3A_825 : i32 to vector<16xi32>
      %broadcast_in_dim3A_827 = vector.broadcast %add3A_803 : i32 to vector<16xi32>
      %add3A_828 = arith.constant 0 : i32
      %add3A_829 = vector.broadcast %add3A_828 : i32 to vector<16xi32>
      %add3A_830 = arith.addi %iota3A, %add3A_829 : vector<16xi32>
      %gather3A_831 = arith.constant 7 : i32
      %gather3A_832 = arith.constant 0 : i32
      %gather3A_833 = arith.constant 0 : i32
      %gather3A_834 = tpu.memref_slice %arg6[%gather3A_831, %gather3A_832, %gather3A_833] : memref<8x64x128xf32, #tpu.memory_space<vmem>> -> memref<1x64x128xf32, #tpu.memory_space<vmem>>
      %gather3A_835 = tpu.memref_squeeze %gather3A_834 : memref<1x64x128xf32, #tpu.memory_space<vmem>> -> memref<64x128xf32, #tpu.memory_space<vmem>>
      %gather3A_836 = tpu.vector_load_idx %gather3A_835[%add3A_830, %broadcast_in_dim3A_826] : memref<64x128xf32, #tpu.memory_space<vmem>>[vector<16xi32>, vector<16xi32>], vector<16xf32>,
      tpu.vector_store_idx %arg7[%add3A_830, %broadcast_in_dim3A_827], %gather3A_836 : memref<64x512xf32, #tpu.memory_space<vmem>>[vector<16xi32>, vector<16xi32>], vector<16xf32>,
      %add3A_837 = arith.constant 16 : i32
      %add3A_838 = vector.broadcast %add3A_837 : i32 to vector<16xi32>
      %add3A_839 = arith.addi %iota3A, %add3A_838 : vector<16xi32>
      %gather3A_840 = arith.constant 7 : i32
      %gather3A_841 = arith.constant 0 : i32
      %gather3A_842 = arith.constant 0 : i32
      %gather3A_843 = tpu.memref_slice %arg6[%gather3A_840, %gather3A_841, %gather3A_842] : memref<8x64x128xf32, #tpu.memory_space<vmem>> -> memref<1x64x128xf32, #tpu.memory_space<vmem>>
      %gather3A_844 = tpu.memref_squeeze %gather3A_843 : memref<1x64x128xf32, #tpu.memory_space<vmem>> -> memref<64x128xf32, #tpu.memory_space<vmem>>
      %gather3A_845 = tpu.vector_load_idx %gather3A_844[%add3A_839, %broadcast_in_dim3A_826] : memref<64x128xf32, #tpu.memory_space<vmem>>[vector<16xi32>, vector<16xi32>], vector<16xf32>,
      tpu.vector_store_idx %arg7[%add3A_839, %broadcast_in_dim3A_827], %gather3A_845 : memref<64x512xf32, #tpu.memory_space<vmem>>[vector<16xi32>, vector<16xi32>], vector<16xf32>,
      %add3A_846 = arith.constant 32 : i32
      %add3A_847 = vector.broadcast %add3A_846 : i32 to vector<16xi32>
      %add3A_848 = arith.addi %iota3A, %add3A_847 : vector<16xi32>
      %gather3A_849 = arith.constant 7 : i32
      %gather3A_850 = arith.constant 0 : i32
      %gather3A_851 = arith.constant 0 : i32
      %gather3A_852 = tpu.memref_slice %arg6[%gather3A_849, %gather3A_850, %gather3A_851] : memref<8x64x128xf32, #tpu.memory_space<vmem>> -> memref<1x64x128xf32, #tpu.memory_space<vmem>>
      %gather3A_853 = tpu.memref_squeeze %gather3A_852 : memref<1x64x128xf32, #tpu.memory_space<vmem>> -> memref<64x128xf32, #tpu.memory_space<vmem>>
      %gather3A_854 = tpu.vector_load_idx %gather3A_853[%add3A_848, %broadcast_in_dim3A_826] : memref<64x128xf32, #tpu.memory_space<vmem>>[vector<16xi32>, vector<16xi32>], vector<16xf32>,
      tpu.vector_store_idx %arg7[%add3A_848, %broadcast_in_dim3A_827], %gather3A_854 : memref<64x512xf32, #tpu.memory_space<vmem>>[vector<16xi32>, vector<16xi32>], vector<16xf32>,
      %add3A_855 = arith.constant 48 : i32
      %add3A_856 = vector.broadcast %add3A_855 : i32 to vector<16xi32>
      %add3A_857 = arith.addi %iota3A, %add3A_856 : vector<16xi32>
      %gather3A_858 = arith.constant 7 : i32
      %gather3A_859 = arith.constant 0 : i32
      %gather3A_860 = arith.constant 0 : i32
      %gather3A_861 = tpu.memref_slice %arg6[%gather3A_858, %gather3A_859, %gather3A_860] : memref<8x64x128xf32, #tpu.memory_space<vmem>> -> memref<1x64x128xf32, #tpu.memory_space<vmem>>
      %gather3A_862 = tpu.memref_squeeze %gather3A_861 : memref<1x64x128xf32, #tpu.memory_space<vmem>> -> memref<64x128xf32, #tpu.memory_space<vmem>>
      %gather3A_863 = tpu.vector_load_idx %gather3A_862[%add3A_857, %broadcast_in_dim3A_826] : memref<64x128xf32, #tpu.memory_space<vmem>>[vector<16xi32>, vector<16xi32>], vector<16xf32>,
      tpu.vector_store_idx %arg7[%add3A_857, %broadcast_in_dim3A_827], %gather3A_863 : memref<64x512xf32, #tpu.memory_space<vmem>>[vector<16xi32>, vector<16xi32>], vector<16xf32>,
      %slice3A_864 = vector.extract_strided_slice %get3A_194 {offsets = [15], sizes = [1], strides = [1]} : vector<16xi32> to vector<1xi32>
      %squeeze3A_865 = vector.extract %slice3A_864[0] : i32 from vector<1xi32>
      %shift_right_logical3A_866 = arith.constant 7 : i32
      %shift_right_logical3A_867 = arith.shrui %squeeze3A_865, %shift_right_logical3A_866 : i32
      %mul3A_868 = arith.constant 128 : i32
      %mul3A_869 = arith.muli %shift_right_logical3A_867, %mul3A_868 : i32
      %dma_start3A_870 = arith.constant 7 : i32
      %dma_start3A_871 = arith.constant 7 : i32
      %dma_start3A_872 = arith.constant 0 : i32
      %dma_start3A_873 = arith.constant 0 : i32
      %dma_start3A_874 = tpu.memref_slice %arg6[%dma_start3A_870, %dma_start3A_872, %dma_start3A_873] : memref<8x64x128xf32, #tpu.memory_space<vmem>> -> memref<1x64x128xf32, #tpu.memory_space<vmem>>
      %dma_start3A_875 = tpu.memref_squeeze %dma_start3A_874 : memref<1x64x128xf32, #tpu.memory_space<vmem>> -> memref<64x128xf32, #tpu.memory_space<vmem>>
      %dma_start3A_876 = arith.constant 0 : i32
      %dma_start3A_877 = tpu.memref_slice %arg3[%dma_start3A_876, %mul3A_869] : memref<64x1000000xf32, #tpu.memory_space<hbm>> -> memref<64x128xf32, #tpu.memory_space<hbm>>
      %dma_start3A_878 = tpu.memref_slice %arg8[%dma_start3A_871] : memref<8x!tpu.dma_semaphore, #tpu.memory_space<semaphore_mem>> -> memref<1x!tpu.dma_semaphore, #tpu.memory_space<semaphore_mem>>
      %dma_start3A_879 = tpu.memref_squeeze %dma_start3A_878 : memref<1x!tpu.dma_semaphore, #tpu.memory_space<semaphore_mem>> -> memref<!tpu.dma_semaphore, #tpu.memory_space<semaphore_mem>>
      %dma_start3A_880 = arith.constant 0 : i32
      %dma_start3A_881 = arith.constant 0 : i32
      %dma_start3A_882 = tpu.memref_slice %arg6[%dma_start3A_870, %dma_start3A_880, %dma_start3A_881] : memref<8x64x128xf32, #tpu.memory_space<vmem>> -> memref<1x64x128xf32, #tpu.memory_space<vmem>>
      %dma_start3A_883 = tpu.memref_squeeze %dma_start3A_882 : memref<1x64x128xf32, #tpu.memory_space<vmem>> -> memref<64x128xf32, #tpu.memory_space<vmem>>
      %dma_start3A_884 = arith.constant 0 : i32
      %dma_start3A_885 = tpu.memref_slice %arg3[%dma_start3A_884, %mul3A_869] : memref<64x1000000xf32, #tpu.memory_space<hbm>> -> memref<64x128xf32, #tpu.memory_space<hbm>>
      tpu.enqueue_dma source(%dma_start3A_885 : memref<64x128xf32, #tpu.memory_space<hbm>>) target(%dma_start3A_883 : memref<64x128xf32, #tpu.memory_space<vmem>>) target_semaphore(%dma_start3A_879 : memref<!tpu.dma_semaphore, #tpu.memory_space<semaphore_mem>>)
      %mul3A_886 = arith.constant 16 : i32
      %mul3A_887 = arith.muli %scan3A_189, %mul3A_886 : i32
      %add3A_888 = arith.constant 8 : i32
      %add3A_889 = arith.addi %mul3A_887, %add3A_888 : i32
      %dma_wait3A_890 = arith.constant 0 : i32
      %dma_wait3A_891 = arith.constant 0 : i32
      %dma_wait3A_892 = arith.constant 0 : i32
      %dma_wait3A_893 = arith.constant 0 : i32
      %dma_wait3A_894 = tpu.memref_slice %arg6[%dma_wait3A_890, %dma_wait3A_892, %dma_wait3A_893] : memref<8x64x128xf32, #tpu.memory_space<vmem>> -> memref<1x64x128xf32, #tpu.memory_space<vmem>>
      %dma_wait3A_895 = tpu.memref_squeeze %dma_wait3A_894 : memref<1x64x128xf32, #tpu.memory_space<vmem>> -> memref<64x128xf32, #tpu.memory_space<vmem>>
      %dma_wait3A_896 = arith.constant 0 : i32
      %dma_wait3A_897 = arith.constant 0 : i32
      %dma_wait3A_898 = tpu.memref_slice %arg3[%dma_wait3A_896, %dma_wait3A_897] : memref<64x1000000xf32, #tpu.memory_space<hbm>> -> memref<64x128xf32, #tpu.memory_space<hbm>>
      %dma_wait3A_899 = tpu.memref_slice %arg8[%dma_wait3A_891] : memref<8x!tpu.dma_semaphore, #tpu.memory_space<semaphore_mem>> -> memref<1x!tpu.dma_semaphore, #tpu.memory_space<semaphore_mem>>
      %dma_wait3A_900 = tpu.memref_squeeze %dma_wait3A_899 : memref<1x!tpu.dma_semaphore, #tpu.memory_space<semaphore_mem>> -> memref<!tpu.dma_semaphore, #tpu.memory_space<semaphore_mem>>
      %dma_wait3A_901 = arith.constant 0 : i32
      %dma_wait3A_902 = arith.constant 0 : i32
      %dma_wait3A_903 = tpu.memref_slice %arg6[%dma_wait3A_890, %dma_wait3A_901, %dma_wait3A_902] : memref<8x64x128xf32, #tpu.memory_space<vmem>> -> memref<1x64x128xf32, #tpu.memory_space<vmem>>
      %dma_wait3A_904 = tpu.memref_squeeze %dma_wait3A_903 : memref<1x64x128xf32, #tpu.memory_space<vmem>> -> memref<64x128xf32, #tpu.memory_space<vmem>>
      %dma_wait3A_905 = arith.constant 0 : i32
      %dma_wait3A_906 = arith.constant 0 : i32
      %dma_wait3A_907 = tpu.memref_slice %arg3[%dma_wait3A_905, %dma_wait3A_906] : memref<64x1000000xf32, #tpu.memory_space<hbm>> -> memref<64x128xf32, #tpu.memory_space<hbm>>
      tpu.wait_dma2 semaphore(%dma_wait3A_900 : memref<!tpu.dma_semaphore, #tpu.memory_space<semaphore_mem>>) src(%dma_wait3A_907 : memref<64x128xf32, #tpu.memory_space<hbm>>) dst(%dma_wait3A_904 : memref<64x128xf32, #tpu.memory_space<vmem>>)
      %slice3A_908 = vector.extract_strided_slice %get3A_194 {offsets = [8], sizes = [1], strides = [1]} : vector<16xi32> to vector<1xi32>
      %squeeze3A_909 = vector.extract %slice3A_908[0] : i32 from vector<1xi32>
      %and3A_910 = arith.constant 127 : i32
      %and3A_911 = arith.andi %squeeze3A_909, %and3A_910 : i32
      %broadcast_in_dim3A_912 = vector.broadcast %and3A_911 : i32 to vector<16xi32>
      %broadcast_in_dim3A_913 = vector.broadcast %add3A_889 : i32 to vector<16xi32>
      %add3A_914 = arith.constant 0 : i32
      %add3A_915 = vector.broadcast %add3A_914 : i32 to vector<16xi32>
      %add3A_916 = arith.addi %iota3A, %add3A_915 : vector<16xi32>
      %gather3A_917 = arith.constant 0 : i32
      %gather3A_918 = arith.constant 0 : i32
      %gather3A_919 = arith.constant 0 : i32
      %gather3A_920 = tpu.memref_slice %arg6[%gather3A_917, %gather3A_918, %gather3A_919] : memref<8x64x128xf32, #tpu.memory_space<vmem>> -> memref<1x64x128xf32, #tpu.memory_space<vmem>>
      %gather3A_921 = tpu.memref_squeeze %gather3A_920 : memref<1x64x128xf32, #tpu.memory_space<vmem>> -> memref<64x128xf32, #tpu.memory_space<vmem>>
      %gather3A_922 = tpu.vector_load_idx %gather3A_921[%add3A_916, %broadcast_in_dim3A_912] : memref<64x128xf32, #tpu.memory_space<vmem>>[vector<16xi32>, vector<16xi32>], vector<16xf32>,
      tpu.vector_store_idx %arg7[%add3A_916, %broadcast_in_dim3A_913], %gather3A_922 : memref<64x512xf32, #tpu.memory_space<vmem>>[vector<16xi32>, vector<16xi32>], vector<16xf32>,
      %add3A_923 = arith.constant 16 : i32
      %add3A_924 = vector.broadcast %add3A_923 : i32 to vector<16xi32>
      %add3A_925 = arith.addi %iota3A, %add3A_924 : vector<16xi32>
      %gather3A_926 = arith.constant 0 : i32
      %gather3A_927 = arith.constant 0 : i32
      %gather3A_928 = arith.constant 0 : i32
      %gather3A_929 = tpu.memref_slice %arg6[%gather3A_926, %gather3A_927, %gather3A_928] : memref<8x64x128xf32, #tpu.memory_space<vmem>> -> memref<1x64x128xf32, #tpu.memory_space<vmem>>
      %gather3A_930 = tpu.memref_squeeze %gather3A_929 : memref<1x64x128xf32, #tpu.memory_space<vmem>> -> memref<64x128xf32, #tpu.memory_space<vmem>>
      %gather3A_931 = tpu.vector_load_idx %gather3A_930[%add3A_925, %broadcast_in_dim3A_912] : memref<64x128xf32, #tpu.memory_space<vmem>>[vector<16xi32>, vector<16xi32>], vector<16xf32>,
      tpu.vector_store_idx %arg7[%add3A_925, %broadcast_in_dim3A_913], %gather3A_931 : memref<64x512xf32, #tpu.memory_space<vmem>>[vector<16xi32>, vector<16xi32>], vector<16xf32>,
      %add3A_932 = arith.constant 32 : i32
      %add3A_933 = vector.broadcast %add3A_932 : i32 to vector<16xi32>
      %add3A_934 = arith.addi %iota3A, %add3A_933 : vector<16xi32>
      %gather3A_935 = arith.constant 0 : i32
      %gather3A_936 = arith.constant 0 : i32
      %gather3A_937 = arith.constant 0 : i32
      %gather3A_938 = tpu.memref_slice %arg6[%gather3A_935, %gather3A_936, %gather3A_937] : memref<8x64x128xf32, #tpu.memory_space<vmem>> -> memref<1x64x128xf32, #tpu.memory_space<vmem>>
      %gather3A_939 = tpu.memref_squeeze %gather3A_938 : memref<1x64x128xf32, #tpu.memory_space<vmem>> -> memref<64x128xf32, #tpu.memory_space<vmem>>
      %gather3A_940 = tpu.vector_load_idx %gather3A_939[%add3A_934, %broadcast_in_dim3A_912] : memref<64x128xf32, #tpu.memory_space<vmem>>[vector<16xi32>, vector<16xi32>], vector<16xf32>,
      tpu.vector_store_idx %arg7[%add3A_934, %broadcast_in_dim3A_913], %gather3A_940 : memref<64x512xf32, #tpu.memory_space<vmem>>[vector<16xi32>, vector<16xi32>], vector<16xf32>,
      %add3A_941 = arith.constant 48 : i32
      %add3A_942 = vector.broadcast %add3A_941 : i32 to vector<16xi32>
      %add3A_943 = arith.addi %iota3A, %add3A_942 : vector<16xi32>
      %gather3A_944 = arith.constant 0 : i32
      %gather3A_945 = arith.constant 0 : i32
      %gather3A_946 = arith.constant 0 : i32
      %gather3A_947 = tpu.memref_slice %arg6[%gather3A_944, %gather3A_945, %gather3A_946] : memref<8x64x128xf32, #tpu.memory_space<vmem>> -> memref<1x64x128xf32, #tpu.memory_space<vmem>>
      %gather3A_948 = tpu.memref_squeeze %gather3A_947 : memref<1x64x128xf32, #tpu.memory_space<vmem>> -> memref<64x128xf32, #tpu.memory_space<vmem>>
      %gather3A_949 = tpu.vector_load_idx %gather3A_948[%add3A_943, %broadcast_in_dim3A_912] : memref<64x128xf32, #tpu.memory_space<vmem>>[vector<16xi32>, vector<16xi32>], vector<16xf32>,
      tpu.vector_store_idx %arg7[%add3A_943, %broadcast_in_dim3A_913], %gather3A_949 : memref<64x512xf32, #tpu.memory_space<vmem>>[vector<16xi32>, vector<16xi32>], vector<16xf32>,
      %lt3A = arith.constant 31 : i32
      %lt3A_950 = arith.cmpi slt, %scan3A_189, %lt3A : i32
      %convert_element_type3A = arith.extui %lt3A_950 : i1 to i32
      %cond3A = arith.constant 0 : i32
      %cond3A_951 = arith.cmpi ne, %convert_element_type3A, %cond3A : i32
      scf.if %cond3A_951 {
        %slice3A_1436 = vector.extract_strided_slice %get3A_201 {offsets = [0], sizes = [1], strides = [1]} : vector<16xi32> to vector<1xi32>
        %squeeze3A_1437 = vector.extract %slice3A_1436[0] : i32 from vector<1xi32>
        %shift_right_logical3A_1438 = arith.constant 7 : i32
        %shift_right_logical3A_1439 = arith.shrui %squeeze3A_1437, %shift_right_logical3A_1438 : i32
        %mul3A_1440 = arith.constant 128 : i32
        %mul3A_1441 = arith.muli %shift_right_logical3A_1439, %mul3A_1440 : i32
        %dma_start3A_1442 = arith.constant 0 : i32
        %dma_start3A_1443 = arith.constant 0 : i32
        %dma_start3A_1444 = arith.constant 0 : i32
        %dma_start3A_1445 = arith.constant 0 : i32
        %dma_start3A_1446 = tpu.memref_slice %arg6[%dma_start3A_1442, %dma_start3A_1444, %dma_start3A_1445] : memref<8x64x128xf32, #tpu.memory_space<vmem>> -> memref<1x64x128xf32, #tpu.memory_space<vmem>>
        %dma_start3A_1447 = tpu.memref_squeeze %dma_start3A_1446 : memref<1x64x128xf32, #tpu.memory_space<vmem>> -> memref<64x128xf32, #tpu.memory_space<vmem>>
        %dma_start3A_1448 = arith.constant 0 : i32
        %dma_start3A_1449 = tpu.memref_slice %arg3[%dma_start3A_1448, %mul3A_1441] : memref<64x1000000xf32, #tpu.memory_space<hbm>> -> memref<64x128xf32, #tpu.memory_space<hbm>>
        %dma_start3A_1450 = tpu.memref_slice %arg8[%dma_start3A_1443] : memref<8x!tpu.dma_semaphore, #tpu.memory_space<semaphore_mem>> -> memref<1x!tpu.dma_semaphore, #tpu.memory_space<semaphore_mem>>
        %dma_start3A_1451 = tpu.memref_squeeze %dma_start3A_1450 : memref<1x!tpu.dma_semaphore, #tpu.memory_space<semaphore_mem>> -> memref<!tpu.dma_semaphore, #tpu.memory_space<semaphore_mem>>
        %dma_start3A_1452 = arith.constant 0 : i32
        %dma_start3A_1453 = arith.constant 0 : i32
        %dma_start3A_1454 = tpu.memref_slice %arg6[%dma_start3A_1442, %dma_start3A_1452, %dma_start3A_1453] : memref<8x64x128xf32, #tpu.memory_space<vmem>> -> memref<1x64x128xf32, #tpu.memory_space<vmem>>
        %dma_start3A_1455 = tpu.memref_squeeze %dma_start3A_1454 : memref<1x64x128xf32, #tpu.memory_space<vmem>> -> memref<64x128xf32, #tpu.memory_space<vmem>>
        %dma_start3A_1456 = arith.constant 0 : i32
        %dma_start3A_1457 = tpu.memref_slice %arg3[%dma_start3A_1456, %mul3A_1441] : memref<64x1000000xf32, #tpu.memory_space<hbm>> -> memref<64x128xf32, #tpu.memory_space<hbm>>
        tpu.enqueue_dma source(%dma_start3A_1457 : memref<64x128xf32, #tpu.memory_space<hbm>>) target(%dma_start3A_1455 : memref<64x128xf32, #tpu.memory_space<vmem>>) target_semaphore(%dma_start3A_1451 : memref<!tpu.dma_semaphore, #tpu.memory_space<semaphore_mem>>)
      } else {
      }
      %mul3A_952 = arith.constant 16 : i32
      %mul3A_953 = arith.muli %scan3A_189, %mul3A_952 : i32
      %add3A_954 = arith.constant 9 : i32
      %add3A_955 = arith.addi %mul3A_953, %add3A_954 : i32
      %dma_wait3A_956 = arith.constant 1 : i32
      %dma_wait3A_957 = arith.constant 1 : i32
      %dma_wait3A_958 = arith.constant 0 : i32
      %dma_wait3A_959 = arith.constant 0 : i32
      %dma_wait3A_960 = tpu.memref_slice %arg6[%dma_wait3A_956, %dma_wait3A_958, %dma_wait3A_959] : memref<8x64x128xf32, #tpu.memory_space<vmem>> -> memref<1x64x128xf32, #tpu.memory_space<vmem>>
      %dma_wait3A_961 = tpu.memref_squeeze %dma_wait3A_960 : memref<1x64x128xf32, #tpu.memory_space<vmem>> -> memref<64x128xf32, #tpu.memory_space<vmem>>
      %dma_wait3A_962 = arith.constant 0 : i32
      %dma_wait3A_963 = arith.constant 0 : i32
      %dma_wait3A_964 = tpu.memref_slice %arg3[%dma_wait3A_962, %dma_wait3A_963] : memref<64x1000000xf32, #tpu.memory_space<hbm>> -> memref<64x128xf32, #tpu.memory_space<hbm>>
      %dma_wait3A_965 = tpu.memref_slice %arg8[%dma_wait3A_957] : memref<8x!tpu.dma_semaphore, #tpu.memory_space<semaphore_mem>> -> memref<1x!tpu.dma_semaphore, #tpu.memory_space<semaphore_mem>>
      %dma_wait3A_966 = tpu.memref_squeeze %dma_wait3A_965 : memref<1x!tpu.dma_semaphore, #tpu.memory_space<semaphore_mem>> -> memref<!tpu.dma_semaphore, #tpu.memory_space<semaphore_mem>>
      %dma_wait3A_967 = arith.constant 0 : i32
      %dma_wait3A_968 = arith.constant 0 : i32
      %dma_wait3A_969 = tpu.memref_slice %arg6[%dma_wait3A_956, %dma_wait3A_967, %dma_wait3A_968] : memref<8x64x128xf32, #tpu.memory_space<vmem>> -> memref<1x64x128xf32, #tpu.memory_space<vmem>>
      %dma_wait3A_970 = tpu.memref_squeeze %dma_wait3A_969 : memref<1x64x128xf32, #tpu.memory_space<vmem>> -> memref<64x128xf32, #tpu.memory_space<vmem>>
      %dma_wait3A_971 = arith.constant 0 : i32
      %dma_wait3A_972 = arith.constant 0 : i32
      %dma_wait3A_973 = tpu.memref_slice %arg3[%dma_wait3A_971, %dma_wait3A_972] : memref<64x1000000xf32, #tpu.memory_space<hbm>> -> memref<64x128xf32, #tpu.memory_space<hbm>>
      tpu.wait_dma2 semaphore(%dma_wait3A_966 : memref<!tpu.dma_semaphore, #tpu.memory_space<semaphore_mem>>) src(%dma_wait3A_973 : memref<64x128xf32, #tpu.memory_space<hbm>>) dst(%dma_wait3A_970 : memref<64x128xf32, #tpu.memory_space<vmem>>)
      %slice3A_974 = vector.extract_strided_slice %get3A_194 {offsets = [9], sizes = [1], strides = [1]} : vector<16xi32> to vector<1xi32>
      %squeeze3A_975 = vector.extract %slice3A_974[0] : i32 from vector<1xi32>
      %and3A_976 = arith.constant 127 : i32
      %and3A_977 = arith.andi %squeeze3A_975, %and3A_976 : i32
      %broadcast_in_dim3A_978 = vector.broadcast %and3A_977 : i32 to vector<16xi32>
      %broadcast_in_dim3A_979 = vector.broadcast %add3A_955 : i32 to vector<16xi32>
      %add3A_980 = arith.constant 0 : i32
      %add3A_981 = vector.broadcast %add3A_980 : i32 to vector<16xi32>
      %add3A_982 = arith.addi %iota3A, %add3A_981 : vector<16xi32>
      %gather3A_983 = arith.constant 1 : i32
      %gather3A_984 = arith.constant 0 : i32
      %gather3A_985 = arith.constant 0 : i32
      %gather3A_986 = tpu.memref_slice %arg6[%gather3A_983, %gather3A_984, %gather3A_985] : memref<8x64x128xf32, #tpu.memory_space<vmem>> -> memref<1x64x128xf32, #tpu.memory_space<vmem>>
      %gather3A_987 = tpu.memref_squeeze %gather3A_986 : memref<1x64x128xf32, #tpu.memory_space<vmem>> -> memref<64x128xf32, #tpu.memory_space<vmem>>
      %gather3A_988 = tpu.vector_load_idx %gather3A_987[%add3A_982, %broadcast_in_dim3A_978] : memref<64x128xf32, #tpu.memory_space<vmem>>[vector<16xi32>, vector<16xi32>], vector<16xf32>,
      tpu.vector_store_idx %arg7[%add3A_982, %broadcast_in_dim3A_979], %gather3A_988 : memref<64x512xf32, #tpu.memory_space<vmem>>[vector<16xi32>, vector<16xi32>], vector<16xf32>,
      %add3A_989 = arith.constant 16 : i32
      %add3A_990 = vector.broadcast %add3A_989 : i32 to vector<16xi32>
      %add3A_991 = arith.addi %iota3A, %add3A_990 : vector<16xi32>
      %gather3A_992 = arith.constant 1 : i32
      %gather3A_993 = arith.constant 0 : i32
      %gather3A_994 = arith.constant 0 : i32
      %gather3A_995 = tpu.memref_slice %arg6[%gather3A_992, %gather3A_993, %gather3A_994] : memref<8x64x128xf32, #tpu.memory_space<vmem>> -> memref<1x64x128xf32, #tpu.memory_space<vmem>>
      %gather3A_996 = tpu.memref_squeeze %gather3A_995 : memref<1x64x128xf32, #tpu.memory_space<vmem>> -> memref<64x128xf32, #tpu.memory_space<vmem>>
      %gather3A_997 = tpu.vector_load_idx %gather3A_996[%add3A_991, %broadcast_in_dim3A_978] : memref<64x128xf32, #tpu.memory_space<vmem>>[vector<16xi32>, vector<16xi32>], vector<16xf32>,
      tpu.vector_store_idx %arg7[%add3A_991, %broadcast_in_dim3A_979], %gather3A_997 : memref<64x512xf32, #tpu.memory_space<vmem>>[vector<16xi32>, vector<16xi32>], vector<16xf32>,
      %add3A_998 = arith.constant 32 : i32
      %add3A_999 = vector.broadcast %add3A_998 : i32 to vector<16xi32>
      %add3A_1000 = arith.addi %iota3A, %add3A_999 : vector<16xi32>
      %gather3A_1001 = arith.constant 1 : i32
      %gather3A_1002 = arith.constant 0 : i32
      %gather3A_1003 = arith.constant 0 : i32
      %gather3A_1004 = tpu.memref_slice %arg6[%gather3A_1001, %gather3A_1002, %gather3A_1003] : memref<8x64x128xf32, #tpu.memory_space<vmem>> -> memref<1x64x128xf32, #tpu.memory_space<vmem>>
      %gather3A_1005 = tpu.memref_squeeze %gather3A_1004 : memref<1x64x128xf32, #tpu.memory_space<vmem>> -> memref<64x128xf32, #tpu.memory_space<vmem>>
      %gather3A_1006 = tpu.vector_load_idx %gather3A_1005[%add3A_1000, %broadcast_in_dim3A_978] : memref<64x128xf32, #tpu.memory_space<vmem>>[vector<16xi32>, vector<16xi32>], vector<16xf32>,
      tpu.vector_store_idx %arg7[%add3A_1000, %broadcast_in_dim3A_979], %gather3A_1006 : memref<64x512xf32, #tpu.memory_space<vmem>>[vector<16xi32>, vector<16xi32>], vector<16xf32>,
      %add3A_1007 = arith.constant 48 : i32
      %add3A_1008 = vector.broadcast %add3A_1007 : i32 to vector<16xi32>
      %add3A_1009 = arith.addi %iota3A, %add3A_1008 : vector<16xi32>
      %gather3A_1010 = arith.constant 1 : i32
      %gather3A_1011 = arith.constant 0 : i32
      %gather3A_1012 = arith.constant 0 : i32
      %gather3A_1013 = tpu.memref_slice %arg6[%gather3A_1010, %gather3A_1011, %gather3A_1012] : memref<8x64x128xf32, #tpu.memory_space<vmem>> -> memref<1x64x128xf32, #tpu.memory_space<vmem>>
      %gather3A_1014 = tpu.memref_squeeze %gather3A_1013 : memref<1x64x128xf32, #tpu.memory_space<vmem>> -> memref<64x128xf32, #tpu.memory_space<vmem>>
      %gather3A_1015 = tpu.vector_load_idx %gather3A_1014[%add3A_1009, %broadcast_in_dim3A_978] : memref<64x128xf32, #tpu.memory_space<vmem>>[vector<16xi32>, vector<16xi32>], vector<16xf32>,
      tpu.vector_store_idx %arg7[%add3A_1009, %broadcast_in_dim3A_979], %gather3A_1015 : memref<64x512xf32, #tpu.memory_space<vmem>>[vector<16xi32>, vector<16xi32>], vector<16xf32>,
      %lt3A_1016 = arith.constant 31 : i32
      %lt3A_1017 = arith.cmpi slt, %scan3A_189, %lt3A_1016 : i32
      %convert_element_type3A_1018 = arith.extui %lt3A_1017 : i1 to i32
      %cond3A_1019 = arith.constant 0 : i32
      %cond3A_1020 = arith.cmpi ne, %convert_element_type3A_1018, %cond3A_1019 : i32
      scf.if %cond3A_1020 {
        %slice3A_1436 = vector.extract_strided_slice %get3A_201 {offsets = [1], sizes = [1], strides = [1]} : vector<16xi32> to vector<1xi32>
        %squeeze3A_1437 = vector.extract %slice3A_1436[0] : i32 from vector<1xi32>
        %shift_right_logical3A_1438 = arith.constant 7 : i32
        %shift_right_logical3A_1439 = arith.shrui %squeeze3A_1437, %shift_right_logical3A_1438 : i32
        %mul3A_1440 = arith.constant 128 : i32
        %mul3A_1441 = arith.muli %shift_right_logical3A_1439, %mul3A_1440 : i32
        %dma_start3A_1442 = arith.constant 1 : i32
        %dma_start3A_1443 = arith.constant 1 : i32
        %dma_start3A_1444 = arith.constant 0 : i32
        %dma_start3A_1445 = arith.constant 0 : i32
        %dma_start3A_1446 = tpu.memref_slice %arg6[%dma_start3A_1442, %dma_start3A_1444, %dma_start3A_1445] : memref<8x64x128xf32, #tpu.memory_space<vmem>> -> memref<1x64x128xf32, #tpu.memory_space<vmem>>
        %dma_start3A_1447 = tpu.memref_squeeze %dma_start3A_1446 : memref<1x64x128xf32, #tpu.memory_space<vmem>> -> memref<64x128xf32, #tpu.memory_space<vmem>>
        %dma_start3A_1448 = arith.constant 0 : i32
        %dma_start3A_1449 = tpu.memref_slice %arg3[%dma_start3A_1448, %mul3A_1441] : memref<64x1000000xf32, #tpu.memory_space<hbm>> -> memref<64x128xf32, #tpu.memory_space<hbm>>
        %dma_start3A_1450 = tpu.memref_slice %arg8[%dma_start3A_1443] : memref<8x!tpu.dma_semaphore, #tpu.memory_space<semaphore_mem>> -> memref<1x!tpu.dma_semaphore, #tpu.memory_space<semaphore_mem>>
        %dma_start3A_1451 = tpu.memref_squeeze %dma_start3A_1450 : memref<1x!tpu.dma_semaphore, #tpu.memory_space<semaphore_mem>> -> memref<!tpu.dma_semaphore, #tpu.memory_space<semaphore_mem>>
        %dma_start3A_1452 = arith.constant 0 : i32
        %dma_start3A_1453 = arith.constant 0 : i32
        %dma_start3A_1454 = tpu.memref_slice %arg6[%dma_start3A_1442, %dma_start3A_1452, %dma_start3A_1453] : memref<8x64x128xf32, #tpu.memory_space<vmem>> -> memref<1x64x128xf32, #tpu.memory_space<vmem>>
        %dma_start3A_1455 = tpu.memref_squeeze %dma_start3A_1454 : memref<1x64x128xf32, #tpu.memory_space<vmem>> -> memref<64x128xf32, #tpu.memory_space<vmem>>
        %dma_start3A_1456 = arith.constant 0 : i32
        %dma_start3A_1457 = tpu.memref_slice %arg3[%dma_start3A_1456, %mul3A_1441] : memref<64x1000000xf32, #tpu.memory_space<hbm>> -> memref<64x128xf32, #tpu.memory_space<hbm>>
        tpu.enqueue_dma source(%dma_start3A_1457 : memref<64x128xf32, #tpu.memory_space<hbm>>) target(%dma_start3A_1455 : memref<64x128xf32, #tpu.memory_space<vmem>>) target_semaphore(%dma_start3A_1451 : memref<!tpu.dma_semaphore, #tpu.memory_space<semaphore_mem>>)
      } else {
      }
      %mul3A_1021 = arith.constant 16 : i32
      %mul3A_1022 = arith.muli %scan3A_189, %mul3A_1021 : i32
      %add3A_1023 = arith.constant 10 : i32
      %add3A_1024 = arith.addi %mul3A_1022, %add3A_1023 : i32
      %dma_wait3A_1025 = arith.constant 2 : i32
      %dma_wait3A_1026 = arith.constant 2 : i32
      %dma_wait3A_1027 = arith.constant 0 : i32
      %dma_wait3A_1028 = arith.constant 0 : i32
      %dma_wait3A_1029 = tpu.memref_slice %arg6[%dma_wait3A_1025, %dma_wait3A_1027, %dma_wait3A_1028] : memref<8x64x128xf32, #tpu.memory_space<vmem>> -> memref<1x64x128xf32, #tpu.memory_space<vmem>>
      %dma_wait3A_1030 = tpu.memref_squeeze %dma_wait3A_1029 : memref<1x64x128xf32, #tpu.memory_space<vmem>> -> memref<64x128xf32, #tpu.memory_space<vmem>>
      %dma_wait3A_1031 = arith.constant 0 : i32
      %dma_wait3A_1032 = arith.constant 0 : i32
      %dma_wait3A_1033 = tpu.memref_slice %arg3[%dma_wait3A_1031, %dma_wait3A_1032] : memref<64x1000000xf32, #tpu.memory_space<hbm>> -> memref<64x128xf32, #tpu.memory_space<hbm>>
      %dma_wait3A_1034 = tpu.memref_slice %arg8[%dma_wait3A_1026] : memref<8x!tpu.dma_semaphore, #tpu.memory_space<semaphore_mem>> -> memref<1x!tpu.dma_semaphore, #tpu.memory_space<semaphore_mem>>
      %dma_wait3A_1035 = tpu.memref_squeeze %dma_wait3A_1034 : memref<1x!tpu.dma_semaphore, #tpu.memory_space<semaphore_mem>> -> memref<!tpu.dma_semaphore, #tpu.memory_space<semaphore_mem>>
      %dma_wait3A_1036 = arith.constant 0 : i32
      %dma_wait3A_1037 = arith.constant 0 : i32
      %dma_wait3A_1038 = tpu.memref_slice %arg6[%dma_wait3A_1025, %dma_wait3A_1036, %dma_wait3A_1037] : memref<8x64x128xf32, #tpu.memory_space<vmem>> -> memref<1x64x128xf32, #tpu.memory_space<vmem>>
      %dma_wait3A_1039 = tpu.memref_squeeze %dma_wait3A_1038 : memref<1x64x128xf32, #tpu.memory_space<vmem>> -> memref<64x128xf32, #tpu.memory_space<vmem>>
      %dma_wait3A_1040 = arith.constant 0 : i32
      %dma_wait3A_1041 = arith.constant 0 : i32
      %dma_wait3A_1042 = tpu.memref_slice %arg3[%dma_wait3A_1040, %dma_wait3A_1041] : memref<64x1000000xf32, #tpu.memory_space<hbm>> -> memref<64x128xf32, #tpu.memory_space<hbm>>
      tpu.wait_dma2 semaphore(%dma_wait3A_1035 : memref<!tpu.dma_semaphore, #tpu.memory_space<semaphore_mem>>) src(%dma_wait3A_1042 : memref<64x128xf32, #tpu.memory_space<hbm>>) dst(%dma_wait3A_1039 : memref<64x128xf32, #tpu.memory_space<vmem>>)
      %slice3A_1043 = vector.extract_strided_slice %get3A_194 {offsets = [10], sizes = [1], strides = [1]} : vector<16xi32> to vector<1xi32>
      %squeeze3A_1044 = vector.extract %slice3A_1043[0] : i32 from vector<1xi32>
      %and3A_1045 = arith.constant 127 : i32
      %and3A_1046 = arith.andi %squeeze3A_1044, %and3A_1045 : i32
      %broadcast_in_dim3A_1047 = vector.broadcast %and3A_1046 : i32 to vector<16xi32>
      %broadcast_in_dim3A_1048 = vector.broadcast %add3A_1024 : i32 to vector<16xi32>
      %add3A_1049 = arith.constant 0 : i32
      %add3A_1050 = vector.broadcast %add3A_1049 : i32 to vector<16xi32>
      %add3A_1051 = arith.addi %iota3A, %add3A_1050 : vector<16xi32>
      %gather3A_1052 = arith.constant 2 : i32
      %gather3A_1053 = arith.constant 0 : i32
      %gather3A_1054 = arith.constant 0 : i32
      %gather3A_1055 = tpu.memref_slice %arg6[%gather3A_1052, %gather3A_1053, %gather3A_1054] : memref<8x64x128xf32, #tpu.memory_space<vmem>> -> memref<1x64x128xf32, #tpu.memory_space<vmem>>
      %gather3A_1056 = tpu.memref_squeeze %gather3A_1055 : memref<1x64x128xf32, #tpu.memory_space<vmem>> -> memref<64x128xf32, #tpu.memory_space<vmem>>
      %gather3A_1057 = tpu.vector_load_idx %gather3A_1056[%add3A_1051, %broadcast_in_dim3A_1047] : memref<64x128xf32, #tpu.memory_space<vmem>>[vector<16xi32>, vector<16xi32>], vector<16xf32>,
      tpu.vector_store_idx %arg7[%add3A_1051, %broadcast_in_dim3A_1048], %gather3A_1057 : memref<64x512xf32, #tpu.memory_space<vmem>>[vector<16xi32>, vector<16xi32>], vector<16xf32>,
      %add3A_1058 = arith.constant 16 : i32
      %add3A_1059 = vector.broadcast %add3A_1058 : i32 to vector<16xi32>
      %add3A_1060 = arith.addi %iota3A, %add3A_1059 : vector<16xi32>
      %gather3A_1061 = arith.constant 2 : i32
      %gather3A_1062 = arith.constant 0 : i32
      %gather3A_1063 = arith.constant 0 : i32
      %gather3A_1064 = tpu.memref_slice %arg6[%gather3A_1061, %gather3A_1062, %gather3A_1063] : memref<8x64x128xf32, #tpu.memory_space<vmem>> -> memref<1x64x128xf32, #tpu.memory_space<vmem>>
      %gather3A_1065 = tpu.memref_squeeze %gather3A_1064 : memref<1x64x128xf32, #tpu.memory_space<vmem>> -> memref<64x128xf32, #tpu.memory_space<vmem>>
      %gather3A_1066 = tpu.vector_load_idx %gather3A_1065[%add3A_1060, %broadcast_in_dim3A_1047] : memref<64x128xf32, #tpu.memory_space<vmem>>[vector<16xi32>, vector<16xi32>], vector<16xf32>,
      tpu.vector_store_idx %arg7[%add3A_1060, %broadcast_in_dim3A_1048], %gather3A_1066 : memref<64x512xf32, #tpu.memory_space<vmem>>[vector<16xi32>, vector<16xi32>], vector<16xf32>,
      %add3A_1067 = arith.constant 32 : i32
      %add3A_1068 = vector.broadcast %add3A_1067 : i32 to vector<16xi32>
      %add3A_1069 = arith.addi %iota3A, %add3A_1068 : vector<16xi32>
      %gather3A_1070 = arith.constant 2 : i32
      %gather3A_1071 = arith.constant 0 : i32
      %gather3A_1072 = arith.constant 0 : i32
      %gather3A_1073 = tpu.memref_slice %arg6[%gather3A_1070, %gather3A_1071, %gather3A_1072] : memref<8x64x128xf32, #tpu.memory_space<vmem>> -> memref<1x64x128xf32, #tpu.memory_space<vmem>>
      %gather3A_1074 = tpu.memref_squeeze %gather3A_1073 : memref<1x64x128xf32, #tpu.memory_space<vmem>> -> memref<64x128xf32, #tpu.memory_space<vmem>>
      %gather3A_1075 = tpu.vector_load_idx %gather3A_1074[%add3A_1069, %broadcast_in_dim3A_1047] : memref<64x128xf32, #tpu.memory_space<vmem>>[vector<16xi32>, vector<16xi32>], vector<16xf32>,
      tpu.vector_store_idx %arg7[%add3A_1069, %broadcast_in_dim3A_1048], %gather3A_1075 : memref<64x512xf32, #tpu.memory_space<vmem>>[vector<16xi32>, vector<16xi32>], vector<16xf32>,
      %add3A_1076 = arith.constant 48 : i32
      %add3A_1077 = vector.broadcast %add3A_1076 : i32 to vector<16xi32>
      %add3A_1078 = arith.addi %iota3A, %add3A_1077 : vector<16xi32>
      %gather3A_1079 = arith.constant 2 : i32
      %gather3A_1080 = arith.constant 0 : i32
      %gather3A_1081 = arith.constant 0 : i32
      %gather3A_1082 = tpu.memref_slice %arg6[%gather3A_1079, %gather3A_1080, %gather3A_1081] : memref<8x64x128xf32, #tpu.memory_space<vmem>> -> memref<1x64x128xf32, #tpu.memory_space<vmem>>
      %gather3A_1083 = tpu.memref_squeeze %gather3A_1082 : memref<1x64x128xf32, #tpu.memory_space<vmem>> -> memref<64x128xf32, #tpu.memory_space<vmem>>
      %gather3A_1084 = tpu.vector_load_idx %gather3A_1083[%add3A_1078, %broadcast_in_dim3A_1047] : memref<64x128xf32, #tpu.memory_space<vmem>>[vector<16xi32>, vector<16xi32>], vector<16xf32>,
      tpu.vector_store_idx %arg7[%add3A_1078, %broadcast_in_dim3A_1048], %gather3A_1084 : memref<64x512xf32, #tpu.memory_space<vmem>>[vector<16xi32>, vector<16xi32>], vector<16xf32>,
      %lt3A_1085 = arith.constant 31 : i32
      %lt3A_1086 = arith.cmpi slt, %scan3A_189, %lt3A_1085 : i32
      %convert_element_type3A_1087 = arith.extui %lt3A_1086 : i1 to i32
      %cond3A_1088 = arith.constant 0 : i32
      %cond3A_1089 = arith.cmpi ne, %convert_element_type3A_1087, %cond3A_1088 : i32
      scf.if %cond3A_1089 {
        %slice3A_1436 = vector.extract_strided_slice %get3A_201 {offsets = [2], sizes = [1], strides = [1]} : vector<16xi32> to vector<1xi32>
        %squeeze3A_1437 = vector.extract %slice3A_1436[0] : i32 from vector<1xi32>
        %shift_right_logical3A_1438 = arith.constant 7 : i32
        %shift_right_logical3A_1439 = arith.shrui %squeeze3A_1437, %shift_right_logical3A_1438 : i32
        %mul3A_1440 = arith.constant 128 : i32
        %mul3A_1441 = arith.muli %shift_right_logical3A_1439, %mul3A_1440 : i32
        %dma_start3A_1442 = arith.constant 2 : i32
        %dma_start3A_1443 = arith.constant 2 : i32
        %dma_start3A_1444 = arith.constant 0 : i32
        %dma_start3A_1445 = arith.constant 0 : i32
        %dma_start3A_1446 = tpu.memref_slice %arg6[%dma_start3A_1442, %dma_start3A_1444, %dma_start3A_1445] : memref<8x64x128xf32, #tpu.memory_space<vmem>> -> memref<1x64x128xf32, #tpu.memory_space<vmem>>
        %dma_start3A_1447 = tpu.memref_squeeze %dma_start3A_1446 : memref<1x64x128xf32, #tpu.memory_space<vmem>> -> memref<64x128xf32, #tpu.memory_space<vmem>>
        %dma_start3A_1448 = arith.constant 0 : i32
        %dma_start3A_1449 = tpu.memref_slice %arg3[%dma_start3A_1448, %mul3A_1441] : memref<64x1000000xf32, #tpu.memory_space<hbm>> -> memref<64x128xf32, #tpu.memory_space<hbm>>
        %dma_start3A_1450 = tpu.memref_slice %arg8[%dma_start3A_1443] : memref<8x!tpu.dma_semaphore, #tpu.memory_space<semaphore_mem>> -> memref<1x!tpu.dma_semaphore, #tpu.memory_space<semaphore_mem>>
        %dma_start3A_1451 = tpu.memref_squeeze %dma_start3A_1450 : memref<1x!tpu.dma_semaphore, #tpu.memory_space<semaphore_mem>> -> memref<!tpu.dma_semaphore, #tpu.memory_space<semaphore_mem>>
        %dma_start3A_1452 = arith.constant 0 : i32
        %dma_start3A_1453 = arith.constant 0 : i32
        %dma_start3A_1454 = tpu.memref_slice %arg6[%dma_start3A_1442, %dma_start3A_1452, %dma_start3A_1453] : memref<8x64x128xf32, #tpu.memory_space<vmem>> -> memref<1x64x128xf32, #tpu.memory_space<vmem>>
        %dma_start3A_1455 = tpu.memref_squeeze %dma_start3A_1454 : memref<1x64x128xf32, #tpu.memory_space<vmem>> -> memref<64x128xf32, #tpu.memory_space<vmem>>
        %dma_start3A_1456 = arith.constant 0 : i32
        %dma_start3A_1457 = tpu.memref_slice %arg3[%dma_start3A_1456, %mul3A_1441] : memref<64x1000000xf32, #tpu.memory_space<hbm>> -> memref<64x128xf32, #tpu.memory_space<hbm>>
        tpu.enqueue_dma source(%dma_start3A_1457 : memref<64x128xf32, #tpu.memory_space<hbm>>) target(%dma_start3A_1455 : memref<64x128xf32, #tpu.memory_space<vmem>>) target_semaphore(%dma_start3A_1451 : memref<!tpu.dma_semaphore, #tpu.memory_space<semaphore_mem>>)
      } else {
      }
      %mul3A_1090 = arith.constant 16 : i32
      %mul3A_1091 = arith.muli %scan3A_189, %mul3A_1090 : i32
      %add3A_1092 = arith.constant 11 : i32
      %add3A_1093 = arith.addi %mul3A_1091, %add3A_1092 : i32
      %dma_wait3A_1094 = arith.constant 3 : i32
      %dma_wait3A_1095 = arith.constant 3 : i32
      %dma_wait3A_1096 = arith.constant 0 : i32
      %dma_wait3A_1097 = arith.constant 0 : i32
      %dma_wait3A_1098 = tpu.memref_slice %arg6[%dma_wait3A_1094, %dma_wait3A_1096, %dma_wait3A_1097] : memref<8x64x128xf32, #tpu.memory_space<vmem>> -> memref<1x64x128xf32, #tpu.memory_space<vmem>>
      %dma_wait3A_1099 = tpu.memref_squeeze %dma_wait3A_1098 : memref<1x64x128xf32, #tpu.memory_space<vmem>> -> memref<64x128xf32, #tpu.memory_space<vmem>>
      %dma_wait3A_1100 = arith.constant 0 : i32
      %dma_wait3A_1101 = arith.constant 0 : i32
      %dma_wait3A_1102 = tpu.memref_slice %arg3[%dma_wait3A_1100, %dma_wait3A_1101] : memref<64x1000000xf32, #tpu.memory_space<hbm>> -> memref<64x128xf32, #tpu.memory_space<hbm>>
      %dma_wait3A_1103 = tpu.memref_slice %arg8[%dma_wait3A_1095] : memref<8x!tpu.dma_semaphore, #tpu.memory_space<semaphore_mem>> -> memref<1x!tpu.dma_semaphore, #tpu.memory_space<semaphore_mem>>
      %dma_wait3A_1104 = tpu.memref_squeeze %dma_wait3A_1103 : memref<1x!tpu.dma_semaphore, #tpu.memory_space<semaphore_mem>> -> memref<!tpu.dma_semaphore, #tpu.memory_space<semaphore_mem>>
      %dma_wait3A_1105 = arith.constant 0 : i32
      %dma_wait3A_1106 = arith.constant 0 : i32
      %dma_wait3A_1107 = tpu.memref_slice %arg6[%dma_wait3A_1094, %dma_wait3A_1105, %dma_wait3A_1106] : memref<8x64x128xf32, #tpu.memory_space<vmem>> -> memref<1x64x128xf32, #tpu.memory_space<vmem>>
      %dma_wait3A_1108 = tpu.memref_squeeze %dma_wait3A_1107 : memref<1x64x128xf32, #tpu.memory_space<vmem>> -> memref<64x128xf32, #tpu.memory_space<vmem>>
      %dma_wait3A_1109 = arith.constant 0 : i32
      %dma_wait3A_1110 = arith.constant 0 : i32
      %dma_wait3A_1111 = tpu.memref_slice %arg3[%dma_wait3A_1109, %dma_wait3A_1110] : memref<64x1000000xf32, #tpu.memory_space<hbm>> -> memref<64x128xf32, #tpu.memory_space<hbm>>
      tpu.wait_dma2 semaphore(%dma_wait3A_1104 : memref<!tpu.dma_semaphore, #tpu.memory_space<semaphore_mem>>) src(%dma_wait3A_1111 : memref<64x128xf32, #tpu.memory_space<hbm>>) dst(%dma_wait3A_1108 : memref<64x128xf32, #tpu.memory_space<vmem>>)
      %slice3A_1112 = vector.extract_strided_slice %get3A_194 {offsets = [11], sizes = [1], strides = [1]} : vector<16xi32> to vector<1xi32>
      %squeeze3A_1113 = vector.extract %slice3A_1112[0] : i32 from vector<1xi32>
      %and3A_1114 = arith.constant 127 : i32
      %and3A_1115 = arith.andi %squeeze3A_1113, %and3A_1114 : i32
      %broadcast_in_dim3A_1116 = vector.broadcast %and3A_1115 : i32 to vector<16xi32>
      %broadcast_in_dim3A_1117 = vector.broadcast %add3A_1093 : i32 to vector<16xi32>
      %add3A_1118 = arith.constant 0 : i32
      %add3A_1119 = vector.broadcast %add3A_1118 : i32 to vector<16xi32>
      %add3A_1120 = arith.addi %iota3A, %add3A_1119 : vector<16xi32>
      %gather3A_1121 = arith.constant 3 : i32
      %gather3A_1122 = arith.constant 0 : i32
      %gather3A_1123 = arith.constant 0 : i32
      %gather3A_1124 = tpu.memref_slice %arg6[%gather3A_1121, %gather3A_1122, %gather3A_1123] : memref<8x64x128xf32, #tpu.memory_space<vmem>> -> memref<1x64x128xf32, #tpu.memory_space<vmem>>
      %gather3A_1125 = tpu.memref_squeeze %gather3A_1124 : memref<1x64x128xf32, #tpu.memory_space<vmem>> -> memref<64x128xf32, #tpu.memory_space<vmem>>
      %gather3A_1126 = tpu.vector_load_idx %gather3A_1125[%add3A_1120, %broadcast_in_dim3A_1116] : memref<64x128xf32, #tpu.memory_space<vmem>>[vector<16xi32>, vector<16xi32>], vector<16xf32>,
      tpu.vector_store_idx %arg7[%add3A_1120, %broadcast_in_dim3A_1117], %gather3A_1126 : memref<64x512xf32, #tpu.memory_space<vmem>>[vector<16xi32>, vector<16xi32>], vector<16xf32>,
      %add3A_1127 = arith.constant 16 : i32
      %add3A_1128 = vector.broadcast %add3A_1127 : i32 to vector<16xi32>
      %add3A_1129 = arith.addi %iota3A, %add3A_1128 : vector<16xi32>
      %gather3A_1130 = arith.constant 3 : i32
      %gather3A_1131 = arith.constant 0 : i32
      %gather3A_1132 = arith.constant 0 : i32
      %gather3A_1133 = tpu.memref_slice %arg6[%gather3A_1130, %gather3A_1131, %gather3A_1132] : memref<8x64x128xf32, #tpu.memory_space<vmem>> -> memref<1x64x128xf32, #tpu.memory_space<vmem>>
      %gather3A_1134 = tpu.memref_squeeze %gather3A_1133 : memref<1x64x128xf32, #tpu.memory_space<vmem>> -> memref<64x128xf32, #tpu.memory_space<vmem>>
      %gather3A_1135 = tpu.vector_load_idx %gather3A_1134[%add3A_1129, %broadcast_in_dim3A_1116] : memref<64x128xf32, #tpu.memory_space<vmem>>[vector<16xi32>, vector<16xi32>], vector<16xf32>,
      tpu.vector_store_idx %arg7[%add3A_1129, %broadcast_in_dim3A_1117], %gather3A_1135 : memref<64x512xf32, #tpu.memory_space<vmem>>[vector<16xi32>, vector<16xi32>], vector<16xf32>,
      %add3A_1136 = arith.constant 32 : i32
      %add3A_1137 = vector.broadcast %add3A_1136 : i32 to vector<16xi32>
      %add3A_1138 = arith.addi %iota3A, %add3A_1137 : vector<16xi32>
      %gather3A_1139 = arith.constant 3 : i32
      %gather3A_1140 = arith.constant 0 : i32
      %gather3A_1141 = arith.constant 0 : i32
      %gather3A_1142 = tpu.memref_slice %arg6[%gather3A_1139, %gather3A_1140, %gather3A_1141] : memref<8x64x128xf32, #tpu.memory_space<vmem>> -> memref<1x64x128xf32, #tpu.memory_space<vmem>>
      %gather3A_1143 = tpu.memref_squeeze %gather3A_1142 : memref<1x64x128xf32, #tpu.memory_space<vmem>> -> memref<64x128xf32, #tpu.memory_space<vmem>>
      %gather3A_1144 = tpu.vector_load_idx %gather3A_1143[%add3A_1138, %broadcast_in_dim3A_1116] : memref<64x128xf32, #tpu.memory_space<vmem>>[vector<16xi32>, vector<16xi32>], vector<16xf32>,
      tpu.vector_store_idx %arg7[%add3A_1138, %broadcast_in_dim3A_1117], %gather3A_1144 : memref<64x512xf32, #tpu.memory_space<vmem>>[vector<16xi32>, vector<16xi32>], vector<16xf32>,
      %add3A_1145 = arith.constant 48 : i32
      %add3A_1146 = vector.broadcast %add3A_1145 : i32 to vector<16xi32>
      %add3A_1147 = arith.addi %iota3A, %add3A_1146 : vector<16xi32>
      %gather3A_1148 = arith.constant 3 : i32
      %gather3A_1149 = arith.constant 0 : i32
      %gather3A_1150 = arith.constant 0 : i32
      %gather3A_1151 = tpu.memref_slice %arg6[%gather3A_1148, %gather3A_1149, %gather3A_1150] : memref<8x64x128xf32, #tpu.memory_space<vmem>> -> memref<1x64x128xf32, #tpu.memory_space<vmem>>
      %gather3A_1152 = tpu.memref_squeeze %gather3A_1151 : memref<1x64x128xf32, #tpu.memory_space<vmem>> -> memref<64x128xf32, #tpu.memory_space<vmem>>
      %gather3A_1153 = tpu.vector_load_idx %gather3A_1152[%add3A_1147, %broadcast_in_dim3A_1116] : memref<64x128xf32, #tpu.memory_space<vmem>>[vector<16xi32>, vector<16xi32>], vector<16xf32>,
      tpu.vector_store_idx %arg7[%add3A_1147, %broadcast_in_dim3A_1117], %gather3A_1153 : memref<64x512xf32, #tpu.memory_space<vmem>>[vector<16xi32>, vector<16xi32>], vector<16xf32>,
      %lt3A_1154 = arith.constant 31 : i32
      %lt3A_1155 = arith.cmpi slt, %scan3A_189, %lt3A_1154 : i32
      %convert_element_type3A_1156 = arith.extui %lt3A_1155 : i1 to i32
      %cond3A_1157 = arith.constant 0 : i32
      %cond3A_1158 = arith.cmpi ne, %convert_element_type3A_1156, %cond3A_1157 : i32
      scf.if %cond3A_1158 {
        %slice3A_1436 = vector.extract_strided_slice %get3A_201 {offsets = [3], sizes = [1], strides = [1]} : vector<16xi32> to vector<1xi32>
        %squeeze3A_1437 = vector.extract %slice3A_1436[0] : i32 from vector<1xi32>
        %shift_right_logical3A_1438 = arith.constant 7 : i32
        %shift_right_logical3A_1439 = arith.shrui %squeeze3A_1437, %shift_right_logical3A_1438 : i32
        %mul3A_1440 = arith.constant 128 : i32
        %mul3A_1441 = arith.muli %shift_right_logical3A_1439, %mul3A_1440 : i32
        %dma_start3A_1442 = arith.constant 3 : i32
        %dma_start3A_1443 = arith.constant 3 : i32
        %dma_start3A_1444 = arith.constant 0 : i32
        %dma_start3A_1445 = arith.constant 0 : i32
        %dma_start3A_1446 = tpu.memref_slice %arg6[%dma_start3A_1442, %dma_start3A_1444, %dma_start3A_1445] : memref<8x64x128xf32, #tpu.memory_space<vmem>> -> memref<1x64x128xf32, #tpu.memory_space<vmem>>
        %dma_start3A_1447 = tpu.memref_squeeze %dma_start3A_1446 : memref<1x64x128xf32, #tpu.memory_space<vmem>> -> memref<64x128xf32, #tpu.memory_space<vmem>>
        %dma_start3A_1448 = arith.constant 0 : i32
        %dma_start3A_1449 = tpu.memref_slice %arg3[%dma_start3A_1448, %mul3A_1441] : memref<64x1000000xf32, #tpu.memory_space<hbm>> -> memref<64x128xf32, #tpu.memory_space<hbm>>
        %dma_start3A_1450 = tpu.memref_slice %arg8[%dma_start3A_1443] : memref<8x!tpu.dma_semaphore, #tpu.memory_space<semaphore_mem>> -> memref<1x!tpu.dma_semaphore, #tpu.memory_space<semaphore_mem>>
        %dma_start3A_1451 = tpu.memref_squeeze %dma_start3A_1450 : memref<1x!tpu.dma_semaphore, #tpu.memory_space<semaphore_mem>> -> memref<!tpu.dma_semaphore, #tpu.memory_space<semaphore_mem>>
        %dma_start3A_1452 = arith.constant 0 : i32
        %dma_start3A_1453 = arith.constant 0 : i32
        %dma_start3A_1454 = tpu.memref_slice %arg6[%dma_start3A_1442, %dma_start3A_1452, %dma_start3A_1453] : memref<8x64x128xf32, #tpu.memory_space<vmem>> -> memref<1x64x128xf32, #tpu.memory_space<vmem>>
        %dma_start3A_1455 = tpu.memref_squeeze %dma_start3A_1454 : memref<1x64x128xf32, #tpu.memory_space<vmem>> -> memref<64x128xf32, #tpu.memory_space<vmem>>
        %dma_start3A_1456 = arith.constant 0 : i32
        %dma_start3A_1457 = tpu.memref_slice %arg3[%dma_start3A_1456, %mul3A_1441] : memref<64x1000000xf32, #tpu.memory_space<hbm>> -> memref<64x128xf32, #tpu.memory_space<hbm>>
        tpu.enqueue_dma source(%dma_start3A_1457 : memref<64x128xf32, #tpu.memory_space<hbm>>) target(%dma_start3A_1455 : memref<64x128xf32, #tpu.memory_space<vmem>>) target_semaphore(%dma_start3A_1451 : memref<!tpu.dma_semaphore, #tpu.memory_space<semaphore_mem>>)
      } else {
      }
      %mul3A_1159 = arith.constant 16 : i32
      %mul3A_1160 = arith.muli %scan3A_189, %mul3A_1159 : i32
      %add3A_1161 = arith.constant 12 : i32
      %add3A_1162 = arith.addi %mul3A_1160, %add3A_1161 : i32
      %dma_wait3A_1163 = arith.constant 4 : i32
      %dma_wait3A_1164 = arith.constant 4 : i32
      %dma_wait3A_1165 = arith.constant 0 : i32
      %dma_wait3A_1166 = arith.constant 0 : i32
      %dma_wait3A_1167 = tpu.memref_slice %arg6[%dma_wait3A_1163, %dma_wait3A_1165, %dma_wait3A_1166] : memref<8x64x128xf32, #tpu.memory_space<vmem>> -> memref<1x64x128xf32, #tpu.memory_space<vmem>>
      %dma_wait3A_1168 = tpu.memref_squeeze %dma_wait3A_1167 : memref<1x64x128xf32, #tpu.memory_space<vmem>> -> memref<64x128xf32, #tpu.memory_space<vmem>>
      %dma_wait3A_1169 = arith.constant 0 : i32
      %dma_wait3A_1170 = arith.constant 0 : i32
      %dma_wait3A_1171 = tpu.memref_slice %arg3[%dma_wait3A_1169, %dma_wait3A_1170] : memref<64x1000000xf32, #tpu.memory_space<hbm>> -> memref<64x128xf32, #tpu.memory_space<hbm>>
      %dma_wait3A_1172 = tpu.memref_slice %arg8[%dma_wait3A_1164] : memref<8x!tpu.dma_semaphore, #tpu.memory_space<semaphore_mem>> -> memref<1x!tpu.dma_semaphore, #tpu.memory_space<semaphore_mem>>
      %dma_wait3A_1173 = tpu.memref_squeeze %dma_wait3A_1172 : memref<1x!tpu.dma_semaphore, #tpu.memory_space<semaphore_mem>> -> memref<!tpu.dma_semaphore, #tpu.memory_space<semaphore_mem>>
      %dma_wait3A_1174 = arith.constant 0 : i32
      %dma_wait3A_1175 = arith.constant 0 : i32
      %dma_wait3A_1176 = tpu.memref_slice %arg6[%dma_wait3A_1163, %dma_wait3A_1174, %dma_wait3A_1175] : memref<8x64x128xf32, #tpu.memory_space<vmem>> -> memref<1x64x128xf32, #tpu.memory_space<vmem>>
      %dma_wait3A_1177 = tpu.memref_squeeze %dma_wait3A_1176 : memref<1x64x128xf32, #tpu.memory_space<vmem>> -> memref<64x128xf32, #tpu.memory_space<vmem>>
      %dma_wait3A_1178 = arith.constant 0 : i32
      %dma_wait3A_1179 = arith.constant 0 : i32
      %dma_wait3A_1180 = tpu.memref_slice %arg3[%dma_wait3A_1178, %dma_wait3A_1179] : memref<64x1000000xf32, #tpu.memory_space<hbm>> -> memref<64x128xf32, #tpu.memory_space<hbm>>
      tpu.wait_dma2 semaphore(%dma_wait3A_1173 : memref<!tpu.dma_semaphore, #tpu.memory_space<semaphore_mem>>) src(%dma_wait3A_1180 : memref<64x128xf32, #tpu.memory_space<hbm>>) dst(%dma_wait3A_1177 : memref<64x128xf32, #tpu.memory_space<vmem>>)
      %slice3A_1181 = vector.extract_strided_slice %get3A_194 {offsets = [12], sizes = [1], strides = [1]} : vector<16xi32> to vector<1xi32>
      %squeeze3A_1182 = vector.extract %slice3A_1181[0] : i32 from vector<1xi32>
      %and3A_1183 = arith.constant 127 : i32
      %and3A_1184 = arith.andi %squeeze3A_1182, %and3A_1183 : i32
      %broadcast_in_dim3A_1185 = vector.broadcast %and3A_1184 : i32 to vector<16xi32>
      %broadcast_in_dim3A_1186 = vector.broadcast %add3A_1162 : i32 to vector<16xi32>
      %add3A_1187 = arith.constant 0 : i32
      %add3A_1188 = vector.broadcast %add3A_1187 : i32 to vector<16xi32>
      %add3A_1189 = arith.addi %iota3A, %add3A_1188 : vector<16xi32>
      %gather3A_1190 = arith.constant 4 : i32
      %gather3A_1191 = arith.constant 0 : i32
      %gather3A_1192 = arith.constant 0 : i32
      %gather3A_1193 = tpu.memref_slice %arg6[%gather3A_1190, %gather3A_1191, %gather3A_1192] : memref<8x64x128xf32, #tpu.memory_space<vmem>> -> memref<1x64x128xf32, #tpu.memory_space<vmem>>
      %gather3A_1194 = tpu.memref_squeeze %gather3A_1193 : memref<1x64x128xf32, #tpu.memory_space<vmem>> -> memref<64x128xf32, #tpu.memory_space<vmem>>
      %gather3A_1195 = tpu.vector_load_idx %gather3A_1194[%add3A_1189, %broadcast_in_dim3A_1185] : memref<64x128xf32, #tpu.memory_space<vmem>>[vector<16xi32>, vector<16xi32>], vector<16xf32>,
      tpu.vector_store_idx %arg7[%add3A_1189, %broadcast_in_dim3A_1186], %gather3A_1195 : memref<64x512xf32, #tpu.memory_space<vmem>>[vector<16xi32>, vector<16xi32>], vector<16xf32>,
      %add3A_1196 = arith.constant 16 : i32
      %add3A_1197 = vector.broadcast %add3A_1196 : i32 to vector<16xi32>
      %add3A_1198 = arith.addi %iota3A, %add3A_1197 : vector<16xi32>
      %gather3A_1199 = arith.constant 4 : i32
      %gather3A_1200 = arith.constant 0 : i32
      %gather3A_1201 = arith.constant 0 : i32
      %gather3A_1202 = tpu.memref_slice %arg6[%gather3A_1199, %gather3A_1200, %gather3A_1201] : memref<8x64x128xf32, #tpu.memory_space<vmem>> -> memref<1x64x128xf32, #tpu.memory_space<vmem>>
      %gather3A_1203 = tpu.memref_squeeze %gather3A_1202 : memref<1x64x128xf32, #tpu.memory_space<vmem>> -> memref<64x128xf32, #tpu.memory_space<vmem>>
      %gather3A_1204 = tpu.vector_load_idx %gather3A_1203[%add3A_1198, %broadcast_in_dim3A_1185] : memref<64x128xf32, #tpu.memory_space<vmem>>[vector<16xi32>, vector<16xi32>], vector<16xf32>,
      tpu.vector_store_idx %arg7[%add3A_1198, %broadcast_in_dim3A_1186], %gather3A_1204 : memref<64x512xf32, #tpu.memory_space<vmem>>[vector<16xi32>, vector<16xi32>], vector<16xf32>,
      %add3A_1205 = arith.constant 32 : i32
      %add3A_1206 = vector.broadcast %add3A_1205 : i32 to vector<16xi32>
      %add3A_1207 = arith.addi %iota3A, %add3A_1206 : vector<16xi32>
      %gather3A_1208 = arith.constant 4 : i32
      %gather3A_1209 = arith.constant 0 : i32
      %gather3A_1210 = arith.constant 0 : i32
      %gather3A_1211 = tpu.memref_slice %arg6[%gather3A_1208, %gather3A_1209, %gather3A_1210] : memref<8x64x128xf32, #tpu.memory_space<vmem>> -> memref<1x64x128xf32, #tpu.memory_space<vmem>>
      %gather3A_1212 = tpu.memref_squeeze %gather3A_1211 : memref<1x64x128xf32, #tpu.memory_space<vmem>> -> memref<64x128xf32, #tpu.memory_space<vmem>>
      %gather3A_1213 = tpu.vector_load_idx %gather3A_1212[%add3A_1207, %broadcast_in_dim3A_1185] : memref<64x128xf32, #tpu.memory_space<vmem>>[vector<16xi32>, vector<16xi32>], vector<16xf32>,
      tpu.vector_store_idx %arg7[%add3A_1207, %broadcast_in_dim3A_1186], %gather3A_1213 : memref<64x512xf32, #tpu.memory_space<vmem>>[vector<16xi32>, vector<16xi32>], vector<16xf32>,
      %add3A_1214 = arith.constant 48 : i32
      %add3A_1215 = vector.broadcast %add3A_1214 : i32 to vector<16xi32>
      %add3A_1216 = arith.addi %iota3A, %add3A_1215 : vector<16xi32>
      %gather3A_1217 = arith.constant 4 : i32
      %gather3A_1218 = arith.constant 0 : i32
      %gather3A_1219 = arith.constant 0 : i32
      %gather3A_1220 = tpu.memref_slice %arg6[%gather3A_1217, %gather3A_1218, %gather3A_1219] : memref<8x64x128xf32, #tpu.memory_space<vmem>> -> memref<1x64x128xf32, #tpu.memory_space<vmem>>
      %gather3A_1221 = tpu.memref_squeeze %gather3A_1220 : memref<1x64x128xf32, #tpu.memory_space<vmem>> -> memref<64x128xf32, #tpu.memory_space<vmem>>
      %gather3A_1222 = tpu.vector_load_idx %gather3A_1221[%add3A_1216, %broadcast_in_dim3A_1185] : memref<64x128xf32, #tpu.memory_space<vmem>>[vector<16xi32>, vector<16xi32>], vector<16xf32>,
      tpu.vector_store_idx %arg7[%add3A_1216, %broadcast_in_dim3A_1186], %gather3A_1222 : memref<64x512xf32, #tpu.memory_space<vmem>>[vector<16xi32>, vector<16xi32>], vector<16xf32>,
      %lt3A_1223 = arith.constant 31 : i32
      %lt3A_1224 = arith.cmpi slt, %scan3A_189, %lt3A_1223 : i32
      %convert_element_type3A_1225 = arith.extui %lt3A_1224 : i1 to i32
      %cond3A_1226 = arith.constant 0 : i32
      %cond3A_1227 = arith.cmpi ne, %convert_element_type3A_1225, %cond3A_1226 : i32
      scf.if %cond3A_1227 {
        %slice3A_1436 = vector.extract_strided_slice %get3A_201 {offsets = [4], sizes = [1], strides = [1]} : vector<16xi32> to vector<1xi32>
        %squeeze3A_1437 = vector.extract %slice3A_1436[0] : i32 from vector<1xi32>
        %shift_right_logical3A_1438 = arith.constant 7 : i32
        %shift_right_logical3A_1439 = arith.shrui %squeeze3A_1437, %shift_right_logical3A_1438 : i32
        %mul3A_1440 = arith.constant 128 : i32
        %mul3A_1441 = arith.muli %shift_right_logical3A_1439, %mul3A_1440 : i32
        %dma_start3A_1442 = arith.constant 4 : i32
        %dma_start3A_1443 = arith.constant 4 : i32
        %dma_start3A_1444 = arith.constant 0 : i32
        %dma_start3A_1445 = arith.constant 0 : i32
        %dma_start3A_1446 = tpu.memref_slice %arg6[%dma_start3A_1442, %dma_start3A_1444, %dma_start3A_1445] : memref<8x64x128xf32, #tpu.memory_space<vmem>> -> memref<1x64x128xf32, #tpu.memory_space<vmem>>
        %dma_start3A_1447 = tpu.memref_squeeze %dma_start3A_1446 : memref<1x64x128xf32, #tpu.memory_space<vmem>> -> memref<64x128xf32, #tpu.memory_space<vmem>>
        %dma_start3A_1448 = arith.constant 0 : i32
        %dma_start3A_1449 = tpu.memref_slice %arg3[%dma_start3A_1448, %mul3A_1441] : memref<64x1000000xf32, #tpu.memory_space<hbm>> -> memref<64x128xf32, #tpu.memory_space<hbm>>
        %dma_start3A_1450 = tpu.memref_slice %arg8[%dma_start3A_1443] : memref<8x!tpu.dma_semaphore, #tpu.memory_space<semaphore_mem>> -> memref<1x!tpu.dma_semaphore, #tpu.memory_space<semaphore_mem>>
        %dma_start3A_1451 = tpu.memref_squeeze %dma_start3A_1450 : memref<1x!tpu.dma_semaphore, #tpu.memory_space<semaphore_mem>> -> memref<!tpu.dma_semaphore, #tpu.memory_space<semaphore_mem>>
        %dma_start3A_1452 = arith.constant 0 : i32
        %dma_start3A_1453 = arith.constant 0 : i32
        %dma_start3A_1454 = tpu.memref_slice %arg6[%dma_start3A_1442, %dma_start3A_1452, %dma_start3A_1453] : memref<8x64x128xf32, #tpu.memory_space<vmem>> -> memref<1x64x128xf32, #tpu.memory_space<vmem>>
        %dma_start3A_1455 = tpu.memref_squeeze %dma_start3A_1454 : memref<1x64x128xf32, #tpu.memory_space<vmem>> -> memref<64x128xf32, #tpu.memory_space<vmem>>
        %dma_start3A_1456 = arith.constant 0 : i32
        %dma_start3A_1457 = tpu.memref_slice %arg3[%dma_start3A_1456, %mul3A_1441] : memref<64x1000000xf32, #tpu.memory_space<hbm>> -> memref<64x128xf32, #tpu.memory_space<hbm>>
        tpu.enqueue_dma source(%dma_start3A_1457 : memref<64x128xf32, #tpu.memory_space<hbm>>) target(%dma_start3A_1455 : memref<64x128xf32, #tpu.memory_space<vmem>>) target_semaphore(%dma_start3A_1451 : memref<!tpu.dma_semaphore, #tpu.memory_space<semaphore_mem>>)
      } else {
      }
      %mul3A_1228 = arith.constant 16 : i32
      %mul3A_1229 = arith.muli %scan3A_189, %mul3A_1228 : i32
      %add3A_1230 = arith.constant 13 : i32
      %add3A_1231 = arith.addi %mul3A_1229, %add3A_1230 : i32
      %dma_wait3A_1232 = arith.constant 5 : i32
      %dma_wait3A_1233 = arith.constant 5 : i32
      %dma_wait3A_1234 = arith.constant 0 : i32
      %dma_wait3A_1235 = arith.constant 0 : i32
      %dma_wait3A_1236 = tpu.memref_slice %arg6[%dma_wait3A_1232, %dma_wait3A_1234, %dma_wait3A_1235] : memref<8x64x128xf32, #tpu.memory_space<vmem>> -> memref<1x64x128xf32, #tpu.memory_space<vmem>>
      %dma_wait3A_1237 = tpu.memref_squeeze %dma_wait3A_1236 : memref<1x64x128xf32, #tpu.memory_space<vmem>> -> memref<64x128xf32, #tpu.memory_space<vmem>>
      %dma_wait3A_1238 = arith.constant 0 : i32
      %dma_wait3A_1239 = arith.constant 0 : i32
      %dma_wait3A_1240 = tpu.memref_slice %arg3[%dma_wait3A_1238, %dma_wait3A_1239] : memref<64x1000000xf32, #tpu.memory_space<hbm>> -> memref<64x128xf32, #tpu.memory_space<hbm>>
      %dma_wait3A_1241 = tpu.memref_slice %arg8[%dma_wait3A_1233] : memref<8x!tpu.dma_semaphore, #tpu.memory_space<semaphore_mem>> -> memref<1x!tpu.dma_semaphore, #tpu.memory_space<semaphore_mem>>
      %dma_wait3A_1242 = tpu.memref_squeeze %dma_wait3A_1241 : memref<1x!tpu.dma_semaphore, #tpu.memory_space<semaphore_mem>> -> memref<!tpu.dma_semaphore, #tpu.memory_space<semaphore_mem>>
      %dma_wait3A_1243 = arith.constant 0 : i32
      %dma_wait3A_1244 = arith.constant 0 : i32
      %dma_wait3A_1245 = tpu.memref_slice %arg6[%dma_wait3A_1232, %dma_wait3A_1243, %dma_wait3A_1244] : memref<8x64x128xf32, #tpu.memory_space<vmem>> -> memref<1x64x128xf32, #tpu.memory_space<vmem>>
      %dma_wait3A_1246 = tpu.memref_squeeze %dma_wait3A_1245 : memref<1x64x128xf32, #tpu.memory_space<vmem>> -> memref<64x128xf32, #tpu.memory_space<vmem>>
      %dma_wait3A_1247 = arith.constant 0 : i32
      %dma_wait3A_1248 = arith.constant 0 : i32
      %dma_wait3A_1249 = tpu.memref_slice %arg3[%dma_wait3A_1247, %dma_wait3A_1248] : memref<64x1000000xf32, #tpu.memory_space<hbm>> -> memref<64x128xf32, #tpu.memory_space<hbm>>
      tpu.wait_dma2 semaphore(%dma_wait3A_1242 : memref<!tpu.dma_semaphore, #tpu.memory_space<semaphore_mem>>) src(%dma_wait3A_1249 : memref<64x128xf32, #tpu.memory_space<hbm>>) dst(%dma_wait3A_1246 : memref<64x128xf32, #tpu.memory_space<vmem>>)
      %slice3A_1250 = vector.extract_strided_slice %get3A_194 {offsets = [13], sizes = [1], strides = [1]} : vector<16xi32> to vector<1xi32>
      %squeeze3A_1251 = vector.extract %slice3A_1250[0] : i32 from vector<1xi32>
      %and3A_1252 = arith.constant 127 : i32
      %and3A_1253 = arith.andi %squeeze3A_1251, %and3A_1252 : i32
      %broadcast_in_dim3A_1254 = vector.broadcast %and3A_1253 : i32 to vector<16xi32>
      %broadcast_in_dim3A_1255 = vector.broadcast %add3A_1231 : i32 to vector<16xi32>
      %add3A_1256 = arith.constant 0 : i32
      %add3A_1257 = vector.broadcast %add3A_1256 : i32 to vector<16xi32>
      %add3A_1258 = arith.addi %iota3A, %add3A_1257 : vector<16xi32>
      %gather3A_1259 = arith.constant 5 : i32
      %gather3A_1260 = arith.constant 0 : i32
      %gather3A_1261 = arith.constant 0 : i32
      %gather3A_1262 = tpu.memref_slice %arg6[%gather3A_1259, %gather3A_1260, %gather3A_1261] : memref<8x64x128xf32, #tpu.memory_space<vmem>> -> memref<1x64x128xf32, #tpu.memory_space<vmem>>
      %gather3A_1263 = tpu.memref_squeeze %gather3A_1262 : memref<1x64x128xf32, #tpu.memory_space<vmem>> -> memref<64x128xf32, #tpu.memory_space<vmem>>
      %gather3A_1264 = tpu.vector_load_idx %gather3A_1263[%add3A_1258, %broadcast_in_dim3A_1254] : memref<64x128xf32, #tpu.memory_space<vmem>>[vector<16xi32>, vector<16xi32>], vector<16xf32>,
      tpu.vector_store_idx %arg7[%add3A_1258, %broadcast_in_dim3A_1255], %gather3A_1264 : memref<64x512xf32, #tpu.memory_space<vmem>>[vector<16xi32>, vector<16xi32>], vector<16xf32>,
      %add3A_1265 = arith.constant 16 : i32
      %add3A_1266 = vector.broadcast %add3A_1265 : i32 to vector<16xi32>
      %add3A_1267 = arith.addi %iota3A, %add3A_1266 : vector<16xi32>
      %gather3A_1268 = arith.constant 5 : i32
      %gather3A_1269 = arith.constant 0 : i32
      %gather3A_1270 = arith.constant 0 : i32
      %gather3A_1271 = tpu.memref_slice %arg6[%gather3A_1268, %gather3A_1269, %gather3A_1270] : memref<8x64x128xf32, #tpu.memory_space<vmem>> -> memref<1x64x128xf32, #tpu.memory_space<vmem>>
      %gather3A_1272 = tpu.memref_squeeze %gather3A_1271 : memref<1x64x128xf32, #tpu.memory_space<vmem>> -> memref<64x128xf32, #tpu.memory_space<vmem>>
      %gather3A_1273 = tpu.vector_load_idx %gather3A_1272[%add3A_1267, %broadcast_in_dim3A_1254] : memref<64x128xf32, #tpu.memory_space<vmem>>[vector<16xi32>, vector<16xi32>], vector<16xf32>,
      tpu.vector_store_idx %arg7[%add3A_1267, %broadcast_in_dim3A_1255], %gather3A_1273 : memref<64x512xf32, #tpu.memory_space<vmem>>[vector<16xi32>, vector<16xi32>], vector<16xf32>,
      %add3A_1274 = arith.constant 32 : i32
      %add3A_1275 = vector.broadcast %add3A_1274 : i32 to vector<16xi32>
      %add3A_1276 = arith.addi %iota3A, %add3A_1275 : vector<16xi32>
      %gather3A_1277 = arith.constant 5 : i32
      %gather3A_1278 = arith.constant 0 : i32
      %gather3A_1279 = arith.constant 0 : i32
      %gather3A_1280 = tpu.memref_slice %arg6[%gather3A_1277, %gather3A_1278, %gather3A_1279] : memref<8x64x128xf32, #tpu.memory_space<vmem>> -> memref<1x64x128xf32, #tpu.memory_space<vmem>>
      %gather3A_1281 = tpu.memref_squeeze %gather3A_1280 : memref<1x64x128xf32, #tpu.memory_space<vmem>> -> memref<64x128xf32, #tpu.memory_space<vmem>>
      %gather3A_1282 = tpu.vector_load_idx %gather3A_1281[%add3A_1276, %broadcast_in_dim3A_1254] : memref<64x128xf32, #tpu.memory_space<vmem>>[vector<16xi32>, vector<16xi32>], vector<16xf32>,
      tpu.vector_store_idx %arg7[%add3A_1276, %broadcast_in_dim3A_1255], %gather3A_1282 : memref<64x512xf32, #tpu.memory_space<vmem>>[vector<16xi32>, vector<16xi32>], vector<16xf32>,
      %add3A_1283 = arith.constant 48 : i32
      %add3A_1284 = vector.broadcast %add3A_1283 : i32 to vector<16xi32>
      %add3A_1285 = arith.addi %iota3A, %add3A_1284 : vector<16xi32>
      %gather3A_1286 = arith.constant 5 : i32
      %gather3A_1287 = arith.constant 0 : i32
      %gather3A_1288 = arith.constant 0 : i32
      %gather3A_1289 = tpu.memref_slice %arg6[%gather3A_1286, %gather3A_1287, %gather3A_1288] : memref<8x64x128xf32, #tpu.memory_space<vmem>> -> memref<1x64x128xf32, #tpu.memory_space<vmem>>
      %gather3A_1290 = tpu.memref_squeeze %gather3A_1289 : memref<1x64x128xf32, #tpu.memory_space<vmem>> -> memref<64x128xf32, #tpu.memory_space<vmem>>
      %gather3A_1291 = tpu.vector_load_idx %gather3A_1290[%add3A_1285, %broadcast_in_dim3A_1254] : memref<64x128xf32, #tpu.memory_space<vmem>>[vector<16xi32>, vector<16xi32>], vector<16xf32>,
      tpu.vector_store_idx %arg7[%add3A_1285, %broadcast_in_dim3A_1255], %gather3A_1291 : memref<64x512xf32, #tpu.memory_space<vmem>>[vector<16xi32>, vector<16xi32>], vector<16xf32>,
      %lt3A_1292 = arith.constant 31 : i32
      %lt3A_1293 = arith.cmpi slt, %scan3A_189, %lt3A_1292 : i32
      %convert_element_type3A_1294 = arith.extui %lt3A_1293 : i1 to i32
      %cond3A_1295 = arith.constant 0 : i32
      %cond3A_1296 = arith.cmpi ne, %convert_element_type3A_1294, %cond3A_1295 : i32
      scf.if %cond3A_1296 {
        %slice3A_1436 = vector.extract_strided_slice %get3A_201 {offsets = [5], sizes = [1], strides = [1]} : vector<16xi32> to vector<1xi32>
        %squeeze3A_1437 = vector.extract %slice3A_1436[0] : i32 from vector<1xi32>
        %shift_right_logical3A_1438 = arith.constant 7 : i32
        %shift_right_logical3A_1439 = arith.shrui %squeeze3A_1437, %shift_right_logical3A_1438 : i32
        %mul3A_1440 = arith.constant 128 : i32
        %mul3A_1441 = arith.muli %shift_right_logical3A_1439, %mul3A_1440 : i32
        %dma_start3A_1442 = arith.constant 5 : i32
        %dma_start3A_1443 = arith.constant 5 : i32
        %dma_start3A_1444 = arith.constant 0 : i32
        %dma_start3A_1445 = arith.constant 0 : i32
        %dma_start3A_1446 = tpu.memref_slice %arg6[%dma_start3A_1442, %dma_start3A_1444, %dma_start3A_1445] : memref<8x64x128xf32, #tpu.memory_space<vmem>> -> memref<1x64x128xf32, #tpu.memory_space<vmem>>
        %dma_start3A_1447 = tpu.memref_squeeze %dma_start3A_1446 : memref<1x64x128xf32, #tpu.memory_space<vmem>> -> memref<64x128xf32, #tpu.memory_space<vmem>>
        %dma_start3A_1448 = arith.constant 0 : i32
        %dma_start3A_1449 = tpu.memref_slice %arg3[%dma_start3A_1448, %mul3A_1441] : memref<64x1000000xf32, #tpu.memory_space<hbm>> -> memref<64x128xf32, #tpu.memory_space<hbm>>
        %dma_start3A_1450 = tpu.memref_slice %arg8[%dma_start3A_1443] : memref<8x!tpu.dma_semaphore, #tpu.memory_space<semaphore_mem>> -> memref<1x!tpu.dma_semaphore, #tpu.memory_space<semaphore_mem>>
        %dma_start3A_1451 = tpu.memref_squeeze %dma_start3A_1450 : memref<1x!tpu.dma_semaphore, #tpu.memory_space<semaphore_mem>> -> memref<!tpu.dma_semaphore, #tpu.memory_space<semaphore_mem>>
        %dma_start3A_1452 = arith.constant 0 : i32
        %dma_start3A_1453 = arith.constant 0 : i32
        %dma_start3A_1454 = tpu.memref_slice %arg6[%dma_start3A_1442, %dma_start3A_1452, %dma_start3A_1453] : memref<8x64x128xf32, #tpu.memory_space<vmem>> -> memref<1x64x128xf32, #tpu.memory_space<vmem>>
        %dma_start3A_1455 = tpu.memref_squeeze %dma_start3A_1454 : memref<1x64x128xf32, #tpu.memory_space<vmem>> -> memref<64x128xf32, #tpu.memory_space<vmem>>
        %dma_start3A_1456 = arith.constant 0 : i32
        %dma_start3A_1457 = tpu.memref_slice %arg3[%dma_start3A_1456, %mul3A_1441] : memref<64x1000000xf32, #tpu.memory_space<hbm>> -> memref<64x128xf32, #tpu.memory_space<hbm>>
        tpu.enqueue_dma source(%dma_start3A_1457 : memref<64x128xf32, #tpu.memory_space<hbm>>) target(%dma_start3A_1455 : memref<64x128xf32, #tpu.memory_space<vmem>>) target_semaphore(%dma_start3A_1451 : memref<!tpu.dma_semaphore, #tpu.memory_space<semaphore_mem>>)
      } else {
      }
      %mul3A_1297 = arith.constant 16 : i32
      %mul3A_1298 = arith.muli %scan3A_189, %mul3A_1297 : i32
      %add3A_1299 = arith.constant 14 : i32
      %add3A_1300 = arith.addi %mul3A_1298, %add3A_1299 : i32
      %dma_wait3A_1301 = arith.constant 6 : i32
      %dma_wait3A_1302 = arith.constant 6 : i32
      %dma_wait3A_1303 = arith.constant 0 : i32
      %dma_wait3A_1304 = arith.constant 0 : i32
      %dma_wait3A_1305 = tpu.memref_slice %arg6[%dma_wait3A_1301, %dma_wait3A_1303, %dma_wait3A_1304] : memref<8x64x128xf32, #tpu.memory_space<vmem>> -> memref<1x64x128xf32, #tpu.memory_space<vmem>>
      %dma_wait3A_1306 = tpu.memref_squeeze %dma_wait3A_1305 : memref<1x64x128xf32, #tpu.memory_space<vmem>> -> memref<64x128xf32, #tpu.memory_space<vmem>>
      %dma_wait3A_1307 = arith.constant 0 : i32
      %dma_wait3A_1308 = arith.constant 0 : i32
      %dma_wait3A_1309 = tpu.memref_slice %arg3[%dma_wait3A_1307, %dma_wait3A_1308] : memref<64x1000000xf32, #tpu.memory_space<hbm>> -> memref<64x128xf32, #tpu.memory_space<hbm>>
      %dma_wait3A_1310 = tpu.memref_slice %arg8[%dma_wait3A_1302] : memref<8x!tpu.dma_semaphore, #tpu.memory_space<semaphore_mem>> -> memref<1x!tpu.dma_semaphore, #tpu.memory_space<semaphore_mem>>
      %dma_wait3A_1311 = tpu.memref_squeeze %dma_wait3A_1310 : memref<1x!tpu.dma_semaphore, #tpu.memory_space<semaphore_mem>> -> memref<!tpu.dma_semaphore, #tpu.memory_space<semaphore_mem>>
      %dma_wait3A_1312 = arith.constant 0 : i32
      %dma_wait3A_1313 = arith.constant 0 : i32
      %dma_wait3A_1314 = tpu.memref_slice %arg6[%dma_wait3A_1301, %dma_wait3A_1312, %dma_wait3A_1313] : memref<8x64x128xf32, #tpu.memory_space<vmem>> -> memref<1x64x128xf32, #tpu.memory_space<vmem>>
      %dma_wait3A_1315 = tpu.memref_squeeze %dma_wait3A_1314 : memref<1x64x128xf32, #tpu.memory_space<vmem>> -> memref<64x128xf32, #tpu.memory_space<vmem>>
      %dma_wait3A_1316 = arith.constant 0 : i32
      %dma_wait3A_1317 = arith.constant 0 : i32
      %dma_wait3A_1318 = tpu.memref_slice %arg3[%dma_wait3A_1316, %dma_wait3A_1317] : memref<64x1000000xf32, #tpu.memory_space<hbm>> -> memref<64x128xf32, #tpu.memory_space<hbm>>
      tpu.wait_dma2 semaphore(%dma_wait3A_1311 : memref<!tpu.dma_semaphore, #tpu.memory_space<semaphore_mem>>) src(%dma_wait3A_1318 : memref<64x128xf32, #tpu.memory_space<hbm>>) dst(%dma_wait3A_1315 : memref<64x128xf32, #tpu.memory_space<vmem>>)
      %slice3A_1319 = vector.extract_strided_slice %get3A_194 {offsets = [14], sizes = [1], strides = [1]} : vector<16xi32> to vector<1xi32>
      %squeeze3A_1320 = vector.extract %slice3A_1319[0] : i32 from vector<1xi32>
      %and3A_1321 = arith.constant 127 : i32
      %and3A_1322 = arith.andi %squeeze3A_1320, %and3A_1321 : i32
      %broadcast_in_dim3A_1323 = vector.broadcast %and3A_1322 : i32 to vector<16xi32>
      %broadcast_in_dim3A_1324 = vector.broadcast %add3A_1300 : i32 to vector<16xi32>
      %add3A_1325 = arith.constant 0 : i32
      %add3A_1326 = vector.broadcast %add3A_1325 : i32 to vector<16xi32>
      %add3A_1327 = arith.addi %iota3A, %add3A_1326 : vector<16xi32>
      %gather3A_1328 = arith.constant 6 : i32
      %gather3A_1329 = arith.constant 0 : i32
      %gather3A_1330 = arith.constant 0 : i32
      %gather3A_1331 = tpu.memref_slice %arg6[%gather3A_1328, %gather3A_1329, %gather3A_1330] : memref<8x64x128xf32, #tpu.memory_space<vmem>> -> memref<1x64x128xf32, #tpu.memory_space<vmem>>
      %gather3A_1332 = tpu.memref_squeeze %gather3A_1331 : memref<1x64x128xf32, #tpu.memory_space<vmem>> -> memref<64x128xf32, #tpu.memory_space<vmem>>
      %gather3A_1333 = tpu.vector_load_idx %gather3A_1332[%add3A_1327, %broadcast_in_dim3A_1323] : memref<64x128xf32, #tpu.memory_space<vmem>>[vector<16xi32>, vector<16xi32>], vector<16xf32>,
      tpu.vector_store_idx %arg7[%add3A_1327, %broadcast_in_dim3A_1324], %gather3A_1333 : memref<64x512xf32, #tpu.memory_space<vmem>>[vector<16xi32>, vector<16xi32>], vector<16xf32>,
      %add3A_1334 = arith.constant 16 : i32
      %add3A_1335 = vector.broadcast %add3A_1334 : i32 to vector<16xi32>
      %add3A_1336 = arith.addi %iota3A, %add3A_1335 : vector<16xi32>
      %gather3A_1337 = arith.constant 6 : i32
      %gather3A_1338 = arith.constant 0 : i32
      %gather3A_1339 = arith.constant 0 : i32
      %gather3A_1340 = tpu.memref_slice %arg6[%gather3A_1337, %gather3A_1338, %gather3A_1339] : memref<8x64x128xf32, #tpu.memory_space<vmem>> -> memref<1x64x128xf32, #tpu.memory_space<vmem>>
      %gather3A_1341 = tpu.memref_squeeze %gather3A_1340 : memref<1x64x128xf32, #tpu.memory_space<vmem>> -> memref<64x128xf32, #tpu.memory_space<vmem>>
      %gather3A_1342 = tpu.vector_load_idx %gather3A_1341[%add3A_1336, %broadcast_in_dim3A_1323] : memref<64x128xf32, #tpu.memory_space<vmem>>[vector<16xi32>, vector<16xi32>], vector<16xf32>,
      tpu.vector_store_idx %arg7[%add3A_1336, %broadcast_in_dim3A_1324], %gather3A_1342 : memref<64x512xf32, #tpu.memory_space<vmem>>[vector<16xi32>, vector<16xi32>], vector<16xf32>,
      %add3A_1343 = arith.constant 32 : i32
      %add3A_1344 = vector.broadcast %add3A_1343 : i32 to vector<16xi32>
      %add3A_1345 = arith.addi %iota3A, %add3A_1344 : vector<16xi32>
      %gather3A_1346 = arith.constant 6 : i32
      %gather3A_1347 = arith.constant 0 : i32
      %gather3A_1348 = arith.constant 0 : i32
      %gather3A_1349 = tpu.memref_slice %arg6[%gather3A_1346, %gather3A_1347, %gather3A_1348] : memref<8x64x128xf32, #tpu.memory_space<vmem>> -> memref<1x64x128xf32, #tpu.memory_space<vmem>>
      %gather3A_1350 = tpu.memref_squeeze %gather3A_1349 : memref<1x64x128xf32, #tpu.memory_space<vmem>> -> memref<64x128xf32, #tpu.memory_space<vmem>>
      %gather3A_1351 = tpu.vector_load_idx %gather3A_1350[%add3A_1345, %broadcast_in_dim3A_1323] : memref<64x128xf32, #tpu.memory_space<vmem>>[vector<16xi32>, vector<16xi32>], vector<16xf32>,
      tpu.vector_store_idx %arg7[%add3A_1345, %broadcast_in_dim3A_1324], %gather3A_1351 : memref<64x512xf32, #tpu.memory_space<vmem>>[vector<16xi32>, vector<16xi32>], vector<16xf32>,
      %add3A_1352 = arith.constant 48 : i32
      %add3A_1353 = vector.broadcast %add3A_1352 : i32 to vector<16xi32>
      %add3A_1354 = arith.addi %iota3A, %add3A_1353 : vector<16xi32>
      %gather3A_1355 = arith.constant 6 : i32
      %gather3A_1356 = arith.constant 0 : i32
      %gather3A_1357 = arith.constant 0 : i32
      %gather3A_1358 = tpu.memref_slice %arg6[%gather3A_1355, %gather3A_1356, %gather3A_1357] : memref<8x64x128xf32, #tpu.memory_space<vmem>> -> memref<1x64x128xf32, #tpu.memory_space<vmem>>
      %gather3A_1359 = tpu.memref_squeeze %gather3A_1358 : memref<1x64x128xf32, #tpu.memory_space<vmem>> -> memref<64x128xf32, #tpu.memory_space<vmem>>
      %gather3A_1360 = tpu.vector_load_idx %gather3A_1359[%add3A_1354, %broadcast_in_dim3A_1323] : memref<64x128xf32, #tpu.memory_space<vmem>>[vector<16xi32>, vector<16xi32>], vector<16xf32>,
      tpu.vector_store_idx %arg7[%add3A_1354, %broadcast_in_dim3A_1324], %gather3A_1360 : memref<64x512xf32, #tpu.memory_space<vmem>>[vector<16xi32>, vector<16xi32>], vector<16xf32>,
      %lt3A_1361 = arith.constant 31 : i32
      %lt3A_1362 = arith.cmpi slt, %scan3A_189, %lt3A_1361 : i32
      %convert_element_type3A_1363 = arith.extui %lt3A_1362 : i1 to i32
      %cond3A_1364 = arith.constant 0 : i32
      %cond3A_1365 = arith.cmpi ne, %convert_element_type3A_1363, %cond3A_1364 : i32
      scf.if %cond3A_1365 {
        %slice3A_1436 = vector.extract_strided_slice %get3A_201 {offsets = [6], sizes = [1], strides = [1]} : vector<16xi32> to vector<1xi32>
        %squeeze3A_1437 = vector.extract %slice3A_1436[0] : i32 from vector<1xi32>
        %shift_right_logical3A_1438 = arith.constant 7 : i32
        %shift_right_logical3A_1439 = arith.shrui %squeeze3A_1437, %shift_right_logical3A_1438 : i32
        %mul3A_1440 = arith.constant 128 : i32
        %mul3A_1441 = arith.muli %shift_right_logical3A_1439, %mul3A_1440 : i32
        %dma_start3A_1442 = arith.constant 6 : i32
        %dma_start3A_1443 = arith.constant 6 : i32
        %dma_start3A_1444 = arith.constant 0 : i32
        %dma_start3A_1445 = arith.constant 0 : i32
        %dma_start3A_1446 = tpu.memref_slice %arg6[%dma_start3A_1442, %dma_start3A_1444, %dma_start3A_1445] : memref<8x64x128xf32, #tpu.memory_space<vmem>> -> memref<1x64x128xf32, #tpu.memory_space<vmem>>
        %dma_start3A_1447 = tpu.memref_squeeze %dma_start3A_1446 : memref<1x64x128xf32, #tpu.memory_space<vmem>> -> memref<64x128xf32, #tpu.memory_space<vmem>>
        %dma_start3A_1448 = arith.constant 0 : i32
        %dma_start3A_1449 = tpu.memref_slice %arg3[%dma_start3A_1448, %mul3A_1441] : memref<64x1000000xf32, #tpu.memory_space<hbm>> -> memref<64x128xf32, #tpu.memory_space<hbm>>
        %dma_start3A_1450 = tpu.memref_slice %arg8[%dma_start3A_1443] : memref<8x!tpu.dma_semaphore, #tpu.memory_space<semaphore_mem>> -> memref<1x!tpu.dma_semaphore, #tpu.memory_space<semaphore_mem>>
        %dma_start3A_1451 = tpu.memref_squeeze %dma_start3A_1450 : memref<1x!tpu.dma_semaphore, #tpu.memory_space<semaphore_mem>> -> memref<!tpu.dma_semaphore, #tpu.memory_space<semaphore_mem>>
        %dma_start3A_1452 = arith.constant 0 : i32
        %dma_start3A_1453 = arith.constant 0 : i32
        %dma_start3A_1454 = tpu.memref_slice %arg6[%dma_start3A_1442, %dma_start3A_1452, %dma_start3A_1453] : memref<8x64x128xf32, #tpu.memory_space<vmem>> -> memref<1x64x128xf32, #tpu.memory_space<vmem>>
        %dma_start3A_1455 = tpu.memref_squeeze %dma_start3A_1454 : memref<1x64x128xf32, #tpu.memory_space<vmem>> -> memref<64x128xf32, #tpu.memory_space<vmem>>
        %dma_start3A_1456 = arith.constant 0 : i32
        %dma_start3A_1457 = tpu.memref_slice %arg3[%dma_start3A_1456, %mul3A_1441] : memref<64x1000000xf32, #tpu.memory_space<hbm>> -> memref<64x128xf32, #tpu.memory_space<hbm>>
        tpu.enqueue_dma source(%dma_start3A_1457 : memref<64x128xf32, #tpu.memory_space<hbm>>) target(%dma_start3A_1455 : memref<64x128xf32, #tpu.memory_space<vmem>>) target_semaphore(%dma_start3A_1451 : memref<!tpu.dma_semaphore, #tpu.memory_space<semaphore_mem>>)
      } else {
      }
      %mul3A_1366 = arith.constant 16 : i32
      %mul3A_1367 = arith.muli %scan3A_189, %mul3A_1366 : i32
      %add3A_1368 = arith.constant 15 : i32
      %add3A_1369 = arith.addi %mul3A_1367, %add3A_1368 : i32
      %dma_wait3A_1370 = arith.constant 7 : i32
      %dma_wait3A_1371 = arith.constant 7 : i32
      %dma_wait3A_1372 = arith.constant 0 : i32
      %dma_wait3A_1373 = arith.constant 0 : i32
      %dma_wait3A_1374 = tpu.memref_slice %arg6[%dma_wait3A_1370, %dma_wait3A_1372, %dma_wait3A_1373] : memref<8x64x128xf32, #tpu.memory_space<vmem>> -> memref<1x64x128xf32, #tpu.memory_space<vmem>>
      %dma_wait3A_1375 = tpu.memref_squeeze %dma_wait3A_1374 : memref<1x64x128xf32, #tpu.memory_space<vmem>> -> memref<64x128xf32, #tpu.memory_space<vmem>>
      %dma_wait3A_1376 = arith.constant 0 : i32
      %dma_wait3A_1377 = arith.constant 0 : i32
      %dma_wait3A_1378 = tpu.memref_slice %arg3[%dma_wait3A_1376, %dma_wait3A_1377] : memref<64x1000000xf32, #tpu.memory_space<hbm>> -> memref<64x128xf32, #tpu.memory_space<hbm>>
      %dma_wait3A_1379 = tpu.memref_slice %arg8[%dma_wait3A_1371] : memref<8x!tpu.dma_semaphore, #tpu.memory_space<semaphore_mem>> -> memref<1x!tpu.dma_semaphore, #tpu.memory_space<semaphore_mem>>
      %dma_wait3A_1380 = tpu.memref_squeeze %dma_wait3A_1379 : memref<1x!tpu.dma_semaphore, #tpu.memory_space<semaphore_mem>> -> memref<!tpu.dma_semaphore, #tpu.memory_space<semaphore_mem>>
      %dma_wait3A_1381 = arith.constant 0 : i32
      %dma_wait3A_1382 = arith.constant 0 : i32
      %dma_wait3A_1383 = tpu.memref_slice %arg6[%dma_wait3A_1370, %dma_wait3A_1381, %dma_wait3A_1382] : memref<8x64x128xf32, #tpu.memory_space<vmem>> -> memref<1x64x128xf32, #tpu.memory_space<vmem>>
      %dma_wait3A_1384 = tpu.memref_squeeze %dma_wait3A_1383 : memref<1x64x128xf32, #tpu.memory_space<vmem>> -> memref<64x128xf32, #tpu.memory_space<vmem>>
      %dma_wait3A_1385 = arith.constant 0 : i32
      %dma_wait3A_1386 = arith.constant 0 : i32
      %dma_wait3A_1387 = tpu.memref_slice %arg3[%dma_wait3A_1385, %dma_wait3A_1386] : memref<64x1000000xf32, #tpu.memory_space<hbm>> -> memref<64x128xf32, #tpu.memory_space<hbm>>
      tpu.wait_dma2 semaphore(%dma_wait3A_1380 : memref<!tpu.dma_semaphore, #tpu.memory_space<semaphore_mem>>) src(%dma_wait3A_1387 : memref<64x128xf32, #tpu.memory_space<hbm>>) dst(%dma_wait3A_1384 : memref<64x128xf32, #tpu.memory_space<vmem>>)
      %slice3A_1388 = vector.extract_strided_slice %get3A_194 {offsets = [15], sizes = [1], strides = [1]} : vector<16xi32> to vector<1xi32>
      %squeeze3A_1389 = vector.extract %slice3A_1388[0] : i32 from vector<1xi32>
      %and3A_1390 = arith.constant 127 : i32
      %and3A_1391 = arith.andi %squeeze3A_1389, %and3A_1390 : i32
      %broadcast_in_dim3A_1392 = vector.broadcast %and3A_1391 : i32 to vector<16xi32>
      %broadcast_in_dim3A_1393 = vector.broadcast %add3A_1369 : i32 to vector<16xi32>
      %add3A_1394 = arith.constant 0 : i32
      %add3A_1395 = vector.broadcast %add3A_1394 : i32 to vector<16xi32>
      %add3A_1396 = arith.addi %iota3A, %add3A_1395 : vector<16xi32>
      %gather3A_1397 = arith.constant 7 : i32
      %gather3A_1398 = arith.constant 0 : i32
      %gather3A_1399 = arith.constant 0 : i32
      %gather3A_1400 = tpu.memref_slice %arg6[%gather3A_1397, %gather3A_1398, %gather3A_1399] : memref<8x64x128xf32, #tpu.memory_space<vmem>> -> memref<1x64x128xf32, #tpu.memory_space<vmem>>
      %gather3A_1401 = tpu.memref_squeeze %gather3A_1400 : memref<1x64x128xf32, #tpu.memory_space<vmem>> -> memref<64x128xf32, #tpu.memory_space<vmem>>
      %gather3A_1402 = tpu.vector_load_idx %gather3A_1401[%add3A_1396, %broadcast_in_dim3A_1392] : memref<64x128xf32, #tpu.memory_space<vmem>>[vector<16xi32>, vector<16xi32>], vector<16xf32>,
      tpu.vector_store_idx %arg7[%add3A_1396, %broadcast_in_dim3A_1393], %gather3A_1402 : memref<64x512xf32, #tpu.memory_space<vmem>>[vector<16xi32>, vector<16xi32>], vector<16xf32>,
      %add3A_1403 = arith.constant 16 : i32
      %add3A_1404 = vector.broadcast %add3A_1403 : i32 to vector<16xi32>
      %add3A_1405 = arith.addi %iota3A, %add3A_1404 : vector<16xi32>
      %gather3A_1406 = arith.constant 7 : i32
      %gather3A_1407 = arith.constant 0 : i32
      %gather3A_1408 = arith.constant 0 : i32
      %gather3A_1409 = tpu.memref_slice %arg6[%gather3A_1406, %gather3A_1407, %gather3A_1408] : memref<8x64x128xf32, #tpu.memory_space<vmem>> -> memref<1x64x128xf32, #tpu.memory_space<vmem>>
      %gather3A_1410 = tpu.memref_squeeze %gather3A_1409 : memref<1x64x128xf32, #tpu.memory_space<vmem>> -> memref<64x128xf32, #tpu.memory_space<vmem>>
      %gather3A_1411 = tpu.vector_load_idx %gather3A_1410[%add3A_1405, %broadcast_in_dim3A_1392] : memref<64x128xf32, #tpu.memory_space<vmem>>[vector<16xi32>, vector<16xi32>], vector<16xf32>,
      tpu.vector_store_idx %arg7[%add3A_1405, %broadcast_in_dim3A_1393], %gather3A_1411 : memref<64x512xf32, #tpu.memory_space<vmem>>[vector<16xi32>, vector<16xi32>], vector<16xf32>,
      %add3A_1412 = arith.constant 32 : i32
      %add3A_1413 = vector.broadcast %add3A_1412 : i32 to vector<16xi32>
      %add3A_1414 = arith.addi %iota3A, %add3A_1413 : vector<16xi32>
      %gather3A_1415 = arith.constant 7 : i32
      %gather3A_1416 = arith.constant 0 : i32
      %gather3A_1417 = arith.constant 0 : i32
      %gather3A_1418 = tpu.memref_slice %arg6[%gather3A_1415, %gather3A_1416, %gather3A_1417] : memref<8x64x128xf32, #tpu.memory_space<vmem>> -> memref<1x64x128xf32, #tpu.memory_space<vmem>>
      %gather3A_1419 = tpu.memref_squeeze %gather3A_1418 : memref<1x64x128xf32, #tpu.memory_space<vmem>> -> memref<64x128xf32, #tpu.memory_space<vmem>>
      %gather3A_1420 = tpu.vector_load_idx %gather3A_1419[%add3A_1414, %broadcast_in_dim3A_1392] : memref<64x128xf32, #tpu.memory_space<vmem>>[vector<16xi32>, vector<16xi32>], vector<16xf32>,
      tpu.vector_store_idx %arg7[%add3A_1414, %broadcast_in_dim3A_1393], %gather3A_1420 : memref<64x512xf32, #tpu.memory_space<vmem>>[vector<16xi32>, vector<16xi32>], vector<16xf32>,
      %add3A_1421 = arith.constant 48 : i32
      %add3A_1422 = vector.broadcast %add3A_1421 : i32 to vector<16xi32>
      %add3A_1423 = arith.addi %iota3A, %add3A_1422 : vector<16xi32>
      %gather3A_1424 = arith.constant 7 : i32
      %gather3A_1425 = arith.constant 0 : i32
      %gather3A_1426 = arith.constant 0 : i32
      %gather3A_1427 = tpu.memref_slice %arg6[%gather3A_1424, %gather3A_1425, %gather3A_1426] : memref<8x64x128xf32, #tpu.memory_space<vmem>> -> memref<1x64x128xf32, #tpu.memory_space<vmem>>
      %gather3A_1428 = tpu.memref_squeeze %gather3A_1427 : memref<1x64x128xf32, #tpu.memory_space<vmem>> -> memref<64x128xf32, #tpu.memory_space<vmem>>
      %gather3A_1429 = tpu.vector_load_idx %gather3A_1428[%add3A_1423, %broadcast_in_dim3A_1392] : memref<64x128xf32, #tpu.memory_space<vmem>>[vector<16xi32>, vector<16xi32>], vector<16xf32>,
      tpu.vector_store_idx %arg7[%add3A_1423, %broadcast_in_dim3A_1393], %gather3A_1429 : memref<64x512xf32, #tpu.memory_space<vmem>>[vector<16xi32>, vector<16xi32>], vector<16xf32>,
      %lt3A_1430 = arith.constant 31 : i32
      %lt3A_1431 = arith.cmpi slt, %scan3A_189, %lt3A_1430 : i32
      %convert_element_type3A_1432 = arith.extui %lt3A_1431 : i1 to i32
      %cond3A_1433 = arith.constant 0 : i32
      %cond3A_1434 = arith.cmpi ne, %convert_element_type3A_1432, %cond3A_1433 : i32
      scf.if %cond3A_1434 {
        %slice3A_1436 = vector.extract_strided_slice %get3A_201 {offsets = [7], sizes = [1], strides = [1]} : vector<16xi32> to vector<1xi32>
        %squeeze3A_1437 = vector.extract %slice3A_1436[0] : i32 from vector<1xi32>
        %shift_right_logical3A_1438 = arith.constant 7 : i32
        %shift_right_logical3A_1439 = arith.shrui %squeeze3A_1437, %shift_right_logical3A_1438 : i32
        %mul3A_1440 = arith.constant 128 : i32
        %mul3A_1441 = arith.muli %shift_right_logical3A_1439, %mul3A_1440 : i32
        %dma_start3A_1442 = arith.constant 7 : i32
        %dma_start3A_1443 = arith.constant 7 : i32
        %dma_start3A_1444 = arith.constant 0 : i32
        %dma_start3A_1445 = arith.constant 0 : i32
        %dma_start3A_1446 = tpu.memref_slice %arg6[%dma_start3A_1442, %dma_start3A_1444, %dma_start3A_1445] : memref<8x64x128xf32, #tpu.memory_space<vmem>> -> memref<1x64x128xf32, #tpu.memory_space<vmem>>
        %dma_start3A_1447 = tpu.memref_squeeze %dma_start3A_1446 : memref<1x64x128xf32, #tpu.memory_space<vmem>> -> memref<64x128xf32, #tpu.memory_space<vmem>>
        %dma_start3A_1448 = arith.constant 0 : i32
        %dma_start3A_1449 = tpu.memref_slice %arg3[%dma_start3A_1448, %mul3A_1441] : memref<64x1000000xf32, #tpu.memory_space<hbm>> -> memref<64x128xf32, #tpu.memory_space<hbm>>
        %dma_start3A_1450 = tpu.memref_slice %arg8[%dma_start3A_1443] : memref<8x!tpu.dma_semaphore, #tpu.memory_space<semaphore_mem>> -> memref<1x!tpu.dma_semaphore, #tpu.memory_space<semaphore_mem>>
        %dma_start3A_1451 = tpu.memref_squeeze %dma_start3A_1450 : memref<1x!tpu.dma_semaphore, #tpu.memory_space<semaphore_mem>> -> memref<!tpu.dma_semaphore, #tpu.memory_space<semaphore_mem>>
        %dma_start3A_1452 = arith.constant 0 : i32
        %dma_start3A_1453 = arith.constant 0 : i32
        %dma_start3A_1454 = tpu.memref_slice %arg6[%dma_start3A_1442, %dma_start3A_1452, %dma_start3A_1453] : memref<8x64x128xf32, #tpu.memory_space<vmem>> -> memref<1x64x128xf32, #tpu.memory_space<vmem>>
        %dma_start3A_1455 = tpu.memref_squeeze %dma_start3A_1454 : memref<1x64x128xf32, #tpu.memory_space<vmem>> -> memref<64x128xf32, #tpu.memory_space<vmem>>
        %dma_start3A_1456 = arith.constant 0 : i32
        %dma_start3A_1457 = tpu.memref_slice %arg3[%dma_start3A_1456, %mul3A_1441] : memref<64x1000000xf32, #tpu.memory_space<hbm>> -> memref<64x128xf32, #tpu.memory_space<hbm>>
        tpu.enqueue_dma source(%dma_start3A_1457 : memref<64x128xf32, #tpu.memory_space<hbm>>) target(%dma_start3A_1455 : memref<64x128xf32, #tpu.memory_space<vmem>>) target_semaphore(%dma_start3A_1451 : memref<!tpu.dma_semaphore, #tpu.memory_space<semaphore_mem>>)
      } else {
      }
      %scan3A_1435 = arith.constant 0 : i32
      scf.yield %scan3A_1435 : i32
    }
    %scan3A_181 = arith.constant 32 : i32
    %scan3A_182 = arith.constant 0 : i32
    %scan3A_183 = arith.constant 0 : i32
    %scan3A_184 = arith.constant 32 : i32
    %scan3A_185 = arith.addi %scan3A_183, %scan3A_184 : i32
    %scan3A_186 = arith.constant 1 : i32
    %scan3A_187 = scf.for %scan3A_189 = %scan3A_183 to %scan3A_185 step %scan3A_186 iter_args(%scan3A_190 = %scan3A_182) -> (i32)  : i32 {
      %mul3A_191 = arith.constant 16 : i32
      %mul3A_192 = arith.muli %scan3A_189, %mul3A_191 : i32
      %broadcast_in_dim3A = arith.constant 0.000000e+00 : f32
      %broadcast_in_dim3A_193 = vector.broadcast %broadcast_in_dim3A : f32 to vector<16xf32>
      %get3A_194 = arith.constant 0 : i32
      %get3A_195 = arith.index_cast %get3A_194 : i32 to index
      %get3A_196 = arith.index_cast %mul3A_192 : i32 to index
      %get3A_197 = tpu.vector_load %arg7[%get3A_195, %get3A_196] {strides = array<i32>} : memref<64x512xf32, #tpu.memory_space<vmem>>, vector<16xf32>,
      %mul3A_198 = arith.mulf %get3A_197, %get3A_197 : vector<16xf32>
      %add3A_199 = arith.addf %broadcast_in_dim3A_193, %mul3A_198 : vector<16xf32>
      %get3A_200 = arith.constant 1 : i32
      %get3A_201 = arith.index_cast %get3A_200 : i32 to index
      %get3A_202 = arith.index_cast %mul3A_192 : i32 to index
      %get3A_203 = tpu.vector_load %arg7[%get3A_201, %get3A_202] {strides = array<i32>} : memref<64x512xf32, #tpu.memory_space<vmem>>, vector<16xf32>,
      %mul3A_204 = arith.mulf %get3A_203, %get3A_203 : vector<16xf32>
      %add3A_205 = arith.addf %add3A_199, %mul3A_204 : vector<16xf32>
      %get3A_206 = arith.constant 2 : i32
      %get3A_207 = arith.index_cast %get3A_206 : i32 to index
      %get3A_208 = arith.index_cast %mul3A_192 : i32 to index
      %get3A_209 = tpu.vector_load %arg7[%get3A_207, %get3A_208] {strides = array<i32>} : memref<64x512xf32, #tpu.memory_space<vmem>>, vector<16xf32>,
      %mul3A_210 = arith.mulf %get3A_209, %get3A_209 : vector<16xf32>
      %add3A_211 = arith.addf %add3A_205, %mul3A_210 : vector<16xf32>
      %get3A_212 = arith.constant 3 : i32
      %get3A_213 = arith.index_cast %get3A_212 : i32 to index
      %get3A_214 = arith.index_cast %mul3A_192 : i32 to index
      %get3A_215 = tpu.vector_load %arg7[%get3A_213, %get3A_214] {strides = array<i32>} : memref<64x512xf32, #tpu.memory_space<vmem>>, vector<16xf32>,
      %mul3A_216 = arith.mulf %get3A_215, %get3A_215 : vector<16xf32>
      %add3A_217 = arith.addf %add3A_211, %mul3A_216 : vector<16xf32>
      %get3A_218 = arith.constant 4 : i32
      %get3A_219 = arith.index_cast %get3A_218 : i32 to index
      %get3A_220 = arith.index_cast %mul3A_192 : i32 to index
      %get3A_221 = tpu.vector_load %arg7[%get3A_219, %get3A_220] {strides = array<i32>} : memref<64x512xf32, #tpu.memory_space<vmem>>, vector<16xf32>,
      %mul3A_222 = arith.mulf %get3A_221, %get3A_221 : vector<16xf32>
      %add3A_223 = arith.addf %add3A_217, %mul3A_222 : vector<16xf32>
      %get3A_224 = arith.constant 5 : i32
      %get3A_225 = arith.index_cast %get3A_224 : i32 to index
      %get3A_226 = arith.index_cast %mul3A_192 : i32 to index
      %get3A_227 = tpu.vector_load %arg7[%get3A_225, %get3A_226] {strides = array<i32>} : memref<64x512xf32, #tpu.memory_space<vmem>>, vector<16xf32>,
      %mul3A_228 = arith.mulf %get3A_227, %get3A_227 : vector<16xf32>
      %add3A_229 = arith.addf %add3A_223, %mul3A_228 : vector<16xf32>
      %get3A_230 = arith.constant 6 : i32
      %get3A_231 = arith.index_cast %get3A_230 : i32 to index
      %get3A_232 = arith.index_cast %mul3A_192 : i32 to index
      %get3A_233 = tpu.vector_load %arg7[%get3A_231, %get3A_232] {strides = array<i32>} : memref<64x512xf32, #tpu.memory_space<vmem>>, vector<16xf32>,
      %mul3A_234 = arith.mulf %get3A_233, %get3A_233 : vector<16xf32>
      %add3A_235 = arith.addf %add3A_229, %mul3A_234 : vector<16xf32>
      %get3A_236 = arith.constant 7 : i32
      %get3A_237 = arith.index_cast %get3A_236 : i32 to index
      %get3A_238 = arith.index_cast %mul3A_192 : i32 to index
      %get3A_239 = tpu.vector_load %arg7[%get3A_237, %get3A_238] {strides = array<i32>} : memref<64x512xf32, #tpu.memory_space<vmem>>, vector<16xf32>,
      %mul3A_240 = arith.mulf %get3A_239, %get3A_239 : vector<16xf32>
      %add3A_241 = arith.addf %add3A_235, %mul3A_240 : vector<16xf32>
      %get3A_242 = arith.constant 8 : i32
      %get3A_243 = arith.index_cast %get3A_242 : i32 to index
      %get3A_244 = arith.index_cast %mul3A_192 : i32 to index
      %get3A_245 = tpu.vector_load %arg7[%get3A_243, %get3A_244] {strides = array<i32>} : memref<64x512xf32, #tpu.memory_space<vmem>>, vector<16xf32>,
      %mul3A_246 = arith.mulf %get3A_245, %get3A_245 : vector<16xf32>
      %add3A_247 = arith.addf %add3A_241, %mul3A_246 : vector<16xf32>
      %get3A_248 = arith.constant 9 : i32
      %get3A_249 = arith.index_cast %get3A_248 : i32 to index
      %get3A_250 = arith.index_cast %mul3A_192 : i32 to index
      %get3A_251 = tpu.vector_load %arg7[%get3A_249, %get3A_250] {strides = array<i32>} : memref<64x512xf32, #tpu.memory_space<vmem>>, vector<16xf32>,
      %mul3A_252 = arith.mulf %get3A_251, %get3A_251 : vector<16xf32>
      %add3A_253 = arith.addf %add3A_247, %mul3A_252 : vector<16xf32>
      %get3A_254 = arith.constant 10 : i32
      %get3A_255 = arith.index_cast %get3A_254 : i32 to index
      %get3A_256 = arith.index_cast %mul3A_192 : i32 to index
      %get3A_257 = tpu.vector_load %arg7[%get3A_255, %get3A_256] {strides = array<i32>} : memref<64x512xf32, #tpu.memory_space<vmem>>, vector<16xf32>,
      %mul3A_258 = arith.mulf %get3A_257, %get3A_257 : vector<16xf32>
      %add3A_259 = arith.addf %add3A_253, %mul3A_258 : vector<16xf32>
      %get3A_260 = arith.constant 11 : i32
      %get3A_261 = arith.index_cast %get3A_260 : i32 to index
      %get3A_262 = arith.index_cast %mul3A_192 : i32 to index
      %get3A_263 = tpu.vector_load %arg7[%get3A_261, %get3A_262] {strides = array<i32>} : memref<64x512xf32, #tpu.memory_space<vmem>>, vector<16xf32>,
      %mul3A_264 = arith.mulf %get3A_263, %get3A_263 : vector<16xf32>
      %add3A_265 = arith.addf %add3A_259, %mul3A_264 : vector<16xf32>
      %get3A_266 = arith.constant 12 : i32
      %get3A_267 = arith.index_cast %get3A_266 : i32 to index
      %get3A_268 = arith.index_cast %mul3A_192 : i32 to index
      %get3A_269 = tpu.vector_load %arg7[%get3A_267, %get3A_268] {strides = array<i32>} : memref<64x512xf32, #tpu.memory_space<vmem>>, vector<16xf32>,
      %mul3A_270 = arith.mulf %get3A_269, %get3A_269 : vector<16xf32>
      %add3A_271 = arith.addf %add3A_265, %mul3A_270 : vector<16xf32>
      %get3A_272 = arith.constant 13 : i32
      %get3A_273 = arith.index_cast %get3A_272 : i32 to index
      %get3A_274 = arith.index_cast %mul3A_192 : i32 to index
      %get3A_275 = tpu.vector_load %arg7[%get3A_273, %get3A_274] {strides = array<i32>} : memref<64x512xf32, #tpu.memory_space<vmem>>, vector<16xf32>,
      %mul3A_276 = arith.mulf %get3A_275, %get3A_275 : vector<16xf32>
      %add3A_277 = arith.addf %add3A_271, %mul3A_276 : vector<16xf32>
      %get3A_278 = arith.constant 14 : i32
      %get3A_279 = arith.index_cast %get3A_278 : i32 to index
      %get3A_280 = arith.index_cast %mul3A_192 : i32 to index
      %get3A_281 = tpu.vector_load %arg7[%get3A_279, %get3A_280] {strides = array<i32>} : memref<64x512xf32, #tpu.memory_space<vmem>>, vector<16xf32>,
      %mul3A_282 = arith.mulf %get3A_281, %get3A_281 : vector<16xf32>
      %add3A_283 = arith.addf %add3A_277, %mul3A_282 : vector<16xf32>
      %get3A_284 = arith.constant 15 : i32
      %get3A_285 = arith.index_cast %get3A_284 : i32 to index
      %get3A_286 = arith.index_cast %mul3A_192 : i32 to index
      %get3A_287 = tpu.vector_load %arg7[%get3A_285, %get3A_286] {strides = array<i32>} : memref<64x512xf32, #tpu.memory_space<vmem>>, vector<16xf32>,
      %mul3A_288 = arith.mulf %get3A_287, %get3A_287 : vector<16xf32>
      %add3A_289 = arith.addf %add3A_283, %mul3A_288 : vector<16xf32>
      %get3A_290 = arith.constant 16 : i32
      %get3A_291 = arith.index_cast %get3A_290 : i32 to index
      %get3A_292 = arith.index_cast %mul3A_192 : i32 to index
      %get3A_293 = tpu.vector_load %arg7[%get3A_291, %get3A_292] {strides = array<i32>} : memref<64x512xf32, #tpu.memory_space<vmem>>, vector<16xf32>,
      %mul3A_294 = arith.mulf %get3A_293, %get3A_293 : vector<16xf32>
      %add3A_295 = arith.addf %add3A_289, %mul3A_294 : vector<16xf32>
      %get3A_296 = arith.constant 17 : i32
      %get3A_297 = arith.index_cast %get3A_296 : i32 to index
      %get3A_298 = arith.index_cast %mul3A_192 : i32 to index
      %get3A_299 = tpu.vector_load %arg7[%get3A_297, %get3A_298] {strides = array<i32>} : memref<64x512xf32, #tpu.memory_space<vmem>>, vector<16xf32>,
      %mul3A_300 = arith.mulf %get3A_299, %get3A_299 : vector<16xf32>
      %add3A_301 = arith.addf %add3A_295, %mul3A_300 : vector<16xf32>
      %get3A_302 = arith.constant 18 : i32
      %get3A_303 = arith.index_cast %get3A_302 : i32 to index
      %get3A_304 = arith.index_cast %mul3A_192 : i32 to index
      %get3A_305 = tpu.vector_load %arg7[%get3A_303, %get3A_304] {strides = array<i32>} : memref<64x512xf32, #tpu.memory_space<vmem>>, vector<16xf32>,
      %mul3A_306 = arith.mulf %get3A_305, %get3A_305 : vector<16xf32>
      %add3A_307 = arith.addf %add3A_301, %mul3A_306 : vector<16xf32>
      %get3A_308 = arith.constant 19 : i32
      %get3A_309 = arith.index_cast %get3A_308 : i32 to index
      %get3A_310 = arith.index_cast %mul3A_192 : i32 to index
      %get3A_311 = tpu.vector_load %arg7[%get3A_309, %get3A_310] {strides = array<i32>} : memref<64x512xf32, #tpu.memory_space<vmem>>, vector<16xf32>,
      %mul3A_312 = arith.mulf %get3A_311, %get3A_311 : vector<16xf32>
      %add3A_313 = arith.addf %add3A_307, %mul3A_312 : vector<16xf32>
      %get3A_314 = arith.constant 20 : i32
      %get3A_315 = arith.index_cast %get3A_314 : i32 to index
      %get3A_316 = arith.index_cast %mul3A_192 : i32 to index
      %get3A_317 = tpu.vector_load %arg7[%get3A_315, %get3A_316] {strides = array<i32>} : memref<64x512xf32, #tpu.memory_space<vmem>>, vector<16xf32>,
      %mul3A_318 = arith.mulf %get3A_317, %get3A_317 : vector<16xf32>
      %add3A_319 = arith.addf %add3A_313, %mul3A_318 : vector<16xf32>
      %get3A_320 = arith.constant 21 : i32
      %get3A_321 = arith.index_cast %get3A_320 : i32 to index
      %get3A_322 = arith.index_cast %mul3A_192 : i32 to index
      %get3A_323 = tpu.vector_load %arg7[%get3A_321, %get3A_322] {strides = array<i32>} : memref<64x512xf32, #tpu.memory_space<vmem>>, vector<16xf32>,
      %mul3A_324 = arith.mulf %get3A_323, %get3A_323 : vector<16xf32>
      %add3A_325 = arith.addf %add3A_319, %mul3A_324 : vector<16xf32>
      %get3A_326 = arith.constant 22 : i32
      %get3A_327 = arith.index_cast %get3A_326 : i32 to index
      %get3A_328 = arith.index_cast %mul3A_192 : i32 to index
      %get3A_329 = tpu.vector_load %arg7[%get3A_327, %get3A_328] {strides = array<i32>} : memref<64x512xf32, #tpu.memory_space<vmem>>, vector<16xf32>,
      %mul3A_330 = arith.mulf %get3A_329, %get3A_329 : vector<16xf32>
      %add3A_331 = arith.addf %add3A_325, %mul3A_330 : vector<16xf32>
      %get3A_332 = arith.constant 23 : i32
      %get3A_333 = arith.index_cast %get3A_332 : i32 to index
      %get3A_334 = arith.index_cast %mul3A_192 : i32 to index
      %get3A_335 = tpu.vector_load %arg7[%get3A_333, %get3A_334] {strides = array<i32>} : memref<64x512xf32, #tpu.memory_space<vmem>>, vector<16xf32>,
      %mul3A_336 = arith.mulf %get3A_335, %get3A_335 : vector<16xf32>
      %add3A_337 = arith.addf %add3A_331, %mul3A_336 : vector<16xf32>
      %get3A_338 = arith.constant 24 : i32
      %get3A_339 = arith.index_cast %get3A_338 : i32 to index
      %get3A_340 = arith.index_cast %mul3A_192 : i32 to index
      %get3A_341 = tpu.vector_load %arg7[%get3A_339, %get3A_340] {strides = array<i32>} : memref<64x512xf32, #tpu.memory_space<vmem>>, vector<16xf32>,
      %mul3A_342 = arith.mulf %get3A_341, %get3A_341 : vector<16xf32>
      %add3A_343 = arith.addf %add3A_337, %mul3A_342 : vector<16xf32>
      %get3A_344 = arith.constant 25 : i32
      %get3A_345 = arith.index_cast %get3A_344 : i32 to index
      %get3A_346 = arith.index_cast %mul3A_192 : i32 to index
      %get3A_347 = tpu.vector_load %arg7[%get3A_345, %get3A_346] {strides = array<i32>} : memref<64x512xf32, #tpu.memory_space<vmem>>, vector<16xf32>,
      %mul3A_348 = arith.mulf %get3A_347, %get3A_347 : vector<16xf32>
      %add3A_349 = arith.addf %add3A_343, %mul3A_348 : vector<16xf32>
      %get3A_350 = arith.constant 26 : i32
      %get3A_351 = arith.index_cast %get3A_350 : i32 to index
      %get3A_352 = arith.index_cast %mul3A_192 : i32 to index
      %get3A_353 = tpu.vector_load %arg7[%get3A_351, %get3A_352] {strides = array<i32>} : memref<64x512xf32, #tpu.memory_space<vmem>>, vector<16xf32>,
      %mul3A_354 = arith.mulf %get3A_353, %get3A_353 : vector<16xf32>
      %add3A_355 = arith.addf %add3A_349, %mul3A_354 : vector<16xf32>
      %get3A_356 = arith.constant 27 : i32
      %get3A_357 = arith.index_cast %get3A_356 : i32 to index
      %get3A_358 = arith.index_cast %mul3A_192 : i32 to index
      %get3A_359 = tpu.vector_load %arg7[%get3A_357, %get3A_358] {strides = array<i32>} : memref<64x512xf32, #tpu.memory_space<vmem>>, vector<16xf32>,
      %mul3A_360 = arith.mulf %get3A_359, %get3A_359 : vector<16xf32>
      %add3A_361 = arith.addf %add3A_355, %mul3A_360 : vector<16xf32>
      %get3A_362 = arith.constant 28 : i32
      %get3A_363 = arith.index_cast %get3A_362 : i32 to index
      %get3A_364 = arith.index_cast %mul3A_192 : i32 to index
      %get3A_365 = tpu.vector_load %arg7[%get3A_363, %get3A_364] {strides = array<i32>} : memref<64x512xf32, #tpu.memory_space<vmem>>, vector<16xf32>,
      %mul3A_366 = arith.mulf %get3A_365, %get3A_365 : vector<16xf32>
      %add3A_367 = arith.addf %add3A_361, %mul3A_366 : vector<16xf32>
      %get3A_368 = arith.constant 29 : i32
      %get3A_369 = arith.index_cast %get3A_368 : i32 to index
      %get3A_370 = arith.index_cast %mul3A_192 : i32 to index
      %get3A_371 = tpu.vector_load %arg7[%get3A_369, %get3A_370] {strides = array<i32>} : memref<64x512xf32, #tpu.memory_space<vmem>>, vector<16xf32>,
      %mul3A_372 = arith.mulf %get3A_371, %get3A_371 : vector<16xf32>
      %add3A_373 = arith.addf %add3A_367, %mul3A_372 : vector<16xf32>
      %get3A_374 = arith.constant 30 : i32
      %get3A_375 = arith.index_cast %get3A_374 : i32 to index
      %get3A_376 = arith.index_cast %mul3A_192 : i32 to index
      %get3A_377 = tpu.vector_load %arg7[%get3A_375, %get3A_376] {strides = array<i32>} : memref<64x512xf32, #tpu.memory_space<vmem>>, vector<16xf32>,
      %mul3A_378 = arith.mulf %get3A_377, %get3A_377 : vector<16xf32>
      %add3A_379 = arith.addf %add3A_373, %mul3A_378 : vector<16xf32>
      %get3A_380 = arith.constant 31 : i32
      %get3A_381 = arith.index_cast %get3A_380 : i32 to index
      %get3A_382 = arith.index_cast %mul3A_192 : i32 to index
      %get3A_383 = tpu.vector_load %arg7[%get3A_381, %get3A_382] {strides = array<i32>} : memref<64x512xf32, #tpu.memory_space<vmem>>, vector<16xf32>,
      %mul3A_384 = arith.mulf %get3A_383, %get3A_383 : vector<16xf32>
      %add3A_385 = arith.addf %add3A_379, %mul3A_384 : vector<16xf32>
      %get3A_386 = arith.constant 32 : i32
      %get3A_387 = arith.index_cast %get3A_386 : i32 to index
      %get3A_388 = arith.index_cast %mul3A_192 : i32 to index
      %get3A_389 = tpu.vector_load %arg7[%get3A_387, %get3A_388] {strides = array<i32>} : memref<64x512xf32, #tpu.memory_space<vmem>>, vector<16xf32>,
      %mul3A_390 = arith.mulf %get3A_389, %get3A_389 : vector<16xf32>
      %add3A_391 = arith.addf %add3A_385, %mul3A_390 : vector<16xf32>
      %get3A_392 = arith.constant 33 : i32
      %get3A_393 = arith.index_cast %get3A_392 : i32 to index
      %get3A_394 = arith.index_cast %mul3A_192 : i32 to index
      %get3A_395 = tpu.vector_load %arg7[%get3A_393, %get3A_394] {strides = array<i32>} : memref<64x512xf32, #tpu.memory_space<vmem>>, vector<16xf32>,
      %mul3A_396 = arith.mulf %get3A_395, %get3A_395 : vector<16xf32>
      %add3A_397 = arith.addf %add3A_391, %mul3A_396 : vector<16xf32>
      %get3A_398 = arith.constant 34 : i32
      %get3A_399 = arith.index_cast %get3A_398 : i32 to index
      %get3A_400 = arith.index_cast %mul3A_192 : i32 to index
      %get3A_401 = tpu.vector_load %arg7[%get3A_399, %get3A_400] {strides = array<i32>} : memref<64x512xf32, #tpu.memory_space<vmem>>, vector<16xf32>,
      %mul3A_402 = arith.mulf %get3A_401, %get3A_401 : vector<16xf32>
      %add3A_403 = arith.addf %add3A_397, %mul3A_402 : vector<16xf32>
      %get3A_404 = arith.constant 35 : i32
      %get3A_405 = arith.index_cast %get3A_404 : i32 to index
      %get3A_406 = arith.index_cast %mul3A_192 : i32 to index
      %get3A_407 = tpu.vector_load %arg7[%get3A_405, %get3A_406] {strides = array<i32>} : memref<64x512xf32, #tpu.memory_space<vmem>>, vector<16xf32>,
      %mul3A_408 = arith.mulf %get3A_407, %get3A_407 : vector<16xf32>
      %add3A_409 = arith.addf %add3A_403, %mul3A_408 : vector<16xf32>
      %get3A_410 = arith.constant 36 : i32
      %get3A_411 = arith.index_cast %get3A_410 : i32 to index
      %get3A_412 = arith.index_cast %mul3A_192 : i32 to index
      %get3A_413 = tpu.vector_load %arg7[%get3A_411, %get3A_412] {strides = array<i32>} : memref<64x512xf32, #tpu.memory_space<vmem>>, vector<16xf32>,
      %mul3A_414 = arith.mulf %get3A_413, %get3A_413 : vector<16xf32>
      %add3A_415 = arith.addf %add3A_409, %mul3A_414 : vector<16xf32>
      %get3A_416 = arith.constant 37 : i32
      %get3A_417 = arith.index_cast %get3A_416 : i32 to index
      %get3A_418 = arith.index_cast %mul3A_192 : i32 to index
      %get3A_419 = tpu.vector_load %arg7[%get3A_417, %get3A_418] {strides = array<i32>} : memref<64x512xf32, #tpu.memory_space<vmem>>, vector<16xf32>,
      %mul3A_420 = arith.mulf %get3A_419, %get3A_419 : vector<16xf32>
      %add3A_421 = arith.addf %add3A_415, %mul3A_420 : vector<16xf32>
      %get3A_422 = arith.constant 38 : i32
      %get3A_423 = arith.index_cast %get3A_422 : i32 to index
      %get3A_424 = arith.index_cast %mul3A_192 : i32 to index
      %get3A_425 = tpu.vector_load %arg7[%get3A_423, %get3A_424] {strides = array<i32>} : memref<64x512xf32, #tpu.memory_space<vmem>>, vector<16xf32>,
      %mul3A_426 = arith.mulf %get3A_425, %get3A_425 : vector<16xf32>
      %add3A_427 = arith.addf %add3A_421, %mul3A_426 : vector<16xf32>
      %get3A_428 = arith.constant 39 : i32
      %get3A_429 = arith.index_cast %get3A_428 : i32 to index
      %get3A_430 = arith.index_cast %mul3A_192 : i32 to index
      %get3A_431 = tpu.vector_load %arg7[%get3A_429, %get3A_430] {strides = array<i32>} : memref<64x512xf32, #tpu.memory_space<vmem>>, vector<16xf32>,
      %mul3A_432 = arith.mulf %get3A_431, %get3A_431 : vector<16xf32>
      %add3A_433 = arith.addf %add3A_427, %mul3A_432 : vector<16xf32>
      %get3A_434 = arith.constant 40 : i32
      %get3A_435 = arith.index_cast %get3A_434 : i32 to index
      %get3A_436 = arith.index_cast %mul3A_192 : i32 to index
      %get3A_437 = tpu.vector_load %arg7[%get3A_435, %get3A_436] {strides = array<i32>} : memref<64x512xf32, #tpu.memory_space<vmem>>, vector<16xf32>,
      %mul3A_438 = arith.mulf %get3A_437, %get3A_437 : vector<16xf32>
      %add3A_439 = arith.addf %add3A_433, %mul3A_438 : vector<16xf32>
      %get3A_440 = arith.constant 41 : i32
      %get3A_441 = arith.index_cast %get3A_440 : i32 to index
      %get3A_442 = arith.index_cast %mul3A_192 : i32 to index
      %get3A_443 = tpu.vector_load %arg7[%get3A_441, %get3A_442] {strides = array<i32>} : memref<64x512xf32, #tpu.memory_space<vmem>>, vector<16xf32>,
      %mul3A_444 = arith.mulf %get3A_443, %get3A_443 : vector<16xf32>
      %add3A_445 = arith.addf %add3A_439, %mul3A_444 : vector<16xf32>
      %get3A_446 = arith.constant 42 : i32
      %get3A_447 = arith.index_cast %get3A_446 : i32 to index
      %get3A_448 = arith.index_cast %mul3A_192 : i32 to index
      %get3A_449 = tpu.vector_load %arg7[%get3A_447, %get3A_448] {strides = array<i32>} : memref<64x512xf32, #tpu.memory_space<vmem>>, vector<16xf32>,
      %mul3A_450 = arith.mulf %get3A_449, %get3A_449 : vector<16xf32>
      %add3A_451 = arith.addf %add3A_445, %mul3A_450 : vector<16xf32>
      %get3A_452 = arith.constant 43 : i32
      %get3A_453 = arith.index_cast %get3A_452 : i32 to index
      %get3A_454 = arith.index_cast %mul3A_192 : i32 to index
      %get3A_455 = tpu.vector_load %arg7[%get3A_453, %get3A_454] {strides = array<i32>} : memref<64x512xf32, #tpu.memory_space<vmem>>, vector<16xf32>,
      %mul3A_456 = arith.mulf %get3A_455, %get3A_455 : vector<16xf32>
      %add3A_457 = arith.addf %add3A_451, %mul3A_456 : vector<16xf32>
      %get3A_458 = arith.constant 44 : i32
      %get3A_459 = arith.index_cast %get3A_458 : i32 to index
      %get3A_460 = arith.index_cast %mul3A_192 : i32 to index
      %get3A_461 = tpu.vector_load %arg7[%get3A_459, %get3A_460] {strides = array<i32>} : memref<64x512xf32, #tpu.memory_space<vmem>>, vector<16xf32>,
      %mul3A_462 = arith.mulf %get3A_461, %get3A_461 : vector<16xf32>
      %add3A_463 = arith.addf %add3A_457, %mul3A_462 : vector<16xf32>
      %get3A_464 = arith.constant 45 : i32
      %get3A_465 = arith.index_cast %get3A_464 : i32 to index
      %get3A_466 = arith.index_cast %mul3A_192 : i32 to index
      %get3A_467 = tpu.vector_load %arg7[%get3A_465, %get3A_466] {strides = array<i32>} : memref<64x512xf32, #tpu.memory_space<vmem>>, vector<16xf32>,
      %mul3A_468 = arith.mulf %get3A_467, %get3A_467 : vector<16xf32>
      %add3A_469 = arith.addf %add3A_463, %mul3A_468 : vector<16xf32>
      %get3A_470 = arith.constant 46 : i32
      %get3A_471 = arith.index_cast %get3A_470 : i32 to index
      %get3A_472 = arith.index_cast %mul3A_192 : i32 to index
      %get3A_473 = tpu.vector_load %arg7[%get3A_471, %get3A_472] {strides = array<i32>} : memref<64x512xf32, #tpu.memory_space<vmem>>, vector<16xf32>,
      %mul3A_474 = arith.mulf %get3A_473, %get3A_473 : vector<16xf32>
      %add3A_475 = arith.addf %add3A_469, %mul3A_474 : vector<16xf32>
      %get3A_476 = arith.constant 47 : i32
      %get3A_477 = arith.index_cast %get3A_476 : i32 to index
      %get3A_478 = arith.index_cast %mul3A_192 : i32 to index
      %get3A_479 = tpu.vector_load %arg7[%get3A_477, %get3A_478] {strides = array<i32>} : memref<64x512xf32, #tpu.memory_space<vmem>>, vector<16xf32>,
      %mul3A_480 = arith.mulf %get3A_479, %get3A_479 : vector<16xf32>
      %add3A_481 = arith.addf %add3A_475, %mul3A_480 : vector<16xf32>
      %get3A_482 = arith.constant 48 : i32
      %get3A_483 = arith.index_cast %get3A_482 : i32 to index
      %get3A_484 = arith.index_cast %mul3A_192 : i32 to index
      %get3A_485 = tpu.vector_load %arg7[%get3A_483, %get3A_484] {strides = array<i32>} : memref<64x512xf32, #tpu.memory_space<vmem>>, vector<16xf32>,
      %mul3A_486 = arith.mulf %get3A_485, %get3A_485 : vector<16xf32>
      %add3A_487 = arith.addf %add3A_481, %mul3A_486 : vector<16xf32>
      %get3A_488 = arith.constant 49 : i32
      %get3A_489 = arith.index_cast %get3A_488 : i32 to index
      %get3A_490 = arith.index_cast %mul3A_192 : i32 to index
      %get3A_491 = tpu.vector_load %arg7[%get3A_489, %get3A_490] {strides = array<i32>} : memref<64x512xf32, #tpu.memory_space<vmem>>, vector<16xf32>,
      %mul3A_492 = arith.mulf %get3A_491, %get3A_491 : vector<16xf32>
      %add3A_493 = arith.addf %add3A_487, %mul3A_492 : vector<16xf32>
      %get3A_494 = arith.constant 50 : i32
      %get3A_495 = arith.index_cast %get3A_494 : i32 to index
      %get3A_496 = arith.index_cast %mul3A_192 : i32 to index
      %get3A_497 = tpu.vector_load %arg7[%get3A_495, %get3A_496] {strides = array<i32>} : memref<64x512xf32, #tpu.memory_space<vmem>>, vector<16xf32>,
      %mul3A_498 = arith.mulf %get3A_497, %get3A_497 : vector<16xf32>
      %add3A_499 = arith.addf %add3A_493, %mul3A_498 : vector<16xf32>
      %get3A_500 = arith.constant 51 : i32
      %get3A_501 = arith.index_cast %get3A_500 : i32 to index
      %get3A_502 = arith.index_cast %mul3A_192 : i32 to index
      %get3A_503 = tpu.vector_load %arg7[%get3A_501, %get3A_502] {strides = array<i32>} : memref<64x512xf32, #tpu.memory_space<vmem>>, vector<16xf32>,
      %mul3A_504 = arith.mulf %get3A_503, %get3A_503 : vector<16xf32>
      %add3A_505 = arith.addf %add3A_499, %mul3A_504 : vector<16xf32>
      %get3A_506 = arith.constant 52 : i32
      %get3A_507 = arith.index_cast %get3A_506 : i32 to index
      %get3A_508 = arith.index_cast %mul3A_192 : i32 to index
      %get3A_509 = tpu.vector_load %arg7[%get3A_507, %get3A_508] {strides = array<i32>} : memref<64x512xf32, #tpu.memory_space<vmem>>, vector<16xf32>,
      %mul3A_510 = arith.mulf %get3A_509, %get3A_509 : vector<16xf32>
      %add3A_511 = arith.addf %add3A_505, %mul3A_510 : vector<16xf32>
      %get3A_512 = arith.constant 53 : i32
      %get3A_513 = arith.index_cast %get3A_512 : i32 to index
      %get3A_514 = arith.index_cast %mul3A_192 : i32 to index
      %get3A_515 = tpu.vector_load %arg7[%get3A_513, %get3A_514] {strides = array<i32>} : memref<64x512xf32, #tpu.memory_space<vmem>>, vector<16xf32>,
      %mul3A_516 = arith.mulf %get3A_515, %get3A_515 : vector<16xf32>
      %add3A_517 = arith.addf %add3A_511, %mul3A_516 : vector<16xf32>
      %get3A_518 = arith.constant 54 : i32
      %get3A_519 = arith.index_cast %get3A_518 : i32 to index
      %get3A_520 = arith.index_cast %mul3A_192 : i32 to index
      %get3A_521 = tpu.vector_load %arg7[%get3A_519, %get3A_520] {strides = array<i32>} : memref<64x512xf32, #tpu.memory_space<vmem>>, vector<16xf32>,
      %mul3A_522 = arith.mulf %get3A_521, %get3A_521 : vector<16xf32>
      %add3A_523 = arith.addf %add3A_517, %mul3A_522 : vector<16xf32>
      %get3A_524 = arith.constant 55 : i32
      %get3A_525 = arith.index_cast %get3A_524 : i32 to index
      %get3A_526 = arith.index_cast %mul3A_192 : i32 to index
      %get3A_527 = tpu.vector_load %arg7[%get3A_525, %get3A_526] {strides = array<i32>} : memref<64x512xf32, #tpu.memory_space<vmem>>, vector<16xf32>,
      %mul3A_528 = arith.mulf %get3A_527, %get3A_527 : vector<16xf32>
      %add3A_529 = arith.addf %add3A_523, %mul3A_528 : vector<16xf32>
      %get3A_530 = arith.constant 56 : i32
      %get3A_531 = arith.index_cast %get3A_530 : i32 to index
      %get3A_532 = arith.index_cast %mul3A_192 : i32 to index
      %get3A_533 = tpu.vector_load %arg7[%get3A_531, %get3A_532] {strides = array<i32>} : memref<64x512xf32, #tpu.memory_space<vmem>>, vector<16xf32>,
      %mul3A_534 = arith.mulf %get3A_533, %get3A_533 : vector<16xf32>
      %add3A_535 = arith.addf %add3A_529, %mul3A_534 : vector<16xf32>
      %get3A_536 = arith.constant 57 : i32
      %get3A_537 = arith.index_cast %get3A_536 : i32 to index
      %get3A_538 = arith.index_cast %mul3A_192 : i32 to index
      %get3A_539 = tpu.vector_load %arg7[%get3A_537, %get3A_538] {strides = array<i32>} : memref<64x512xf32, #tpu.memory_space<vmem>>, vector<16xf32>,
      %mul3A_540 = arith.mulf %get3A_539, %get3A_539 : vector<16xf32>
      %add3A_541 = arith.addf %add3A_535, %mul3A_540 : vector<16xf32>
      %get3A_542 = arith.constant 58 : i32
      %get3A_543 = arith.index_cast %get3A_542 : i32 to index
      %get3A_544 = arith.index_cast %mul3A_192 : i32 to index
      %get3A_545 = tpu.vector_load %arg7[%get3A_543, %get3A_544] {strides = array<i32>} : memref<64x512xf32, #tpu.memory_space<vmem>>, vector<16xf32>,
      %mul3A_546 = arith.mulf %get3A_545, %get3A_545 : vector<16xf32>
      %add3A_547 = arith.addf %add3A_541, %mul3A_546 : vector<16xf32>
      %get3A_548 = arith.constant 59 : i32
      %get3A_549 = arith.index_cast %get3A_548 : i32 to index
      %get3A_550 = arith.index_cast %mul3A_192 : i32 to index
      %get3A_551 = tpu.vector_load %arg7[%get3A_549, %get3A_550] {strides = array<i32>} : memref<64x512xf32, #tpu.memory_space<vmem>>, vector<16xf32>,
      %mul3A_552 = arith.mulf %get3A_551, %get3A_551 : vector<16xf32>
      %add3A_553 = arith.addf %add3A_547, %mul3A_552 : vector<16xf32>
      %get3A_554 = arith.constant 60 : i32
      %get3A_555 = arith.index_cast %get3A_554 : i32 to index
      %get3A_556 = arith.index_cast %mul3A_192 : i32 to index
      %get3A_557 = tpu.vector_load %arg7[%get3A_555, %get3A_556] {strides = array<i32>} : memref<64x512xf32, #tpu.memory_space<vmem>>, vector<16xf32>,
      %mul3A_558 = arith.mulf %get3A_557, %get3A_557 : vector<16xf32>
      %add3A_559 = arith.addf %add3A_553, %mul3A_558 : vector<16xf32>
      %get3A_560 = arith.constant 61 : i32
      %get3A_561 = arith.index_cast %get3A_560 : i32 to index
      %get3A_562 = arith.index_cast %mul3A_192 : i32 to index
      %get3A_563 = tpu.vector_load %arg7[%get3A_561, %get3A_562] {strides = array<i32>} : memref<64x512xf32, #tpu.memory_space<vmem>>, vector<16xf32>,
      %mul3A_564 = arith.mulf %get3A_563, %get3A_563 : vector<16xf32>
      %add3A_565 = arith.addf %add3A_559, %mul3A_564 : vector<16xf32>
      %get3A_566 = arith.constant 62 : i32
      %get3A_567 = arith.index_cast %get3A_566 : i32 to index
      %get3A_568 = arith.index_cast %mul3A_192 : i32 to index
      %get3A_569 = tpu.vector_load %arg7[%get3A_567, %get3A_568] {strides = array<i32>} : memref<64x512xf32, #tpu.memory_space<vmem>>, vector<16xf32>,
      %mul3A_570 = arith.mulf %get3A_569, %get3A_569 : vector<16xf32>
      %add3A_571 = arith.addf %add3A_565, %mul3A_570 : vector<16xf32>
      %get3A_572 = arith.constant 63 : i32
      %get3A_573 = arith.index_cast %get3A_572 : i32 to index
      %get3A_574 = arith.index_cast %mul3A_192 : i32 to index
      %get3A_575 = tpu.vector_load %arg7[%get3A_573, %get3A_574] {strides = array<i32>} : memref<64x512xf32, #tpu.memory_space<vmem>>, vector<16xf32>,
      %mul3A_576 = arith.mulf %get3A_575, %get3A_575 : vector<16xf32>
      %add3A_577 = arith.addf %add3A_571, %mul3A_576 : vector<16xf32>
      %gt3A = arith.constant 1.000000e-24 : f32
      %gt3A_578 = vector.broadcast %gt3A : f32 to vector<16xf32>
      %gt3A_579 = arith.cmpf ogt, %add3A_577, %gt3A_578 : vector<16xf32>
      %bitcast_convert_type3A = tpu.bitcast %add3A_577 : vector<16xf32> -> vector<16xi32>
      %shift_right_arithmetic3A = arith.constant 1 : i32
      %shift_right_arithmetic3A_580 = vector.broadcast %shift_right_arithmetic3A : i32 to vector<16xi32>
      %shift_right_arithmetic3A_581 = arith.shrsi %bitcast_convert_type3A, %shift_right_arithmetic3A_580 : vector<16xi32>
      %sub3A = arith.constant 1597463007 : i32
      %sub3A_582 = vector.broadcast %sub3A : i32 to vector<16xi32>
      %sub3A_583 = arith.subi %sub3A_582, %shift_right_arithmetic3A_581 : vector<16xi32>
      %bitcast_convert_type3A_584 = tpu.bitcast %sub3A_583 : vector<16xi32> -> vector<16xf32>
      %mul3A_585 = arith.constant 5.000000e-01 : f32
      %mul3A_586 = vector.broadcast %mul3A_585 : f32 to vector<16xf32>
      %mul3A_587 = arith.mulf %mul3A_586, %add3A_577 : vector<16xf32>
      %mul3A_588 = arith.mulf %mul3A_587, %bitcast_convert_type3A_584 : vector<16xf32>
      %mul3A_589 = arith.mulf %mul3A_588, %bitcast_convert_type3A_584 : vector<16xf32>
      %sub3A_590 = arith.constant 1.500000e+00 : f32
      %sub3A_591 = vector.broadcast %sub3A_590 : f32 to vector<16xf32>
      %sub3A_592 = arith.subf %sub3A_591, %mul3A_589 : vector<16xf32>
      %mul3A_593 = arith.mulf %bitcast_convert_type3A_584, %sub3A_592 : vector<16xf32>
      %mul3A_594 = arith.constant 5.000000e-01 : f32
      %mul3A_595 = vector.broadcast %mul3A_594 : f32 to vector<16xf32>
      %mul3A_596 = arith.mulf %mul3A_595, %add3A_577 : vector<16xf32>
      %mul3A_597 = arith.mulf %mul3A_596, %mul3A_593 : vector<16xf32>
      %mul3A_598 = arith.mulf %mul3A_597, %mul3A_593 : vector<16xf32>
      %sub3A_599 = arith.constant 1.500000e+00 : f32
      %sub3A_600 = vector.broadcast %sub3A_599 : f32 to vector<16xf32>
      %sub3A_601 = arith.subf %sub3A_600, %mul3A_598 : vector<16xf32>
      %mul3A_602 = arith.mulf %mul3A_593, %sub3A_601 : vector<16xf32>
      %mul3A_603 = arith.constant 5.000000e-01 : f32
      %mul3A_604 = vector.broadcast %mul3A_603 : f32 to vector<16xf32>
      %mul3A_605 = arith.mulf %mul3A_604, %add3A_577 : vector<16xf32>
      %mul3A_606 = arith.mulf %mul3A_605, %mul3A_602 : vector<16xf32>
      %mul3A_607 = arith.mulf %mul3A_606, %mul3A_602 : vector<16xf32>
      %sub3A_608 = arith.constant 1.500000e+00 : f32
      %sub3A_609 = vector.broadcast %sub3A_608 : f32 to vector<16xf32>
      %sub3A_610 = arith.subf %sub3A_609, %mul3A_607 : vector<16xf32>
      %mul3A_611 = arith.mulf %mul3A_602, %sub3A_610 : vector<16xf32>
      %jit3A = arith.constant 9.99999995E+11 : f32
      %broadcast_in_dim3A_612 = vector.broadcast %jit3A : f32 to vector<16xf32>
      %select_n3A = arith.select %gt3A_579, %mul3A_611, %broadcast_in_dim3A_612 : vector<16xi1>, vector<16xf32>
      %get3A_613 = arith.constant 0 : i32
      %get3A_614 = arith.index_cast %get3A_613 : i32 to index
      %get3A_615 = arith.index_cast %mul3A_192 : i32 to index
      %get3A_616 = tpu.vector_load %arg7[%get3A_614, %get3A_615] {strides = array<i32>} : memref<64x512xf32, #tpu.memory_space<vmem>>, vector<16xf32>,
      %mul3A_617 = arith.mulf %get3A_616, %select_n3A : vector<16xf32>
      %swap3A = arith.constant 0 : i32
      %swap3A_618 = arith.index_cast %swap3A : i32 to index
      %swap3A_619 = arith.index_cast %mul3A_192 : i32 to index
      %swap3A_620 = tpu.vector_load %arg7[%swap3A_618, %swap3A_619] {strides = array<i32>} : memref<64x512xf32, #tpu.memory_space<vmem>>, vector<16xf32>,
      tpu.vector_store %arg7[%swap3A_618, %swap3A_619], %mul3A_617 {strides = array<i32>} : memref<64x512xf32, #tpu.memory_space<vmem>>, vector<16xf32>,
      %get3A_621 = arith.constant 1 : i32
      %get3A_622 = arith.index_cast %get3A_621 : i32 to index
      %get3A_623 = arith.index_cast %mul3A_192 : i32 to index
      %get3A_624 = tpu.vector_load %arg7[%get3A_622, %get3A_623] {strides = array<i32>} : memref<64x512xf32, #tpu.memory_space<vmem>>, vector<16xf32>,
      %mul3A_625 = arith.mulf %get3A_624, %select_n3A : vector<16xf32>
      %swap3A_626 = arith.constant 1 : i32
      %swap3A_627 = arith.index_cast %swap3A_626 : i32 to index
      %swap3A_628 = arith.index_cast %mul3A_192 : i32 to index
      %swap3A_629 = tpu.vector_load %arg7[%swap3A_627, %swap3A_628] {strides = array<i32>} : memref<64x512xf32, #tpu.memory_space<vmem>>, vector<16xf32>,
      tpu.vector_store %arg7[%swap3A_627, %swap3A_628], %mul3A_625 {strides = array<i32>} : memref<64x512xf32, #tpu.memory_space<vmem>>, vector<16xf32>,
      %get3A_630 = arith.constant 2 : i32
      %get3A_631 = arith.index_cast %get3A_630 : i32 to index
      %get3A_632 = arith.index_cast %mul3A_192 : i32 to index
      %get3A_633 = tpu.vector_load %arg7[%get3A_631, %get3A_632] {strides = array<i32>} : memref<64x512xf32, #tpu.memory_space<vmem>>, vector<16xf32>,
      %mul3A_634 = arith.mulf %get3A_633, %select_n3A : vector<16xf32>
      %swap3A_635 = arith.constant 2 : i32
      %swap3A_636 = arith.index_cast %swap3A_635 : i32 to index
      %swap3A_637 = arith.index_cast %mul3A_192 : i32 to index
      %swap3A_638 = tpu.vector_load %arg7[%swap3A_636, %swap3A_637] {strides = array<i32>} : memref<64x512xf32, #tpu.memory_space<vmem>>, vector<16xf32>,
      tpu.vector_store %arg7[%swap3A_636, %swap3A_637], %mul3A_634 {strides = array<i32>} : memref<64x512xf32, #tpu.memory_space<vmem>>, vector<16xf32>,
      %get3A_639 = arith.constant 3 : i32
      %get3A_640 = arith.index_cast %get3A_639 : i32 to index
      %get3A_641 = arith.index_cast %mul3A_192 : i32 to index
      %get3A_642 = tpu.vector_load %arg7[%get3A_640, %get3A_641] {strides = array<i32>} : memref<64x512xf32, #tpu.memory_space<vmem>>, vector<16xf32>,
      %mul3A_643 = arith.mulf %get3A_642, %select_n3A : vector<16xf32>
      %swap3A_644 = arith.constant 3 : i32
      %swap3A_645 = arith.index_cast %swap3A_644 : i32 to index
      %swap3A_646 = arith.index_cast %mul3A_192 : i32 to index
      %swap3A_647 = tpu.vector_load %arg7[%swap3A_645, %swap3A_646] {strides = array<i32>} : memref<64x512xf32, #tpu.memory_space<vmem>>, vector<16xf32>,
      tpu.vector_store %arg7[%swap3A_645, %swap3A_646], %mul3A_643 {strides = array<i32>} : memref<64x512xf32, #tpu.memory_space<vmem>>, vector<16xf32>,
      %get3A_648 = arith.constant 4 : i32
      %get3A_649 = arith.index_cast %get3A_648 : i32 to index
      %get3A_650 = arith.index_cast %mul3A_192 : i32 to index
      %get3A_651 = tpu.vector_load %arg7[%get3A_649, %get3A_650] {strides = array<i32>} : memref<64x512xf32, #tpu.memory_space<vmem>>, vector<16xf32>,
      %mul3A_652 = arith.mulf %get3A_651, %select_n3A : vector<16xf32>
      %swap3A_653 = arith.constant 4 : i32
      %swap3A_654 = arith.index_cast %swap3A_653 : i32 to index
      %swap3A_655 = arith.index_cast %mul3A_192 : i32 to index
      %swap3A_656 = tpu.vector_load %arg7[%swap3A_654, %swap3A_655] {strides = array<i32>} : memref<64x512xf32, #tpu.memory_space<vmem>>, vector<16xf32>,
      tpu.vector_store %arg7[%swap3A_654, %swap3A_655], %mul3A_652 {strides = array<i32>} : memref<64x512xf32, #tpu.memory_space<vmem>>, vector<16xf32>,
      %get3A_657 = arith.constant 5 : i32
      %get3A_658 = arith.index_cast %get3A_657 : i32 to index
      %get3A_659 = arith.index_cast %mul3A_192 : i32 to index
      %get3A_660 = tpu.vector_load %arg7[%get3A_658, %get3A_659] {strides = array<i32>} : memref<64x512xf32, #tpu.memory_space<vmem>>, vector<16xf32>,
      %mul3A_661 = arith.mulf %get3A_660, %select_n3A : vector<16xf32>
      %swap3A_662 = arith.constant 5 : i32
      %swap3A_663 = arith.index_cast %swap3A_662 : i32 to index
      %swap3A_664 = arith.index_cast %mul3A_192 : i32 to index
      %swap3A_665 = tpu.vector_load %arg7[%swap3A_663, %swap3A_664] {strides = array<i32>} : memref<64x512xf32, #tpu.memory_space<vmem>>, vector<16xf32>,
      tpu.vector_store %arg7[%swap3A_663, %swap3A_664], %mul3A_661 {strides = array<i32>} : memref<64x512xf32, #tpu.memory_space<vmem>>, vector<16xf32>,
      %get3A_666 = arith.constant 6 : i32
      %get3A_667 = arith.index_cast %get3A_666 : i32 to index
      %get3A_668 = arith.index_cast %mul3A_192 : i32 to index
      %get3A_669 = tpu.vector_load %arg7[%get3A_667, %get3A_668] {strides = array<i32>} : memref<64x512xf32, #tpu.memory_space<vmem>>, vector<16xf32>,
      %mul3A_670 = arith.mulf %get3A_669, %select_n3A : vector<16xf32>
      %swap3A_671 = arith.constant 6 : i32
      %swap3A_672 = arith.index_cast %swap3A_671 : i32 to index
      %swap3A_673 = arith.index_cast %mul3A_192 : i32 to index
      %swap3A_674 = tpu.vector_load %arg7[%swap3A_672, %swap3A_673] {strides = array<i32>} : memref<64x512xf32, #tpu.memory_space<vmem>>, vector<16xf32>,
      tpu.vector_store %arg7[%swap3A_672, %swap3A_673], %mul3A_670 {strides = array<i32>} : memref<64x512xf32, #tpu.memory_space<vmem>>, vector<16xf32>,
      %get3A_675 = arith.constant 7 : i32
      %get3A_676 = arith.index_cast %get3A_675 : i32 to index
      %get3A_677 = arith.index_cast %mul3A_192 : i32 to index
      %get3A_678 = tpu.vector_load %arg7[%get3A_676, %get3A_677] {strides = array<i32>} : memref<64x512xf32, #tpu.memory_space<vmem>>, vector<16xf32>,
      %mul3A_679 = arith.mulf %get3A_678, %select_n3A : vector<16xf32>
      %swap3A_680 = arith.constant 7 : i32
      %swap3A_681 = arith.index_cast %swap3A_680 : i32 to index
      %swap3A_682 = arith.index_cast %mul3A_192 : i32 to index
      %swap3A_683 = tpu.vector_load %arg7[%swap3A_681, %swap3A_682] {strides = array<i32>} : memref<64x512xf32, #tpu.memory_space<vmem>>, vector<16xf32>,
      tpu.vector_store %arg7[%swap3A_681, %swap3A_682], %mul3A_679 {strides = array<i32>} : memref<64x512xf32, #tpu.memory_space<vmem>>, vector<16xf32>,
      %get3A_684 = arith.constant 8 : i32
      %get3A_685 = arith.index_cast %get3A_684 : i32 to index
      %get3A_686 = arith.index_cast %mul3A_192 : i32 to index
      %get3A_687 = tpu.vector_load %arg7[%get3A_685, %get3A_686] {strides = array<i32>} : memref<64x512xf32, #tpu.memory_space<vmem>>, vector<16xf32>,
      %mul3A_688 = arith.mulf %get3A_687, %select_n3A : vector<16xf32>
      %swap3A_689 = arith.constant 8 : i32
      %swap3A_690 = arith.index_cast %swap3A_689 : i32 to index
      %swap3A_691 = arith.index_cast %mul3A_192 : i32 to index
      %swap3A_692 = tpu.vector_load %arg7[%swap3A_690, %swap3A_691] {strides = array<i32>} : memref<64x512xf32, #tpu.memory_space<vmem>>, vector<16xf32>,
      tpu.vector_store %arg7[%swap3A_690, %swap3A_691], %mul3A_688 {strides = array<i32>} : memref<64x512xf32, #tpu.memory_space<vmem>>, vector<16xf32>,
      %get3A_693 = arith.constant 9 : i32
      %get3A_694 = arith.index_cast %get3A_693 : i32 to index
      %get3A_695 = arith.index_cast %mul3A_192 : i32 to index
      %get3A_696 = tpu.vector_load %arg7[%get3A_694, %get3A_695] {strides = array<i32>} : memref<64x512xf32, #tpu.memory_space<vmem>>, vector<16xf32>,
      %mul3A_697 = arith.mulf %get3A_696, %select_n3A : vector<16xf32>
      %swap3A_698 = arith.constant 9 : i32
      %swap3A_699 = arith.index_cast %swap3A_698 : i32 to index
      %swap3A_700 = arith.index_cast %mul3A_192 : i32 to index
      %swap3A_701 = tpu.vector_load %arg7[%swap3A_699, %swap3A_700] {strides = array<i32>} : memref<64x512xf32, #tpu.memory_space<vmem>>, vector<16xf32>,
      tpu.vector_store %arg7[%swap3A_699, %swap3A_700], %mul3A_697 {strides = array<i32>} : memref<64x512xf32, #tpu.memory_space<vmem>>, vector<16xf32>,
      %get3A_702 = arith.constant 10 : i32
      %get3A_703 = arith.index_cast %get3A_702 : i32 to index
      %get3A_704 = arith.index_cast %mul3A_192 : i32 to index
      %get3A_705 = tpu.vector_load %arg7[%get3A_703, %get3A_704] {strides = array<i32>} : memref<64x512xf32, #tpu.memory_space<vmem>>, vector<16xf32>,
      %mul3A_706 = arith.mulf %get3A_705, %select_n3A : vector<16xf32>
      %swap3A_707 = arith.constant 10 : i32
      %swap3A_708 = arith.index_cast %swap3A_707 : i32 to index
      %swap3A_709 = arith.index_cast %mul3A_192 : i32 to index
      %swap3A_710 = tpu.vector_load %arg7[%swap3A_708, %swap3A_709] {strides = array<i32>} : memref<64x512xf32, #tpu.memory_space<vmem>>, vector<16xf32>,
      tpu.vector_store %arg7[%swap3A_708, %swap3A_709], %mul3A_706 {strides = array<i32>} : memref<64x512xf32, #tpu.memory_space<vmem>>, vector<16xf32>,
      %get3A_711 = arith.constant 11 : i32
      %get3A_712 = arith.index_cast %get3A_711 : i32 to index
      %get3A_713 = arith.index_cast %mul3A_192 : i32 to index
      %get3A_714 = tpu.vector_load %arg7[%get3A_712, %get3A_713] {strides = array<i32>} : memref<64x512xf32, #tpu.memory_space<vmem>>, vector<16xf32>,
      %mul3A_715 = arith.mulf %get3A_714, %select_n3A : vector<16xf32>
      %swap3A_716 = arith.constant 11 : i32
      %swap3A_717 = arith.index_cast %swap3A_716 : i32 to index
      %swap3A_718 = arith.index_cast %mul3A_192 : i32 to index
      %swap3A_719 = tpu.vector_load %arg7[%swap3A_717, %swap3A_718] {strides = array<i32>} : memref<64x512xf32, #tpu.memory_space<vmem>>, vector<16xf32>,
      tpu.vector_store %arg7[%swap3A_717, %swap3A_718], %mul3A_715 {strides = array<i32>} : memref<64x512xf32, #tpu.memory_space<vmem>>, vector<16xf32>,
      %get3A_720 = arith.constant 12 : i32
      %get3A_721 = arith.index_cast %get3A_720 : i32 to index
      %get3A_722 = arith.index_cast %mul3A_192 : i32 to index
      %get3A_723 = tpu.vector_load %arg7[%get3A_721, %get3A_722] {strides = array<i32>} : memref<64x512xf32, #tpu.memory_space<vmem>>, vector<16xf32>,
      %mul3A_724 = arith.mulf %get3A_723, %select_n3A : vector<16xf32>
      %swap3A_725 = arith.constant 12 : i32
      %swap3A_726 = arith.index_cast %swap3A_725 : i32 to index
      %swap3A_727 = arith.index_cast %mul3A_192 : i32 to index
      %swap3A_728 = tpu.vector_load %arg7[%swap3A_726, %swap3A_727] {strides = array<i32>} : memref<64x512xf32, #tpu.memory_space<vmem>>, vector<16xf32>,
      tpu.vector_store %arg7[%swap3A_726, %swap3A_727], %mul3A_724 {strides = array<i32>} : memref<64x512xf32, #tpu.memory_space<vmem>>, vector<16xf32>,
      %get3A_729 = arith.constant 13 : i32
      %get3A_730 = arith.index_cast %get3A_729 : i32 to index
      %get3A_731 = arith.index_cast %mul3A_192 : i32 to index
      %get3A_732 = tpu.vector_load %arg7[%get3A_730, %get3A_731] {strides = array<i32>} : memref<64x512xf32, #tpu.memory_space<vmem>>, vector<16xf32>,
      %mul3A_733 = arith.mulf %get3A_732, %select_n3A : vector<16xf32>
      %swap3A_734 = arith.constant 13 : i32
      %swap3A_735 = arith.index_cast %swap3A_734 : i32 to index
      %swap3A_736 = arith.index_cast %mul3A_192 : i32 to index
      %swap3A_737 = tpu.vector_load %arg7[%swap3A_735, %swap3A_736] {strides = array<i32>} : memref<64x512xf32, #tpu.memory_space<vmem>>, vector<16xf32>,
      tpu.vector_store %arg7[%swap3A_735, %swap3A_736], %mul3A_733 {strides = array<i32>} : memref<64x512xf32, #tpu.memory_space<vmem>>, vector<16xf32>,
      %get3A_738 = arith.constant 14 : i32
      %get3A_739 = arith.index_cast %get3A_738 : i32 to index
      %get3A_740 = arith.index_cast %mul3A_192 : i32 to index
      %get3A_741 = tpu.vector_load %arg7[%get3A_739, %get3A_740] {strides = array<i32>} : memref<64x512xf32, #tpu.memory_space<vmem>>, vector<16xf32>,
      %mul3A_742 = arith.mulf %get3A_741, %select_n3A : vector<16xf32>
      %swap3A_743 = arith.constant 14 : i32
      %swap3A_744 = arith.index_cast %swap3A_743 : i32 to index
      %swap3A_745 = arith.index_cast %mul3A_192 : i32 to index
      %swap3A_746 = tpu.vector_load %arg7[%swap3A_744, %swap3A_745] {strides = array<i32>} : memref<64x512xf32, #tpu.memory_space<vmem>>, vector<16xf32>,
      tpu.vector_store %arg7[%swap3A_744, %swap3A_745], %mul3A_742 {strides = array<i32>} : memref<64x512xf32, #tpu.memory_space<vmem>>, vector<16xf32>,
      %get3A_747 = arith.constant 15 : i32
      %get3A_748 = arith.index_cast %get3A_747 : i32 to index
      %get3A_749 = arith.index_cast %mul3A_192 : i32 to index
      %get3A_750 = tpu.vector_load %arg7[%get3A_748, %get3A_749] {strides = array<i32>} : memref<64x512xf32, #tpu.memory_space<vmem>>, vector<16xf32>,
      %mul3A_751 = arith.mulf %get3A_750, %select_n3A : vector<16xf32>
      %swap3A_752 = arith.constant 15 : i32
      %swap3A_753 = arith.index_cast %swap3A_752 : i32 to index
      %swap3A_754 = arith.index_cast %mul3A_192 : i32 to index
      %swap3A_755 = tpu.vector_load %arg7[%swap3A_753, %swap3A_754] {strides = array<i32>} : memref<64x512xf32, #tpu.memory_space<vmem>>, vector<16xf32>,
      tpu.vector_store %arg7[%swap3A_753, %swap3A_754], %mul3A_751 {strides = array<i32>} : memref<64x512xf32, #tpu.memory_space<vmem>>, vector<16xf32>,
      %get3A_756 = arith.constant 16 : i32
      %get3A_757 = arith.index_cast %get3A_756 : i32 to index
      %get3A_758 = arith.index_cast %mul3A_192 : i32 to index
      %get3A_759 = tpu.vector_load %arg7[%get3A_757, %get3A_758] {strides = array<i32>} : memref<64x512xf32, #tpu.memory_space<vmem>>, vector<16xf32>,
      %mul3A_760 = arith.mulf %get3A_759, %select_n3A : vector<16xf32>
      %swap3A_761 = arith.constant 16 : i32
      %swap3A_762 = arith.index_cast %swap3A_761 : i32 to index
      %swap3A_763 = arith.index_cast %mul3A_192 : i32 to index
      %swap3A_764 = tpu.vector_load %arg7[%swap3A_762, %swap3A_763] {strides = array<i32>} : memref<64x512xf32, #tpu.memory_space<vmem>>, vector<16xf32>,
      tpu.vector_store %arg7[%swap3A_762, %swap3A_763], %mul3A_760 {strides = array<i32>} : memref<64x512xf32, #tpu.memory_space<vmem>>, vector<16xf32>,
      %get3A_765 = arith.constant 17 : i32
      %get3A_766 = arith.index_cast %get3A_765 : i32 to index
      %get3A_767 = arith.index_cast %mul3A_192 : i32 to index
      %get3A_768 = tpu.vector_load %arg7[%get3A_766, %get3A_767] {strides = array<i32>} : memref<64x512xf32, #tpu.memory_space<vmem>>, vector<16xf32>,
      %mul3A_769 = arith.mulf %get3A_768, %select_n3A : vector<16xf32>
      %swap3A_770 = arith.constant 17 : i32
      %swap3A_771 = arith.index_cast %swap3A_770 : i32 to index
      %swap3A_772 = arith.index_cast %mul3A_192 : i32 to index
      %swap3A_773 = tpu.vector_load %arg7[%swap3A_771, %swap3A_772] {strides = array<i32>} : memref<64x512xf32, #tpu.memory_space<vmem>>, vector<16xf32>,
      tpu.vector_store %arg7[%swap3A_771, %swap3A_772], %mul3A_769 {strides = array<i32>} : memref<64x512xf32, #tpu.memory_space<vmem>>, vector<16xf32>,
      %get3A_774 = arith.constant 18 : i32
      %get3A_775 = arith.index_cast %get3A_774 : i32 to index
      %get3A_776 = arith.index_cast %mul3A_192 : i32 to index
      %get3A_777 = tpu.vector_load %arg7[%get3A_775, %get3A_776] {strides = array<i32>} : memref<64x512xf32, #tpu.memory_space<vmem>>, vector<16xf32>,
      %mul3A_778 = arith.mulf %get3A_777, %select_n3A : vector<16xf32>
      %swap3A_779 = arith.constant 18 : i32
      %swap3A_780 = arith.index_cast %swap3A_779 : i32 to index
      %swap3A_781 = arith.index_cast %mul3A_192 : i32 to index
      %swap3A_782 = tpu.vector_load %arg7[%swap3A_780, %swap3A_781] {strides = array<i32>} : memref<64x512xf32, #tpu.memory_space<vmem>>, vector<16xf32>,
      tpu.vector_store %arg7[%swap3A_780, %swap3A_781], %mul3A_778 {strides = array<i32>} : memref<64x512xf32, #tpu.memory_space<vmem>>, vector<16xf32>,
      %get3A_783 = arith.constant 19 : i32
      %get3A_784 = arith.index_cast %get3A_783 : i32 to index
      %get3A_785 = arith.index_cast %mul3A_192 : i32 to index
      %get3A_786 = tpu.vector_load %arg7[%get3A_784, %get3A_785] {strides = array<i32>} : memref<64x512xf32, #tpu.memory_space<vmem>>, vector<16xf32>,
      %mul3A_787 = arith.mulf %get3A_786, %select_n3A : vector<16xf32>
      %swap3A_788 = arith.constant 19 : i32
      %swap3A_789 = arith.index_cast %swap3A_788 : i32 to index
      %swap3A_790 = arith.index_cast %mul3A_192 : i32 to index
      %swap3A_791 = tpu.vector_load %arg7[%swap3A_789, %swap3A_790] {strides = array<i32>} : memref<64x512xf32, #tpu.memory_space<vmem>>, vector<16xf32>,
      tpu.vector_store %arg7[%swap3A_789, %swap3A_790], %mul3A_787 {strides = array<i32>} : memref<64x512xf32, #tpu.memory_space<vmem>>, vector<16xf32>,
      %get3A_792 = arith.constant 20 : i32
      %get3A_793 = arith.index_cast %get3A_792 : i32 to index
      %get3A_794 = arith.index_cast %mul3A_192 : i32 to index
      %get3A_795 = tpu.vector_load %arg7[%get3A_793, %get3A_794] {strides = array<i32>} : memref<64x512xf32, #tpu.memory_space<vmem>>, vector<16xf32>,
      %mul3A_796 = arith.mulf %get3A_795, %select_n3A : vector<16xf32>
      %swap3A_797 = arith.constant 20 : i32
      %swap3A_798 = arith.index_cast %swap3A_797 : i32 to index
      %swap3A_799 = arith.index_cast %mul3A_192 : i32 to index
      %swap3A_800 = tpu.vector_load %arg7[%swap3A_798, %swap3A_799] {strides = array<i32>} : memref<64x512xf32, #tpu.memory_space<vmem>>, vector<16xf32>,
      tpu.vector_store %arg7[%swap3A_798, %swap3A_799], %mul3A_796 {strides = array<i32>} : memref<64x512xf32, #tpu.memory_space<vmem>>, vector<16xf32>,
      %get3A_801 = arith.constant 21 : i32
      %get3A_802 = arith.index_cast %get3A_801 : i32 to index
      %get3A_803 = arith.index_cast %mul3A_192 : i32 to index
      %get3A_804 = tpu.vector_load %arg7[%get3A_802, %get3A_803] {strides = array<i32>} : memref<64x512xf32, #tpu.memory_space<vmem>>, vector<16xf32>,
      %mul3A_805 = arith.mulf %get3A_804, %select_n3A : vector<16xf32>
      %swap3A_806 = arith.constant 21 : i32
      %swap3A_807 = arith.index_cast %swap3A_806 : i32 to index
      %swap3A_808 = arith.index_cast %mul3A_192 : i32 to index
      %swap3A_809 = tpu.vector_load %arg7[%swap3A_807, %swap3A_808] {strides = array<i32>} : memref<64x512xf32, #tpu.memory_space<vmem>>, vector<16xf32>,
      tpu.vector_store %arg7[%swap3A_807, %swap3A_808], %mul3A_805 {strides = array<i32>} : memref<64x512xf32, #tpu.memory_space<vmem>>, vector<16xf32>,
      %get3A_810 = arith.constant 22 : i32
      %get3A_811 = arith.index_cast %get3A_810 : i32 to index
      %get3A_812 = arith.index_cast %mul3A_192 : i32 to index
      %get3A_813 = tpu.vector_load %arg7[%get3A_811, %get3A_812] {strides = array<i32>} : memref<64x512xf32, #tpu.memory_space<vmem>>, vector<16xf32>,
      %mul3A_814 = arith.mulf %get3A_813, %select_n3A : vector<16xf32>
      %swap3A_815 = arith.constant 22 : i32
      %swap3A_816 = arith.index_cast %swap3A_815 : i32 to index
      %swap3A_817 = arith.index_cast %mul3A_192 : i32 to index
      %swap3A_818 = tpu.vector_load %arg7[%swap3A_816, %swap3A_817] {strides = array<i32>} : memref<64x512xf32, #tpu.memory_space<vmem>>, vector<16xf32>,
      tpu.vector_store %arg7[%swap3A_816, %swap3A_817], %mul3A_814 {strides = array<i32>} : memref<64x512xf32, #tpu.memory_space<vmem>>, vector<16xf32>,
      %get3A_819 = arith.constant 23 : i32
      %get3A_820 = arith.index_cast %get3A_819 : i32 to index
      %get3A_821 = arith.index_cast %mul3A_192 : i32 to index
      %get3A_822 = tpu.vector_load %arg7[%get3A_820, %get3A_821] {strides = array<i32>} : memref<64x512xf32, #tpu.memory_space<vmem>>, vector<16xf32>,
      %mul3A_823 = arith.mulf %get3A_822, %select_n3A : vector<16xf32>
      %swap3A_824 = arith.constant 23 : i32
      %swap3A_825 = arith.index_cast %swap3A_824 : i32 to index
      %swap3A_826 = arith.index_cast %mul3A_192 : i32 to index
      %swap3A_827 = tpu.vector_load %arg7[%swap3A_825, %swap3A_826] {strides = array<i32>} : memref<64x512xf32, #tpu.memory_space<vmem>>, vector<16xf32>,
      tpu.vector_store %arg7[%swap3A_825, %swap3A_826], %mul3A_823 {strides = array<i32>} : memref<64x512xf32, #tpu.memory_space<vmem>>, vector<16xf32>,
      %get3A_828 = arith.constant 24 : i32
      %get3A_829 = arith.index_cast %get3A_828 : i32 to index
      %get3A_830 = arith.index_cast %mul3A_192 : i32 to index
      %get3A_831 = tpu.vector_load %arg7[%get3A_829, %get3A_830] {strides = array<i32>} : memref<64x512xf32, #tpu.memory_space<vmem>>, vector<16xf32>,
      %mul3A_832 = arith.mulf %get3A_831, %select_n3A : vector<16xf32>
      %swap3A_833 = arith.constant 24 : i32
      %swap3A_834 = arith.index_cast %swap3A_833 : i32 to index
      %swap3A_835 = arith.index_cast %mul3A_192 : i32 to index
      %swap3A_836 = tpu.vector_load %arg7[%swap3A_834, %swap3A_835] {strides = array<i32>} : memref<64x512xf32, #tpu.memory_space<vmem>>, vector<16xf32>,
      tpu.vector_store %arg7[%swap3A_834, %swap3A_835], %mul3A_832 {strides = array<i32>} : memref<64x512xf32, #tpu.memory_space<vmem>>, vector<16xf32>,
      %get3A_837 = arith.constant 25 : i32
      %get3A_838 = arith.index_cast %get3A_837 : i32 to index
      %get3A_839 = arith.index_cast %mul3A_192 : i32 to index
      %get3A_840 = tpu.vector_load %arg7[%get3A_838, %get3A_839] {strides = array<i32>} : memref<64x512xf32, #tpu.memory_space<vmem>>, vector<16xf32>,
      %mul3A_841 = arith.mulf %get3A_840, %select_n3A : vector<16xf32>
      %swap3A_842 = arith.constant 25 : i32
      %swap3A_843 = arith.index_cast %swap3A_842 : i32 to index
      %swap3A_844 = arith.index_cast %mul3A_192 : i32 to index
      %swap3A_845 = tpu.vector_load %arg7[%swap3A_843, %swap3A_844] {strides = array<i32>} : memref<64x512xf32, #tpu.memory_space<vmem>>, vector<16xf32>,
      tpu.vector_store %arg7[%swap3A_843, %swap3A_844], %mul3A_841 {strides = array<i32>} : memref<64x512xf32, #tpu.memory_space<vmem>>, vector<16xf32>,
      %get3A_846 = arith.constant 26 : i32
      %get3A_847 = arith.index_cast %get3A_846 : i32 to index
      %get3A_848 = arith.index_cast %mul3A_192 : i32 to index
      %get3A_849 = tpu.vector_load %arg7[%get3A_847, %get3A_848] {strides = array<i32>} : memref<64x512xf32, #tpu.memory_space<vmem>>, vector<16xf32>,
      %mul3A_850 = arith.mulf %get3A_849, %select_n3A : vector<16xf32>
      %swap3A_851 = arith.constant 26 : i32
      %swap3A_852 = arith.index_cast %swap3A_851 : i32 to index
      %swap3A_853 = arith.index_cast %mul3A_192 : i32 to index
      %swap3A_854 = tpu.vector_load %arg7[%swap3A_852, %swap3A_853] {strides = array<i32>} : memref<64x512xf32, #tpu.memory_space<vmem>>, vector<16xf32>,
      tpu.vector_store %arg7[%swap3A_852, %swap3A_853], %mul3A_850 {strides = array<i32>} : memref<64x512xf32, #tpu.memory_space<vmem>>, vector<16xf32>,
      %get3A_855 = arith.constant 27 : i32
      %get3A_856 = arith.index_cast %get3A_855 : i32 to index
      %get3A_857 = arith.index_cast %mul3A_192 : i32 to index
      %get3A_858 = tpu.vector_load %arg7[%get3A_856, %get3A_857] {strides = array<i32>} : memref<64x512xf32, #tpu.memory_space<vmem>>, vector<16xf32>,
      %mul3A_859 = arith.mulf %get3A_858, %select_n3A : vector<16xf32>
      %swap3A_860 = arith.constant 27 : i32
      %swap3A_861 = arith.index_cast %swap3A_860 : i32 to index
      %swap3A_862 = arith.index_cast %mul3A_192 : i32 to index
      %swap3A_863 = tpu.vector_load %arg7[%swap3A_861, %swap3A_862] {strides = array<i32>} : memref<64x512xf32, #tpu.memory_space<vmem>>, vector<16xf32>,
      tpu.vector_store %arg7[%swap3A_861, %swap3A_862], %mul3A_859 {strides = array<i32>} : memref<64x512xf32, #tpu.memory_space<vmem>>, vector<16xf32>,
      %get3A_864 = arith.constant 28 : i32
      %get3A_865 = arith.index_cast %get3A_864 : i32 to index
      %get3A_866 = arith.index_cast %mul3A_192 : i32 to index
      %get3A_867 = tpu.vector_load %arg7[%get3A_865, %get3A_866] {strides = array<i32>} : memref<64x512xf32, #tpu.memory_space<vmem>>, vector<16xf32>,
      %mul3A_868 = arith.mulf %get3A_867, %select_n3A : vector<16xf32>
      %swap3A_869 = arith.constant 28 : i32
      %swap3A_870 = arith.index_cast %swap3A_869 : i32 to index
      %swap3A_871 = arith.index_cast %mul3A_192 : i32 to index
      %swap3A_872 = tpu.vector_load %arg7[%swap3A_870, %swap3A_871] {strides = array<i32>} : memref<64x512xf32, #tpu.memory_space<vmem>>, vector<16xf32>,
      tpu.vector_store %arg7[%swap3A_870, %swap3A_871], %mul3A_868 {strides = array<i32>} : memref<64x512xf32, #tpu.memory_space<vmem>>, vector<16xf32>,
      %get3A_873 = arith.constant 29 : i32
      %get3A_874 = arith.index_cast %get3A_873 : i32 to index
      %get3A_875 = arith.index_cast %mul3A_192 : i32 to index
      %get3A_876 = tpu.vector_load %arg7[%get3A_874, %get3A_875] {strides = array<i32>} : memref<64x512xf32, #tpu.memory_space<vmem>>, vector<16xf32>,
      %mul3A_877 = arith.mulf %get3A_876, %select_n3A : vector<16xf32>
      %swap3A_878 = arith.constant 29 : i32
      %swap3A_879 = arith.index_cast %swap3A_878 : i32 to index
      %swap3A_880 = arith.index_cast %mul3A_192 : i32 to index
      %swap3A_881 = tpu.vector_load %arg7[%swap3A_879, %swap3A_880] {strides = array<i32>} : memref<64x512xf32, #tpu.memory_space<vmem>>, vector<16xf32>,
      tpu.vector_store %arg7[%swap3A_879, %swap3A_880], %mul3A_877 {strides = array<i32>} : memref<64x512xf32, #tpu.memory_space<vmem>>, vector<16xf32>,
      %get3A_882 = arith.constant 30 : i32
      %get3A_883 = arith.index_cast %get3A_882 : i32 to index
      %get3A_884 = arith.index_cast %mul3A_192 : i32 to index
      %get3A_885 = tpu.vector_load %arg7[%get3A_883, %get3A_884] {strides = array<i32>} : memref<64x512xf32, #tpu.memory_space<vmem>>, vector<16xf32>,
      %mul3A_886 = arith.mulf %get3A_885, %select_n3A : vector<16xf32>
      %swap3A_887 = arith.constant 30 : i32
      %swap3A_888 = arith.index_cast %swap3A_887 : i32 to index
      %swap3A_889 = arith.index_cast %mul3A_192 : i32 to index
      %swap3A_890 = tpu.vector_load %arg7[%swap3A_888, %swap3A_889] {strides = array<i32>} : memref<64x512xf32, #tpu.memory_space<vmem>>, vector<16xf32>,
      tpu.vector_store %arg7[%swap3A_888, %swap3A_889], %mul3A_886 {strides = array<i32>} : memref<64x512xf32, #tpu.memory_space<vmem>>, vector<16xf32>,
      %get3A_891 = arith.constant 31 : i32
      %get3A_892 = arith.index_cast %get3A_891 : i32 to index
      %get3A_893 = arith.index_cast %mul3A_192 : i32 to index
      %get3A_894 = tpu.vector_load %arg7[%get3A_892, %get3A_893] {strides = array<i32>} : memref<64x512xf32, #tpu.memory_space<vmem>>, vector<16xf32>,
      %mul3A_895 = arith.mulf %get3A_894, %select_n3A : vector<16xf32>
      %swap3A_896 = arith.constant 31 : i32
      %swap3A_897 = arith.index_cast %swap3A_896 : i32 to index
      %swap3A_898 = arith.index_cast %mul3A_192 : i32 to index
      %swap3A_899 = tpu.vector_load %arg7[%swap3A_897, %swap3A_898] {strides = array<i32>} : memref<64x512xf32, #tpu.memory_space<vmem>>, vector<16xf32>,
      tpu.vector_store %arg7[%swap3A_897, %swap3A_898], %mul3A_895 {strides = array<i32>} : memref<64x512xf32, #tpu.memory_space<vmem>>, vector<16xf32>,
      %get3A_900 = arith.constant 32 : i32
      %get3A_901 = arith.index_cast %get3A_900 : i32 to index
      %get3A_902 = arith.index_cast %mul3A_192 : i32 to index
      %get3A_903 = tpu.vector_load %arg7[%get3A_901, %get3A_902] {strides = array<i32>} : memref<64x512xf32, #tpu.memory_space<vmem>>, vector<16xf32>,
      %mul3A_904 = arith.mulf %get3A_903, %select_n3A : vector<16xf32>
      %swap3A_905 = arith.constant 32 : i32
      %swap3A_906 = arith.index_cast %swap3A_905 : i32 to index
      %swap3A_907 = arith.index_cast %mul3A_192 : i32 to index
      %swap3A_908 = tpu.vector_load %arg7[%swap3A_906, %swap3A_907] {strides = array<i32>} : memref<64x512xf32, #tpu.memory_space<vmem>>, vector<16xf32>,
      tpu.vector_store %arg7[%swap3A_906, %swap3A_907], %mul3A_904 {strides = array<i32>} : memref<64x512xf32, #tpu.memory_space<vmem>>, vector<16xf32>,
      %get3A_909 = arith.constant 33 : i32
      %get3A_910 = arith.index_cast %get3A_909 : i32 to index
      %get3A_911 = arith.index_cast %mul3A_192 : i32 to index
      %get3A_912 = tpu.vector_load %arg7[%get3A_910, %get3A_911] {strides = array<i32>} : memref<64x512xf32, #tpu.memory_space<vmem>>, vector<16xf32>,
      %mul3A_913 = arith.mulf %get3A_912, %select_n3A : vector<16xf32>
      %swap3A_914 = arith.constant 33 : i32
      %swap3A_915 = arith.index_cast %swap3A_914 : i32 to index
      %swap3A_916 = arith.index_cast %mul3A_192 : i32 to index
      %swap3A_917 = tpu.vector_load %arg7[%swap3A_915, %swap3A_916] {strides = array<i32>} : memref<64x512xf32, #tpu.memory_space<vmem>>, vector<16xf32>,
      tpu.vector_store %arg7[%swap3A_915, %swap3A_916], %mul3A_913 {strides = array<i32>} : memref<64x512xf32, #tpu.memory_space<vmem>>, vector<16xf32>,
      %get3A_918 = arith.constant 34 : i32
      %get3A_919 = arith.index_cast %get3A_918 : i32 to index
      %get3A_920 = arith.index_cast %mul3A_192 : i32 to index
      %get3A_921 = tpu.vector_load %arg7[%get3A_919, %get3A_920] {strides = array<i32>} : memref<64x512xf32, #tpu.memory_space<vmem>>, vector<16xf32>,
      %mul3A_922 = arith.mulf %get3A_921, %select_n3A : vector<16xf32>
      %swap3A_923 = arith.constant 34 : i32
      %swap3A_924 = arith.index_cast %swap3A_923 : i32 to index
      %swap3A_925 = arith.index_cast %mul3A_192 : i32 to index
      %swap3A_926 = tpu.vector_load %arg7[%swap3A_924, %swap3A_925] {strides = array<i32>} : memref<64x512xf32, #tpu.memory_space<vmem>>, vector<16xf32>,
      tpu.vector_store %arg7[%swap3A_924, %swap3A_925], %mul3A_922 {strides = array<i32>} : memref<64x512xf32, #tpu.memory_space<vmem>>, vector<16xf32>,
      %get3A_927 = arith.constant 35 : i32
      %get3A_928 = arith.index_cast %get3A_927 : i32 to index
      %get3A_929 = arith.index_cast %mul3A_192 : i32 to index
      %get3A_930 = tpu.vector_load %arg7[%get3A_928, %get3A_929] {strides = array<i32>} : memref<64x512xf32, #tpu.memory_space<vmem>>, vector<16xf32>,
      %mul3A_931 = arith.mulf %get3A_930, %select_n3A : vector<16xf32>
      %swap3A_932 = arith.constant 35 : i32
      %swap3A_933 = arith.index_cast %swap3A_932 : i32 to index
      %swap3A_934 = arith.index_cast %mul3A_192 : i32 to index
      %swap3A_935 = tpu.vector_load %arg7[%swap3A_933, %swap3A_934] {strides = array<i32>} : memref<64x512xf32, #tpu.memory_space<vmem>>, vector<16xf32>,
      tpu.vector_store %arg7[%swap3A_933, %swap3A_934], %mul3A_931 {strides = array<i32>} : memref<64x512xf32, #tpu.memory_space<vmem>>, vector<16xf32>,
      %get3A_936 = arith.constant 36 : i32
      %get3A_937 = arith.index_cast %get3A_936 : i32 to index
      %get3A_938 = arith.index_cast %mul3A_192 : i32 to index
      %get3A_939 = tpu.vector_load %arg7[%get3A_937, %get3A_938] {strides = array<i32>} : memref<64x512xf32, #tpu.memory_space<vmem>>, vector<16xf32>,
      %mul3A_940 = arith.mulf %get3A_939, %select_n3A : vector<16xf32>
      %swap3A_941 = arith.constant 36 : i32
      %swap3A_942 = arith.index_cast %swap3A_941 : i32 to index
      %swap3A_943 = arith.index_cast %mul3A_192 : i32 to index
      %swap3A_944 = tpu.vector_load %arg7[%swap3A_942, %swap3A_943] {strides = array<i32>} : memref<64x512xf32, #tpu.memory_space<vmem>>, vector<16xf32>,
      tpu.vector_store %arg7[%swap3A_942, %swap3A_943], %mul3A_940 {strides = array<i32>} : memref<64x512xf32, #tpu.memory_space<vmem>>, vector<16xf32>,
      %get3A_945 = arith.constant 37 : i32
      %get3A_946 = arith.index_cast %get3A_945 : i32 to index
      %get3A_947 = arith.index_cast %mul3A_192 : i32 to index
      %get3A_948 = tpu.vector_load %arg7[%get3A_946, %get3A_947] {strides = array<i32>} : memref<64x512xf32, #tpu.memory_space<vmem>>, vector<16xf32>,
      %mul3A_949 = arith.mulf %get3A_948, %select_n3A : vector<16xf32>
      %swap3A_950 = arith.constant 37 : i32
      %swap3A_951 = arith.index_cast %swap3A_950 : i32 to index
      %swap3A_952 = arith.index_cast %mul3A_192 : i32 to index
      %swap3A_953 = tpu.vector_load %arg7[%swap3A_951, %swap3A_952] {strides = array<i32>} : memref<64x512xf32, #tpu.memory_space<vmem>>, vector<16xf32>,
      tpu.vector_store %arg7[%swap3A_951, %swap3A_952], %mul3A_949 {strides = array<i32>} : memref<64x512xf32, #tpu.memory_space<vmem>>, vector<16xf32>,
      %get3A_954 = arith.constant 38 : i32
      %get3A_955 = arith.index_cast %get3A_954 : i32 to index
      %get3A_956 = arith.index_cast %mul3A_192 : i32 to index
      %get3A_957 = tpu.vector_load %arg7[%get3A_955, %get3A_956] {strides = array<i32>} : memref<64x512xf32, #tpu.memory_space<vmem>>, vector<16xf32>,
      %mul3A_958 = arith.mulf %get3A_957, %select_n3A : vector<16xf32>
      %swap3A_959 = arith.constant 38 : i32
      %swap3A_960 = arith.index_cast %swap3A_959 : i32 to index
      %swap3A_961 = arith.index_cast %mul3A_192 : i32 to index
      %swap3A_962 = tpu.vector_load %arg7[%swap3A_960, %swap3A_961] {strides = array<i32>} : memref<64x512xf32, #tpu.memory_space<vmem>>, vector<16xf32>,
      tpu.vector_store %arg7[%swap3A_960, %swap3A_961], %mul3A_958 {strides = array<i32>} : memref<64x512xf32, #tpu.memory_space<vmem>>, vector<16xf32>,
      %get3A_963 = arith.constant 39 : i32
      %get3A_964 = arith.index_cast %get3A_963 : i32 to index
      %get3A_965 = arith.index_cast %mul3A_192 : i32 to index
      %get3A_966 = tpu.vector_load %arg7[%get3A_964, %get3A_965] {strides = array<i32>} : memref<64x512xf32, #tpu.memory_space<vmem>>, vector<16xf32>,
      %mul3A_967 = arith.mulf %get3A_966, %select_n3A : vector<16xf32>
      %swap3A_968 = arith.constant 39 : i32
      %swap3A_969 = arith.index_cast %swap3A_968 : i32 to index
      %swap3A_970 = arith.index_cast %mul3A_192 : i32 to index
      %swap3A_971 = tpu.vector_load %arg7[%swap3A_969, %swap3A_970] {strides = array<i32>} : memref<64x512xf32, #tpu.memory_space<vmem>>, vector<16xf32>,
      tpu.vector_store %arg7[%swap3A_969, %swap3A_970], %mul3A_967 {strides = array<i32>} : memref<64x512xf32, #tpu.memory_space<vmem>>, vector<16xf32>,
      %get3A_972 = arith.constant 40 : i32
      %get3A_973 = arith.index_cast %get3A_972 : i32 to index
      %get3A_974 = arith.index_cast %mul3A_192 : i32 to index
      %get3A_975 = tpu.vector_load %arg7[%get3A_973, %get3A_974] {strides = array<i32>} : memref<64x512xf32, #tpu.memory_space<vmem>>, vector<16xf32>,
      %mul3A_976 = arith.mulf %get3A_975, %select_n3A : vector<16xf32>
      %swap3A_977 = arith.constant 40 : i32
      %swap3A_978 = arith.index_cast %swap3A_977 : i32 to index
      %swap3A_979 = arith.index_cast %mul3A_192 : i32 to index
      %swap3A_980 = tpu.vector_load %arg7[%swap3A_978, %swap3A_979] {strides = array<i32>} : memref<64x512xf32, #tpu.memory_space<vmem>>, vector<16xf32>,
      tpu.vector_store %arg7[%swap3A_978, %swap3A_979], %mul3A_976 {strides = array<i32>} : memref<64x512xf32, #tpu.memory_space<vmem>>, vector<16xf32>,
      %get3A_981 = arith.constant 41 : i32
      %get3A_982 = arith.index_cast %get3A_981 : i32 to index
      %get3A_983 = arith.index_cast %mul3A_192 : i32 to index
      %get3A_984 = tpu.vector_load %arg7[%get3A_982, %get3A_983] {strides = array<i32>} : memref<64x512xf32, #tpu.memory_space<vmem>>, vector<16xf32>,
      %mul3A_985 = arith.mulf %get3A_984, %select_n3A : vector<16xf32>
      %swap3A_986 = arith.constant 41 : i32
      %swap3A_987 = arith.index_cast %swap3A_986 : i32 to index
      %swap3A_988 = arith.index_cast %mul3A_192 : i32 to index
      %swap3A_989 = tpu.vector_load %arg7[%swap3A_987, %swap3A_988] {strides = array<i32>} : memref<64x512xf32, #tpu.memory_space<vmem>>, vector<16xf32>,
      tpu.vector_store %arg7[%swap3A_987, %swap3A_988], %mul3A_985 {strides = array<i32>} : memref<64x512xf32, #tpu.memory_space<vmem>>, vector<16xf32>,
      %get3A_990 = arith.constant 42 : i32
      %get3A_991 = arith.index_cast %get3A_990 : i32 to index
      %get3A_992 = arith.index_cast %mul3A_192 : i32 to index
      %get3A_993 = tpu.vector_load %arg7[%get3A_991, %get3A_992] {strides = array<i32>} : memref<64x512xf32, #tpu.memory_space<vmem>>, vector<16xf32>,
      %mul3A_994 = arith.mulf %get3A_993, %select_n3A : vector<16xf32>
      %swap3A_995 = arith.constant 42 : i32
      %swap3A_996 = arith.index_cast %swap3A_995 : i32 to index
      %swap3A_997 = arith.index_cast %mul3A_192 : i32 to index
      %swap3A_998 = tpu.vector_load %arg7[%swap3A_996, %swap3A_997] {strides = array<i32>} : memref<64x512xf32, #tpu.memory_space<vmem>>, vector<16xf32>,
      tpu.vector_store %arg7[%swap3A_996, %swap3A_997], %mul3A_994 {strides = array<i32>} : memref<64x512xf32, #tpu.memory_space<vmem>>, vector<16xf32>,
      %get3A_999 = arith.constant 43 : i32
      %get3A_1000 = arith.index_cast %get3A_999 : i32 to index
      %get3A_1001 = arith.index_cast %mul3A_192 : i32 to index
      %get3A_1002 = tpu.vector_load %arg7[%get3A_1000, %get3A_1001] {strides = array<i32>} : memref<64x512xf32, #tpu.memory_space<vmem>>, vector<16xf32>,
      %mul3A_1003 = arith.mulf %get3A_1002, %select_n3A : vector<16xf32>
      %swap3A_1004 = arith.constant 43 : i32
      %swap3A_1005 = arith.index_cast %swap3A_1004 : i32 to index
      %swap3A_1006 = arith.index_cast %mul3A_192 : i32 to index
      %swap3A_1007 = tpu.vector_load %arg7[%swap3A_1005, %swap3A_1006] {strides = array<i32>} : memref<64x512xf32, #tpu.memory_space<vmem>>, vector<16xf32>,
      tpu.vector_store %arg7[%swap3A_1005, %swap3A_1006], %mul3A_1003 {strides = array<i32>} : memref<64x512xf32, #tpu.memory_space<vmem>>, vector<16xf32>,
      %get3A_1008 = arith.constant 44 : i32
      %get3A_1009 = arith.index_cast %get3A_1008 : i32 to index
      %get3A_1010 = arith.index_cast %mul3A_192 : i32 to index
      %get3A_1011 = tpu.vector_load %arg7[%get3A_1009, %get3A_1010] {strides = array<i32>} : memref<64x512xf32, #tpu.memory_space<vmem>>, vector<16xf32>,
      %mul3A_1012 = arith.mulf %get3A_1011, %select_n3A : vector<16xf32>
      %swap3A_1013 = arith.constant 44 : i32
      %swap3A_1014 = arith.index_cast %swap3A_1013 : i32 to index
      %swap3A_1015 = arith.index_cast %mul3A_192 : i32 to index
      %swap3A_1016 = tpu.vector_load %arg7[%swap3A_1014, %swap3A_1015] {strides = array<i32>} : memref<64x512xf32, #tpu.memory_space<vmem>>, vector<16xf32>,
      tpu.vector_store %arg7[%swap3A_1014, %swap3A_1015], %mul3A_1012 {strides = array<i32>} : memref<64x512xf32, #tpu.memory_space<vmem>>, vector<16xf32>,
      %get3A_1017 = arith.constant 45 : i32
      %get3A_1018 = arith.index_cast %get3A_1017 : i32 to index
      %get3A_1019 = arith.index_cast %mul3A_192 : i32 to index
      %get3A_1020 = tpu.vector_load %arg7[%get3A_1018, %get3A_1019] {strides = array<i32>} : memref<64x512xf32, #tpu.memory_space<vmem>>, vector<16xf32>,
      %mul3A_1021 = arith.mulf %get3A_1020, %select_n3A : vector<16xf32>
      %swap3A_1022 = arith.constant 45 : i32
      %swap3A_1023 = arith.index_cast %swap3A_1022 : i32 to index
      %swap3A_1024 = arith.index_cast %mul3A_192 : i32 to index
      %swap3A_1025 = tpu.vector_load %arg7[%swap3A_1023, %swap3A_1024] {strides = array<i32>} : memref<64x512xf32, #tpu.memory_space<vmem>>, vector<16xf32>,
      tpu.vector_store %arg7[%swap3A_1023, %swap3A_1024], %mul3A_1021 {strides = array<i32>} : memref<64x512xf32, #tpu.memory_space<vmem>>, vector<16xf32>,
      %get3A_1026 = arith.constant 46 : i32
      %get3A_1027 = arith.index_cast %get3A_1026 : i32 to index
      %get3A_1028 = arith.index_cast %mul3A_192 : i32 to index
      %get3A_1029 = tpu.vector_load %arg7[%get3A_1027, %get3A_1028] {strides = array<i32>} : memref<64x512xf32, #tpu.memory_space<vmem>>, vector<16xf32>,
      %mul3A_1030 = arith.mulf %get3A_1029, %select_n3A : vector<16xf32>
      %swap3A_1031 = arith.constant 46 : i32
      %swap3A_1032 = arith.index_cast %swap3A_1031 : i32 to index
      %swap3A_1033 = arith.index_cast %mul3A_192 : i32 to index
      %swap3A_1034 = tpu.vector_load %arg7[%swap3A_1032, %swap3A_1033] {strides = array<i32>} : memref<64x512xf32, #tpu.memory_space<vmem>>, vector<16xf32>,
      tpu.vector_store %arg7[%swap3A_1032, %swap3A_1033], %mul3A_1030 {strides = array<i32>} : memref<64x512xf32, #tpu.memory_space<vmem>>, vector<16xf32>,
      %get3A_1035 = arith.constant 47 : i32
      %get3A_1036 = arith.index_cast %get3A_1035 : i32 to index
      %get3A_1037 = arith.index_cast %mul3A_192 : i32 to index
      %get3A_1038 = tpu.vector_load %arg7[%get3A_1036, %get3A_1037] {strides = array<i32>} : memref<64x512xf32, #tpu.memory_space<vmem>>, vector<16xf32>,
      %mul3A_1039 = arith.mulf %get3A_1038, %select_n3A : vector<16xf32>
      %swap3A_1040 = arith.constant 47 : i32
      %swap3A_1041 = arith.index_cast %swap3A_1040 : i32 to index
      %swap3A_1042 = arith.index_cast %mul3A_192 : i32 to index
      %swap3A_1043 = tpu.vector_load %arg7[%swap3A_1041, %swap3A_1042] {strides = array<i32>} : memref<64x512xf32, #tpu.memory_space<vmem>>, vector<16xf32>,
      tpu.vector_store %arg7[%swap3A_1041, %swap3A_1042], %mul3A_1039 {strides = array<i32>} : memref<64x512xf32, #tpu.memory_space<vmem>>, vector<16xf32>,
      %get3A_1044 = arith.constant 48 : i32
      %get3A_1045 = arith.index_cast %get3A_1044 : i32 to index
      %get3A_1046 = arith.index_cast %mul3A_192 : i32 to index
      %get3A_1047 = tpu.vector_load %arg7[%get3A_1045, %get3A_1046] {strides = array<i32>} : memref<64x512xf32, #tpu.memory_space<vmem>>, vector<16xf32>,
      %mul3A_1048 = arith.mulf %get3A_1047, %select_n3A : vector<16xf32>
      %swap3A_1049 = arith.constant 48 : i32
      %swap3A_1050 = arith.index_cast %swap3A_1049 : i32 to index
      %swap3A_1051 = arith.index_cast %mul3A_192 : i32 to index
      %swap3A_1052 = tpu.vector_load %arg7[%swap3A_1050, %swap3A_1051] {strides = array<i32>} : memref<64x512xf32, #tpu.memory_space<vmem>>, vector<16xf32>,
      tpu.vector_store %arg7[%swap3A_1050, %swap3A_1051], %mul3A_1048 {strides = array<i32>} : memref<64x512xf32, #tpu.memory_space<vmem>>, vector<16xf32>,
      %get3A_1053 = arith.constant 49 : i32
      %get3A_1054 = arith.index_cast %get3A_1053 : i32 to index
      %get3A_1055 = arith.index_cast %mul3A_192 : i32 to index
      %get3A_1056 = tpu.vector_load %arg7[%get3A_1054, %get3A_1055] {strides = array<i32>} : memref<64x512xf32, #tpu.memory_space<vmem>>, vector<16xf32>,
      %mul3A_1057 = arith.mulf %get3A_1056, %select_n3A : vector<16xf32>
      %swap3A_1058 = arith.constant 49 : i32
      %swap3A_1059 = arith.index_cast %swap3A_1058 : i32 to index
      %swap3A_1060 = arith.index_cast %mul3A_192 : i32 to index
      %swap3A_1061 = tpu.vector_load %arg7[%swap3A_1059, %swap3A_1060] {strides = array<i32>} : memref<64x512xf32, #tpu.memory_space<vmem>>, vector<16xf32>,
      tpu.vector_store %arg7[%swap3A_1059, %swap3A_1060], %mul3A_1057 {strides = array<i32>} : memref<64x512xf32, #tpu.memory_space<vmem>>, vector<16xf32>,
      %get3A_1062 = arith.constant 50 : i32
      %get3A_1063 = arith.index_cast %get3A_1062 : i32 to index
      %get3A_1064 = arith.index_cast %mul3A_192 : i32 to index
      %get3A_1065 = tpu.vector_load %arg7[%get3A_1063, %get3A_1064] {strides = array<i32>} : memref<64x512xf32, #tpu.memory_space<vmem>>, vector<16xf32>,
      %mul3A_1066 = arith.mulf %get3A_1065, %select_n3A : vector<16xf32>
      %swap3A_1067 = arith.constant 50 : i32
      %swap3A_1068 = arith.index_cast %swap3A_1067 : i32 to index
      %swap3A_1069 = arith.index_cast %mul3A_192 : i32 to index
      %swap3A_1070 = tpu.vector_load %arg7[%swap3A_1068, %swap3A_1069] {strides = array<i32>} : memref<64x512xf32, #tpu.memory_space<vmem>>, vector<16xf32>,
      tpu.vector_store %arg7[%swap3A_1068, %swap3A_1069], %mul3A_1066 {strides = array<i32>} : memref<64x512xf32, #tpu.memory_space<vmem>>, vector<16xf32>,
      %get3A_1071 = arith.constant 51 : i32
      %get3A_1072 = arith.index_cast %get3A_1071 : i32 to index
      %get3A_1073 = arith.index_cast %mul3A_192 : i32 to index
      %get3A_1074 = tpu.vector_load %arg7[%get3A_1072, %get3A_1073] {strides = array<i32>} : memref<64x512xf32, #tpu.memory_space<vmem>>, vector<16xf32>,
      %mul3A_1075 = arith.mulf %get3A_1074, %select_n3A : vector<16xf32>
      %swap3A_1076 = arith.constant 51 : i32
      %swap3A_1077 = arith.index_cast %swap3A_1076 : i32 to index
      %swap3A_1078 = arith.index_cast %mul3A_192 : i32 to index
      %swap3A_1079 = tpu.vector_load %arg7[%swap3A_1077, %swap3A_1078] {strides = array<i32>} : memref<64x512xf32, #tpu.memory_space<vmem>>, vector<16xf32>,
      tpu.vector_store %arg7[%swap3A_1077, %swap3A_1078], %mul3A_1075 {strides = array<i32>} : memref<64x512xf32, #tpu.memory_space<vmem>>, vector<16xf32>,
      %get3A_1080 = arith.constant 52 : i32
      %get3A_1081 = arith.index_cast %get3A_1080 : i32 to index
      %get3A_1082 = arith.index_cast %mul3A_192 : i32 to index
      %get3A_1083 = tpu.vector_load %arg7[%get3A_1081, %get3A_1082] {strides = array<i32>} : memref<64x512xf32, #tpu.memory_space<vmem>>, vector<16xf32>,
      %mul3A_1084 = arith.mulf %get3A_1083, %select_n3A : vector<16xf32>
      %swap3A_1085 = arith.constant 52 : i32
      %swap3A_1086 = arith.index_cast %swap3A_1085 : i32 to index
      %swap3A_1087 = arith.index_cast %mul3A_192 : i32 to index
      %swap3A_1088 = tpu.vector_load %arg7[%swap3A_1086, %swap3A_1087] {strides = array<i32>} : memref<64x512xf32, #tpu.memory_space<vmem>>, vector<16xf32>,
      tpu.vector_store %arg7[%swap3A_1086, %swap3A_1087], %mul3A_1084 {strides = array<i32>} : memref<64x512xf32, #tpu.memory_space<vmem>>, vector<16xf32>,
      %get3A_1089 = arith.constant 53 : i32
      %get3A_1090 = arith.index_cast %get3A_1089 : i32 to index
      %get3A_1091 = arith.index_cast %mul3A_192 : i32 to index
      %get3A_1092 = tpu.vector_load %arg7[%get3A_1090, %get3A_1091] {strides = array<i32>} : memref<64x512xf32, #tpu.memory_space<vmem>>, vector<16xf32>,
      %mul3A_1093 = arith.mulf %get3A_1092, %select_n3A : vector<16xf32>
      %swap3A_1094 = arith.constant 53 : i32
      %swap3A_1095 = arith.index_cast %swap3A_1094 : i32 to index
      %swap3A_1096 = arith.index_cast %mul3A_192 : i32 to index
      %swap3A_1097 = tpu.vector_load %arg7[%swap3A_1095, %swap3A_1096] {strides = array<i32>} : memref<64x512xf32, #tpu.memory_space<vmem>>, vector<16xf32>,
      tpu.vector_store %arg7[%swap3A_1095, %swap3A_1096], %mul3A_1093 {strides = array<i32>} : memref<64x512xf32, #tpu.memory_space<vmem>>, vector<16xf32>,
      %get3A_1098 = arith.constant 54 : i32
      %get3A_1099 = arith.index_cast %get3A_1098 : i32 to index
      %get3A_1100 = arith.index_cast %mul3A_192 : i32 to index
      %get3A_1101 = tpu.vector_load %arg7[%get3A_1099, %get3A_1100] {strides = array<i32>} : memref<64x512xf32, #tpu.memory_space<vmem>>, vector<16xf32>,
      %mul3A_1102 = arith.mulf %get3A_1101, %select_n3A : vector<16xf32>
      %swap3A_1103 = arith.constant 54 : i32
      %swap3A_1104 = arith.index_cast %swap3A_1103 : i32 to index
      %swap3A_1105 = arith.index_cast %mul3A_192 : i32 to index
      %swap3A_1106 = tpu.vector_load %arg7[%swap3A_1104, %swap3A_1105] {strides = array<i32>} : memref<64x512xf32, #tpu.memory_space<vmem>>, vector<16xf32>,
      tpu.vector_store %arg7[%swap3A_1104, %swap3A_1105], %mul3A_1102 {strides = array<i32>} : memref<64x512xf32, #tpu.memory_space<vmem>>, vector<16xf32>,
      %get3A_1107 = arith.constant 55 : i32
      %get3A_1108 = arith.index_cast %get3A_1107 : i32 to index
      %get3A_1109 = arith.index_cast %mul3A_192 : i32 to index
      %get3A_1110 = tpu.vector_load %arg7[%get3A_1108, %get3A_1109] {strides = array<i32>} : memref<64x512xf32, #tpu.memory_space<vmem>>, vector<16xf32>,
      %mul3A_1111 = arith.mulf %get3A_1110, %select_n3A : vector<16xf32>
      %swap3A_1112 = arith.constant 55 : i32
      %swap3A_1113 = arith.index_cast %swap3A_1112 : i32 to index
      %swap3A_1114 = arith.index_cast %mul3A_192 : i32 to index
      %swap3A_1115 = tpu.vector_load %arg7[%swap3A_1113, %swap3A_1114] {strides = array<i32>} : memref<64x512xf32, #tpu.memory_space<vmem>>, vector<16xf32>,
      tpu.vector_store %arg7[%swap3A_1113, %swap3A_1114], %mul3A_1111 {strides = array<i32>} : memref<64x512xf32, #tpu.memory_space<vmem>>, vector<16xf32>,
      %get3A_1116 = arith.constant 56 : i32
      %get3A_1117 = arith.index_cast %get3A_1116 : i32 to index
      %get3A_1118 = arith.index_cast %mul3A_192 : i32 to index
      %get3A_1119 = tpu.vector_load %arg7[%get3A_1117, %get3A_1118] {strides = array<i32>} : memref<64x512xf32, #tpu.memory_space<vmem>>, vector<16xf32>,
      %mul3A_1120 = arith.mulf %get3A_1119, %select_n3A : vector<16xf32>
      %swap3A_1121 = arith.constant 56 : i32
      %swap3A_1122 = arith.index_cast %swap3A_1121 : i32 to index
      %swap3A_1123 = arith.index_cast %mul3A_192 : i32 to index
      %swap3A_1124 = tpu.vector_load %arg7[%swap3A_1122, %swap3A_1123] {strides = array<i32>} : memref<64x512xf32, #tpu.memory_space<vmem>>, vector<16xf32>,
      tpu.vector_store %arg7[%swap3A_1122, %swap3A_1123], %mul3A_1120 {strides = array<i32>} : memref<64x512xf32, #tpu.memory_space<vmem>>, vector<16xf32>,
      %get3A_1125 = arith.constant 57 : i32
      %get3A_1126 = arith.index_cast %get3A_1125 : i32 to index
      %get3A_1127 = arith.index_cast %mul3A_192 : i32 to index
      %get3A_1128 = tpu.vector_load %arg7[%get3A_1126, %get3A_1127] {strides = array<i32>} : memref<64x512xf32, #tpu.memory_space<vmem>>, vector<16xf32>,
      %mul3A_1129 = arith.mulf %get3A_1128, %select_n3A : vector<16xf32>
      %swap3A_1130 = arith.constant 57 : i32
      %swap3A_1131 = arith.index_cast %swap3A_1130 : i32 to index
      %swap3A_1132 = arith.index_cast %mul3A_192 : i32 to index
      %swap3A_1133 = tpu.vector_load %arg7[%swap3A_1131, %swap3A_1132] {strides = array<i32>} : memref<64x512xf32, #tpu.memory_space<vmem>>, vector<16xf32>,
      tpu.vector_store %arg7[%swap3A_1131, %swap3A_1132], %mul3A_1129 {strides = array<i32>} : memref<64x512xf32, #tpu.memory_space<vmem>>, vector<16xf32>,
      %get3A_1134 = arith.constant 58 : i32
      %get3A_1135 = arith.index_cast %get3A_1134 : i32 to index
      %get3A_1136 = arith.index_cast %mul3A_192 : i32 to index
      %get3A_1137 = tpu.vector_load %arg7[%get3A_1135, %get3A_1136] {strides = array<i32>} : memref<64x512xf32, #tpu.memory_space<vmem>>, vector<16xf32>,
      %mul3A_1138 = arith.mulf %get3A_1137, %select_n3A : vector<16xf32>
      %swap3A_1139 = arith.constant 58 : i32
      %swap3A_1140 = arith.index_cast %swap3A_1139 : i32 to index
      %swap3A_1141 = arith.index_cast %mul3A_192 : i32 to index
      %swap3A_1142 = tpu.vector_load %arg7[%swap3A_1140, %swap3A_1141] {strides = array<i32>} : memref<64x512xf32, #tpu.memory_space<vmem>>, vector<16xf32>,
      tpu.vector_store %arg7[%swap3A_1140, %swap3A_1141], %mul3A_1138 {strides = array<i32>} : memref<64x512xf32, #tpu.memory_space<vmem>>, vector<16xf32>,
      %get3A_1143 = arith.constant 59 : i32
      %get3A_1144 = arith.index_cast %get3A_1143 : i32 to index
      %get3A_1145 = arith.index_cast %mul3A_192 : i32 to index
      %get3A_1146 = tpu.vector_load %arg7[%get3A_1144, %get3A_1145] {strides = array<i32>} : memref<64x512xf32, #tpu.memory_space<vmem>>, vector<16xf32>,
      %mul3A_1147 = arith.mulf %get3A_1146, %select_n3A : vector<16xf32>
      %swap3A_1148 = arith.constant 59 : i32
      %swap3A_1149 = arith.index_cast %swap3A_1148 : i32 to index
      %swap3A_1150 = arith.index_cast %mul3A_192 : i32 to index
      %swap3A_1151 = tpu.vector_load %arg7[%swap3A_1149, %swap3A_1150] {strides = array<i32>} : memref<64x512xf32, #tpu.memory_space<vmem>>, vector<16xf32>,
      tpu.vector_store %arg7[%swap3A_1149, %swap3A_1150], %mul3A_1147 {strides = array<i32>} : memref<64x512xf32, #tpu.memory_space<vmem>>, vector<16xf32>,
      %get3A_1152 = arith.constant 60 : i32
      %get3A_1153 = arith.index_cast %get3A_1152 : i32 to index
      %get3A_1154 = arith.index_cast %mul3A_192 : i32 to index
      %get3A_1155 = tpu.vector_load %arg7[%get3A_1153, %get3A_1154] {strides = array<i32>} : memref<64x512xf32, #tpu.memory_space<vmem>>, vector<16xf32>,
      %mul3A_1156 = arith.mulf %get3A_1155, %select_n3A : vector<16xf32>
      %swap3A_1157 = arith.constant 60 : i32
      %swap3A_1158 = arith.index_cast %swap3A_1157 : i32 to index
      %swap3A_1159 = arith.index_cast %mul3A_192 : i32 to index
      %swap3A_1160 = tpu.vector_load %arg7[%swap3A_1158, %swap3A_1159] {strides = array<i32>} : memref<64x512xf32, #tpu.memory_space<vmem>>, vector<16xf32>,
      tpu.vector_store %arg7[%swap3A_1158, %swap3A_1159], %mul3A_1156 {strides = array<i32>} : memref<64x512xf32, #tpu.memory_space<vmem>>, vector<16xf32>,
      %get3A_1161 = arith.constant 61 : i32
      %get3A_1162 = arith.index_cast %get3A_1161 : i32 to index
      %get3A_1163 = arith.index_cast %mul3A_192 : i32 to index
      %get3A_1164 = tpu.vector_load %arg7[%get3A_1162, %get3A_1163] {strides = array<i32>} : memref<64x512xf32, #tpu.memory_space<vmem>>, vector<16xf32>,
      %mul3A_1165 = arith.mulf %get3A_1164, %select_n3A : vector<16xf32>
      %swap3A_1166 = arith.constant 61 : i32
      %swap3A_1167 = arith.index_cast %swap3A_1166 : i32 to index
      %swap3A_1168 = arith.index_cast %mul3A_192 : i32 to index
      %swap3A_1169 = tpu.vector_load %arg7[%swap3A_1167, %swap3A_1168] {strides = array<i32>} : memref<64x512xf32, #tpu.memory_space<vmem>>, vector<16xf32>,
      tpu.vector_store %arg7[%swap3A_1167, %swap3A_1168], %mul3A_1165 {strides = array<i32>} : memref<64x512xf32, #tpu.memory_space<vmem>>, vector<16xf32>,
      %get3A_1170 = arith.constant 62 : i32
      %get3A_1171 = arith.index_cast %get3A_1170 : i32 to index
      %get3A_1172 = arith.index_cast %mul3A_192 : i32 to index
      %get3A_1173 = tpu.vector_load %arg7[%get3A_1171, %get3A_1172] {strides = array<i32>} : memref<64x512xf32, #tpu.memory_space<vmem>>, vector<16xf32>,
      %mul3A_1174 = arith.mulf %get3A_1173, %select_n3A : vector<16xf32>
      %swap3A_1175 = arith.constant 62 : i32
      %swap3A_1176 = arith.index_cast %swap3A_1175 : i32 to index
      %swap3A_1177 = arith.index_cast %mul3A_192 : i32 to index
      %swap3A_1178 = tpu.vector_load %arg7[%swap3A_1176, %swap3A_1177] {strides = array<i32>} : memref<64x512xf32, #tpu.memory_space<vmem>>, vector<16xf32>,
      tpu.vector_store %arg7[%swap3A_1176, %swap3A_1177], %mul3A_1174 {strides = array<i32>} : memref<64x512xf32, #tpu.memory_space<vmem>>, vector<16xf32>,
      %get3A_1179 = arith.constant 63 : i32
      %get3A_1180 = arith.index_cast %get3A_1179 : i32 to index
      %get3A_1181 = arith.index_cast %mul3A_192 : i32 to index
      %get3A_1182 = tpu.vector_load %arg7[%get3A_1180, %get3A_1181] {strides = array<i32>} : memref<64x512xf32, #tpu.memory_space<vmem>>, vector<16xf32>,
      %mul3A_1183 = arith.mulf %get3A_1182, %select_n3A : vector<16xf32>
      %swap3A_1184 = arith.constant 63 : i32
      %swap3A_1185 = arith.index_cast %swap3A_1184 : i32 to index
      %swap3A_1186 = arith.index_cast %mul3A_192 : i32 to index
      %swap3A_1187 = tpu.vector_load %arg7[%swap3A_1185, %swap3A_1186] {strides = array<i32>} : memref<64x512xf32, #tpu.memory_space<vmem>>, vector<16xf32>,
      tpu.vector_store %arg7[%swap3A_1185, %swap3A_1186], %mul3A_1183 {strides = array<i32>} : memref<64x512xf32, #tpu.memory_space<vmem>>, vector<16xf32>,
      %scan3A_1188 = arith.constant 0 : i32
      scf.yield %scan3A_1188 : i32
    }
    %scan3A_188 = arith.constant 32 : i32
    "tpu.region"() ({
      %run_scoped3A = tpu.sem_alloc : memref<!tpu.dma_semaphore, #tpu.memory_space<semaphore_mem>>
      %dma_start3A_189 = arith.constant 0 : i32
      %dma_start3A_190 = tpu.memref_slice %arg4[%dma_start3A_189, %mul3A_2] : memref<64x16384xf32, #tpu.memory_space<hbm>> -> memref<64x512xf32, #tpu.memory_space<hbm>>
      %dma_start3A_191 = arith.constant 0 : i32
      %dma_start3A_192 = tpu.memref_slice %arg4[%dma_start3A_191, %mul3A_2] : memref<64x16384xf32, #tpu.memory_space<hbm>> -> memref<64x512xf32, #tpu.memory_space<hbm>>
      tpu.enqueue_dma source(%arg7 : memref<64x512xf32, #tpu.memory_space<vmem>>) target(%dma_start3A_192 : memref<64x512xf32, #tpu.memory_space<hbm>>) target_semaphore(%run_scoped3A : memref<!tpu.dma_semaphore, #tpu.memory_space<semaphore_mem>>)
      %dma_wait3A = arith.constant 0 : i32
      %dma_wait3A_193 = tpu.memref_slice %arg4[%dma_wait3A, %mul3A_2] : memref<64x16384xf32, #tpu.memory_space<hbm>> -> memref<64x512xf32, #tpu.memory_space<hbm>>
      %dma_wait3A_194 = arith.constant 0 : i32
      %dma_wait3A_195 = tpu.memref_slice %arg4[%dma_wait3A_194, %mul3A_2] : memref<64x16384xf32, #tpu.memory_space<hbm>> -> memref<64x512xf32, #tpu.memory_space<hbm>>
      tpu.wait_dma2 semaphore(%run_scoped3A : memref<!tpu.dma_semaphore, #tpu.memory_space<semaphore_mem>>) src(%arg7 : memref<64x512xf32, #tpu.memory_space<vmem>>) dst(%dma_wait3A_195 : memref<64x512xf32, #tpu.memory_space<hbm>>)
      tpu.yield
    }) : () -> ()
    return
  }
}

</mosaic_0001>

<sc_bundles>
// kernel: kernel.3.cloned.1.call-start
scs
__scs_entry_jumppad:
0x0: {  	(pc) =	sbr.rel $0x88, $3  }
0x1: {  	(tag) =	ssettag $0x0;
	lr =	simm.s32 $0x1  }
0x2: {  	[smem:$0x3F9F] =	sst lr;
	_ =	strace $0xD0000000  }
0x3: {  	_ = 	snop  }
0x4: {  	_ = 	snop  }
0x5: {  	_ = 	snop  }
0x6: {  	_ = 	snop  }
0x7: {  	_ = 	snop  }
__scs_overlays_trampoline_lowered:
0x8: {  	[smem:$0x3FAE] =	sst s0  }
0x9: {  	[smem:$0x3FAF] =	sst s1  }
0xa: {  	[smem:$0x3FB0] =	sst s2  }
0xb: {  	[smem:$0x3FB1] =	sst s3  }
0xc: {  	[smem:$0x3FB2] =	sst s4  }
0xd: {  	[smem:$0x3FB3] =	sst s5  }
0xe: {  	[smem:$0x3FB4] =	sst s6  }
0xf: {  	[smem:$0x3FB5] =	sst s7  }
0x10: {  	[smem:$0x3FB6] =	sst s8  }
0x11: {  	[smem:$0x3FB7] =	sst s9;
	s0 =	simm.s32 @!p0 $0x0  }
0x12: {  	s1 =	sld [smem:$0x3F9D];
	s0 =	simm.s32 @p0 $0x1  }
0x13: {  	[smem:$0x3FB8] =	sst s0;
	s0 =	simm.s32 @!p1 $0x0  }
0x14: {  	s2 =	sld [smem:$0x3F9C];
	s0 =	simm.s32 @p1 $0x1  }
0x15: {  	[smem:$0x3FB9] =	sst s0;
	s0 =	simm.s32 @!p2 $0x0  }
0x16: {  	s3 =	sld [smem:$0x3FDB];
	s0 =	simm.s32 @p2 $0x1  }
0x17: {  	s4 =	simm.s32 $0x1BF5;
	[smem:$0x3FBB] =	sst s0  }
0x18: {  	s0 =	sld [smem:$0x3F9E];
	_ =	swait.ge [sflag:s4], $0x0  }
0x19: {  	s7 =	sld [smem:$0x3F9F]  }
0x1a: {  	s8 =	sadd.s32 $0xFFFFE003, lr  }
0x1b: {  	s9 =	sadd.s32 $0xFFFFFEF7, lr;
	s5 =	simm.s32 $0xFFFFFFFF;
	p2 =	slt.u32 s8, $0xFFFFF086  }
0x1c: {  	p1 =	slt.u32 s9, $0xF7A;
	s5 =	simm.s32 @!p2 $0x0  }
0x1d: {  	s5 =	simm.s32 @p1 $0x1;
	p0 =	seq.s32 s7, s2  }
0x1e: {  	s7 =	smul.u32 @!p0 $0xF7A, s2;
	p2 =	seq.s32 @!p0 s5, $0x0  }
0x1f: {  	s9 =	smul.u32 $0xF7A, s1;
	s8 =	simm.s32 @!p0 $0x1BF5;
	p2 =	por !p2, p0  }
0x20: {  	[sflag:s8] =	ssyncset.s32 @!p0 $0xFFFFF086;
	s6 =	sadd.s32 @!p0 s3, s7;
	s7 =	simm.s32 @!p0 $0x108  }
0x21: {  	s3 =	sadd.s32 s3, s9;
	s6 =	sadd.s32 @!p0 $0x88, s6;
	s7 =	simm.s32 @p2 $0x1082  }
0x22: {  	[simem:s7], [sflag:s8] =	dma.local @!p0 [hbm:s6], $0xF7A  }
0x23: {  	s9 =	sor.u32 $0xD0000000, s2;
	s6 =	simm.s32 $0x108;
	_ =	swait.ge @!p0 [sflag:s8], $0x0  }
0x24: {  	s3 =	sadd.s32 $0x88, s3;
	s6 =	simm.s32 @!p1 $0x1082;
	[sflag:s4] =	ssyncset.s32 $0xFFFFF086  }
0x25: {  	[simem:s6], [sflag:s4] =	dma.local [hbm:s3], $0xF7A  }
0x26: {  	[smem:$0x3F9F] =	sst s1;
	(tag) =	ssettag s2;
	_ =	strace s9  }
0x27: {  	s1 =	sld [smem:$0x3FAF]  }
0x28: {  	s2 =	sld [smem:$0x3FB0]  }
0x29: {  	s4 =	sld [smem:$0x3FB2]  }
0x2a: {  	p0 =	seq.s32 s5, $0x0;
	s5 =	sld [smem:$0x3FB3]  }
0x2b: {  	s6 =	sld [smem:$0x3FB4]  }
0x2c: {  	s7 =	sld [smem:$0x3FB5]  }
0x2d: {  	s3 =	simm.s32 $0x108;
	s8 =	sld [smem:$0x3FB6]  }
0x2e: {  	s3 =	simm.s32 @!p0 $0x1082;
	s9 =	sld [smem:$0x3FB7]  }
0x2f: {  	lr =	sadd.s32 s0, s3;
	s0 =	sld [smem:$0x3FAE]  }
0x30: {  	s3 =	sld [smem:$0x3FB1]  }
0x31: {  	[smem:$0x3FBA] =	sst s10  }
0x32: {  	s10 =	sld [smem:$0x3FB8];
	_ =	sdelay $0x3  }
0x33: {  	p0 =	seq.s32 s10, $0x1;
	s10 =	sld [smem:$0x3FBA];
	_ =	sdelay $0x3  }
0x34: {  	[smem:$0x3FBA] =	sst s10  }
0x35: {  	s10 =	sld [smem:$0x3FB9];
	_ =	sdelay $0x3  }
0x36: {  	p1 =	seq.s32 s10, $0x1;
	s10 =	sld [smem:$0x3FBA];
	_ =	sdelay $0x3  }
0x37: {  	[smem:$0x3FBA] =	sst s10  }
0x38: {  	s10 =	sld [smem:$0x3FBB]  }
0x39: {  	_ = 	snop;
	(pc) =	sbr.ind lr, $3  }
0x3a: {  	_ = 	snop  }
0x3b: {  	_ = 	snop  }
0x3c: {  	p2 =	seq.s32 s10, $0x1;
	s10 =	sld [smem:$0x3FBA]  }
0x3d: {  	_ =	shalt  }
0x3e: {  	_ =	shalt  }
0x3f: {  	_ =	shalt  }
0x40: {  	_ =	shalt  }
0x41: {  	_ =	shalt  }
0x42: {  	_ =	shalt  }
0x43: {  	_ =	shalt  }
0x44: {  	_ =	shalt  }
0x45: {  	_ =	shalt  }
0x46: {  	_ =	shalt  }
0x47: {  	_ =	shalt  }
0x48: {  	_ =	shalt  }
0x49: {  	_ =	shalt  }
0x4a: {  	_ =	shalt  }
0x4b: {  	_ =	shalt  }
0x4c: {  	_ =	shalt  }
0x4d: {  	_ =	shalt  }
0x4e: {  	_ =	shalt  }
0x4f: {  	_ =	shalt  }
0x50: {  	_ =	shalt  }
0x51: {  	_ =	shalt  }
0x52: {  	_ =	shalt  }
0x53: {  	_ =	shalt  }
0x54: {  	_ =	shalt  }
0x55: {  	_ =	shalt  }
0x56: {  	_ =	shalt  }
0x57: {  	_ =	shalt  }
0x58: {  	_ =	shalt  }
0x59: {  	_ =	shalt  }
0x5a: {  	_ =	shalt  }
0x5b: {  	_ =	shalt  }
0x5c: {  	_ =	shalt  }
0x5d: {  	_ =	shalt  }
0x5e: {  	_ =	shalt  }
0x5f: {  	_ =	shalt  }
0x60: {  	_ =	shalt  }
0x61: {  	_ =	shalt  }
0x62: {  	_ =	shalt  }
0x63: {  	_ =	shalt  }
0x64: {  	_ =	shalt  }
0x65: {  	_ =	shalt  }
0x66: {  	_ =	shalt  }
0x67: {  	_ =	shalt  }
0x68: {  	_ =	shalt  }
0x69: {  	_ =	shalt  }
0x6a: {  	_ =	shalt  }
0x6b: {  	_ =	shalt  }
0x6c: {  	_ =	shalt  }
0x6d: {  	_ =	shalt  }
0x6e: {  	_ =	shalt  }
0x6f: {  	_ =	shalt  }
0x70: {  	_ =	shalt  }
0x71: {  	_ =	shalt  }
0x72: {  	_ =	shalt  }
0x73: {  	_ =	shalt  }
0x74: {  	_ =	shalt  }
0x75: {  	_ =	shalt  }
0x76: {  	_ =	shalt  }
0x77: {  	_ =	shalt  }
0x78: {  	_ =	shalt  }
0x79: {  	_ =	shalt  }
0x7a: {  	_ =	shalt  }
0x7b: {  	_ =	shalt  }
0x7c: {  	_ =	shalt  }
0x7d: {  	_ =	shalt  }
0x7e: {  	_ =	shalt  }
0x7f: {  	_ =	shalt  }
0x80: {  	_ =	shalt  }
0x81: {  	_ =	shalt  }
0x82: {  	_ =	shalt  }
0x83: {  	_ =	shalt  }
0x84: {  	_ =	shalt  }
0x85: {  	_ =	shalt  }
0x86: {  	_ =	shalt  }
0x87: {  	_ =	shalt  }
.Lfunc_end0:
.L_simem_size_0:
called_computation_lowered:
.L_overlay_start_0:
0x88: {  	s2 =	sld [smem:$0x3FD9]  }
0x89: {  	s3 =	sld [smem:$0x3FFE];
	_ =	sdelay $0x1  }
0x8a: {  	s1 =	srdreg.scid  }
0x8b: {  	s0 =	sand.u32 $0x1, s1  }
0x8c: {  	s18 =	sshll.u32 s0, $0xA;
	s2 =	sadd.s32 s3, s2  }
0x8d: {  	s2 =	sadd.s32 s2, s18  }
0x8e: {  	[smem:$0x3FC6] =	sst s2  }
0x8f: {  	_ = 	snop  }
0x90: {  	s2 =	sld [smem:$0x3FC9]  }
0x91: {  	s19 =	sld [smem:$0x3FC8]  }
0x92: {  	s4 =	sld [smem:$0x3FD0];
	(tm) =	ssettm $0x1  }
0x93: {  	s5 =	sld [smem:$0x3FFB];
	_ =	sdelay $0x3  }
0x94: {  	_ =	strace s5  }
0x95: {  	s5 =	sld [smem:$0x3FFC];
	_ =	sdelay $0x3  }
0x96: {  	_ =	strace s5  }
0x97: {  	s5 =	sld [smem:$0x3FFD];
	_ =	sdelay $0x3  }
0x98: {  	_ =	strace s5  }
0x99: {  	_ =	strace $0x8FFFFFFF  }
0x9a: {  	s20 =	sld [smem:$0x3FDB];
	_ =	sdelay $0x1  }
0x9b: {  	s6 =	simm.s32 $_scs_section_size  }
0x9c: {  	s7 =	simm.s32 $_size__tile_overlayer_lowered;
	s8 =	simm.s32 $_tile_overlayer_lowered  }
0x9d: {  	s23 =	simm.s32 $0x1BFF;
	s22 =	sshll.u32 s8, $0x1;
	s5 =	sadd.s32 s6, s20  }
0x9e: {  	s9 =	simm.s32 $0x0;
	s21 =	sshll.u32 s7, $0x1;
	s7 =	sadd.s32 s22, s5  }
0x9f: {  	[timem:s9], [sflag:s23] =	dma.local [hbm:s7], s21  }
0xa0: {  	_ =	swait.ge [sflag:s23], s21  }
0xa1: {  	s6 =	ssub.s32 $0x0, s21;
	[sflag:s23] =	ssyncset.done $0x0  }
0xa2: {  	[sflag:s23] =	ssyncadd.s32 s6;
	_ =	sdelay $0x1  }
0xa3: {  	s24 =	simm.s32 $0x1B8B  }
0xa4: {  	_ =	swait.ge [sflag:s24], $0x1  }
0xa5: {  	[sflag:s24] =	ssyncset.done $0x0  }
0xa6: {  	s25 =	simm.s32 $0x1B8E;
	[sflag:s24] =	ssyncadd.s32 $0xFFFFFFFF  }
0xa7: {  	s26 =	simm.s32 $execute0_lowered;
	[smem:$0x3FD2] =	sst s25  }
0xa8: {  	s6 =	sshll.u32 s26, $0x1;
	_ =	strace $0x80000046;
	[dreg:$0x1] =	wrdreg $0xFFFFFFFF  }
0xa9: {  	s28 =	simm.s32 $_size_execute0_lowered;
	s5 =	sadd.s32 s5, s6;
	[dreg:$0x0] =	wrdreg $0x0  }
0xaa: {  	s6 =	sshll.u32 s28, $0x1;
	[dreg:$0x2] =	wrdreg s5  }
0xab: {  	[dreg:$0x3] =	wrdreg s6  }
0xac: {  	[dreg:$0x4] =	wrdreg $0xC0  }
0xad: {  	_ =	task [dreg:s9], $0x5FFFF  }
0xae: {  	[dreg:$0x1] =	wrdreg $0xFFFFFFFF  }
0xaf: {  	[dreg:$0x0] =	wrdreg $0x60  }
0xb0: {  	[dreg:$0x2] =	wrdreg s2  }
0xb1: {  	[dreg:$0x3] =	wrdreg s19  }
0xb2: {  	[dreg:$0x4] =	wrdreg s4  }
0xb3: {  	[dreg:$0x5] =	wrdreg $0x9  }
0xb4: {  	_ =	task.clear_ibuf [dreg:s9], $0x6FFFF;
	_ =	strace $0x90000046  }
0xb5: {  	s29 =	simm.s32 $0x9;
	_ =	strace $0x80000048  }
0xb6: {  	_ =	swait.ge [sflag:s29], $0x1  }
0xb7: {  	[sflag:s29] =	ssyncadd.s32 $0xFFFFFFFF  }
0xb8: {  	_ =	strace $0x90000048  }
0xb9: {  	_ =	sfence  }
0xba: {  	s30 =	sld [smem:$0x0];
	_ =	sdelay $0x2  }
0xbb: {  	s31 =	sshll.u32 s1, $0xD;
	s1 =	sshrl.u32 s1, $0x2  }
0xbc: {  	s3 =	sand.u32 $0x4000, s31;
	s1 =	sadd.s32 s1, s30  }
0xbd: {  	s0 =	sor.u32 s3, s0;
	s1 =	sshll.u32 s1, $0x11  }
0xbe: {  	s0 =	sor.u32 s1, s0  }
0xbf: {  	s0 =	sadd.s32 $0x8F2B, s0  }
0xc0: {  	[sflag:s0] =	ssyncadd.remote.s32 $0x1  }
0xc1: {  	_ =	sfence.sel $0xFFFF  }
0xc2: {  	[dreg:$0x0] =	wrdreg $0xFFFFFFFF;
	(pc) =	sbr.abs _section_cstart, $3  }
0xc3: {  	[dreg:$0x1] =	wrdreg $0xFFFFFFFF  }
0xc4: {  	_ =	task.clear_ibuf [dreg:s9], $0x2FFFF;
	_ =	strace $0x9FFFFFFF  }
0xc5: {  	(tm) =	ssettm $0x7FFFFFFF  }
tec
execute0_lowered:
.L_overlay_start_1:
0x0: {  	(tag) =	ssettag $0x1  }
0x1: {  	v0 =	vimm.s32 $0x1380;
	vm14 =	vcmask $0x300;
	vm13 =	vcmask $0x704  }
0x2: {  	vm12 =	vcmask $0xB08;
	vm11 =	vcmask $0xF0C;
	vm10 =	vcmask $0x1310  }
0x3: {  	vm9 =	vcmask $0x1714;
	vm8 =	vcmask $0x1B18;
	vm7 =	vcmask $0x1F1C  }
0x4: {  	vm6 =	vcmask $0x2320;
	vm5 =	vcmask $0x2724;
	vm4 =	vcmask $0x2B28  }
0x5: {  	vm3 =	vcmask $0x2F2C;
	v1 =	vlaneseq.u32;
	vm2 =	vcmask $0x3330  }
0x6: {  	vm1 =	vcmask $0x3734;
	vm0 =	vcmask $0x3B38;
	v3 =	vimm.s32 $0x3380  }
0x7: {  	v4 =	vimm.s32 $0x5380;
	v5 =	vimm.s32 $0x7380;
	v0 =	vsel vm14, $0x0, v0  }
0x8: {  	v3 =	vsel vm14, $0x2000, v3;
	v4 =	vsel vm14, $0x4000, v4;
	v5 =	vsel vm14, $0x6000, v5  }
0x9: {  	v0 =	vsel vm13, $0x80, v0;
	v3 =	vsel vm13, $0x2080, v3;
	v4 =	vsel vm13, $0x4080, v4  }
0xa: {  	v5 =	vsel vm13, $0x6080, v5;
	v0 =	vsel vm12, $0x100, v0;
	v3 =	vsel vm12, $0x2100, v3  }
0xb: {  	v4 =	vsel vm12, $0x4100, v4;
	v5 =	vsel vm12, $0x6100, v5;
	v0 =	vsel vm11, $0x180, v0  }
0xc: {  	v3 =	vsel vm11, $0x2180, v3;
	v4 =	vsel vm11, $0x4180, v4;
	v5 =	vsel vm11, $0x6180, v5  }
0xd: {  	s1 =	rddreg [dreg:$0x0];
	v0 =	vsel vm10, $0x200, v0;
	v3 =	vsel vm10, $0x2200, v3;
	v4 =	vsel vm10, $0x4200, v4  }
0xe: {  	s0 =	rddreg [dreg:$0x1];
	v5 =	vsel vm10, $0x6200, v5;
	v0 =	vsel vm9, $0x280, v0;
	v3 =	vsel vm9, $0x2280, v3  }
0xf: {  	s2 =	rddreg [dreg:$0x2];
	s3 =	srdreg.scid;
	v4 =	vsel vm9, $0x4280, v4;
	v5 =	vsel vm9, $0x6280, v5;
	v0 =	vsel vm8, $0x300, v0  }
0x10: {  	s4 =	stileid.u32;
	s6 =	simm.s32 $0x0;
	s8 =	simm.s32 $0x7A1400;
	v3 =	vsel vm8, $0x2300, v3;
	v4 =	vsel vm8, $0x4300, v4;
	v5 =	vsel vm8, $0x6300, v5  }
0x11: {  	s9 =	simm.s32 $0x400;
	s10 =	simm.s32 $0x200;
	s11 =	simm.s32 $0x2200;
	v0 =	vsel vm7, $0x380, v0;
	v3 =	vsel vm7, $0x2380, v3;
	v4 =	vsel vm7, $0x4380, v4  }
0x12: {  	s12 =	simm.s32 $0x4200;
	s13 =	simm.s32 $0x6200;
	s14 =	simm.s32 $0x8200;
	v5 =	vsel vm7, $0x6380, v5;
	v0 =	vsel vm6, $0x1000, v0;
	v3 =	vsel vm6, $0x3000, v3  }
0x13: {  	s15 =	simm.s32 $0xA200;
	s16 =	simm.s32 $0xC200;
	s17 =	simm.s32 $0xE200;
	v4 =	vsel vm6, $0x5000, v4;
	v5 =	vsel vm6, $0x7000, v5;
	v0 =	vsel vm5, $0x1080, v0  }
0x14: {  	s20 =	simm.s32 $0x1;
	s19 =	simm.s32 $0x10200;
	s22 =	simm.s32 $0x3;
	v3 =	vsel vm5, $0x3080, v3;
	v4 =	vsel vm5, $0x5080, v4;
	v5 =	vsel vm5, $0x7080, v5  }
0x15: {  	s21 =	simm.s32 $0x4;
	s23 =	simm.s32 $0x5;
	s24 =	simm.s32 $0x6;
	v0 =	vsel vm4, $0x1100, v0;
	v3 =	vsel vm4, $0x3100, v3;
	v4 =	vsel vm4, $0x5100, v4  }
0x16: {  	s25 =	simm.s32 $0x7;
	s26 =	simm.s32 $0x8;
	s3 =	sand.u32 $0x1, s3;
	v5 =	vsel vm4, $0x7100, v5;
	v2 =	vsel vm3, $0x1180, v0;
	v0 =	vmul.u32 $0x80, v1  }
0x17: {  	s4 =	sshll.u32 s4, $0xA;
	[smem:$0x7FF] =	sst s6;
	s5 =	sshll.u32 s3, $0x9;
	v3 =	vsel vm3, $0x3180, v3;
	v4 =	vsel vm3, $0x5180, v4;
	v5 =	vsel vm3, $0x7180, v5  }
0x18: {  	s3 =	ssub.s32 $0x2, s3;
	_ =	strace $0x80000047;
	s4 =	sor.u32 s5, s4;
	v1 =	vsel vm2, $0x1200, v2;
	v3 =	vsel vm2, $0x3200, v3;
	v6 =	vsel vm2, $0x5200, v4  }
0x19: {  	s28 =	sshrl.u32 s3, $0x1;
	s29 =	sshrl.u32 s4, $0x3;
	s30 =	sadd.s32 s2, s4;
	v5 =	vsel vm2, $0x7200, v5;
	v1 =	vsel vm1, $0x1280, v1;
	v2 =	vor.u32 $0x800, v0  }
0x1a: {  	s3 =	ssub.s32 s3, s28;
	s1 =	sadd.s32 s1, s29;
	[dreg:$0x5] =	wrdreg s30;
	v3 =	vsel vm1, $0x3280, v3;
	v4 =	vor.u32 $0x1000, v0;
	v6 =	vsel vm1, $0x5280, v6  }
0x1b: {  	s4 =	simm.s32 $0x2;
	s31 =	smax.u32 s3, $0x1;
	[dreg:$0x4] =	wrdreg s1;
	v7 =	vsel vm1, $0x7280, v5;
	v1 =	vsel vm0, $0x1300, v1;
	v3 =	vsel vm0, $0x3300, v3  }
0x1c: {  	s2 =	simm.s32 $0x0;
	s3 =	simm.s32 $0x9;
	[dreg:$0x6] =	wrdreg s31;
	v5 =	vsel vm0, $0x5300, v6;
	v6 =	vor.u32 $0x1800, v0;
	v7 =	vsel vm0, $0x7300, v7  }
.LBB2_1:
0x1d: {  	[dreg:$0x7] =	wrdreg s2  }
0x1e: {  	s1 =	simm.s32 $0x0;
	s7 =	rddreg [dreg:$0x4]  }
0x1f: {  	[tilespmem:s1], [sflag:$0x9] =	stream.linear.gather [hbm4b:s7+s1], $0x200, $0x38;
	[tilespmem:$0x18200] =	vst v63  }
0x20: {  	_ =	swait.ge [sflag:s3], $0x200  }
0x21: {  	[sflag:s3] =	ssyncset.done $0x0  }
0x22: {  	[sflag:s3] =	ssyncadd.s32 $0xFFFFFE00  }
0x23: {  	v8 =	vld [tilespmem:$0x0];
	_ =	sdelay $0x4  }
0x24: {  	(v2sf) =	vpush v8, $0x0  }
0x25: {  	(v2sf) =	vpush v8, $0x1;
	_ =	sdelay $0x1  }
0x26: {  	(v2sf) =	vpush v8, $0x2;
	_ =	sdelay $0x4  }
0x27: {  	(v2sf) =	vpush v8, $0x3  }
0x28: {  	(v2sf) =	vpush v8, $0x4;
	_ =	sdelay $0x5  }
0x29: {  	s18 =	spop (v2sf);
	(v2sf) =	vpush v8, $0x5  }
0x2a: {  	s28 =	spop (v2sf);
	(v2sf) =	vpush v8, $0x6  }
0x2b: {  	s1 =	sand.u32 $0xFFFFF80, s18  }
0x2c: {  	s1 =	sadd.s32 s0, s1;
	s29 =	spop (v2sf)  }
0x2d: {  	(v2sf) =	vpush v8, $0x7;
	[tilespmem:s10], [sflag:$0x1] =	stream.strided.gather [hbm4b:s1+s9], $0x2000, s8, s9, $0x38;
	[tilespmem:$0x18200] =	vst v63  }
0x2e: {  	s1 =	sand.u32 $0xFFFFF80, s28  }
0x2f: {  	s1 =	sadd.s32 s0, s1  }
0x30: {  	[tilespmem:s11], [sflag:$0x2] =	stream.strided.gather [hbm4b:s1+s9], $0x2000, s8, s9, $0x38;
	[tilespmem:$0x18200] =	vst v63  }
0x31: {  	s30 =	spop (v2sf);
	s1 =	sand.u32 $0xFFFFF80, s29  }
0x32: {  	s3 =	sand.u32 $0xFFFFF80, s30;
	s5 =	spop (v2sf);
	s1 =	sadd.s32 s0, s1  }
0x33: {  	[tilespmem:s12], [sflag:$0x3] =	stream.strided.gather [hbm4b:s1+s9], $0x2000, s8, s9, $0x38;
	[tilespmem:$0x18200] =	vst v63  }
0x34: {  	s6 =	sand.u32 $0xFFFFF80, s5;
	s1 =	sadd.s32 s0, s3  }
0x35: {  	[tilespmem:s13], [sflag:$0x4] =	stream.strided.gather [hbm4b:s1+s9], $0x2000, s8, s9, $0x38;
	[tilespmem:$0x18200] =	vst v63  }
0x36: {  	s1 =	sadd.s32 s0, s6  }
0x37: {  	[tilespmem:s14], [sflag:$0x5] =	stream.strided.gather [hbm4b:s1+s9], $0x2000, s8, s9, $0x38;
	[tilespmem:$0x18200] =	vst v63  }
0x38: {  	s7 =	spop (v2sf)  }
0x39: {  	s18 =	sand.u32 $0xFFFFF80, s7;
	s28 =	spop (v2sf)  }
0x3a: {  	s1 =	sadd.s32 s0, s18;
	s29 =	sand.u32 $0xFFFFF80, s28  }
0x3b: {  	[tilespmem:s15], [sflag:$0x6] =	stream.strided.gather [hbm4b:s1+s9], $0x2000, s8, s9, $0x38;
	[tilespmem:$0x18200] =	vst v63  }
0x3c: {  	s30 =	spop (v2sf);
	s1 =	sadd.s32 s0, s29  }
0x3d: {  	[tilespmem:s16], [sflag:$0x7] =	stream.strided.gather [hbm4b:s1+s9], $0x2000, s8, s9, $0x38;
	[tilespmem:$0x18200] =	vst v63  }
0x3e: {  	s1 =	sand.u32 $0xFFFFF80, s30  }
0x3f: {  	s1 =	sadd.s32 s0, s1  }
0x40: {  	[tilespmem:s17], [sflag:$0x8] =	stream.strided.gather [hbm4b:s1+s9], $0x2000, s8, s9, $0x38;
	[tilespmem:$0x18200] =	vst v63  }
0x41: {  	s31 =	simm.s32 $0x10;
	s1 =	simm.s32 $0x0  }
.LBB2_2:
0x42: {  	v9 =	vld [tilespmem:s1+$0x0];
	_ =	sdelay $0x2  }
0x43: {  	s2 =	smin.u32 s31, $0x1F0  }
0x44: {  	v8 =	vld [tilespmem:s2+$0x0];
	_ =	swait.ge [sflag:s20], $0x2000  }
0x45: {  	(v2sf) =	vpush v9, $0x0;
	_ =	sdelay $0xe  }
0x46: {  	s3 =	spop (v2sf)  }
0x47: {  	s2 =	sand.u32 $0x7F, s3  }
0x48: {  	s3 =	sadd.s32 $0xFFFFFFF0, s31;
	v10 =	vor.u32 s2, v0  }
0x49: {  	v11 =	vmov s3  }
0x4a: {  	v12 =	vshll.u32 v11, $0x3  }
0x4b: {  	[sflag:s20] =	ssyncset.done $0x0;
	v11 =	vand.u32 $0x70, v11;
	v12 =	vand.u32 $0xC00, v12  }
0x4c: {  	[sflag:s20] =	ssyncadd.s32 $0xFFFFE000;
	v11 =	vor.u32 v11, v12  }
0x4d: {  	v12 =	vor.u32 v1, v11;
	v10 =	vld.idx.msk [tilespmem:v10+s10+$0x0], $0xffff  }
0x4e: {  	v13 =	vor.u32 s2, v2;
	_ =	sdelay $0x3  }
0x4f: {  	[tilespmem:v12+s19+$0x0] =	vst.idx.msk $0xffff, v10  }
0x50: {  	(v2sf) =	vpush v9, $0x8;
	v35 =	vor.u32 v3, v11;
	v10 =	vld.idx.msk [tilespmem:v13+s10+$0x0], $0xffff  }
0x51: {  	v36 =	vor.u32 s2, v4;
	_ =	sdelay $0x3  }
0x52: {  	[tilespmem:v35+s19+$0x0] =	vst.idx.msk $0xffff, v10  }
0x53: {  	v37 =	vor.u32 v5, v11;
	v10 =	vld.idx.msk [tilespmem:v36+s10+$0x0], $0xffff  }
0x54: {  	v38 =	vor.u32 s2, v6;
	_ =	sdelay $0x3  }
0x55: {  	[tilespmem:v37+s19+$0x0] =	vst.idx.msk $0xffff, v10  }
0x56: {  	v11 =	vor.u32 v7, v11;
	v10 =	vld.idx.msk [tilespmem:v38+s10+$0x0], $0xffff;
	_ =	sdelay $0x2  }
0x57: {  	s28 =	spop (v2sf)  }
0x58: {  	s5 =	sand.u32 $0xFFFFF80, s28  }
0x59: {  	s2 =	sadd.s32 s0, s5;
	[tilespmem:v11+s19+$0x0] =	vst.idx.msk $0xffff, v10  }
0x5a: {  	[tilespmem:s10], [sflag:$0x1] =	stream.strided.gather [hbm4b:s2+s9], $0x2000, s8, s9, $0x38;
	[tilespmem:$0x18200] =	vst v63  }
0x5b: {  	_ =	swait.ge [sflag:s4], $0x2000  }
0x5c: {  	(v2sf) =	vpush v9, $0x1;
	_ =	sdelay $0xe  }
0x5d: {  	s6 =	spop (v2sf)  }
0x5e: {  	s2 =	sand.u32 $0x7F, s6  }
0x5f: {  	s7 =	sadd.s32 $0xFFFFFFF1, s31;
	v39 =	vor.u32 s2, v0  }
0x60: {  	v40 =	vmov s7  }
0x61: {  	v41 =	vshll.u32 v40, $0x3  }
0x62: {  	v12 =	vand.u32 $0xC00, v41;
	v11 =	vand.u32 $0x71, v40;
	[sflag:s4] =	ssyncset.done $0x0  }
0x63: {  	v11 =	vor.u32 v11, v12;
	[sflag:s4] =	ssyncadd.s32 $0xFFFFE000  }
0x64: {  	v12 =	vor.u32 v1, v11;
	v10 =	vld.idx.msk [tilespmem:v39+s11+$0x0], $0xffff  }
0x65: {  	v42 =	vor.u32 s2, v2;
	_ =	sdelay $0x3  }
0x66: {  	[tilespmem:v12+s19+$0x0] =	vst.idx.msk $0xffff, v10  }
0x67: {  	v43 =	vor.u32 v3, v11;
	(v2sf) =	vpush v9, $0x9;
	v10 =	vld.idx.msk [tilespmem:v42+s11+$0x0], $0xffff  }
0x68: {  	v44 =	vor.u32 s2, v4;
	_ =	sdelay $0x3  }
0x69: {  	[tilespmem:v43+s19+$0x0] =	vst.idx.msk $0xffff, v10  }
0x6a: {  	v45 =	vor.u32 v5, v11;
	v10 =	vld.idx.msk [tilespmem:v44+s11+$0x0], $0xffff  }
0x6b: {  	v46 =	vor.u32 s2, v6;
	_ =	sdelay $0x3  }
0x6c: {  	[tilespmem:v45+s19+$0x0] =	vst.idx.msk $0xffff, v10  }
0x6d: {  	v11 =	vor.u32 v7, v11;
	v10 =	vld.idx.msk [tilespmem:v46+s11+$0x0], $0xffff;
	_ =	sdelay $0x2  }
0x6e: {  	s2 =	spop (v2sf)  }
0x6f: {  	s18 =	sand.u32 $0xFFFFF80, s2  }
0x70: {  	s3 =	sadd.s32 s0, s18;
	[tilespmem:v11+s19+$0x0] =	vst.idx.msk $0xffff, v10  }
0x71: {  	[tilespmem:s11], [sflag:$0x2] =	stream.strided.gather [hbm4b:s3+s9], $0x2000, s8, s9, $0x38;
	[tilespmem:$0x18200] =	vst v63  }
0x72: {  	_ =	swait.ge [sflag:s22], $0x2000  }
0x73: {  	(v2sf) =	vpush v9, $0x2;
	_ =	sdelay $0xe  }
0x74: {  	s29 =	spop (v2sf)  }
0x75: {  	s3 =	sand.u32 $0x7F, s29  }
0x76: {  	s30 =	sadd.s32 $0xFFFFFFF2, s31;
	v47 =	vor.u32 s3, v0  }
0x77: {  	v48 =	vmov s30  }
0x78: {  	v49 =	vshll.u32 v48, $0x3;
	s5 =	simm.s32 $0x3  }
0x79: {  	v12 =	vand.u32 $0xC00, v49;
	v11 =	vand.u32 $0x72, v48;
	[sflag:s5] =	ssyncset.done $0x0  }
0x7a: {  	v11 =	vor.u32 v11, v12;
	[sflag:s5] =	ssyncadd.s32 $0xFFFFE000  }
0x7b: {  	v12 =	vor.u32 v1, v11;
	v10 =	vld.idx.msk [tilespmem:v47+s12+$0x0], $0xffff  }
0x7c: {  	v50 =	vor.u32 s3, v2;
	_ =	sdelay $0x3  }
0x7d: {  	[tilespmem:v12+s19+$0x0] =	vst.idx.msk $0xffff, v10  }
0x7e: {  	v51 =	vor.u32 v3, v11;
	(v2sf) =	vpush v9, $0xA;
	v10 =	vld.idx.msk [tilespmem:v50+s12+$0x0], $0xffff  }
0x7f: {  	v52 =	vor.u32 s3, v4;
	_ =	sdelay $0x3  }
0x80: {  	[tilespmem:v51+s19+$0x0] =	vst.idx.msk $0xffff, v10  }
0x81: {  	v53 =	vor.u32 v5, v11;
	v10 =	vld.idx.msk [tilespmem:v52+s12+$0x0], $0xffff  }
0x82: {  	v54 =	vor.u32 s3, v6;
	_ =	sdelay $0x3  }
0x83: {  	[tilespmem:v53+s19+$0x0] =	vst.idx.msk $0xffff, v10  }
0x84: {  	v11 =	vor.u32 v7, v11;
	v10 =	vld.idx.msk [tilespmem:v54+s12+$0x0], $0xffff;
	_ =	sdelay $0x2  }
0x85: {  	s3 =	spop (v2sf)  }
0x86: {  	s5 =	sand.u32 $0xFFFFF80, s3  }
0x87: {  	s4 =	sadd.s32 s0, s5;
	[tilespmem:v11+s19+$0x0] =	vst.idx.msk $0xffff, v10  }
0x88: {  	[tilespmem:s12], [sflag:$0x3] =	stream.strided.gather [hbm4b:s4+s9], $0x2000, s8, s9, $0x38;
	[tilespmem:$0x18200] =	vst v63  }
0x89: {  	_ =	swait.ge [sflag:s21], $0x2000  }
0x8a: {  	(v2sf) =	vpush v9, $0x3;
	_ =	sdelay $0xe  }
0x8b: {  	s6 =	spop (v2sf)  }
0x8c: {  	s4 =	sand.u32 $0x7F, s6  }
0x8d: {  	s7 =	sadd.s32 $0xFFFFFFF3, s31;
	v55 =	vor.u32 s4, v0  }
0x8e: {  	v56 =	vmov s7  }
0x8f: {  	v57 =	vshll.u32 v56, $0x3  }
0x90: {  	v12 =	vand.u32 $0xC00, v57;
	v11 =	vand.u32 $0x73, v56;
	[sflag:s21] =	ssyncset.done $0x0  }
0x91: {  	v11 =	vor.u32 v11, v12;
	[sflag:s21] =	ssyncadd.s32 $0xFFFFE000  }
0x92: {  	v12 =	vor.u32 v1, v11;
	v10 =	vld.idx.msk [tilespmem:v55+s13+$0x0], $0xffff  }
0x93: {  	v58 =	vor.u32 s4, v2;
	_ =	sdelay $0x3  }
0x94: {  	[tilespmem:v12+s19+$0x0] =	vst.idx.msk $0xffff, v10  }
0x95: {  	v59 =	vor.u32 v3, v11;
	(v2sf) =	vpush v9, $0xB;
	v10 =	vld.idx.msk [tilespmem:v58+s13+$0x0], $0xffff  }
0x96: {  	v60 =	vor.u32 s4, v4;
	_ =	sdelay $0x3  }
0x97: {  	[tilespmem:v59+s19+$0x0] =	vst.idx.msk $0xffff, v10  }
0x98: {  	v61 =	vor.u32 v5, v11;
	v10 =	vld.idx.msk [tilespmem:v60+s13+$0x0], $0xffff  }
0x99: {  	v62 =	vor.u32 s4, v6;
	_ =	sdelay $0x3  }
0x9a: {  	[tilespmem:v61+s19+$0x0] =	vst.idx.msk $0xffff, v10  }
0x9b: {  	v11 =	vor.u32 v7, v11;
	v10 =	vld.idx.msk [tilespmem:v62+s13+$0x0], $0xffff;
	_ =	sdelay $0x2  }
0x9c: {  	s29 =	spop (v2sf)  }
0x9d: {  	s18 =	sand.u32 $0xFFFFF80, s29  }
0x9e: {  	s4 =	sadd.s32 s0, s18;
	[tilespmem:v11+s19+$0x0] =	vst.idx.msk $0xffff, v10  }
0x9f: {  	[tilespmem:s13], [sflag:$0x4] =	stream.strided.gather [hbm4b:s4+s9], $0x2000, s8, s9, $0x38;
	[tilespmem:$0x18200] =	vst v63  }
0xa0: {  	_ =	swait.ge [sflag:s23], $0x2000  }
0xa1: {  	(v2sf) =	vpush v9, $0x4;
	_ =	sdelay $0xe  }
0xa2: {  	s21 =	spop (v2sf)  }
0xa3: {  	s4 =	sand.u32 $0x7F, s21  }
0xa4: {  	s30 =	sadd.s32 $0xFFFFFFF4, s31;
	v63 =	vor.u32 s4, v0  }
0xa5: {  	v16 =	vmov s30  }
0xa6: {  	v17 =	vshll.u32 v16, $0x3  }
0xa7: {  	v12 =	vand.u32 $0xC00, v17;
	v11 =	vand.u32 $0x74, v16;
	[sflag:s23] =	ssyncset.done $0x0  }
0xa8: {  	v11 =	vor.u32 v11, v12;
	[sflag:s23] =	ssyncadd.s32 $0xFFFFE000  }
0xa9: {  	v12 =	vor.u32 v1, v11;
	v10 =	vld.idx.msk [tilespmem:v63+s14+$0x0], $0xffff  }
0xaa: {  	v18 =	vor.u32 s4, v2;
	_ =	sdelay $0x3  }
0xab: {  	[tilespmem:v12+s19+$0x0] =	vst.idx.msk $0xffff, v10  }
0xac: {  	v19 =	vor.u32 v3, v11;
	(v2sf) =	vpush v9, $0xC;
	v10 =	vld.idx.msk [tilespmem:v18+s14+$0x0], $0xffff  }
0xad: {  	v20 =	vor.u32 s4, v4;
	_ =	sdelay $0x3  }
0xae: {  	[tilespmem:v19+s19+$0x0] =	vst.idx.msk $0xffff, v10  }
0xaf: {  	v21 =	vor.u32 v5, v11;
	v10 =	vld.idx.msk [tilespmem:v20+s14+$0x0], $0xffff  }
0xb0: {  	v22 =	vor.u32 s4, v6;
	_ =	sdelay $0x3  }
0xb1: {  	[tilespmem:v21+s19+$0x0] =	vst.idx.msk $0xffff, v10  }
0xb2: {  	v11 =	vor.u32 v7, v11;
	v10 =	vld.idx.msk [tilespmem:v22+s14+$0x0], $0xffff;
	_ =	sdelay $0x2  }
0xb3: {  	s4 =	spop (v2sf)  }
0xb4: {  	s6 =	sand.u32 $0xFFFFF80, s4  }
0xb5: {  	s5 =	sadd.s32 s0, s6;
	[tilespmem:v11+s19+$0x0] =	vst.idx.msk $0xffff, v10  }
0xb6: {  	[tilespmem:s14], [sflag:$0x5] =	stream.strided.gather [hbm4b:s5+s9], $0x2000, s8, s9, $0x38;
	[tilespmem:$0x18200] =	vst v63  }
0xb7: {  	_ =	swait.ge [sflag:s24], $0x2000  }
0xb8: {  	(v2sf) =	vpush v9, $0x5;
	_ =	sdelay $0xe  }
0xb9: {  	s7 =	spop (v2sf)  }
0xba: {  	s5 =	sand.u32 $0x7F, s7  }
0xbb: {  	s6 =	sadd.s32 $0xFFFFFFF5, s31;
	v23 =	vor.u32 s5, v0  }
0xbc: {  	v24 =	vmov s6  }
0xbd: {  	v25 =	vshll.u32 v24, $0x3  }
0xbe: {  	v12 =	vand.u32 $0xC00, v25;
	v11 =	vand.u32 $0x75, v24;
	[sflag:s24] =	ssyncset.done $0x0  }
0xbf: {  	v11 =	vor.u32 v11, v12;
	[sflag:s24] =	ssyncadd.s32 $0xFFFFE000  }
0xc0: {  	v12 =	vor.u32 v1, v11;
	v10 =	vld.idx.msk [tilespmem:v23+s15+$0x0], $0xffff  }
0xc1: {  	v26 =	vor.u32 s5, v2;
	_ =	sdelay $0x3  }
0xc2: {  	[tilespmem:v12+s19+$0x0] =	vst.idx.msk $0xffff, v10  }
0xc3: {  	v27 =	vor.u32 v3, v11;
	(v2sf) =	vpush v9, $0xD;
	v10 =	vld.idx.msk [tilespmem:v26+s15+$0x0], $0xffff  }
0xc4: {  	v28 =	vor.u32 s5, v4;
	_ =	sdelay $0x3  }
0xc5: {  	[tilespmem:v27+s19+$0x0] =	vst.idx.msk $0xffff, v10  }
0xc6: {  	v29 =	vor.u32 v5, v11;
	v10 =	vld.idx.msk [tilespmem:v28+s15+$0x0], $0xffff  }
0xc7: {  	v30 =	vor.u32 s5, v6;
	_ =	sdelay $0x3  }
0xc8: {  	[tilespmem:v29+s19+$0x0] =	vst.idx.msk $0xffff, v10  }
0xc9: {  	v11 =	vor.u32 v7, v11;
	v10 =	vld.idx.msk [tilespmem:v30+s15+$0x0], $0xffff;
	_ =	sdelay $0x2  }
0xca: {  	s5 =	spop (v2sf)  }
0xcb: {  	s18 =	sand.u32 $0xFFFFF80, s5  }
0xcc: {  	s6 =	sadd.s32 s0, s18;
	[tilespmem:v11+s19+$0x0] =	vst.idx.msk $0xffff, v10  }
0xcd: {  	[tilespmem:s15], [sflag:$0x6] =	stream.strided.gather [hbm4b:s6+s9], $0x2000, s8, s9, $0x38;
	[tilespmem:$0x18200] =	vst v63  }
0xce: {  	_ =	swait.ge [sflag:s25], $0x2000  }
0xcf: {  	(v2sf) =	vpush v9, $0x6;
	_ =	sdelay $0xe  }
0xd0: {  	s21 =	spop (v2sf)  }
0xd1: {  	s6 =	sand.u32 $0x7F, s21  }
0xd2: {  	s7 =	sadd.s32 $0xFFFFFFF6, s31;
	v31 =	vor.u32 s6, v0  }
0xd3: {  	v32 =	vmov s7  }
0xd4: {  	v33 =	vshll.u32 v32, $0x3  }
0xd5: {  	v12 =	vand.u32 $0xC00, v33;
	v11 =	vand.u32 $0x76, v32;
	[sflag:s25] =	ssyncset.done $0x0  }
0xd6: {  	v11 =	vor.u32 v11, v12;
	[sflag:s25] =	ssyncadd.s32 $0xFFFFE000  }
0xd7: {  	v12 =	vor.u32 v1, v11;
	v10 =	vld.idx.msk [tilespmem:v31+s16+$0x0], $0xffff  }
0xd8: {  	v34 =	vor.u32 s6, v2;
	_ =	sdelay $0x3  }
0xd9: {  	[tilespmem:v12+s19+$0x0] =	vst.idx.msk $0xffff, v10  }
0xda: {  	v35 =	vor.u32 v3, v11;
	(v2sf) =	vpush v9, $0xE;
	v10 =	vld.idx.msk [tilespmem:v34+s16+$0x0], $0xffff  }
0xdb: {  	v36 =	vor.u32 s6, v4;
	_ =	sdelay $0x3  }
0xdc: {  	[tilespmem:v35+s19+$0x0] =	vst.idx.msk $0xffff, v10  }
0xdd: {  	v37 =	vor.u32 v5, v11;
	v10 =	vld.idx.msk [tilespmem:v36+s16+$0x0], $0xffff  }
0xde: {  	v38 =	vor.u32 s6, v6;
	_ =	sdelay $0x3  }
0xdf: {  	[tilespmem:v37+s19+$0x0] =	vst.idx.msk $0xffff, v10  }
0xe0: {  	v11 =	vor.u32 v7, v11;
	v10 =	vld.idx.msk [tilespmem:v38+s16+$0x0], $0xffff;
	_ =	sdelay $0x2  }
0xe1: {  	s6 =	spop (v2sf)  }
0xe2: {  	s30 =	sand.u32 $0xFFFFF80, s6  }
0xe3: {  	s7 =	sadd.s32 s0, s30;
	[tilespmem:v11+s19+$0x0] =	vst.idx.msk $0xffff, v10  }
0xe4: {  	[tilespmem:s16], [sflag:$0x7] =	stream.strided.gather [hbm4b:s7+s9], $0x2000, s8, s9, $0x38;
	[tilespmem:$0x18200] =	vst v63  }
0xe5: {  	_ =	swait.ge [sflag:s26], $0x2000  }
0xe6: {  	(v2sf) =	vpush v9, $0x7;
	_ =	sdelay $0xe  }
0xe7: {  	s18 =	spop (v2sf)  }
0xe8: {  	s7 =	sand.u32 $0x7F, s18  }
0xe9: {  	s30 =	sadd.s32 $0xFFFFFFF7, s31;
	v39 =	vor.u32 s7, v0  }
0xea: {  	v40 =	vmov s30  }
0xeb: {  	v41 =	vshll.u32 v40, $0x3  }
0xec: {  	v12 =	vand.u32 $0xC00, v41;
	v11 =	vand.u32 $0x77, v40;
	[sflag:s26] =	ssyncset.done $0x0  }
0xed: {  	v11 =	vor.u32 v11, v12;
	[sflag:s26] =	ssyncadd.s32 $0xFFFFE000  }
0xee: {  	v12 =	vor.u32 v1, v11;
	v10 =	vld.idx.msk [tilespmem:v39+s17+$0x0], $0xffff  }
0xef: {  	v42 =	vor.u32 s7, v2;
	_ =	sdelay $0x3  }
0xf0: {  	[tilespmem:v12+s19+$0x0] =	vst.idx.msk $0xffff, v10  }
0xf1: {  	v43 =	vor.u32 v3, v11;
	(v2sf) =	vpush v9, $0xF;
	v10 =	vld.idx.msk [tilespmem:v42+s17+$0x0], $0xffff  }
0xf2: {  	v44 =	vor.u32 s7, v4;
	_ =	sdelay $0x3  }
0xf3: {  	[tilespmem:v43+s19+$0x0] =	vst.idx.msk $0xffff, v10  }
0xf4: {  	v45 =	vor.u32 v5, v11;
	v9 =	vld.idx.msk [tilespmem:v44+s17+$0x0], $0xffff  }
0xf5: {  	v46 =	vor.u32 s7, v6;
	_ =	sdelay $0x3  }
0xf6: {  	[tilespmem:v45+s19+$0x0] =	vst.idx.msk $0xffff, v9  }
0xf7: {  	v47 =	vor.u32 v7, v11;
	v9 =	vld.idx.msk [tilespmem:v46+s17+$0x0], $0xffff;
	_ =	sdelay $0x2  }
0xf8: {  	s7 =	spop (v2sf)  }
0xf9: {  	s28 =	sand.u32 $0x7F, s28;
	s21 =	sand.u32 $0xFFFFF80, s7  }
0xfa: {  	v48 =	vor.u32 s28, v0;
	s18 =	sadd.s32 $0xFFFFFFF8, s31;
	s30 =	sadd.s32 s0, s21;
	[tilespmem:v47+s19+$0x0] =	vst.idx.msk $0xffff, v9  }
0xfb: {  	v49 =	vmov s18;
	[tilespmem:s17], [sflag:$0x8] =	stream.strided.gather [hbm4b:s30+s9], $0x2000, s8, s9, $0x38;
	[tilespmem:$0x18200] =	vst v63  }
0xfc: {  	v50 =	vshll.u32 v49, $0x3;
	_ =	swait.ge [sflag:s20], $0x2000  }
0xfd: {  	v11 =	vand.u32 $0xC00, v50;
	v10 =	vand.u32 $0x78, v49;
	[sflag:s20] =	ssyncset.done $0x0  }
0xfe: {  	v10 =	vor.u32 v10, v11;
	[sflag:s20] =	ssyncadd.s32 $0xFFFFE000  }
0xff: {  	v11 =	vor.u32 v1, v10;
	v9 =	vld.idx.msk [tilespmem:v48+s10+$0x0], $0xffff  }
0x100: {  	v51 =	vor.u32 s28, v2;
	_ =	sdelay $0x3  }
0x101: {  	p0 =	seq.s32 s31, $0x200;
	[tilespmem:v11+s19+$0x0] =	vst.idx.msk $0xffff, v9  }
0x102: {  	v52 =	vor.u32 v3, v10;
	(v2sf) =	vpush @!p0 v8, $0x0;
	v9 =	vld.idx.msk [tilespmem:v51+s10+$0x0], $0xffff  }
0x103: {  	v53 =	vor.u32 s28, v4;
	_ =	sdelay $0x3  }
0x104: {  	[tilespmem:v52+s19+$0x0] =	vst.idx.msk $0xffff, v9  }
0x105: {  	v54 =	vor.u32 v5, v10;
	v9 =	vld.idx.msk [tilespmem:v53+s10+$0x0], $0xffff  }
0x106: {  	v55 =	vor.u32 s28, v6;
	_ =	sdelay $0x3  }
0x107: {  	[tilespmem:v54+s19+$0x0] =	vst.idx.msk $0xffff, v9  }
0x108: {  	v10 =	vor.u32 v7, v10;
	v9 =	vld.idx.msk [tilespmem:v55+s10+$0x0], $0xffff;
	_ =	sdelay $0x2  }
0x109: {  	s22 =	simm.s32 $0x2;
	s28 =	simm.s32 @!p0 $0x400;
	s18 =	spop @!p0 (v2sf)  }
0x10a: {  	s21 =	sadd.s32 $0xFFFFFFF9, s31;
	s30 =	sand.u32 $0x7F, s2;
	s18 =	sand.u32 @!p0 $0xFFFFF80, s18  }
0x10b: {  	s2 =	simm.s32 @!p0 $0x7A1400;
	v56 =	vor.u32 s30, v0;
	s20 =	simm.s32 @!p0 $0x200;
	s18 =	sadd.s32 @!p0 s0, s18;
	[tilespmem:v10+s19+$0x0] =	vst.idx.msk $0xffff, v9  }
0x10c: {  	v57 =	vmov s21;
	[tilespmem:s20], [sflag:$0x1] =	stream.strided.gather @!p0 [hbm4b:s18+s28], $0x2000, s2, s28, $0x38;
	[tilespmem:$0x18200] =	vst v63  }
0x10d: {  	v58 =	vshll.u32 v57, $0x3;
	_ =	swait.ge [sflag:s22], $0x2000  }
0x10e: {  	v11 =	vand.u32 $0xC00, v58;
	v10 =	vand.u32 $0x79, v57;
	[sflag:s22] =	ssyncset.done $0x0  }
0x10f: {  	v10 =	vor.u32 v10, v11;
	[sflag:s22] =	ssyncadd.s32 $0xFFFFE000  }
0x110: {  	v11 =	vor.u32 v1, v10;
	v9 =	vld.idx.msk [tilespmem:v56+s11+$0x0], $0xffff  }
0x111: {  	v59 =	vor.u32 s30, v2;
	_ =	sdelay $0x3  }
0x112: {  	[tilespmem:v11+s19+$0x0] =	vst.idx.msk $0xffff, v9  }
0x113: {  	v60 =	vor.u32 v3, v10;
	(v2sf) =	vpush @!p0 v8, $0x1;
	v9 =	vld.idx.msk [tilespmem:v59+s11+$0x0], $0xffff  }
0x114: {  	v61 =	vor.u32 s30, v4;
	_ =	sdelay $0x3  }
0x115: {  	[tilespmem:v60+s19+$0x0] =	vst.idx.msk $0xffff, v9  }
0x116: {  	v62 =	vor.u32 v5, v10;
	v9 =	vld.idx.msk [tilespmem:v61+s11+$0x0], $0xffff  }
0x117: {  	v63 =	vor.u32 s30, v6;
	_ =	sdelay $0x3  }
0x118: {  	[tilespmem:v62+s19+$0x0] =	vst.idx.msk $0xffff, v9  }
0x119: {  	v10 =	vor.u32 v7, v10;
	v9 =	vld.idx.msk [tilespmem:v63+s11+$0x0], $0xffff;
	_ =	sdelay $0x2  }
0x11a: {  	s18 =	spop @!p0 (v2sf)  }
0x11b: {  	s3 =	sand.u32 $0x7F, s3;
	s30 =	sadd.s32 $0xFFFFFFFA, s31;
	s18 =	sand.u32 @!p0 $0xFFFFF80, s18  }
0x11c: {  	v16 =	vor.u32 s3, v0;
	s20 =	simm.s32 @!p0 $0x2200;
	s22 =	simm.s32 $0x3;
	s18 =	sadd.s32 @!p0 s0, s18;
	[tilespmem:v10+s19+$0x0] =	vst.idx.msk $0xffff, v9  }
0x11d: {  	v17 =	vmov s30;
	[tilespmem:s20], [sflag:$0x2] =	stream.strided.gather @!p0 [hbm4b:s18+s28], $0x2000, s2, s28, $0x38;
	[tilespmem:$0x18200] =	vst v63  }
0x11e: {  	v18 =	vshll.u32 v17, $0x3;
	_ =	swait.ge [sflag:s22], $0x2000  }
0x11f: {  	v11 =	vand.u32 $0xC00, v18;
	v10 =	vand.u32 $0x7A, v17;
	[sflag:s22] =	ssyncset.done $0x0  }
0x120: {  	v10 =	vor.u32 v10, v11;
	[sflag:s22] =	ssyncadd.s32 $0xFFFFE000  }
0x121: {  	v11 =	vor.u32 v1, v10;
	v9 =	vld.idx.msk [tilespmem:v16+s12+$0x0], $0xffff  }
0x122: {  	v19 =	vor.u32 s3, v2;
	_ =	sdelay $0x3  }
0x123: {  	[tilespmem:v11+s19+$0x0] =	vst.idx.msk $0xffff, v9  }
0x124: {  	v20 =	vor.u32 v3, v10;
	(v2sf) =	vpush @!p0 v8, $0x2;
	v9 =	vld.idx.msk [tilespmem:v19+s12+$0x0], $0xffff  }
0x125: {  	v21 =	vor.u32 s3, v4;
	_ =	sdelay $0x3  }
0x126: {  	[tilespmem:v20+s19+$0x0] =	vst.idx.msk $0xffff, v9  }
0x127: {  	v22 =	vor.u32 v5, v10;
	v9 =	vld.idx.msk [tilespmem:v21+s12+$0x0], $0xffff  }
0x128: {  	v23 =	vor.u32 s3, v6;
	_ =	sdelay $0x3  }
0x129: {  	[tilespmem:v22+s19+$0x0] =	vst.idx.msk $0xffff, v9  }
0x12a: {  	v10 =	vor.u32 v7, v10;
	v9 =	vld.idx.msk [tilespmem:v23+s12+$0x0], $0xffff;
	_ =	sdelay $0x2  }
0x12b: {  	s3 =	spop @!p0 (v2sf)  }
0x12c: {  	s29 =	sand.u32 $0x7F, s29;
	s21 =	simm.s32 $0x4;
	s3 =	sand.u32 @!p0 $0xFFFFF80, s3  }
0x12d: {  	v24 =	vor.u32 s29, v0;
	s30 =	sadd.s32 $0xFFFFFFFB, s31;
	s20 =	simm.s32 @!p0 $0x4200;
	s3 =	sadd.s32 @!p0 s0, s3;
	[tilespmem:v10+s19+$0x0] =	vst.idx.msk $0xffff, v9  }
0x12e: {  	v25 =	vmov s30;
	[tilespmem:s20], [sflag:$0x3] =	stream.strided.gather @!p0 [hbm4b:s3+s28], $0x2000, s2, s28, $0x38;
	[tilespmem:$0x18200] =	vst v63  }
0x12f: {  	v26 =	vshll.u32 v25, $0x3;
	_ =	swait.ge [sflag:s21], $0x2000  }
0x130: {  	v11 =	vand.u32 $0xC00, v26;
	v10 =	vand.u32 $0x7B, v25;
	[sflag:s21] =	ssyncset.done $0x0  }
0x131: {  	v10 =	vor.u32 v10, v11;
	[sflag:s21] =	ssyncadd.s32 $0xFFFFE000  }
0x132: {  	v11 =	vor.u32 v1, v10;
	v9 =	vld.idx.msk [tilespmem:v24+s13+$0x0], $0xffff  }
0x133: {  	v27 =	vor.u32 s29, v2;
	_ =	sdelay $0x3  }
0x134: {  	[tilespmem:v11+s19+$0x0] =	vst.idx.msk $0xffff, v9  }
0x135: {  	v28 =	vor.u32 v3, v10;
	(v2sf) =	vpush @!p0 v8, $0x3;
	v9 =	vld.idx.msk [tilespmem:v27+s13+$0x0], $0xffff  }
0x136: {  	v29 =	vor.u32 s29, v4;
	_ =	sdelay $0x3  }
0x137: {  	[tilespmem:v28+s19+$0x0] =	vst.idx.msk $0xffff, v9  }
0x138: {  	v30 =	vor.u32 v5, v10;
	v9 =	vld.idx.msk [tilespmem:v29+s13+$0x0], $0xffff  }
0x139: {  	v31 =	vor.u32 s29, v6;
	_ =	sdelay $0x3  }
0x13a: {  	[tilespmem:v30+s19+$0x0] =	vst.idx.msk $0xffff, v9  }
0x13b: {  	v10 =	vor.u32 v7, v10;
	v9 =	vld.idx.msk [tilespmem:v31+s13+$0x0], $0xffff;
	_ =	sdelay $0x2  }
0x13c: {  	s3 =	spop @!p0 (v2sf)  }
0x13d: {  	s4 =	sand.u32 $0x7F, s4;
	s3 =	sand.u32 @!p0 $0xFFFFF80, s3  }
0x13e: {  	v32 =	vor.u32 s4, v0;
	s29 =	sadd.s32 $0xFFFFFFFC, s31;
	s18 =	simm.s32 @!p0 $0x6200;
	s3 =	sadd.s32 @!p0 s0, s3;
	[tilespmem:v10+s19+$0x0] =	vst.idx.msk $0xffff, v9  }
0x13f: {  	v33 =	vmov s29;
	[tilespmem:s18], [sflag:$0x4] =	stream.strided.gather @!p0 [hbm4b:s3+s28], $0x2000, s2, s28, $0x38;
	[tilespmem:$0x18200] =	vst v63  }
0x140: {  	v34 =	vshll.u32 v33, $0x3;
	_ =	swait.ge [sflag:s23], $0x2000  }
0x141: {  	v11 =	vand.u32 $0xC00, v34;
	v10 =	vand.u32 $0x7C, v33;
	[sflag:s23] =	ssyncset.done $0x0  }
0x142: {  	v10 =	vor.u32 v10, v11;
	[sflag:s23] =	ssyncadd.s32 $0xFFFFE000  }
0x143: {  	v11 =	vor.u32 v1, v10;
	v9 =	vld.idx.msk [tilespmem:v32+s14+$0x0], $0xffff  }
0x144: {  	v35 =	vor.u32 s4, v2;
	_ =	sdelay $0x3  }
0x145: {  	[tilespmem:v11+s19+$0x0] =	vst.idx.msk $0xffff, v9  }
0x146: {  	v36 =	vor.u32 v3, v10;
	(v2sf) =	vpush @!p0 v8, $0x4;
	v9 =	vld.idx.msk [tilespmem:v35+s14+$0x0], $0xffff  }
0x147: {  	v37 =	vor.u32 s4, v4;
	_ =	sdelay $0x3  }
0x148: {  	[tilespmem:v36+s19+$0x0] =	vst.idx.msk $0xffff, v9  }
0x149: {  	v38 =	vor.u32 v5, v10;
	v9 =	vld.idx.msk [tilespmem:v37+s14+$0x0], $0xffff  }
0x14a: {  	v39 =	vor.u32 s4, v6;
	_ =	sdelay $0x3  }
0x14b: {  	[tilespmem:v38+s19+$0x0] =	vst.idx.msk $0xffff, v9  }
0x14c: {  	v10 =	vor.u32 v7, v10;
	v9 =	vld.idx.msk [tilespmem:v39+s14+$0x0], $0xffff;
	_ =	sdelay $0x2  }
0x14d: {  	s3 =	spop @!p0 (v2sf)  }
0x14e: {  	s30 =	sand.u32 $0x7F, s5;
	s3 =	sand.u32 @!p0 $0xFFFFF80, s3  }
0x14f: {  	s29 =	sadd.s32 $0xFFFFFFFD, s31;
	s5 =	simm.s32 @!p0 $0x8200;
	v40 =	vor.u32 s30, v0;
	s3 =	sadd.s32 @!p0 s0, s3;
	[tilespmem:v10+s19+$0x0] =	vst.idx.msk $0xffff, v9  }
0x150: {  	v41 =	vmov s29;
	[tilespmem:s5], [sflag:$0x5] =	stream.strided.gather @!p0 [hbm4b:s3+s28], $0x2000, s2, s28, $0x38;
	[tilespmem:$0x18200] =	vst v63  }
0x151: {  	v42 =	vshll.u32 v41, $0x3;
	_ =	swait.ge [sflag:s24], $0x2000  }
0x152: {  	v11 =	vand.u32 $0xC00, v42;
	v10 =	vand.u32 $0x7D, v41;
	[sflag:s24] =	ssyncset.done $0x0  }
0x153: {  	v10 =	vor.u32 v10, v11;
	[sflag:s24] =	ssyncadd.s32 $0xFFFFE000  }
0x154: {  	v11 =	vor.u32 v1, v10;
	v9 =	vld.idx.msk [tilespmem:v40+s15+$0x0], $0xffff  }
0x155: {  	v43 =	vor.u32 s30, v2;
	_ =	sdelay $0x3  }
0x156: {  	[tilespmem:v11+s19+$0x0] =	vst.idx.msk $0xffff, v9  }
0x157: {  	v44 =	vor.u32 v3, v10;
	(v2sf) =	vpush @!p0 v8, $0x5;
	v9 =	vld.idx.msk [tilespmem:v43+s15+$0x0], $0xffff  }
0x158: {  	v45 =	vor.u32 s30, v4;
	_ =	sdelay $0x3  }
0x159: {  	[tilespmem:v44+s19+$0x0] =	vst.idx.msk $0xffff, v9  }
0x15a: {  	v46 =	vor.u32 v5, v10;
	v9 =	vld.idx.msk [tilespmem:v45+s15+$0x0], $0xffff  }
0x15b: {  	v47 =	vor.u32 s30, v6;
	_ =	sdelay $0x3  }
0x15c: {  	[tilespmem:v46+s19+$0x0] =	vst.idx.msk $0xffff, v9  }
0x15d: {  	v10 =	vor.u32 v7, v10;
	v9 =	vld.idx.msk [tilespmem:v47+s15+$0x0], $0xffff;
	_ =	sdelay $0x2  }
0x15e: {  	s3 =	spop @!p0 (v2sf)  }
0x15f: {  	s30 =	sand.u32 $0x7F, s6;
	s3 =	sand.u32 @!p0 $0xFFFFF80, s3  }
0x160: {  	v48 =	vor.u32 s30, v0;
	s18 =	sadd.s32 $0xFFFFFFFE, s31;
	s5 =	simm.s32 @!p0 $0xA200;
	s3 =	sadd.s32 @!p0 s0, s3;
	[tilespmem:v10+s19+$0x0] =	vst.idx.msk $0xffff, v9  }
0x161: {  	v49 =	vmov s18;
	[tilespmem:s5], [sflag:$0x6] =	stream.strided.gather @!p0 [hbm4b:s3+s28], $0x2000, s2, s28, $0x38;
	[tilespmem:$0x18200] =	vst v63  }
0x162: {  	v50 =	vshll.u32 v49, $0x3;
	_ =	swait.ge [sflag:s25], $0x2000  }
0x163: {  	v11 =	vand.u32 $0xC00, v50;
	v10 =	vand.u32 $0x7E, v49;
	[sflag:s25] =	ssyncset.done $0x0  }
0x164: {  	v10 =	vor.u32 v10, v11;
	[sflag:s25] =	ssyncadd.s32 $0xFFFFE000  }
0x165: {  	v11 =	vor.u32 v1, v10;
	v9 =	vld.idx.msk [tilespmem:v48+s16+$0x0], $0xffff  }
0x166: {  	v51 =	vor.u32 s30, v2;
	_ =	sdelay $0x3  }
0x167: {  	[tilespmem:v11+s19+$0x0] =	vst.idx.msk $0xffff, v9  }
0x168: {  	v52 =	vor.u32 v3, v10;
	(v2sf) =	vpush @!p0 v8, $0x6;
	v9 =	vld.idx.msk [tilespmem:v51+s16+$0x0], $0xffff  }
0x169: {  	v53 =	vor.u32 s30, v4;
	_ =	sdelay $0x3  }
0x16a: {  	[tilespmem:v52+s19+$0x0] =	vst.idx.msk $0xffff, v9  }
0x16b: {  	v54 =	vor.u32 v5, v10;
	v9 =	vld.idx.msk [tilespmem:v53+s16+$0x0], $0xffff  }
0x16c: {  	v55 =	vor.u32 s30, v6;
	_ =	sdelay $0x3  }
0x16d: {  	[tilespmem:v54+s19+$0x0] =	vst.idx.msk $0xffff, v9  }
0x16e: {  	v10 =	vor.u32 v7, v10;
	v9 =	vld.idx.msk [tilespmem:v55+s16+$0x0], $0xffff;
	_ =	sdelay $0x2  }
0x16f: {  	s3 =	spop @!p0 (v2sf)  }
0x170: {  	s29 =	sand.u32 $0x7F, s7;
	s3 =	sand.u32 @!p0 $0xFFFFF80, s3  }
0x171: {  	s30 =	sadd.s32 $0xFFFFFFFF, s31;
	v56 =	vor.u32 s29, v0;
	s5 =	simm.s32 @!p0 $0xC200;
	s3 =	sadd.s32 @!p0 s0, s3;
	[tilespmem:v10+s19+$0x0] =	vst.idx.msk $0xffff, v9  }
0x172: {  	v57 =	vmov s30;
	[tilespmem:s5], [sflag:$0x7] =	stream.strided.gather @!p0 [hbm4b:s3+s28], $0x2000, s2, s28, $0x38;
	[tilespmem:$0x18200] =	vst v63  }
0x173: {  	v58 =	vshll.u32 v57, $0x3;
	_ =	swait.ge [sflag:s26], $0x2000  }
0x174: {  	v11 =	vand.u32 $0xC00, v58;
	v10 =	vand.u32 $0x7F, v57;
	[sflag:s26] =	ssyncset.done $0x0  }
0x175: {  	v10 =	vor.u32 v10, v11;
	[sflag:s26] =	ssyncadd.s32 $0xFFFFE000  }
0x176: {  	v11 =	vor.u32 v1, v10;
	v9 =	vld.idx.msk [tilespmem:v56+s17+$0x0], $0xffff  }
0x177: {  	v59 =	vor.u32 s29, v2;
	_ =	sdelay $0x3  }
0x178: {  	[tilespmem:v11+s19+$0x0] =	vst.idx.msk $0xffff, v9  }
0x179: {  	v60 =	vor.u32 v3, v10;
	(v2sf) =	vpush @!p0 v8, $0x7;
	v9 =	vld.idx.msk [tilespmem:v59+s17+$0x0], $0xffff  }
0x17a: {  	v8 =	vor.u32 s29, v4;
	_ =	sdelay $0x3  }
0x17b: {  	[tilespmem:v60+s19+$0x0] =	vst.idx.msk $0xffff, v9  }
0x17c: {  	v61 =	vor.u32 v5, v10;
	v8 =	vld.idx.msk [tilespmem:v8+s17+$0x0], $0xffff  }
0x17d: {  	v62 =	vor.u32 s29, v6;
	_ =	sdelay $0x3  }
0x17e: {  	[tilespmem:v61+s19+$0x0] =	vst.idx.msk $0xffff, v8  }
0x17f: {  	s31 =	sadd.s32 @!p0 $0x10, s31;
	v63 =	vor.u32 v7, v10;
	v8 =	vld.idx.msk [tilespmem:v62+s17+$0x0], $0xffff  }
0x180: {  	p1 =	sne.s32 @!p0 s31, $0x210  }
0x181: {  	p1 =	por p0, !p1  }
.Ltmp0:
0x182: {  	s3 =	spop @!p0 (v2sf);
	(pc) =	sbr.rel @!p1 .LBB2_2-.Ltmp0, $4  }
0x183: {  	s3 =	sand.u32 @!p0 $0xFFFFF80, s3  }
0x184: {  	s4 =	simm.s32 @!p0 $0xE200;
	s3 =	sadd.s32 @!p0 s0, s3;
	[tilespmem:v63+s19+$0x0] =	vst.idx.msk $0xffff, v8  }
0x185: {  	[tilespmem:s4], [sflag:$0x8] =	stream.strided.gather @!p0 [hbm4b:s3+s28], $0x2000, s2, s28, $0x38;
	[tilespmem:$0x18200] =	vst v63  }
0x186: {  	s1 =	sadd.s32 @!p0 $0x10, s1;
	s20 =	simm.s32 $0x1;
	s4 =	simm.s32 $0x2  }
0x187: {  	s1 =	simm.s32 $0x0;
	s31 =	simm.s32 $0x0  }
.LBB2_4:
0x188: {  	s2 =	sand.u32 $0x70, s31;
	s3 =	sand.u32 $0xC00, s1  }
0x189: {  	s2 =	sor.u32 s2, s3  }
0x18a: {  	v11 =	vld [tilespmem:s2+$0x10200]  }
0x18b: {  	v12 =	vld [tilespmem:s2+$0x10280];
	_ =	sdelay $0x1  }
0x18c: {  	v9 =	vld [tilespmem:s2+$0x10300];
	_ =	sdelay $0x1  }
0x18d: {  	v8 =	vld [tilespmem:s2+$0x10380]  }
0x18e: {  	v13 =	vmul.f32 v11, v11;
	v14 =	vmul.f32 v12, v12  }
0x18f: {  	v10 =	vld [tilespmem:s2+$0x10400]  }
0x190: {  	v15 =	vmul.f32 v9, v9;
	v14 =	vadd.f32 v14, v13  }
0x191: {  	v13 =	vld [tilespmem:s2+$0x10480]  }
0x192: {  	v16 =	vmul.f32 v8, v8;
	v15 =	vadd.f32 v15, v14  }
0x193: {  	s30 =	sor.u32 s1, s31;
	v14 =	vld [tilespmem:s2+$0x10500]  }
0x194: {  	s3 =	sor.u32 $0x380, s30;
	v41 =	vmul.f32 v10, v10;
	v15 =	vadd.f32 v16, v15  }
0x195: {  	v17 =	vld [tilespmem:s3+$0x10200]  }
0x196: {  	v42 =	vmul.f32 v13, v13;
	v15 =	vadd.f32 v41, v15  }
0x197: {  	v18 =	vld [tilespmem:s2+$0x11200]  }
0x198: {  	v43 =	vmul.f32 v14, v14;
	v15 =	vadd.f32 v42, v15  }
0x199: {  	v19 =	vld [tilespmem:s2+$0x11280]  }
0x19a: {  	v44 =	vmul.f32 v17, v17;
	v15 =	vadd.f32 v43, v15  }
0x19b: {  	v45 =	vld [tilespmem:s2+$0x11300]  }
0x19c: {  	v46 =	vmul.f32 v18, v18;
	v15 =	vadd.f32 v44, v15  }
0x19d: {  	v47 =	vld [tilespmem:s2+$0x11380]  }
0x19e: {  	v48 =	vmul.f32 v19, v19;
	v15 =	vadd.f32 v46, v15  }
0x19f: {  	v49 =	vld [tilespmem:s2+$0x11400]  }
0x1a0: {  	v50 =	vmul.f32 v45, v45;
	v15 =	vadd.f32 v48, v15  }
0x1a1: {  	v51 =	vld [tilespmem:s2+$0x11480]  }
0x1a2: {  	v52 =	vmul.f32 v47, v47;
	v15 =	vadd.f32 v50, v15  }
0x1a3: {  	v53 =	vld [tilespmem:s2+$0x11500]  }
0x1a4: {  	v54 =	vmul.f32 v49, v49;
	v15 =	vadd.f32 v52, v15  }
0x1a5: {  	v55 =	vld [tilespmem:s2+$0x11580]  }
0x1a6: {  	v56 =	vmul.f32 v51, v51;
	v15 =	vadd.f32 v54, v15  }
0x1a7: {  	v57 =	vld [tilespmem:s2+$0x12200]  }
0x1a8: {  	v58 =	vmul.f32 v53, v53;
	v15 =	vadd.f32 v56, v15  }
0x1a9: {  	v59 =	vld [tilespmem:s2+$0x12280]  }
0x1aa: {  	v60 =	vmul.f32 v55, v55;
	v15 =	vadd.f32 v58, v15  }
0x1ab: {  	v61 =	vld [tilespmem:s2+$0x12300]  }
0x1ac: {  	v62 =	vmul.f32 v57, v57;
	v15 =	vadd.f32 v60, v15  }
0x1ad: {  	v63 =	vld [tilespmem:s2+$0x12380]  }
0x1ae: {  	v21 =	vmul.f32 v59, v59;
	v15 =	vadd.f32 v62, v15  }
0x1af: {  	v22 =	vld [tilespmem:s2+$0x12400]  }
0x1b0: {  	v23 =	vmul.f32 v61, v61;
	v15 =	vadd.f32 v21, v15  }
0x1b1: {  	v24 =	vld [tilespmem:s2+$0x12480]  }
0x1b2: {  	v25 =	vmul.f32 v63, v63;
	v15 =	vadd.f32 v23, v15  }
0x1b3: {  	v26 =	vld [tilespmem:s2+$0x12500]  }
0x1b4: {  	v27 =	vmul.f32 v22, v22;
	v15 =	vadd.f32 v25, v15  }
0x1b5: {  	v28 =	vld [tilespmem:s2+$0x12580]  }
0x1b6: {  	v29 =	vmul.f32 v24, v24;
	v15 =	vadd.f32 v27, v15  }
0x1b7: {  	v30 =	vld [tilespmem:s2+$0x13200]  }
0x1b8: {  	v31 =	vmul.f32 v26, v26;
	v15 =	vadd.f32 v29, v15  }
0x1b9: {  	v32 =	vld [tilespmem:s2+$0x13280]  }
0x1ba: {  	v33 =	vmul.f32 v28, v28;
	v15 =	vadd.f32 v31, v15  }
0x1bb: {  	v34 =	vld [tilespmem:s2+$0x13300]  }
0x1bc: {  	v35 =	vmul.f32 v30, v30;
	v15 =	vadd.f32 v33, v15  }
0x1bd: {  	v36 =	vld [tilespmem:s2+$0x13380]  }
0x1be: {  	v37 =	vmul.f32 v32, v32;
	v15 =	vadd.f32 v35, v15  }
0x1bf: {  	v38 =	vld [tilespmem:s2+$0x13400]  }
0x1c0: {  	v39 =	vmul.f32 v34, v34;
	v15 =	vadd.f32 v37, v15  }
0x1c1: {  	v40 =	vld [tilespmem:s2+$0x13480]  }
0x1c2: {  	v41 =	vmul.f32 v36, v36;
	v15 =	vadd.f32 v39, v15  }
0x1c3: {  	v42 =	vld [tilespmem:s2+$0x13500]  }
0x1c4: {  	v43 =	vmul.f32 v38, v38;
	v15 =	vadd.f32 v41, v15  }
0x1c5: {  	v44 =	vld [tilespmem:s2+$0x13580]  }
0x1c6: {  	v45 =	vmul.f32 v40, v40;
	v15 =	vadd.f32 v43, v15  }
0x1c7: {  	v46 =	vld [tilespmem:s2+$0x14200]  }
0x1c8: {  	v47 =	vmul.f32 v42, v42;
	v15 =	vadd.f32 v45, v15  }
0x1c9: {  	v48 =	vld [tilespmem:s2+$0x14280]  }
0x1ca: {  	v49 =	vmul.f32 v44, v44;
	v15 =	vadd.f32 v47, v15  }
0x1cb: {  	v50 =	vld [tilespmem:s2+$0x14300]  }
0x1cc: {  	v51 =	vmul.f32 v46, v46;
	v15 =	vadd.f32 v49, v15  }
0x1cd: {  	v52 =	vld [tilespmem:s2+$0x14380]  }
0x1ce: {  	v53 =	vmul.f32 v48, v48;
	v15 =	vadd.f32 v51, v15  }
0x1cf: {  	v54 =	vld [tilespmem:s2+$0x14400]  }
0x1d0: {  	v55 =	vmul.f32 v50, v50;
	v15 =	vadd.f32 v53, v15  }
0x1d1: {  	v56 =	vld [tilespmem:s2+$0x14480]  }
0x1d2: {  	v57 =	vmul.f32 v52, v52;
	v15 =	vadd.f32 v55, v15  }
0x1d3: {  	v58 =	vld [tilespmem:s2+$0x14500]  }
0x1d4: {  	v59 =	vmul.f32 v54, v54;
	v15 =	vadd.f32 v57, v15  }
0x1d5: {  	v60 =	vld [tilespmem:s2+$0x14580]  }
0x1d6: {  	v61 =	vmul.f32 v56, v56;
	v15 =	vadd.f32 v59, v15  }
0x1d7: {  	v62 =	vld [tilespmem:s2+$0x15200]  }
0x1d8: {  	v63 =	vmul.f32 v58, v58;
	v15 =	vadd.f32 v61, v15  }
0x1d9: {  	v21 =	vld [tilespmem:s2+$0x15280]  }
0x1da: {  	v22 =	vmul.f32 v60, v60;
	v15 =	vadd.f32 v63, v15  }
0x1db: {  	v23 =	vld [tilespmem:s2+$0x15300]  }
0x1dc: {  	v24 =	vmul.f32 v62, v62;
	v15 =	vadd.f32 v22, v15  }
0x1dd: {  	v25 =	vld [tilespmem:s2+$0x15380]  }
0x1de: {  	v26 =	vmul.f32 v21, v21;
	v15 =	vadd.f32 v24, v15  }
0x1df: {  	v27 =	vld [tilespmem:s2+$0x15400]  }
0x1e0: {  	v28 =	vmul.f32 v23, v23;
	v15 =	vadd.f32 v26, v15  }
0x1e1: {  	v29 =	vld [tilespmem:s2+$0x15480]  }
0x1e2: {  	v30 =	vmul.f32 v25, v25;
	v15 =	vadd.f32 v28, v15  }
0x1e3: {  	v31 =	vld [tilespmem:s2+$0x15500]  }
0x1e4: {  	v32 =	vmul.f32 v27, v27;
	v15 =	vadd.f32 v30, v15  }
0x1e5: {  	v33 =	vld [tilespmem:s2+$0x15580]  }
0x1e6: {  	v34 =	vmul.f32 v29, v29;
	v15 =	vadd.f32 v32, v15  }
0x1e7: {  	v35 =	vld [tilespmem:s2+$0x16200]  }
0x1e8: {  	v36 =	vmul.f32 v31, v31;
	v15 =	vadd.f32 v34, v15  }
0x1e9: {  	v37 =	vld [tilespmem:s2+$0x16280]  }
0x1ea: {  	v38 =	vmul.f32 v33, v33;
	v15 =	vadd.f32 v36, v15  }
0x1eb: {  	v39 =	vld [tilespmem:s2+$0x16300]  }
0x1ec: {  	v40 =	vmul.f32 v35, v35;
	v15 =	vadd.f32 v38, v15  }
0x1ed: {  	v41 =	vld [tilespmem:s2+$0x16380]  }
0x1ee: {  	v42 =	vmul.f32 v37, v37;
	v15 =	vadd.f32 v40, v15  }
0x1ef: {  	v43 =	vld [tilespmem:s2+$0x16400]  }
0x1f0: {  	v44 =	vmul.f32 v39, v39;
	v15 =	vadd.f32 v42, v15  }
0x1f1: {  	v45 =	vld [tilespmem:s2+$0x16480]  }
0x1f2: {  	v46 =	vmul.f32 v41, v41;
	v15 =	vadd.f32 v44, v15  }
0x1f3: {  	v47 =	vld [tilespmem:s2+$0x16500]  }
0x1f4: {  	v48 =	vmul.f32 v43, v43;
	v15 =	vadd.f32 v46, v15  }
0x1f5: {  	v49 =	vld [tilespmem:s2+$0x16580]  }
0x1f6: {  	v50 =	vmul.f32 v45, v45;
	v15 =	vadd.f32 v48, v15  }
0x1f7: {  	v51 =	vld [tilespmem:s2+$0x17200]  }
0x1f8: {  	v52 =	vmul.f32 v47, v47;
	v15 =	vadd.f32 v50, v15  }
0x1f9: {  	v53 =	vld [tilespmem:s2+$0x17280]  }
0x1fa: {  	v54 =	vmul.f32 v49, v49;
	v15 =	vadd.f32 v52, v15  }
0x1fb: {  	v55 =	vld [tilespmem:s2+$0x17300]  }
0x1fc: {  	v56 =	vmul.f32 v51, v51;
	v15 =	vadd.f32 v54, v15  }
0x1fd: {  	v57 =	vld [tilespmem:s2+$0x17380]  }
0x1fe: {  	v58 =	vmul.f32 v53, v53;
	v15 =	vadd.f32 v56, v15  }
0x1ff: {  	v59 =	vld [tilespmem:s2+$0x17400]  }
0x200: {  	v60 =	vmul.f32 v55, v55;
	v15 =	vadd.f32 v58, v15  }
0x201: {  	v61 =	vld [tilespmem:s2+$0x17480]  }
0x202: {  	v62 =	vmul.f32 v57, v57;
	v15 =	vadd.f32 v60, v15  }
0x203: {  	v63 =	vld [tilespmem:s2+$0x17500]  }
0x204: {  	v21 =	vmul.f32 v59, v59;
	v15 =	vadd.f32 v62, v15  }
0x205: {  	v22 =	vld [tilespmem:s2+$0x17580]  }
0x206: {  	v23 =	vmul.f32 v61, v61;
	v15 =	vadd.f32 v21, v15;
	_ =	sdelay $0x1  }
0x207: {  	v24 =	vmul.f32 v63, v63;
	v15 =	vadd.f32 v23, v15;
	_ =	sdelay $0x1  }
0x208: {  	v25 =	vmul.f32 v22, v22;
	v15 =	vadd.f32 v24, v15;
	_ =	sdelay $0x1  }
0x209: {  	v15 =	vadd.f32 v25, v15;
	_ =	sdelay $0x1  }
0x20a: {  	v16 =	vshra.s32 v15, $0x1;
	v26 =	vmul.f32 $5.000000000e-01, v15  }
0x20b: {  	v16 =	vsub.s32 $0x5F3759DF, v16  }
0x20c: {  	v27 =	vmul.f32 v16, v26;
	_ =	sdelay $0x1  }
0x20d: {  	v18 =	vmul.f32 v16, v27;
	_ =	sdelay $0x1  }
0x20e: {  	v18 =	vsub.f32 $1.500000000e+00, v18;
	_ =	sdelay $0x1  }
0x20f: {  	v16 =	vmul.f32 v16, v18;
	_ =	sdelay $0x1  }
0x210: {  	v18 =	vmul.f32 v16, v26;
	_ =	sdelay $0x1  }
0x211: {  	v18 =	vmul.f32 v18, v16;
	_ =	sdelay $0x1  }
0x212: {  	v18 =	vsub.f32 $1.500000000e+00, v18;
	_ =	sdelay $0x1  }
0x213: {  	v16 =	vmul.f32 v18, v16;
	_ =	sdelay $0x1  }
0x214: {  	v17 =	vmul.f32 v16, v26;
	_ =	sdelay $0x1  }
0x215: {  	v17 =	vmul.f32 v17, v16;
	_ =	sdelay $0x1  }
0x216: {  	v17 =	vsub.f32 $1.500000000e+00, v17;
	_ =	sdelay $0x1  }
0x217: {  	v16 =	vmul.f32 v17, v16  }
0x218: {  	vm0 =	vgt.f32 v15, $1.000000020e-24  }
0x219: {  	v15 =	vnsel vm0, $0x5368D4A5, v16  }
0x21a: {  	v11 =	vmul.f32 v15, v11  }
0x21b: {  	v12 =	vmul.f32 v15, v12  }
0x21c: {  	v9 =	vmul.f32 v15, v9;
	[tilespmem:s2+$0x10200] =	vst v11  }
0x21d: {  	v8 =	vmul.f32 v15, v8;
	[tilespmem:s2+$0x10280] =	vst v12  }
0x21e: {  	v28 =	vmul.f32 v15, v10;
	[tilespmem:s2+$0x10300] =	vst v9  }
0x21f: {  	v29 =	vmul.f32 v15, v14;
	[tilespmem:s2+$0x10380] =	vst v8  }
0x220: {  	v8 =	vmul.f32 v15, v13;
	[tilespmem:s2+$0x10400] =	vst v28  }
0x221: {  	[tilespmem:s2+$0x10500] =	vst v29  }
0x222: {  	[tilespmem:s2+$0x10480] =	vst v8  }
0x223: {  	v8 =	vld [tilespmem:s3+$0x10200];
	_ =	sdelay $0x4  }
0x224: {  	v8 =	vmul.f32 v15, v8;
	_ =	sdelay $0x1  }
0x225: {  	[tilespmem:s3+$0x10200] =	vst v8  }
0x226: {  	v8 =	vld [tilespmem:s2+$0x11200]  }
0x227: {  	v30 =	vld [tilespmem:s2+$0x11280]  }
0x228: {  	v32 =	vld [tilespmem:s2+$0x11380]  }
0x229: {  	v31 =	vld [tilespmem:s2+$0x11300]  }
0x22a: {  	v34 =	vld [tilespmem:s2+$0x11480]  }
0x22b: {  	v33 =	vld [tilespmem:s2+$0x11400];
	v8 =	vmul.f32 v15, v8  }
0x22c: {  	v36 =	vld [tilespmem:s2+$0x11580];
	v9 =	vmul.f32 v15, v30  }
0x22d: {  	v35 =	vld [tilespmem:s2+$0x11500];
	v37 =	vmul.f32 v15, v32;
	[tilespmem:s2+$0x11200] =	vst v8  }
0x22e: {  	v39 =	vld [tilespmem:s2+$0x12280];
	v8 =	vmul.f32 v15, v31;
	[tilespmem:s2+$0x11280] =	vst v9  }
0x22f: {  	v38 =	vld [tilespmem:s2+$0x12200];
	v40 =	vmul.f32 v34, v15;
	[tilespmem:s2+$0x11380] =	vst v37  }
0x230: {  	v42 =	vld [tilespmem:s2+$0x12380];
	[tilespmem:s2+$0x11300] =	vst v8;
	v8 =	vmul.f32 v15, v33  }
0x231: {  	v41 =	vld [tilespmem:s2+$0x12300];
	v43 =	vmul.f32 v36, v15;
	[tilespmem:s2+$0x11480] =	vst v40  }
0x232: {  	v45 =	vld [tilespmem:s2+$0x12480];
	[tilespmem:s2+$0x11400] =	vst v8;
	v8 =	vmul.f32 v35, v15  }
0x233: {  	v44 =	vld [tilespmem:s2+$0x12400];
	v46 =	vmul.f32 v39, v15;
	[tilespmem:s2+$0x11580] =	vst v43  }
0x234: {  	v48 =	vld [tilespmem:s2+$0x12580];
	[tilespmem:s2+$0x11500] =	vst v8;
	v8 =	vmul.f32 v38, v15  }
0x235: {  	v47 =	vld [tilespmem:s2+$0x12500];
	v49 =	vmul.f32 v42, v15;
	[tilespmem:s2+$0x12280] =	vst v46  }
0x236: {  	v51 =	vld [tilespmem:s2+$0x13280];
	[tilespmem:s2+$0x12200] =	vst v8;
	v8 =	vmul.f32 v41, v15  }
0x237: {  	v50 =	vld [tilespmem:s2+$0x13200];
	v52 =	vmul.f32 v45, v15;
	[tilespmem:s2+$0x12380] =	vst v49  }
0x238: {  	v54 =	vld [tilespmem:s2+$0x13380];
	[tilespmem:s2+$0x12300] =	vst v8;
	v8 =	vmul.f32 v44, v15  }
0x239: {  	v53 =	vld [tilespmem:s2+$0x13300];
	v55 =	vmul.f32 v48, v15;
	[tilespmem:s2+$0x12480] =	vst v52  }
0x23a: {  	v57 =	vld [tilespmem:s2+$0x13480];
	[tilespmem:s2+$0x12400] =	vst v8;
	v8 =	vmul.f32 v47, v15  }
0x23b: {  	v56 =	vld [tilespmem:s2+$0x13400];
	v58 =	vmul.f32 v51, v15;
	[tilespmem:s2+$0x12580] =	vst v55  }
0x23c: {  	v60 =	vld [tilespmem:s2+$0x13580];
	[tilespmem:s2+$0x12500] =	vst v8;
	v8 =	vmul.f32 v50, v15  }
0x23d: {  	v59 =	vld [tilespmem:s2+$0x13500];
	v61 =	vmul.f32 v54, v15;
	[tilespmem:s2+$0x13280] =	vst v58  }
0x23e: {  	v63 =	vld [tilespmem:s2+$0x14280];
	[tilespmem:s2+$0x13200] =	vst v8;
	v8 =	vmul.f32 v53, v15  }
0x23f: {  	v62 =	vld [tilespmem:s2+$0x14200];
	v16 =	vmul.f32 v57, v15;
	[tilespmem:s2+$0x13380] =	vst v61  }
0x240: {  	v18 =	vld [tilespmem:s2+$0x14380];
	[tilespmem:s2+$0x13300] =	vst v8;
	v8 =	vmul.f32 v56, v15  }
0x241: {  	v17 =	vld [tilespmem:s2+$0x14300];
	v19 =	vmul.f32 v60, v15;
	[tilespmem:s2+$0x13480] =	vst v16  }
0x242: {  	v21 =	vld [tilespmem:s2+$0x14480];
	[tilespmem:s2+$0x13400] =	vst v8;
	v8 =	vmul.f32 v59, v15  }
0x243: {  	v20 =	vld [tilespmem:s2+$0x14400];
	v22 =	vmul.f32 v63, v15;
	[tilespmem:s2+$0x13580] =	vst v19  }
0x244: {  	v27 =	vld [tilespmem:s2+$0x15280];
	[tilespmem:s2+$0x13500] =	vst v8;
	v8 =	vmul.f32 v62, v15  }
0x245: {  	v23 =	vld [tilespmem:s2+$0x14500];
	v25 =	vmul.f32 v18, v15;
	[tilespmem:s2+$0x14280] =	vst v22  }
0x246: {  	v24 =	vld [tilespmem:s2+$0x14580];
	[tilespmem:s2+$0x14200] =	vst v8;
	v8 =	vmul.f32 v17, v15  }
0x247: {  	v26 =	vld [tilespmem:s2+$0x15200];
	v28 =	vmul.f32 v21, v15;
	[tilespmem:s2+$0x14380] =	vst v25  }
0x248: {  	v30 =	vld [tilespmem:s2+$0x15380];
	[tilespmem:s2+$0x14300] =	vst v8;
	v8 =	vmul.f32 v20, v15  }
0x249: {  	v29 =	vld [tilespmem:s2+$0x15300];
	v34 =	vmul.f32 v27, v15;
	[tilespmem:s2+$0x14480] =	vst v28  }
0x24a: {  	v36 =	vld [tilespmem:s2+$0x15580];
	[tilespmem:s2+$0x14400] =	vst v8;
	v8 =	vmul.f32 v23, v15  }
0x24b: {  	v32 =	vld [tilespmem:s2+$0x15400];
	v31 =	vmul.f32 v24, v15;
	[tilespmem:s2+$0x15280] =	vst v34  }
0x24c: {  	v39 =	vld [tilespmem:s2+$0x16280];
	[tilespmem:s2+$0x14500] =	vst v8;
	v8 =	vmul.f32 v26, v15  }
0x24d: {  	[tilespmem:s2+$0x14580] =	vst v31;
	v37 =	vmul.f32 v30, v15;
	v35 =	vld [tilespmem:s2+$0x15500]  }
0x24e: {  	v42 =	vld [tilespmem:s2+$0x16380];
	[tilespmem:s2+$0x15200] =	vst v8;
	v8 =	vmul.f32 v29, v15  }
0x24f: {  	v43 =	vmul.f32 v36, v15;
	[tilespmem:s2+$0x15380] =	vst v37;
	v38 =	vld [tilespmem:s2+$0x16200]  }
0x250: {  	v45 =	vld [tilespmem:s2+$0x16480];
	[tilespmem:s2+$0x15300] =	vst v8;
	v8 =	vmul.f32 v32, v15  }
0x251: {  	v46 =	vmul.f32 v39, v15;
	[tilespmem:s2+$0x15580] =	vst v43;
	v41 =	vld [tilespmem:s2+$0x16300]  }
0x252: {  	v48 =	vld [tilespmem:s2+$0x16580];
	[tilespmem:s2+$0x15400] =	vst v8;
	v8 =	vmul.f32 v35, v15  }
0x253: {  	v49 =	vmul.f32 v42, v15;
	[tilespmem:s2+$0x16280] =	vst v46;
	v44 =	vld [tilespmem:s2+$0x16400]  }
0x254: {  	v51 =	vld [tilespmem:s2+$0x17280];
	[tilespmem:s2+$0x15500] =	vst v8;
	v8 =	vmul.f32 v38, v15  }
0x255: {  	v52 =	vmul.f32 v45, v15;
	[tilespmem:s2+$0x16380] =	vst v49;
	v47 =	vld [tilespmem:s2+$0x16500]  }
0x256: {  	v54 =	vld [tilespmem:s2+$0x17380];
	[tilespmem:s2+$0x16200] =	vst v8;
	v8 =	vmul.f32 v41, v15  }
0x257: {  	v55 =	vmul.f32 v48, v15;
	[tilespmem:s2+$0x16480] =	vst v52;
	v50 =	vld [tilespmem:s2+$0x17200]  }
0x258: {  	v60 =	vld [tilespmem:s2+$0x17580];
	[tilespmem:s2+$0x16300] =	vst v8;
	v8 =	vmul.f32 v44, v15  }
0x259: {  	v58 =	vmul.f32 v51, v15;
	[tilespmem:s2+$0x16580] =	vst v55;
	v53 =	vld [tilespmem:s2+$0x17300]  }
0x25a: {  	v33 =	vld [tilespmem:s2+$0x15480];
	[tilespmem:s2+$0x16400] =	vst v8;
	v8 =	vmul.f32 v47, v15  }
0x25b: {  	v61 =	vmul.f32 v54, v15;
	[tilespmem:s2+$0x17280] =	vst v58;
	v56 =	vld [tilespmem:s2+$0x17400]  }
0x25c: {  	v57 =	vld [tilespmem:s2+$0x17480];
	[tilespmem:s2+$0x16500] =	vst v8;
	v8 =	vmul.f32 v50, v15  }
0x25d: {  	v63 =	vmul.f32 v60, v15;
	[tilespmem:s2+$0x17380] =	vst v61;
	v59 =	vld [tilespmem:s2+$0x17500]  }
0x25e: {  	[tilespmem:s2+$0x17200] =	vst v8;
	v8 =	vmul.f32 v53, v15  }
0x25f: {  	p0 =	sne.s32 s31, $0x1F0;
	[tilespmem:s2+$0x17580] =	vst v63;
	v40 =	vmul.f32 v33, v15  }
.Ltmp1:
0x260: {  	[tilespmem:s2+$0x17300] =	vst v8;
	v8 =	vmul.f32 v56, v15;
	(pc) =	sbr.rel @p0 .LBB2_4-.Ltmp1, $4  }
0x261: {  	[tilespmem:s2+$0x15480] =	vst v40;
	v62 =	vmul.f32 v57, v15  }
0x262: {  	[tilespmem:s2+$0x17400] =	vst v8;
	v8 =	vmul.f32 v59, v15  }
0x263: {  	[tilespmem:s2+$0x17480] =	vst v62  }
0x264: {  	s1 =	sadd.s32 $0x80, s1;
	s31 =	sadd.s32 $0x10, s31;
	[tilespmem:s2+$0x17500] =	vst v8  }
0x265: {  	s1 =	rddreg [dreg:$0x5];
	s2 =	simm.s32 $0x1000;
	s3 =	simm.s32 $0x20000  }
0x266: {  	[hbm4b:s1+s2] =	stream.strided.scatter [tilespmem:s19], [sflag:$0x9], $0x8000, s3, s2, $0x38;
	[tilespmem:$0x18200] =	vst v63  }
0x267: {  	s3 =	simm.s32 $0x9  }
0x268: {  	_ =	swait.ge [sflag:s3], $0x8000  }
0x269: {  	s30 =	rddreg [dreg:$0x7]  }
0x26a: {  	s31 =	rddreg [dreg:$0x6];
	s2 =	sadd.s32 $0x1, s30  }
0x26b: {  	p0 =	sne.s32 s2, s31  }
.Ltmp2:
0x26c: {  	_ = 	snop;
	(pc) =	sbr.rel @p0 .LBB2_1-.Ltmp2, $3  }
0x26d: {  	_ =	sdelay $0x1  }
0x26e: {  	[sflag:s3] =	ssyncset.done $0x0  }
0x26f: {  	[sflag:s3] =	ssyncadd.s32 $0xFFFF8000  }
0x270: {  	_ =	sfence.sel $0x180000  }
0x271: {  	[bflag:$0x0] =	sbarrier.arrive $0xFFFF  }
0x272: {  	_ =	strace $0x90000047  }
0x273: {  	s0 =	stileid.u32;
	[bflag:$0x2] =	sbarrier.arrive $0xFFFF  }
0x274: {  	p0 =	sne.s32 s0, $0x0;
	s0 =	rddreg [dreg:$0x3]  }
0x275: {  	s0 =	sadd.s32 @!p0 $0x100000, s0  }
0x276: {  	[sflag:s0] =	ssyncadd.tile.s32 @!p0 $0x1;
	_ =	shalt  }
.Lfunc_end2:
_tile_overlayer_lowered:
.L_overlay_start_2:
0x277: {  	(tag) =	ssettag $0x2  }
0x278: {  	s0 =	rddreg [dreg:$0x0];
	s2 =	stileid.u32  }
0x279: {  	s1 =	rddreg [dreg:$0x1];
	p0 =	sne.s32 s2, $0x0  }
0x27a: {  	s3 =	rddreg [dreg:$0x2];
	[bflag:$0x3] =	sbarrier.arrive $0xFFFF;
	s2 =	simm.s32 @!p0 $0x1C09  }
0x27b: {  	[timem:s3], [sflag:s2] =	dma.local @!p0 [hbm:s0], s1  }
0x27c: {  	s0 =	simm.s32 @!p0 $0x9  }
0x27d: {  	_ =	swait.ge @!p0 [sflag:s0], s1  }
0x27e: {  	s1 =	ssub.s32 @!p0 $0x0, s1;
	[sflag:s0] =	ssyncset.done @!p0 $0x0  }
0x27f: {  	[sflag:s0] =	ssyncadd.s32 @!p0 s1  }
0x280: {  	[bflag:$0x3] =	sbarrier.arrive $0xFFFF  }
0x281: {  	_ =	shalt  }

</sc_bundles>
